<compile_context>
chip_gen: v7x
topology: tpu7x:2x2x1
jax: 0.10.2.dev20260603
libtpu: 0.0.44.dev20260713+nightly
codegen_flags: <defaults>
</compile_context>

<pallas_src>
import functools

import jax
import jax.numpy as jnp
from jax import lax
from jax.experimental import pallas as pl
from jax.experimental.pallas import tpu as pltpu
from jax.experimental.pallas import tpu_sc as plsc

_NC = 2
_NS = 16
_NW = _NC * _NS
_L = 16
_NBUF = 4
_G = 4


@functools.lru_cache(maxsize=None)
def _build_sc_add(B, C, P, T):
    p_per_w = P // _NW
    n_chunks = p_per_w // _G
    mesh = plsc.VectorSubcoreMesh(core_axis_name="core", subcore_axis_name="sub")

    @functools.partial(
        pl.kernel,
        mesh=mesh,
        out_type=jax.ShapeDtypeStruct((C, P, B), jnp.float32),
        compiler_params=pltpu.CompilerParams(use_tc_tiling_on_sc=True,
                                             needs_layout_passes=False),
        scratch_types=(
            [pltpu.VMEM((B,), jnp.int32)]
            + [pltpu.VMEM((C, _G, B), jnp.float32) for _ in range(_NBUF)]
            + [pltpu.VMEM((_G, T), jnp.float32) for _ in range(_NBUF)]
            + [pltpu.SemaphoreType.DMA for _ in range(2 * _NBUF)]
        ),
    )
    def sc_add(x_hbm, t_hbm, emb_hbm, out_hbm,
               t_v, xb0, xb1, xb2, xb3, eb0, eb1, eb2, eb3,
               si0, si1, si2, si3, so0, so1, so2, so3):
        xb, eb = (xb0, xb1, xb2, xb3), (eb0, eb1, eb2, eb3)
        semi, semo = (si0, si1, si2, si3), (so0, so1, so2, so3)
        wid = lax.axis_index("sub") * _NC + lax.axis_index("core")
        base = wid * p_per_w
        pltpu.sync_copy(t_hbm, t_v)

        def in_descs(j, s):
            rows = pl.ds(base + j * _G, _G)
            return (
                pltpu.make_async_copy(x_hbm.at[:, rows], xb[s], semi[s]),
                pltpu.make_async_copy(emb_hbm.at[rows], eb[s], semi[s]),
            )

        def out_desc(j, s):
            rows = pl.ds(base + j * _G, _G)
            return pltpu.make_async_copy(xb[s], out_hbm.at[:, rows], semo[s])

        for dsc in in_descs(0, 0):
            dsc.start()

        n_super = n_chunks // _NBUF

        def turn(g, carry):
            for s in range(_NBUF):
                j = g * _NBUF + s
                sn = (s + 1) % _NBUF

                @pl.when(j + 1 < n_chunks)
                def _prefetch():
                    @pl.when(j + 1 >= _NBUF)
                    def _():
                        out_desc(j + 1 - _NBUF, sn).wait()
                    for dsc in in_descs(j + 1, sn):
                        dsc.start()

                for dsc in in_descs(j, s):
                    dsc.wait()

                @plsc.parallel_loop(0, B // _L, unroll=4)
                def inner(v, s=s):
                    off = pl.ds(v * _L, _L)
                    tv = t_v[off]
                    for p in range(_G):
                        pv = jnp.full((_L,), p, jnp.int32)
                        gp = plsc.load_gather(eb[s], [pv, tv])
                        for ci in range(C):
                            xb[s][ci, p, off] = xb[s][ci, p, off] + gp

                out_desc(j, s).start()

            return carry

        lax.fori_loop(0, n_super, turn, 0)
        for s in range(_NBUF):
            j_last = n_chunks - _NBUF + s
            out_desc(j_last, j_last % _NBUF).wait()

    return sc_add


def kernel(x, t, embedding):
    B, C, d1, d2 = x.shape
    T = embedding.shape[0]
    P = d1 * d2
    xT = jnp.transpose(x, (1, 2, 3, 0)).reshape(C, P, B)
    embT = jnp.transpose(embedding, (1, 2, 0)).reshape(P, T)
    outT = _build_sc_add(B, C, P, T)(xT, t, embT)
    return jnp.transpose(outT.reshape(C, d1, d2, B), (3, 0, 1, 2))

# --- scband reference (transcript-rebuilt; emitter-appended) ---
"""Pipeline reference for scband-timestamp-embedding2d-22239340658824 (READ-ONLY COPY).

The authoritative reference and input builder live on the scoring server;
editing this copy changes nothing except your own understanding.
"""

import jax, jax.numpy as jnp
import numpy as np
import math


def _make_embedding(d, T):
    pos = np.arange(T, dtype=np.float32)[:, None]
    div_term = np.exp(np.arange(0, d * d, 2, dtype=np.float32) * (-math.log(10000.0) / (d * d)))
    emb = np.zeros((T, d * d), dtype=np.float32)
    emb[:, 0::2] = np.sin(pos * div_term)
    emb[:, 1::2] = np.cos(pos * div_term)[:, : (d * d) // 2]
    return jnp.asarray(emb.reshape(T, d, d))


def setup_inputs(seed: int = 0) -> dict:
    key = jax.random.key(seed)
    k1, k2 = jax.random.split(key)
    d, T, B, C = 64, 1000, 1024, 4
    x = jax.random.normal(k1, (B, C, d, d), dtype=jnp.float32)
    t = jax.random.randint(k2, (B,), 0, T, dtype=jnp.int32)
    embedding = _make_embedding(d, T)
    return {"x": x, "t": t, "embedding": embedding}


def reference(x, t, embedding):
    # x: [B, C, d, d]; embedding: [T, d, d]; t: [B]
    # gather rows of the timestep table, broadcast over channel dim, add
    gathered = jnp.take(embedding, t, axis=0)  # [B, d, d]
    return x + gathered[:, None, :, :]

if __name__ == "__main__":
    import jax
    _d = setup_inputs()
    print(jax.jit(kernel)(*tuple(_d.values())))

</pallas_src>

<mosaic_0001>
#map = affine_map<(d0, d1) -> (0, 0, 0)>
#map1 = affine_map<(d0, d1) -> (0)>
#map2 = affine_map<(d0, d1) -> (0, 0)>
module attributes {stable_mosaic.version = 14 : i64} {
  func.func @sc_add(%arg0: i32, %arg1: i32, %arg2: memref<4x4096x1024xf32, #tpu.memory_space<hbm>>, %arg3: memref<1024xi32, #tpu.memory_space<hbm>>, %arg4: memref<4096x1000xf32, #tpu.memory_space<hbm>>, %arg5: memref<4x4096x1024xf32, #tpu.memory_space<hbm>>, %arg6: memref<1024xi32, #tpu.memory_space<vmem>>, %arg7: memref<4x4x1024xf32, #tpu.memory_space<vmem>>, %arg8: memref<4x4x1024xf32, #tpu.memory_space<vmem>>, %arg9: memref<4x4x1024xf32, #tpu.memory_space<vmem>>, %arg10: memref<4x4x1024xf32, #tpu.memory_space<vmem>>, %arg11: memref<4x1000xf32, #tpu.memory_space<vmem>>, %arg12: memref<4x1000xf32, #tpu.memory_space<vmem>>, %arg13: memref<4x1000xf32, #tpu.memory_space<vmem>>, %arg14: memref<4x1000xf32, #tpu.memory_space<vmem>>, %arg15: memref<!tpu.dma_semaphore, #tpu.memory_space<semaphore_mem>>, %arg16: memref<!tpu.dma_semaphore, #tpu.memory_space<semaphore_mem>>, %arg17: memref<!tpu.dma_semaphore, #tpu.memory_space<semaphore_mem>>, %arg18: memref<!tpu.dma_semaphore, #tpu.memory_space<semaphore_mem>>, %arg19: memref<!tpu.dma_semaphore, #tpu.memory_space<semaphore_mem>>, %arg20: memref<!tpu.dma_semaphore, #tpu.memory_space<semaphore_mem>>, %arg21: memref<!tpu.dma_semaphore, #tpu.memory_space<semaphore_mem>>, %arg22: memref<!tpu.dma_semaphore, #tpu.memory_space<semaphore_mem>>) attributes {dimension_semantics = [#tpu.dimension_semantics<core_parallel>, #tpu.dimension_semantics<subcore_parallel>], iteration_bounds = array<i64: 2, 16>, scalar_prefetch = 0 : i64, scratch_operands = 17 : i64, tpu.core_type = #tpu.core_type<sc_vector_subcore>, window_params = [{transform_indices = #map}, {transform_indices = #map1}, {transform_indices = #map2}, {transform_indices = #map}]} {
    %mul3A = arith.constant 2 : i32
    %mul3A_0 = arith.muli %arg1, %mul3A : i32
    %add3A = arith.addi %mul3A_0, %arg0 : i32
    %mul3A_1 = arith.constant 128 : i32
    %mul3A_2 = arith.muli %add3A, %mul3A_1 : i32
    "tpu.region"() ({
      %run_scoped3A = tpu.sem_alloc : memref<!tpu.dma_semaphore, #tpu.memory_space<semaphore_mem>>
      tpu.enqueue_dma source(%arg3 : memref<1024xi32, #tpu.memory_space<hbm>>) target(%arg6 : memref<1024xi32, #tpu.memory_space<vmem>>) target_semaphore(%run_scoped3A : memref<!tpu.dma_semaphore, #tpu.memory_space<semaphore_mem>>)
      tpu.wait_dma2 semaphore(%run_scoped3A : memref<!tpu.dma_semaphore, #tpu.memory_space<semaphore_mem>>) src(%arg3 : memref<1024xi32, #tpu.memory_space<hbm>>) dst(%arg6 : memref<1024xi32, #tpu.memory_space<vmem>>)
      tpu.yield
    }) : () -> ()
    %add3A_3 = arith.constant 0 : i32
    %add3A_4 = arith.addi %mul3A_2, %add3A_3 : i32
    %dma_start3A = arith.constant 0 : i32
    %dma_start3A_5 = arith.constant 0 : i32
    %dma_start3A_6 = tpu.memref_slice %arg2[%dma_start3A, %add3A_4, %dma_start3A_5] : memref<4x4096x1024xf32, #tpu.memory_space<hbm>> -> memref<4x4x1024xf32, #tpu.memory_space<hbm>>
    %dma_start3A_7 = arith.constant 0 : i32
    %dma_start3A_8 = arith.constant 0 : i32
    %dma_start3A_9 = tpu.memref_slice %arg2[%dma_start3A_7, %add3A_4, %dma_start3A_8] : memref<4x4096x1024xf32, #tpu.memory_space<hbm>> -> memref<4x4x1024xf32, #tpu.memory_space<hbm>>
    tpu.enqueue_dma source(%dma_start3A_9 : memref<4x4x1024xf32, #tpu.memory_space<hbm>>) target(%arg7 : memref<4x4x1024xf32, #tpu.memory_space<vmem>>) target_semaphore(%arg15 : memref<!tpu.dma_semaphore, #tpu.memory_space<semaphore_mem>>)
    %dma_start3A_10 = arith.constant 0 : i32
    %dma_start3A_11 = tpu.memref_slice %arg4[%add3A_4, %dma_start3A_10] : memref<4096x1000xf32, #tpu.memory_space<hbm>> -> memref<4x1000xf32, #tpu.memory_space<hbm>>
    %dma_start3A_12 = arith.constant 0 : i32
    %dma_start3A_13 = tpu.memref_slice %arg4[%add3A_4, %dma_start3A_12] : memref<4096x1000xf32, #tpu.memory_space<hbm>> -> memref<4x1000xf32, #tpu.memory_space<hbm>>
    tpu.enqueue_dma source(%dma_start3A_13 : memref<4x1000xf32, #tpu.memory_space<hbm>>) target(%arg11 : memref<4x1000xf32, #tpu.memory_space<vmem>>) target_semaphore(%arg15 : memref<!tpu.dma_semaphore, #tpu.memory_space<semaphore_mem>>)
    %scan3A = arith.constant 0 : i32
    %scan3A_14 = arith.constant 0 : i32
    %scan3A_15 = arith.constant 8 : i32
    %scan3A_16 = arith.addi %scan3A_14, %scan3A_15 : i32
    %scan3A_17 = arith.constant 1 : i32
    scf.for %scan3A_50 = %scan3A_14 to %scan3A_16 step %scan3A_17  : i32 {
      %mul3A_51 = arith.constant 4 : i32
      %mul3A_52 = arith.muli %scan3A_50, %mul3A_51 : i32
      %add3A_53 = arith.constant 0 : i32
      %add3A_54 = arith.addi %mul3A_52, %add3A_53 : i32
      %add3A_55 = arith.constant 1 : i32
      %add3A_56 = arith.addi %add3A_54, %add3A_55 : i32
      %lt3A = arith.constant 32 : i32
      %lt3A_57 = arith.cmpi slt, %add3A_56, %lt3A : i32
      %convert_element_type3A = arith.extui %lt3A_57 : i1 to i32
      %cond3A = arith.constant 0 : i32
      %cond3A_58 = arith.cmpi ne, %convert_element_type3A, %cond3A : i32
      scf.if %cond3A_58 {
        %add3A_191 = arith.constant 1 : i32
        %add3A_192 = arith.addi %add3A_54, %add3A_191 : i32
        %ge3A = arith.constant 4 : i32
        %ge3A_193 = arith.cmpi sge, %add3A_192, %ge3A : i32
        %convert_element_type3A_194 = arith.extui %ge3A_193 : i1 to i32
        %cond3A_195 = arith.constant 0 : i32
        %cond3A_196 = arith.cmpi ne, %convert_element_type3A_194, %cond3A_195 : i32
        scf.if %cond3A_196 {
          %add3A_212 = arith.constant 1 : i32
          %add3A_213 = arith.addi %add3A_54, %add3A_212 : i32
          %sub3A = arith.constant 4 : i32
          %sub3A_214 = arith.subi %add3A_213, %sub3A : i32
          %mul3A_215 = arith.constant 4 : i32
          %mul3A_216 = arith.muli %sub3A_214, %mul3A_215 : i32
          %add3A_217 = arith.addi %mul3A_2, %mul3A_216 : i32
          %dma_wait3A_218 = arith.constant 0 : i32
          %dma_wait3A_219 = arith.constant 0 : i32
          %dma_wait3A_220 = tpu.memref_slice %arg5[%dma_wait3A_218, %add3A_217, %dma_wait3A_219] : memref<4x4096x1024xf32, #tpu.memory_space<hbm>> -> memref<4x4x1024xf32, #tpu.memory_space<hbm>>
          %dma_wait3A_221 = arith.constant 0 : i32
          %dma_wait3A_222 = arith.constant 0 : i32
          %dma_wait3A_223 = tpu.memref_slice %arg5[%dma_wait3A_221, %add3A_217, %dma_wait3A_222] : memref<4x4096x1024xf32, #tpu.memory_space<hbm>> -> memref<4x4x1024xf32, #tpu.memory_space<hbm>>
          tpu.wait_dma2 semaphore(%arg20 : memref<!tpu.dma_semaphore, #tpu.memory_space<semaphore_mem>>) src(%arg8 : memref<4x4x1024xf32, #tpu.memory_space<vmem>>) dst(%dma_wait3A_223 : memref<4x4x1024xf32, #tpu.memory_space<hbm>>)
        } else {
        }
        %add3A_197 = arith.constant 1 : i32
        %add3A_198 = arith.addi %add3A_54, %add3A_197 : i32
        %mul3A_199 = arith.constant 4 : i32
        %mul3A_200 = arith.muli %add3A_198, %mul3A_199 : i32
        %add3A_201 = arith.addi %mul3A_2, %mul3A_200 : i32
        %dma_start3A_202 = arith.constant 0 : i32
        %dma_start3A_203 = arith.constant 0 : i32
        %dma_start3A_204 = tpu.memref_slice %arg2[%dma_start3A_202, %add3A_201, %dma_start3A_203] : memref<4x4096x1024xf32, #tpu.memory_space<hbm>> -> memref<4x4x1024xf32, #tpu.memory_space<hbm>>
        %dma_start3A_205 = arith.constant 0 : i32
        %dma_start3A_206 = arith.constant 0 : i32
        %dma_start3A_207 = tpu.memref_slice %arg2[%dma_start3A_205, %add3A_201, %dma_start3A_206] : memref<4x4096x1024xf32, #tpu.memory_space<hbm>> -> memref<4x4x1024xf32, #tpu.memory_space<hbm>>
        tpu.enqueue_dma source(%dma_start3A_207 : memref<4x4x1024xf32, #tpu.memory_space<hbm>>) target(%arg8 : memref<4x4x1024xf32, #tpu.memory_space<vmem>>) target_semaphore(%arg16 : memref<!tpu.dma_semaphore, #tpu.memory_space<semaphore_mem>>)
        %dma_start3A_208 = arith.constant 0 : i32
        %dma_start3A_209 = tpu.memref_slice %arg4[%add3A_201, %dma_start3A_208] : memref<4096x1000xf32, #tpu.memory_space<hbm>> -> memref<4x1000xf32, #tpu.memory_space<hbm>>
        %dma_start3A_210 = arith.constant 0 : i32
        %dma_start3A_211 = tpu.memref_slice %arg4[%add3A_201, %dma_start3A_210] : memref<4096x1000xf32, #tpu.memory_space<hbm>> -> memref<4x1000xf32, #tpu.memory_space<hbm>>
        tpu.enqueue_dma source(%dma_start3A_211 : memref<4x1000xf32, #tpu.memory_space<hbm>>) target(%arg12 : memref<4x1000xf32, #tpu.memory_space<vmem>>) target_semaphore(%arg16 : memref<!tpu.dma_semaphore, #tpu.memory_space<semaphore_mem>>)
      } else {
      }
      %mul3A_59 = arith.constant 4 : i32
      %mul3A_60 = arith.muli %add3A_54, %mul3A_59 : i32
      %add3A_61 = arith.addi %mul3A_2, %mul3A_60 : i32
      %dma_wait3A_62 = arith.constant 0 : i32
      %dma_wait3A_63 = arith.constant 0 : i32
      %dma_wait3A_64 = tpu.memref_slice %arg2[%dma_wait3A_62, %add3A_61, %dma_wait3A_63] : memref<4x4096x1024xf32, #tpu.memory_space<hbm>> -> memref<4x4x1024xf32, #tpu.memory_space<hbm>>
      %dma_wait3A_65 = arith.constant 0 : i32
      %dma_wait3A_66 = arith.constant 0 : i32
      %dma_wait3A_67 = tpu.memref_slice %arg2[%dma_wait3A_65, %add3A_61, %dma_wait3A_66] : memref<4x4096x1024xf32, #tpu.memory_space<hbm>> -> memref<4x4x1024xf32, #tpu.memory_space<hbm>>
      tpu.wait_dma2 semaphore(%arg15 : memref<!tpu.dma_semaphore, #tpu.memory_space<semaphore_mem>>) src(%dma_wait3A_67 : memref<4x4x1024xf32, #tpu.memory_space<hbm>>) dst(%arg7 : memref<4x4x1024xf32, #tpu.memory_space<vmem>>)
      %dma_wait3A_68 = arith.constant 0 : i32
      %dma_wait3A_69 = tpu.memref_slice %arg4[%add3A_61, %dma_wait3A_68] : memref<4096x1000xf32, #tpu.memory_space<hbm>> -> memref<4x1000xf32, #tpu.memory_space<hbm>>
      %dma_wait3A_70 = arith.constant 0 : i32
      %dma_wait3A_71 = tpu.memref_slice %arg4[%add3A_61, %dma_wait3A_70] : memref<4096x1000xf32, #tpu.memory_space<hbm>> -> memref<4x1000xf32, #tpu.memory_space<hbm>>
      tpu.wait_dma2 semaphore(%arg15 : memref<!tpu.dma_semaphore, #tpu.memory_space<semaphore_mem>>) src(%dma_wait3A_71 : memref<4x1000xf32, #tpu.memory_space<hbm>>) dst(%arg11 : memref<4x1000xf32, #tpu.memory_space<vmem>>)
      %parallel_loop3A = arith.constant 0 : i32
      %parallel_loop3A_72 = arith.constant 64 : i32
      %parallel_loop3A_73 = arith.constant 1 : i32
      scf.for %parallel_loop3A_191 = %parallel_loop3A to %parallel_loop3A_72 step %parallel_loop3A_73  : i32 {
        %parallel_loop3A_192 = arith.constant 16 : i32
        %parallel_loop3A_193 = arith.muli %parallel_loop3A_191, %parallel_loop3A_192 : i32
        %parallel_loop3A_194 = arith.index_cast %parallel_loop3A_193 : i32 to index
        %parallel_loop3A_195 = tpu.vector_load %arg6[%parallel_loop3A_194] {strides = array<i32>} : memref<1024xi32, #tpu.memory_space<vmem>>, vector<16xi32>,
        %parallel_loop3A_196 = arith.constant 0 : i32
        %parallel_loop3A_197 = vector.broadcast %parallel_loop3A_196 : i32 to vector<16xi32>
        %parallel_loop3A_198 = tpu.vector_load_idx %arg11[%parallel_loop3A_197, %parallel_loop3A_195] : memref<4x1000xf32, #tpu.memory_space<vmem>>[vector<16xi32>, vector<16xi32>], vector<16xf32>,
        %parallel_loop3A_199 = arith.constant 0 : i32
        %parallel_loop3A_200 = arith.constant 0 : i32
        %parallel_loop3A_201 = arith.index_cast %parallel_loop3A_199 : i32 to index
        %parallel_loop3A_202 = arith.index_cast %parallel_loop3A_200 : i32 to index
        %parallel_loop3A_203 = arith.index_cast %parallel_loop3A_193 : i32 to index
        %parallel_loop3A_204 = tpu.vector_load %arg7[%parallel_loop3A_201, %parallel_loop3A_202, %parallel_loop3A_203] {strides = array<i32>} : memref<4x4x1024xf32, #tpu.memory_space<vmem>>, vector<16xf32>,
        %parallel_loop3A_205 = arith.addf %parallel_loop3A_204, %parallel_loop3A_198 : vector<16xf32>
        %parallel_loop3A_206 = arith.constant 0 : i32
        %parallel_loop3A_207 = arith.constant 0 : i32
        %parallel_loop3A_208 = arith.index_cast %parallel_loop3A_206 : i32 to index
        %parallel_loop3A_209 = arith.index_cast %parallel_loop3A_207 : i32 to index
        %parallel_loop3A_210 = arith.index_cast %parallel_loop3A_193 : i32 to index
        %parallel_loop3A_211 = tpu.vector_load %arg7[%parallel_loop3A_208, %parallel_loop3A_209, %parallel_loop3A_210] {strides = array<i32>} : memref<4x4x1024xf32, #tpu.memory_space<vmem>>, vector<16xf32>,
        tpu.vector_store %arg7[%parallel_loop3A_208, %parallel_loop3A_209, %parallel_loop3A_210], %parallel_loop3A_205 {strides = array<i32>} : memref<4x4x1024xf32, #tpu.memory_space<vmem>>, vector<16xf32>,
        %parallel_loop3A_212 = arith.constant 1 : i32
        %parallel_loop3A_213 = arith.constant 0 : i32
        %parallel_loop3A_214 = arith.index_cast %parallel_loop3A_212 : i32 to index
        %parallel_loop3A_215 = arith.index_cast %parallel_loop3A_213 : i32 to index
        %parallel_loop3A_216 = arith.index_cast %parallel_loop3A_193 : i32 to index
        %parallel_loop3A_217 = tpu.vector_load %arg7[%parallel_loop3A_214, %parallel_loop3A_215, %parallel_loop3A_216] {strides = array<i32>} : memref<4x4x1024xf32, #tpu.memory_space<vmem>>, vector<16xf32>,
        %parallel_loop3A_218 = arith.addf %parallel_loop3A_217, %parallel_loop3A_198 : vector<16xf32>
        %parallel_loop3A_219 = arith.constant 1 : i32
        %parallel_loop3A_220 = arith.constant 0 : i32
        %parallel_loop3A_221 = arith.index_cast %parallel_loop3A_219 : i32 to index
        %parallel_loop3A_222 = arith.index_cast %parallel_loop3A_220 : i32 to index
        %parallel_loop3A_223 = arith.index_cast %parallel_loop3A_193 : i32 to index
        %parallel_loop3A_224 = tpu.vector_load %arg7[%parallel_loop3A_221, %parallel_loop3A_222, %parallel_loop3A_223] {strides = array<i32>} : memref<4x4x1024xf32, #tpu.memory_space<vmem>>, vector<16xf32>,
        tpu.vector_store %arg7[%parallel_loop3A_221, %parallel_loop3A_222, %parallel_loop3A_223], %parallel_loop3A_218 {strides = array<i32>} : memref<4x4x1024xf32, #tpu.memory_space<vmem>>, vector<16xf32>,
        %parallel_loop3A_225 = arith.constant 2 : i32
        %parallel_loop3A_226 = arith.constant 0 : i32
        %parallel_loop3A_227 = arith.index_cast %parallel_loop3A_225 : i32 to index
        %parallel_loop3A_228 = arith.index_cast %parallel_loop3A_226 : i32 to index
        %parallel_loop3A_229 = arith.index_cast %parallel_loop3A_193 : i32 to index
        %parallel_loop3A_230 = tpu.vector_load %arg7[%parallel_loop3A_227, %parallel_loop3A_228, %parallel_loop3A_229] {strides = array<i32>} : memref<4x4x1024xf32, #tpu.memory_space<vmem>>, vector<16xf32>,
        %parallel_loop3A_231 = arith.addf %parallel_loop3A_230, %parallel_loop3A_198 : vector<16xf32>
        %parallel_loop3A_232 = arith.constant 2 : i32
        %parallel_loop3A_233 = arith.constant 0 : i32
        %parallel_loop3A_234 = arith.index_cast %parallel_loop3A_232 : i32 to index
        %parallel_loop3A_235 = arith.index_cast %parallel_loop3A_233 : i32 to index
        %parallel_loop3A_236 = arith.index_cast %parallel_loop3A_193 : i32 to index
        %parallel_loop3A_237 = tpu.vector_load %arg7[%parallel_loop3A_234, %parallel_loop3A_235, %parallel_loop3A_236] {strides = array<i32>} : memref<4x4x1024xf32, #tpu.memory_space<vmem>>, vector<16xf32>,
        tpu.vector_store %arg7[%parallel_loop3A_234, %parallel_loop3A_235, %parallel_loop3A_236], %parallel_loop3A_231 {strides = array<i32>} : memref<4x4x1024xf32, #tpu.memory_space<vmem>>, vector<16xf32>,
        %parallel_loop3A_238 = arith.constant 3 : i32
        %parallel_loop3A_239 = arith.constant 0 : i32
        %parallel_loop3A_240 = arith.index_cast %parallel_loop3A_238 : i32 to index
        %parallel_loop3A_241 = arith.index_cast %parallel_loop3A_239 : i32 to index
        %parallel_loop3A_242 = arith.index_cast %parallel_loop3A_193 : i32 to index
        %parallel_loop3A_243 = tpu.vector_load %arg7[%parallel_loop3A_240, %parallel_loop3A_241, %parallel_loop3A_242] {strides = array<i32>} : memref<4x4x1024xf32, #tpu.memory_space<vmem>>, vector<16xf32>,
        %parallel_loop3A_244 = arith.addf %parallel_loop3A_243, %parallel_loop3A_198 : vector<16xf32>
        %parallel_loop3A_245 = arith.constant 3 : i32
        %parallel_loop3A_246 = arith.constant 0 : i32
        %parallel_loop3A_247 = arith.index_cast %parallel_loop3A_245 : i32 to index
        %parallel_loop3A_248 = arith.index_cast %parallel_loop3A_246 : i32 to index
        %parallel_loop3A_249 = arith.index_cast %parallel_loop3A_193 : i32 to index
        %parallel_loop3A_250 = tpu.vector_load %arg7[%parallel_loop3A_247, %parallel_loop3A_248, %parallel_loop3A_249] {strides = array<i32>} : memref<4x4x1024xf32, #tpu.memory_space<vmem>>, vector<16xf32>,
        tpu.vector_store %arg7[%parallel_loop3A_247, %parallel_loop3A_248, %parallel_loop3A_249], %parallel_loop3A_244 {strides = array<i32>} : memref<4x4x1024xf32, #tpu.memory_space<vmem>>, vector<16xf32>,
        %parallel_loop3A_251 = arith.constant 1 : i32
        %parallel_loop3A_252 = vector.broadcast %parallel_loop3A_251 : i32 to vector<16xi32>
        %parallel_loop3A_253 = tpu.vector_load_idx %arg11[%parallel_loop3A_252, %parallel_loop3A_195] : memref<4x1000xf32, #tpu.memory_space<vmem>>[vector<16xi32>, vector<16xi32>], vector<16xf32>,
        %parallel_loop3A_254 = arith.constant 0 : i32
        %parallel_loop3A_255 = arith.constant 1 : i32
        %parallel_loop3A_256 = arith.index_cast %parallel_loop3A_254 : i32 to index
        %parallel_loop3A_257 = arith.index_cast %parallel_loop3A_255 : i32 to index
        %parallel_loop3A_258 = arith.index_cast %parallel_loop3A_193 : i32 to index
        %parallel_loop3A_259 = tpu.vector_load %arg7[%parallel_loop3A_256, %parallel_loop3A_257, %parallel_loop3A_258] {strides = array<i32>} : memref<4x4x1024xf32, #tpu.memory_space<vmem>>, vector<16xf32>,
        %parallel_loop3A_260 = arith.addf %parallel_loop3A_259, %parallel_loop3A_253 : vector<16xf32>
        %parallel_loop3A_261 = arith.constant 0 : i32
        %parallel_loop3A_262 = arith.constant 1 : i32
        %parallel_loop3A_263 = arith.index_cast %parallel_loop3A_261 : i32 to index
        %parallel_loop3A_264 = arith.index_cast %parallel_loop3A_262 : i32 to index
        %parallel_loop3A_265 = arith.index_cast %parallel_loop3A_193 : i32 to index
        %parallel_loop3A_266 = tpu.vector_load %arg7[%parallel_loop3A_263, %parallel_loop3A_264, %parallel_loop3A_265] {strides = array<i32>} : memref<4x4x1024xf32, #tpu.memory_space<vmem>>, vector<16xf32>,
        tpu.vector_store %arg7[%parallel_loop3A_263, %parallel_loop3A_264, %parallel_loop3A_265], %parallel_loop3A_260 {strides = array<i32>} : memref<4x4x1024xf32, #tpu.memory_space<vmem>>, vector<16xf32>,
        %parallel_loop3A_267 = arith.constant 1 : i32
        %parallel_loop3A_268 = arith.constant 1 : i32
        %parallel_loop3A_269 = arith.index_cast %parallel_loop3A_267 : i32 to index
        %parallel_loop3A_270 = arith.index_cast %parallel_loop3A_268 : i32 to index
        %parallel_loop3A_271 = arith.index_cast %parallel_loop3A_193 : i32 to index
        %parallel_loop3A_272 = tpu.vector_load %arg7[%parallel_loop3A_269, %parallel_loop3A_270, %parallel_loop3A_271] {strides = array<i32>} : memref<4x4x1024xf32, #tpu.memory_space<vmem>>, vector<16xf32>,
        %parallel_loop3A_273 = arith.addf %parallel_loop3A_272, %parallel_loop3A_253 : vector<16xf32>
        %parallel_loop3A_274 = arith.constant 1 : i32
        %parallel_loop3A_275 = arith.constant 1 : i32
        %parallel_loop3A_276 = arith.index_cast %parallel_loop3A_274 : i32 to index
        %parallel_loop3A_277 = arith.index_cast %parallel_loop3A_275 : i32 to index
        %parallel_loop3A_278 = arith.index_cast %parallel_loop3A_193 : i32 to index
        %parallel_loop3A_279 = tpu.vector_load %arg7[%parallel_loop3A_276, %parallel_loop3A_277, %parallel_loop3A_278] {strides = array<i32>} : memref<4x4x1024xf32, #tpu.memory_space<vmem>>, vector<16xf32>,
        tpu.vector_store %arg7[%parallel_loop3A_276, %parallel_loop3A_277, %parallel_loop3A_278], %parallel_loop3A_273 {strides = array<i32>} : memref<4x4x1024xf32, #tpu.memory_space<vmem>>, vector<16xf32>,
        %parallel_loop3A_280 = arith.constant 2 : i32
        %parallel_loop3A_281 = arith.constant 1 : i32
        %parallel_loop3A_282 = arith.index_cast %parallel_loop3A_280 : i32 to index
        %parallel_loop3A_283 = arith.index_cast %parallel_loop3A_281 : i32 to index
        %parallel_loop3A_284 = arith.index_cast %parallel_loop3A_193 : i32 to index
        %parallel_loop3A_285 = tpu.vector_load %arg7[%parallel_loop3A_282, %parallel_loop3A_283, %parallel_loop3A_284] {strides = array<i32>} : memref<4x4x1024xf32, #tpu.memory_space<vmem>>, vector<16xf32>,
        %parallel_loop3A_286 = arith.addf %parallel_loop3A_285, %parallel_loop3A_253 : vector<16xf32>
        %parallel_loop3A_287 = arith.constant 2 : i32
        %parallel_loop3A_288 = arith.constant 1 : i32
        %parallel_loop3A_289 = arith.index_cast %parallel_loop3A_287 : i32 to index
        %parallel_loop3A_290 = arith.index_cast %parallel_loop3A_288 : i32 to index
        %parallel_loop3A_291 = arith.index_cast %parallel_loop3A_193 : i32 to index
        %parallel_loop3A_292 = tpu.vector_load %arg7[%parallel_loop3A_289, %parallel_loop3A_290, %parallel_loop3A_291] {strides = array<i32>} : memref<4x4x1024xf32, #tpu.memory_space<vmem>>, vector<16xf32>,
        tpu.vector_store %arg7[%parallel_loop3A_289, %parallel_loop3A_290, %parallel_loop3A_291], %parallel_loop3A_286 {strides = array<i32>} : memref<4x4x1024xf32, #tpu.memory_space<vmem>>, vector<16xf32>,
        %parallel_loop3A_293 = arith.constant 3 : i32
        %parallel_loop3A_294 = arith.constant 1 : i32
        %parallel_loop3A_295 = arith.index_cast %parallel_loop3A_293 : i32 to index
        %parallel_loop3A_296 = arith.index_cast %parallel_loop3A_294 : i32 to index
        %parallel_loop3A_297 = arith.index_cast %parallel_loop3A_193 : i32 to index
        %parallel_loop3A_298 = tpu.vector_load %arg7[%parallel_loop3A_295, %parallel_loop3A_296, %parallel_loop3A_297] {strides = array<i32>} : memref<4x4x1024xf32, #tpu.memory_space<vmem>>, vector<16xf32>,
        %parallel_loop3A_299 = arith.addf %parallel_loop3A_298, %parallel_loop3A_253 : vector<16xf32>
        %parallel_loop3A_300 = arith.constant 3 : i32
        %parallel_loop3A_301 = arith.constant 1 : i32
        %parallel_loop3A_302 = arith.index_cast %parallel_loop3A_300 : i32 to index
        %parallel_loop3A_303 = arith.index_cast %parallel_loop3A_301 : i32 to index
        %parallel_loop3A_304 = arith.index_cast %parallel_loop3A_193 : i32 to index
        %parallel_loop3A_305 = tpu.vector_load %arg7[%parallel_loop3A_302, %parallel_loop3A_303, %parallel_loop3A_304] {strides = array<i32>} : memref<4x4x1024xf32, #tpu.memory_space<vmem>>, vector<16xf32>,
        tpu.vector_store %arg7[%parallel_loop3A_302, %parallel_loop3A_303, %parallel_loop3A_304], %parallel_loop3A_299 {strides = array<i32>} : memref<4x4x1024xf32, #tpu.memory_space<vmem>>, vector<16xf32>,
        %parallel_loop3A_306 = arith.constant 2 : i32
        %parallel_loop3A_307 = vector.broadcast %parallel_loop3A_306 : i32 to vector<16xi32>
        %parallel_loop3A_308 = tpu.vector_load_idx %arg11[%parallel_loop3A_307, %parallel_loop3A_195] : memref<4x1000xf32, #tpu.memory_space<vmem>>[vector<16xi32>, vector<16xi32>], vector<16xf32>,
        %parallel_loop3A_309 = arith.constant 0 : i32
        %parallel_loop3A_310 = arith.constant 2 : i32
        %parallel_loop3A_311 = arith.index_cast %parallel_loop3A_309 : i32 to index
        %parallel_loop3A_312 = arith.index_cast %parallel_loop3A_310 : i32 to index
        %parallel_loop3A_313 = arith.index_cast %parallel_loop3A_193 : i32 to index
        %parallel_loop3A_314 = tpu.vector_load %arg7[%parallel_loop3A_311, %parallel_loop3A_312, %parallel_loop3A_313] {strides = array<i32>} : memref<4x4x1024xf32, #tpu.memory_space<vmem>>, vector<16xf32>,
        %parallel_loop3A_315 = arith.addf %parallel_loop3A_314, %parallel_loop3A_308 : vector<16xf32>
        %parallel_loop3A_316 = arith.constant 0 : i32
        %parallel_loop3A_317 = arith.constant 2 : i32
        %parallel_loop3A_318 = arith.index_cast %parallel_loop3A_316 : i32 to index
        %parallel_loop3A_319 = arith.index_cast %parallel_loop3A_317 : i32 to index
        %parallel_loop3A_320 = arith.index_cast %parallel_loop3A_193 : i32 to index
        %parallel_loop3A_321 = tpu.vector_load %arg7[%parallel_loop3A_318, %parallel_loop3A_319, %parallel_loop3A_320] {strides = array<i32>} : memref<4x4x1024xf32, #tpu.memory_space<vmem>>, vector<16xf32>,
        tpu.vector_store %arg7[%parallel_loop3A_318, %parallel_loop3A_319, %parallel_loop3A_320], %parallel_loop3A_315 {strides = array<i32>} : memref<4x4x1024xf32, #tpu.memory_space<vmem>>, vector<16xf32>,
        %parallel_loop3A_322 = arith.constant 1 : i32
        %parallel_loop3A_323 = arith.constant 2 : i32
        %parallel_loop3A_324 = arith.index_cast %parallel_loop3A_322 : i32 to index
        %parallel_loop3A_325 = arith.index_cast %parallel_loop3A_323 : i32 to index
        %parallel_loop3A_326 = arith.index_cast %parallel_loop3A_193 : i32 to index
        %parallel_loop3A_327 = tpu.vector_load %arg7[%parallel_loop3A_324, %parallel_loop3A_325, %parallel_loop3A_326] {strides = array<i32>} : memref<4x4x1024xf32, #tpu.memory_space<vmem>>, vector<16xf32>,
        %parallel_loop3A_328 = arith.addf %parallel_loop3A_327, %parallel_loop3A_308 : vector<16xf32>
        %parallel_loop3A_329 = arith.constant 1 : i32
        %parallel_loop3A_330 = arith.constant 2 : i32
        %parallel_loop3A_331 = arith.index_cast %parallel_loop3A_329 : i32 to index
        %parallel_loop3A_332 = arith.index_cast %parallel_loop3A_330 : i32 to index
        %parallel_loop3A_333 = arith.index_cast %parallel_loop3A_193 : i32 to index
        %parallel_loop3A_334 = tpu.vector_load %arg7[%parallel_loop3A_331, %parallel_loop3A_332, %parallel_loop3A_333] {strides = array<i32>} : memref<4x4x1024xf32, #tpu.memory_space<vmem>>, vector<16xf32>,
        tpu.vector_store %arg7[%parallel_loop3A_331, %parallel_loop3A_332, %parallel_loop3A_333], %parallel_loop3A_328 {strides = array<i32>} : memref<4x4x1024xf32, #tpu.memory_space<vmem>>, vector<16xf32>,
        %parallel_loop3A_335 = arith.constant 2 : i32
        %parallel_loop3A_336 = arith.constant 2 : i32
        %parallel_loop3A_337 = arith.index_cast %parallel_loop3A_335 : i32 to index
        %parallel_loop3A_338 = arith.index_cast %parallel_loop3A_336 : i32 to index
        %parallel_loop3A_339 = arith.index_cast %parallel_loop3A_193 : i32 to index
        %parallel_loop3A_340 = tpu.vector_load %arg7[%parallel_loop3A_337, %parallel_loop3A_338, %parallel_loop3A_339] {strides = array<i32>} : memref<4x4x1024xf32, #tpu.memory_space<vmem>>, vector<16xf32>,
        %parallel_loop3A_341 = arith.addf %parallel_loop3A_340, %parallel_loop3A_308 : vector<16xf32>
        %parallel_loop3A_342 = arith.constant 2 : i32
        %parallel_loop3A_343 = arith.constant 2 : i32
        %parallel_loop3A_344 = arith.index_cast %parallel_loop3A_342 : i32 to index
        %parallel_loop3A_345 = arith.index_cast %parallel_loop3A_343 : i32 to index
        %parallel_loop3A_346 = arith.index_cast %parallel_loop3A_193 : i32 to index
        %parallel_loop3A_347 = tpu.vector_load %arg7[%parallel_loop3A_344, %parallel_loop3A_345, %parallel_loop3A_346] {strides = array<i32>} : memref<4x4x1024xf32, #tpu.memory_space<vmem>>, vector<16xf32>,
        tpu.vector_store %arg7[%parallel_loop3A_344, %parallel_loop3A_345, %parallel_loop3A_346], %parallel_loop3A_341 {strides = array<i32>} : memref<4x4x1024xf32, #tpu.memory_space<vmem>>, vector<16xf32>,
        %parallel_loop3A_348 = arith.constant 3 : i32
        %parallel_loop3A_349 = arith.constant 2 : i32
        %parallel_loop3A_350 = arith.index_cast %parallel_loop3A_348 : i32 to index
        %parallel_loop3A_351 = arith.index_cast %parallel_loop3A_349 : i32 to index
        %parallel_loop3A_352 = arith.index_cast %parallel_loop3A_193 : i32 to index
        %parallel_loop3A_353 = tpu.vector_load %arg7[%parallel_loop3A_350, %parallel_loop3A_351, %parallel_loop3A_352] {strides = array<i32>} : memref<4x4x1024xf32, #tpu.memory_space<vmem>>, vector<16xf32>,
        %parallel_loop3A_354 = arith.addf %parallel_loop3A_353, %parallel_loop3A_308 : vector<16xf32>
        %parallel_loop3A_355 = arith.constant 3 : i32
        %parallel_loop3A_356 = arith.constant 2 : i32
        %parallel_loop3A_357 = arith.index_cast %parallel_loop3A_355 : i32 to index
        %parallel_loop3A_358 = arith.index_cast %parallel_loop3A_356 : i32 to index
        %parallel_loop3A_359 = arith.index_cast %parallel_loop3A_193 : i32 to index
        %parallel_loop3A_360 = tpu.vector_load %arg7[%parallel_loop3A_357, %parallel_loop3A_358, %parallel_loop3A_359] {strides = array<i32>} : memref<4x4x1024xf32, #tpu.memory_space<vmem>>, vector<16xf32>,
        tpu.vector_store %arg7[%parallel_loop3A_357, %parallel_loop3A_358, %parallel_loop3A_359], %parallel_loop3A_354 {strides = array<i32>} : memref<4x4x1024xf32, #tpu.memory_space<vmem>>, vector<16xf32>,
        %parallel_loop3A_361 = arith.constant 3 : i32
        %parallel_loop3A_362 = vector.broadcast %parallel_loop3A_361 : i32 to vector<16xi32>
        %parallel_loop3A_363 = tpu.vector_load_idx %arg11[%parallel_loop3A_362, %parallel_loop3A_195] : memref<4x1000xf32, #tpu.memory_space<vmem>>[vector<16xi32>, vector<16xi32>], vector<16xf32>,
        %parallel_loop3A_364 = arith.constant 0 : i32
        %parallel_loop3A_365 = arith.constant 3 : i32
        %parallel_loop3A_366 = arith.index_cast %parallel_loop3A_364 : i32 to index
        %parallel_loop3A_367 = arith.index_cast %parallel_loop3A_365 : i32 to index
        %parallel_loop3A_368 = arith.index_cast %parallel_loop3A_193 : i32 to index
        %parallel_loop3A_369 = tpu.vector_load %arg7[%parallel_loop3A_366, %parallel_loop3A_367, %parallel_loop3A_368] {strides = array<i32>} : memref<4x4x1024xf32, #tpu.memory_space<vmem>>, vector<16xf32>,
        %parallel_loop3A_370 = arith.addf %parallel_loop3A_369, %parallel_loop3A_363 : vector<16xf32>
        %parallel_loop3A_371 = arith.constant 0 : i32
        %parallel_loop3A_372 = arith.constant 3 : i32
        %parallel_loop3A_373 = arith.index_cast %parallel_loop3A_371 : i32 to index
        %parallel_loop3A_374 = arith.index_cast %parallel_loop3A_372 : i32 to index
        %parallel_loop3A_375 = arith.index_cast %parallel_loop3A_193 : i32 to index
        %parallel_loop3A_376 = tpu.vector_load %arg7[%parallel_loop3A_373, %parallel_loop3A_374, %parallel_loop3A_375] {strides = array<i32>} : memref<4x4x1024xf32, #tpu.memory_space<vmem>>, vector<16xf32>,
        tpu.vector_store %arg7[%parallel_loop3A_373, %parallel_loop3A_374, %parallel_loop3A_375], %parallel_loop3A_370 {strides = array<i32>} : memref<4x4x1024xf32, #tpu.memory_space<vmem>>, vector<16xf32>,
        %parallel_loop3A_377 = arith.constant 1 : i32
        %parallel_loop3A_378 = arith.constant 3 : i32
        %parallel_loop3A_379 = arith.index_cast %parallel_loop3A_377 : i32 to index
        %parallel_loop3A_380 = arith.index_cast %parallel_loop3A_378 : i32 to index
        %parallel_loop3A_381 = arith.index_cast %parallel_loop3A_193 : i32 to index
        %parallel_loop3A_382 = tpu.vector_load %arg7[%parallel_loop3A_379, %parallel_loop3A_380, %parallel_loop3A_381] {strides = array<i32>} : memref<4x4x1024xf32, #tpu.memory_space<vmem>>, vector<16xf32>,
        %parallel_loop3A_383 = arith.addf %parallel_loop3A_382, %parallel_loop3A_363 : vector<16xf32>
        %parallel_loop3A_384 = arith.constant 1 : i32
        %parallel_loop3A_385 = arith.constant 3 : i32
        %parallel_loop3A_386 = arith.index_cast %parallel_loop3A_384 : i32 to index
        %parallel_loop3A_387 = arith.index_cast %parallel_loop3A_385 : i32 to index
        %parallel_loop3A_388 = arith.index_cast %parallel_loop3A_193 : i32 to index
        %parallel_loop3A_389 = tpu.vector_load %arg7[%parallel_loop3A_386, %parallel_loop3A_387, %parallel_loop3A_388] {strides = array<i32>} : memref<4x4x1024xf32, #tpu.memory_space<vmem>>, vector<16xf32>,
        tpu.vector_store %arg7[%parallel_loop3A_386, %parallel_loop3A_387, %parallel_loop3A_388], %parallel_loop3A_383 {strides = array<i32>} : memref<4x4x1024xf32, #tpu.memory_space<vmem>>, vector<16xf32>,
        %parallel_loop3A_390 = arith.constant 2 : i32
        %parallel_loop3A_391 = arith.constant 3 : i32
        %parallel_loop3A_392 = arith.index_cast %parallel_loop3A_390 : i32 to index
        %parallel_loop3A_393 = arith.index_cast %parallel_loop3A_391 : i32 to index
        %parallel_loop3A_394 = arith.index_cast %parallel_loop3A_193 : i32 to index
        %parallel_loop3A_395 = tpu.vector_load %arg7[%parallel_loop3A_392, %parallel_loop3A_393, %parallel_loop3A_394] {strides = array<i32>} : memref<4x4x1024xf32, #tpu.memory_space<vmem>>, vector<16xf32>,
        %parallel_loop3A_396 = arith.addf %parallel_loop3A_395, %parallel_loop3A_363 : vector<16xf32>
        %parallel_loop3A_397 = arith.constant 2 : i32
        %parallel_loop3A_398 = arith.constant 3 : i32
        %parallel_loop3A_399 = arith.index_cast %parallel_loop3A_397 : i32 to index
        %parallel_loop3A_400 = arith.index_cast %parallel_loop3A_398 : i32 to index
        %parallel_loop3A_401 = arith.index_cast %parallel_loop3A_193 : i32 to index
        %parallel_loop3A_402 = tpu.vector_load %arg7[%parallel_loop3A_399, %parallel_loop3A_400, %parallel_loop3A_401] {strides = array<i32>} : memref<4x4x1024xf32, #tpu.memory_space<vmem>>, vector<16xf32>,
        tpu.vector_store %arg7[%parallel_loop3A_399, %parallel_loop3A_400, %parallel_loop3A_401], %parallel_loop3A_396 {strides = array<i32>} : memref<4x4x1024xf32, #tpu.memory_space<vmem>>, vector<16xf32>,
        %parallel_loop3A_403 = arith.constant 3 : i32
        %parallel_loop3A_404 = arith.constant 3 : i32
        %parallel_loop3A_405 = arith.index_cast %parallel_loop3A_403 : i32 to index
        %parallel_loop3A_406 = arith.index_cast %parallel_loop3A_404 : i32 to index
        %parallel_loop3A_407 = arith.index_cast %parallel_loop3A_193 : i32 to index
        %parallel_loop3A_408 = tpu.vector_load %arg7[%parallel_loop3A_405, %parallel_loop3A_406, %parallel_loop3A_407] {strides = array<i32>} : memref<4x4x1024xf32, #tpu.memory_space<vmem>>, vector<16xf32>,
        %parallel_loop3A_409 = arith.addf %parallel_loop3A_408, %parallel_loop3A_363 : vector<16xf32>
        %parallel_loop3A_410 = arith.constant 3 : i32
        %parallel_loop3A_411 = arith.constant 3 : i32
        %parallel_loop3A_412 = arith.index_cast %parallel_loop3A_410 : i32 to index
        %parallel_loop3A_413 = arith.index_cast %parallel_loop3A_411 : i32 to index
        %parallel_loop3A_414 = arith.index_cast %parallel_loop3A_193 : i32 to index
        %parallel_loop3A_415 = tpu.vector_load %arg7[%parallel_loop3A_412, %parallel_loop3A_413, %parallel_loop3A_414] {strides = array<i32>} : memref<4x4x1024xf32, #tpu.memory_space<vmem>>, vector<16xf32>,
        tpu.vector_store %arg7[%parallel_loop3A_412, %parallel_loop3A_413, %parallel_loop3A_414], %parallel_loop3A_409 {strides = array<i32>} : memref<4x4x1024xf32, #tpu.memory_space<vmem>>, vector<16xf32>,
      } {sc.loop_unroll_factor = 4 : i64, sc.parallel_access}
      %mul3A_74 = arith.constant 4 : i32
      %mul3A_75 = arith.muli %add3A_54, %mul3A_74 : i32
      %add3A_76 = arith.addi %mul3A_2, %mul3A_75 : i32
      %dma_start3A_77 = arith.constant 0 : i32
      %dma_start3A_78 = arith.constant 0 : i32
      %dma_start3A_79 = tpu.memref_slice %arg5[%dma_start3A_77, %add3A_76, %dma_start3A_78] : memref<4x4096x1024xf32, #tpu.memory_space<hbm>> -> memref<4x4x1024xf32, #tpu.memory_space<hbm>>
      %dma_start3A_80 = arith.constant 0 : i32
      %dma_start3A_81 = arith.constant 0 : i32
      %dma_start3A_82 = tpu.memref_slice %arg5[%dma_start3A_80, %add3A_76, %dma_start3A_81] : memref<4x4096x1024xf32, #tpu.memory_space<hbm>> -> memref<4x4x1024xf32, #tpu.memory_space<hbm>>
      tpu.enqueue_dma source(%arg7 : memref<4x4x1024xf32, #tpu.memory_space<vmem>>) target(%dma_start3A_82 : memref<4x4x1024xf32, #tpu.memory_space<hbm>>) target_semaphore(%arg19 : memref<!tpu.dma_semaphore, #tpu.memory_space<semaphore_mem>>)
      %mul3A_83 = arith.constant 4 : i32
      %mul3A_84 = arith.muli %scan3A_50, %mul3A_83 : i32
      %add3A_85 = arith.constant 1 : i32
      %add3A_86 = arith.addi %mul3A_84, %add3A_85 : i32
      %add3A_87 = arith.constant 1 : i32
      %add3A_88 = arith.addi %add3A_86, %add3A_87 : i32
      %lt3A_89 = arith.constant 32 : i32
      %lt3A_90 = arith.cmpi slt, %add3A_88, %lt3A_89 : i32
      %convert_element_type3A_91 = arith.extui %lt3A_90 : i1 to i32
      %cond3A_92 = arith.constant 0 : i32
      %cond3A_93 = arith.cmpi ne, %convert_element_type3A_91, %cond3A_92 : i32
      scf.if %cond3A_93 {
        %add3A_191 = arith.constant 1 : i32
        %add3A_192 = arith.addi %add3A_86, %add3A_191 : i32
        %ge3A = arith.constant 4 : i32
        %ge3A_193 = arith.cmpi sge, %add3A_192, %ge3A : i32
        %convert_element_type3A_194 = arith.extui %ge3A_193 : i1 to i32
        %cond3A_195 = arith.constant 0 : i32
        %cond3A_196 = arith.cmpi ne, %convert_element_type3A_194, %cond3A_195 : i32
        scf.if %cond3A_196 {
          %add3A_212 = arith.constant 1 : i32
          %add3A_213 = arith.addi %add3A_86, %add3A_212 : i32
          %sub3A = arith.constant 4 : i32
          %sub3A_214 = arith.subi %add3A_213, %sub3A : i32
          %mul3A_215 = arith.constant 4 : i32
          %mul3A_216 = arith.muli %sub3A_214, %mul3A_215 : i32
          %add3A_217 = arith.addi %mul3A_2, %mul3A_216 : i32
          %dma_wait3A_218 = arith.constant 0 : i32
          %dma_wait3A_219 = arith.constant 0 : i32
          %dma_wait3A_220 = tpu.memref_slice %arg5[%dma_wait3A_218, %add3A_217, %dma_wait3A_219] : memref<4x4096x1024xf32, #tpu.memory_space<hbm>> -> memref<4x4x1024xf32, #tpu.memory_space<hbm>>
          %dma_wait3A_221 = arith.constant 0 : i32
          %dma_wait3A_222 = arith.constant 0 : i32
          %dma_wait3A_223 = tpu.memref_slice %arg5[%dma_wait3A_221, %add3A_217, %dma_wait3A_222] : memref<4x4096x1024xf32, #tpu.memory_space<hbm>> -> memref<4x4x1024xf32, #tpu.memory_space<hbm>>
          tpu.wait_dma2 semaphore(%arg21 : memref<!tpu.dma_semaphore, #tpu.memory_space<semaphore_mem>>) src(%arg9 : memref<4x4x1024xf32, #tpu.memory_space<vmem>>) dst(%dma_wait3A_223 : memref<4x4x1024xf32, #tpu.memory_space<hbm>>)
        } else {
        }
        %add3A_197 = arith.constant 1 : i32
        %add3A_198 = arith.addi %add3A_86, %add3A_197 : i32
        %mul3A_199 = arith.constant 4 : i32
        %mul3A_200 = arith.muli %add3A_198, %mul3A_199 : i32
        %add3A_201 = arith.addi %mul3A_2, %mul3A_200 : i32
        %dma_start3A_202 = arith.constant 0 : i32
        %dma_start3A_203 = arith.constant 0 : i32
        %dma_start3A_204 = tpu.memref_slice %arg2[%dma_start3A_202, %add3A_201, %dma_start3A_203] : memref<4x4096x1024xf32, #tpu.memory_space<hbm>> -> memref<4x4x1024xf32, #tpu.memory_space<hbm>>
        %dma_start3A_205 = arith.constant 0 : i32
        %dma_start3A_206 = arith.constant 0 : i32
        %dma_start3A_207 = tpu.memref_slice %arg2[%dma_start3A_205, %add3A_201, %dma_start3A_206] : memref<4x4096x1024xf32, #tpu.memory_space<hbm>> -> memref<4x4x1024xf32, #tpu.memory_space<hbm>>
        tpu.enqueue_dma source(%dma_start3A_207 : memref<4x4x1024xf32, #tpu.memory_space<hbm>>) target(%arg9 : memref<4x4x1024xf32, #tpu.memory_space<vmem>>) target_semaphore(%arg17 : memref<!tpu.dma_semaphore, #tpu.memory_space<semaphore_mem>>)
        %dma_start3A_208 = arith.constant 0 : i32
        %dma_start3A_209 = tpu.memref_slice %arg4[%add3A_201, %dma_start3A_208] : memref<4096x1000xf32, #tpu.memory_space<hbm>> -> memref<4x1000xf32, #tpu.memory_space<hbm>>
        %dma_start3A_210 = arith.constant 0 : i32
        %dma_start3A_211 = tpu.memref_slice %arg4[%add3A_201, %dma_start3A_210] : memref<4096x1000xf32, #tpu.memory_space<hbm>> -> memref<4x1000xf32, #tpu.memory_space<hbm>>
        tpu.enqueue_dma source(%dma_start3A_211 : memref<4x1000xf32, #tpu.memory_space<hbm>>) target(%arg13 : memref<4x1000xf32, #tpu.memory_space<vmem>>) target_semaphore(%arg17 : memref<!tpu.dma_semaphore, #tpu.memory_space<semaphore_mem>>)
      } else {
      }
      %mul3A_94 = arith.constant 4 : i32
      %mul3A_95 = arith.muli %add3A_86, %mul3A_94 : i32
      %add3A_96 = arith.addi %mul3A_2, %mul3A_95 : i32
      %dma_wait3A_97 = arith.constant 0 : i32
      %dma_wait3A_98 = arith.constant 0 : i32
      %dma_wait3A_99 = tpu.memref_slice %arg2[%dma_wait3A_97, %add3A_96, %dma_wait3A_98] : memref<4x4096x1024xf32, #tpu.memory_space<hbm>> -> memref<4x4x1024xf32, #tpu.memory_space<hbm>>
      %dma_wait3A_100 = arith.constant 0 : i32
      %dma_wait3A_101 = arith.constant 0 : i32
      %dma_wait3A_102 = tpu.memref_slice %arg2[%dma_wait3A_100, %add3A_96, %dma_wait3A_101] : memref<4x4096x1024xf32, #tpu.memory_space<hbm>> -> memref<4x4x1024xf32, #tpu.memory_space<hbm>>
      tpu.wait_dma2 semaphore(%arg16 : memref<!tpu.dma_semaphore, #tpu.memory_space<semaphore_mem>>) src(%dma_wait3A_102 : memref<4x4x1024xf32, #tpu.memory_space<hbm>>) dst(%arg8 : memref<4x4x1024xf32, #tpu.memory_space<vmem>>)
      %dma_wait3A_103 = arith.constant 0 : i32
      %dma_wait3A_104 = tpu.memref_slice %arg4[%add3A_96, %dma_wait3A_103] : memref<4096x1000xf32, #tpu.memory_space<hbm>> -> memref<4x1000xf32, #tpu.memory_space<hbm>>
      %dma_wait3A_105 = arith.constant 0 : i32
      %dma_wait3A_106 = tpu.memref_slice %arg4[%add3A_96, %dma_wait3A_105] : memref<4096x1000xf32, #tpu.memory_space<hbm>> -> memref<4x1000xf32, #tpu.memory_space<hbm>>
      tpu.wait_dma2 semaphore(%arg16 : memref<!tpu.dma_semaphore, #tpu.memory_space<semaphore_mem>>) src(%dma_wait3A_106 : memref<4x1000xf32, #tpu.memory_space<hbm>>) dst(%arg12 : memref<4x1000xf32, #tpu.memory_space<vmem>>)
      %parallel_loop3A_107 = arith.constant 0 : i32
      %parallel_loop3A_108 = arith.constant 64 : i32
      %parallel_loop3A_109 = arith.constant 1 : i32
      scf.for %parallel_loop3A_191 = %parallel_loop3A_107 to %parallel_loop3A_108 step %parallel_loop3A_109  : i32 {
        %parallel_loop3A_192 = arith.constant 16 : i32
        %parallel_loop3A_193 = arith.muli %parallel_loop3A_191, %parallel_loop3A_192 : i32
        %parallel_loop3A_194 = arith.index_cast %parallel_loop3A_193 : i32 to index
        %parallel_loop3A_195 = tpu.vector_load %arg6[%parallel_loop3A_194] {strides = array<i32>} : memref<1024xi32, #tpu.memory_space<vmem>>, vector<16xi32>,
        %parallel_loop3A_196 = arith.constant 0 : i32
        %parallel_loop3A_197 = vector.broadcast %parallel_loop3A_196 : i32 to vector<16xi32>
        %parallel_loop3A_198 = tpu.vector_load_idx %arg12[%parallel_loop3A_197, %parallel_loop3A_195] : memref<4x1000xf32, #tpu.memory_space<vmem>>[vector<16xi32>, vector<16xi32>], vector<16xf32>,
        %parallel_loop3A_199 = arith.constant 0 : i32
        %parallel_loop3A_200 = arith.constant 0 : i32
        %parallel_loop3A_201 = arith.index_cast %parallel_loop3A_199 : i32 to index
        %parallel_loop3A_202 = arith.index_cast %parallel_loop3A_200 : i32 to index
        %parallel_loop3A_203 = arith.index_cast %parallel_loop3A_193 : i32 to index
        %parallel_loop3A_204 = tpu.vector_load %arg8[%parallel_loop3A_201, %parallel_loop3A_202, %parallel_loop3A_203] {strides = array<i32>} : memref<4x4x1024xf32, #tpu.memory_space<vmem>>, vector<16xf32>,
        %parallel_loop3A_205 = arith.addf %parallel_loop3A_204, %parallel_loop3A_198 : vector<16xf32>
        %parallel_loop3A_206 = arith.constant 0 : i32
        %parallel_loop3A_207 = arith.constant 0 : i32
        %parallel_loop3A_208 = arith.index_cast %parallel_loop3A_206 : i32 to index
        %parallel_loop3A_209 = arith.index_cast %parallel_loop3A_207 : i32 to index
        %parallel_loop3A_210 = arith.index_cast %parallel_loop3A_193 : i32 to index
        %parallel_loop3A_211 = tpu.vector_load %arg8[%parallel_loop3A_208, %parallel_loop3A_209, %parallel_loop3A_210] {strides = array<i32>} : memref<4x4x1024xf32, #tpu.memory_space<vmem>>, vector<16xf32>,
        tpu.vector_store %arg8[%parallel_loop3A_208, %parallel_loop3A_209, %parallel_loop3A_210], %parallel_loop3A_205 {strides = array<i32>} : memref<4x4x1024xf32, #tpu.memory_space<vmem>>, vector<16xf32>,
        %parallel_loop3A_212 = arith.constant 1 : i32
        %parallel_loop3A_213 = arith.constant 0 : i32
        %parallel_loop3A_214 = arith.index_cast %parallel_loop3A_212 : i32 to index
        %parallel_loop3A_215 = arith.index_cast %parallel_loop3A_213 : i32 to index
        %parallel_loop3A_216 = arith.index_cast %parallel_loop3A_193 : i32 to index
        %parallel_loop3A_217 = tpu.vector_load %arg8[%parallel_loop3A_214, %parallel_loop3A_215, %parallel_loop3A_216] {strides = array<i32>} : memref<4x4x1024xf32, #tpu.memory_space<vmem>>, vector<16xf32>,
        %parallel_loop3A_218 = arith.addf %parallel_loop3A_217, %parallel_loop3A_198 : vector<16xf32>
        %parallel_loop3A_219 = arith.constant 1 : i32
        %parallel_loop3A_220 = arith.constant 0 : i32
        %parallel_loop3A_221 = arith.index_cast %parallel_loop3A_219 : i32 to index
        %parallel_loop3A_222 = arith.index_cast %parallel_loop3A_220 : i32 to index
        %parallel_loop3A_223 = arith.index_cast %parallel_loop3A_193 : i32 to index
        %parallel_loop3A_224 = tpu.vector_load %arg8[%parallel_loop3A_221, %parallel_loop3A_222, %parallel_loop3A_223] {strides = array<i32>} : memref<4x4x1024xf32, #tpu.memory_space<vmem>>, vector<16xf32>,
        tpu.vector_store %arg8[%parallel_loop3A_221, %parallel_loop3A_222, %parallel_loop3A_223], %parallel_loop3A_218 {strides = array<i32>} : memref<4x4x1024xf32, #tpu.memory_space<vmem>>, vector<16xf32>,
        %parallel_loop3A_225 = arith.constant 2 : i32
        %parallel_loop3A_226 = arith.constant 0 : i32
        %parallel_loop3A_227 = arith.index_cast %parallel_loop3A_225 : i32 to index
        %parallel_loop3A_228 = arith.index_cast %parallel_loop3A_226 : i32 to index
        %parallel_loop3A_229 = arith.index_cast %parallel_loop3A_193 : i32 to index
        %parallel_loop3A_230 = tpu.vector_load %arg8[%parallel_loop3A_227, %parallel_loop3A_228, %parallel_loop3A_229] {strides = array<i32>} : memref<4x4x1024xf32, #tpu.memory_space<vmem>>, vector<16xf32>,
        %parallel_loop3A_231 = arith.addf %parallel_loop3A_230, %parallel_loop3A_198 : vector<16xf32>
        %parallel_loop3A_232 = arith.constant 2 : i32
        %parallel_loop3A_233 = arith.constant 0 : i32
        %parallel_loop3A_234 = arith.index_cast %parallel_loop3A_232 : i32 to index
        %parallel_loop3A_235 = arith.index_cast %parallel_loop3A_233 : i32 to index
        %parallel_loop3A_236 = arith.index_cast %parallel_loop3A_193 : i32 to index
        %parallel_loop3A_237 = tpu.vector_load %arg8[%parallel_loop3A_234, %parallel_loop3A_235, %parallel_loop3A_236] {strides = array<i32>} : memref<4x4x1024xf32, #tpu.memory_space<vmem>>, vector<16xf32>,
        tpu.vector_store %arg8[%parallel_loop3A_234, %parallel_loop3A_235, %parallel_loop3A_236], %parallel_loop3A_231 {strides = array<i32>} : memref<4x4x1024xf32, #tpu.memory_space<vmem>>, vector<16xf32>,
        %parallel_loop3A_238 = arith.constant 3 : i32
        %parallel_loop3A_239 = arith.constant 0 : i32
        %parallel_loop3A_240 = arith.index_cast %parallel_loop3A_238 : i32 to index
        %parallel_loop3A_241 = arith.index_cast %parallel_loop3A_239 : i32 to index
        %parallel_loop3A_242 = arith.index_cast %parallel_loop3A_193 : i32 to index
        %parallel_loop3A_243 = tpu.vector_load %arg8[%parallel_loop3A_240, %parallel_loop3A_241, %parallel_loop3A_242] {strides = array<i32>} : memref<4x4x1024xf32, #tpu.memory_space<vmem>>, vector<16xf32>,
        %parallel_loop3A_244 = arith.addf %parallel_loop3A_243, %parallel_loop3A_198 : vector<16xf32>
        %parallel_loop3A_245 = arith.constant 3 : i32
        %parallel_loop3A_246 = arith.constant 0 : i32
        %parallel_loop3A_247 = arith.index_cast %parallel_loop3A_245 : i32 to index
        %parallel_loop3A_248 = arith.index_cast %parallel_loop3A_246 : i32 to index
        %parallel_loop3A_249 = arith.index_cast %parallel_loop3A_193 : i32 to index
        %parallel_loop3A_250 = tpu.vector_load %arg8[%parallel_loop3A_247, %parallel_loop3A_248, %parallel_loop3A_249] {strides = array<i32>} : memref<4x4x1024xf32, #tpu.memory_space<vmem>>, vector<16xf32>,
        tpu.vector_store %arg8[%parallel_loop3A_247, %parallel_loop3A_248, %parallel_loop3A_249], %parallel_loop3A_244 {strides = array<i32>} : memref<4x4x1024xf32, #tpu.memory_space<vmem>>, vector<16xf32>,
        %parallel_loop3A_251 = arith.constant 1 : i32
        %parallel_loop3A_252 = vector.broadcast %parallel_loop3A_251 : i32 to vector<16xi32>
        %parallel_loop3A_253 = tpu.vector_load_idx %arg12[%parallel_loop3A_252, %parallel_loop3A_195] : memref<4x1000xf32, #tpu.memory_space<vmem>>[vector<16xi32>, vector<16xi32>], vector<16xf32>,
        %parallel_loop3A_254 = arith.constant 0 : i32
        %parallel_loop3A_255 = arith.constant 1 : i32
        %parallel_loop3A_256 = arith.index_cast %parallel_loop3A_254 : i32 to index
        %parallel_loop3A_257 = arith.index_cast %parallel_loop3A_255 : i32 to index
        %parallel_loop3A_258 = arith.index_cast %parallel_loop3A_193 : i32 to index
        %parallel_loop3A_259 = tpu.vector_load %arg8[%parallel_loop3A_256, %parallel_loop3A_257, %parallel_loop3A_258] {strides = array<i32>} : memref<4x4x1024xf32, #tpu.memory_space<vmem>>, vector<16xf32>,
        %parallel_loop3A_260 = arith.addf %parallel_loop3A_259, %parallel_loop3A_253 : vector<16xf32>
        %parallel_loop3A_261 = arith.constant 0 : i32
        %parallel_loop3A_262 = arith.constant 1 : i32
        %parallel_loop3A_263 = arith.index_cast %parallel_loop3A_261 : i32 to index
        %parallel_loop3A_264 = arith.index_cast %parallel_loop3A_262 : i32 to index
        %parallel_loop3A_265 = arith.index_cast %parallel_loop3A_193 : i32 to index
        %parallel_loop3A_266 = tpu.vector_load %arg8[%parallel_loop3A_263, %parallel_loop3A_264, %parallel_loop3A_265] {strides = array<i32>} : memref<4x4x1024xf32, #tpu.memory_space<vmem>>, vector<16xf32>,
        tpu.vector_store %arg8[%parallel_loop3A_263, %parallel_loop3A_264, %parallel_loop3A_265], %parallel_loop3A_260 {strides = array<i32>} : memref<4x4x1024xf32, #tpu.memory_space<vmem>>, vector<16xf32>,
        %parallel_loop3A_267 = arith.constant 1 : i32
        %parallel_loop3A_268 = arith.constant 1 : i32
        %parallel_loop3A_269 = arith.index_cast %parallel_loop3A_267 : i32 to index
        %parallel_loop3A_270 = arith.index_cast %parallel_loop3A_268 : i32 to index
        %parallel_loop3A_271 = arith.index_cast %parallel_loop3A_193 : i32 to index
        %parallel_loop3A_272 = tpu.vector_load %arg8[%parallel_loop3A_269, %parallel_loop3A_270, %parallel_loop3A_271] {strides = array<i32>} : memref<4x4x1024xf32, #tpu.memory_space<vmem>>, vector<16xf32>,
        %parallel_loop3A_273 = arith.addf %parallel_loop3A_272, %parallel_loop3A_253 : vector<16xf32>
        %parallel_loop3A_274 = arith.constant 1 : i32
        %parallel_loop3A_275 = arith.constant 1 : i32
        %parallel_loop3A_276 = arith.index_cast %parallel_loop3A_274 : i32 to index
        %parallel_loop3A_277 = arith.index_cast %parallel_loop3A_275 : i32 to index
        %parallel_loop3A_278 = arith.index_cast %parallel_loop3A_193 : i32 to index
        %parallel_loop3A_279 = tpu.vector_load %arg8[%parallel_loop3A_276, %parallel_loop3A_277, %parallel_loop3A_278] {strides = array<i32>} : memref<4x4x1024xf32, #tpu.memory_space<vmem>>, vector<16xf32>,
        tpu.vector_store %arg8[%parallel_loop3A_276, %parallel_loop3A_277, %parallel_loop3A_278], %parallel_loop3A_273 {strides = array<i32>} : memref<4x4x1024xf32, #tpu.memory_space<vmem>>, vector<16xf32>,
        %parallel_loop3A_280 = arith.constant 2 : i32
        %parallel_loop3A_281 = arith.constant 1 : i32
        %parallel_loop3A_282 = arith.index_cast %parallel_loop3A_280 : i32 to index
        %parallel_loop3A_283 = arith.index_cast %parallel_loop3A_281 : i32 to index
        %parallel_loop3A_284 = arith.index_cast %parallel_loop3A_193 : i32 to index
        %parallel_loop3A_285 = tpu.vector_load %arg8[%parallel_loop3A_282, %parallel_loop3A_283, %parallel_loop3A_284] {strides = array<i32>} : memref<4x4x1024xf32, #tpu.memory_space<vmem>>, vector<16xf32>,
        %parallel_loop3A_286 = arith.addf %parallel_loop3A_285, %parallel_loop3A_253 : vector<16xf32>
        %parallel_loop3A_287 = arith.constant 2 : i32
        %parallel_loop3A_288 = arith.constant 1 : i32
        %parallel_loop3A_289 = arith.index_cast %parallel_loop3A_287 : i32 to index
        %parallel_loop3A_290 = arith.index_cast %parallel_loop3A_288 : i32 to index
        %parallel_loop3A_291 = arith.index_cast %parallel_loop3A_193 : i32 to index
        %parallel_loop3A_292 = tpu.vector_load %arg8[%parallel_loop3A_289, %parallel_loop3A_290, %parallel_loop3A_291] {strides = array<i32>} : memref<4x4x1024xf32, #tpu.memory_space<vmem>>, vector<16xf32>,
        tpu.vector_store %arg8[%parallel_loop3A_289, %parallel_loop3A_290, %parallel_loop3A_291], %parallel_loop3A_286 {strides = array<i32>} : memref<4x4x1024xf32, #tpu.memory_space<vmem>>, vector<16xf32>,
        %parallel_loop3A_293 = arith.constant 3 : i32
        %parallel_loop3A_294 = arith.constant 1 : i32
        %parallel_loop3A_295 = arith.index_cast %parallel_loop3A_293 : i32 to index
        %parallel_loop3A_296 = arith.index_cast %parallel_loop3A_294 : i32 to index
        %parallel_loop3A_297 = arith.index_cast %parallel_loop3A_193 : i32 to index
        %parallel_loop3A_298 = tpu.vector_load %arg8[%parallel_loop3A_295, %parallel_loop3A_296, %parallel_loop3A_297] {strides = array<i32>} : memref<4x4x1024xf32, #tpu.memory_space<vmem>>, vector<16xf32>,
        %parallel_loop3A_299 = arith.addf %parallel_loop3A_298, %parallel_loop3A_253 : vector<16xf32>
        %parallel_loop3A_300 = arith.constant 3 : i32
        %parallel_loop3A_301 = arith.constant 1 : i32
        %parallel_loop3A_302 = arith.index_cast %parallel_loop3A_300 : i32 to index
        %parallel_loop3A_303 = arith.index_cast %parallel_loop3A_301 : i32 to index
        %parallel_loop3A_304 = arith.index_cast %parallel_loop3A_193 : i32 to index
        %parallel_loop3A_305 = tpu.vector_load %arg8[%parallel_loop3A_302, %parallel_loop3A_303, %parallel_loop3A_304] {strides = array<i32>} : memref<4x4x1024xf32, #tpu.memory_space<vmem>>, vector<16xf32>,
        tpu.vector_store %arg8[%parallel_loop3A_302, %parallel_loop3A_303, %parallel_loop3A_304], %parallel_loop3A_299 {strides = array<i32>} : memref<4x4x1024xf32, #tpu.memory_space<vmem>>, vector<16xf32>,
        %parallel_loop3A_306 = arith.constant 2 : i32
        %parallel_loop3A_307 = vector.broadcast %parallel_loop3A_306 : i32 to vector<16xi32>
        %parallel_loop3A_308 = tpu.vector_load_idx %arg12[%parallel_loop3A_307, %parallel_loop3A_195] : memref<4x1000xf32, #tpu.memory_space<vmem>>[vector<16xi32>, vector<16xi32>], vector<16xf32>,
        %parallel_loop3A_309 = arith.constant 0 : i32
        %parallel_loop3A_310 = arith.constant 2 : i32
        %parallel_loop3A_311 = arith.index_cast %parallel_loop3A_309 : i32 to index
        %parallel_loop3A_312 = arith.index_cast %parallel_loop3A_310 : i32 to index
        %parallel_loop3A_313 = arith.index_cast %parallel_loop3A_193 : i32 to index
        %parallel_loop3A_314 = tpu.vector_load %arg8[%parallel_loop3A_311, %parallel_loop3A_312, %parallel_loop3A_313] {strides = array<i32>} : memref<4x4x1024xf32, #tpu.memory_space<vmem>>, vector<16xf32>,
        %parallel_loop3A_315 = arith.addf %parallel_loop3A_314, %parallel_loop3A_308 : vector<16xf32>
        %parallel_loop3A_316 = arith.constant 0 : i32
        %parallel_loop3A_317 = arith.constant 2 : i32
        %parallel_loop3A_318 = arith.index_cast %parallel_loop3A_316 : i32 to index
        %parallel_loop3A_319 = arith.index_cast %parallel_loop3A_317 : i32 to index
        %parallel_loop3A_320 = arith.index_cast %parallel_loop3A_193 : i32 to index
        %parallel_loop3A_321 = tpu.vector_load %arg8[%parallel_loop3A_318, %parallel_loop3A_319, %parallel_loop3A_320] {strides = array<i32>} : memref<4x4x1024xf32, #tpu.memory_space<vmem>>, vector<16xf32>,
        tpu.vector_store %arg8[%parallel_loop3A_318, %parallel_loop3A_319, %parallel_loop3A_320], %parallel_loop3A_315 {strides = array<i32>} : memref<4x4x1024xf32, #tpu.memory_space<vmem>>, vector<16xf32>,
        %parallel_loop3A_322 = arith.constant 1 : i32
        %parallel_loop3A_323 = arith.constant 2 : i32
        %parallel_loop3A_324 = arith.index_cast %parallel_loop3A_322 : i32 to index
        %parallel_loop3A_325 = arith.index_cast %parallel_loop3A_323 : i32 to index
        %parallel_loop3A_326 = arith.index_cast %parallel_loop3A_193 : i32 to index
        %parallel_loop3A_327 = tpu.vector_load %arg8[%parallel_loop3A_324, %parallel_loop3A_325, %parallel_loop3A_326] {strides = array<i32>} : memref<4x4x1024xf32, #tpu.memory_space<vmem>>, vector<16xf32>,
        %parallel_loop3A_328 = arith.addf %parallel_loop3A_327, %parallel_loop3A_308 : vector<16xf32>
        %parallel_loop3A_329 = arith.constant 1 : i32
        %parallel_loop3A_330 = arith.constant 2 : i32
        %parallel_loop3A_331 = arith.index_cast %parallel_loop3A_329 : i32 to index
        %parallel_loop3A_332 = arith.index_cast %parallel_loop3A_330 : i32 to index
        %parallel_loop3A_333 = arith.index_cast %parallel_loop3A_193 : i32 to index
        %parallel_loop3A_334 = tpu.vector_load %arg8[%parallel_loop3A_331, %parallel_loop3A_332, %parallel_loop3A_333] {strides = array<i32>} : memref<4x4x1024xf32, #tpu.memory_space<vmem>>, vector<16xf32>,
        tpu.vector_store %arg8[%parallel_loop3A_331, %parallel_loop3A_332, %parallel_loop3A_333], %parallel_loop3A_328 {strides = array<i32>} : memref<4x4x1024xf32, #tpu.memory_space<vmem>>, vector<16xf32>,
        %parallel_loop3A_335 = arith.constant 2 : i32
        %parallel_loop3A_336 = arith.constant 2 : i32
        %parallel_loop3A_337 = arith.index_cast %parallel_loop3A_335 : i32 to index
        %parallel_loop3A_338 = arith.index_cast %parallel_loop3A_336 : i32 to index
        %parallel_loop3A_339 = arith.index_cast %parallel_loop3A_193 : i32 to index
        %parallel_loop3A_340 = tpu.vector_load %arg8[%parallel_loop3A_337, %parallel_loop3A_338, %parallel_loop3A_339] {strides = array<i32>} : memref<4x4x1024xf32, #tpu.memory_space<vmem>>, vector<16xf32>,
        %parallel_loop3A_341 = arith.addf %parallel_loop3A_340, %parallel_loop3A_308 : vector<16xf32>
        %parallel_loop3A_342 = arith.constant 2 : i32
        %parallel_loop3A_343 = arith.constant 2 : i32
        %parallel_loop3A_344 = arith.index_cast %parallel_loop3A_342 : i32 to index
        %parallel_loop3A_345 = arith.index_cast %parallel_loop3A_343 : i32 to index
        %parallel_loop3A_346 = arith.index_cast %parallel_loop3A_193 : i32 to index
        %parallel_loop3A_347 = tpu.vector_load %arg8[%parallel_loop3A_344, %parallel_loop3A_345, %parallel_loop3A_346] {strides = array<i32>} : memref<4x4x1024xf32, #tpu.memory_space<vmem>>, vector<16xf32>,
        tpu.vector_store %arg8[%parallel_loop3A_344, %parallel_loop3A_345, %parallel_loop3A_346], %parallel_loop3A_341 {strides = array<i32>} : memref<4x4x1024xf32, #tpu.memory_space<vmem>>, vector<16xf32>,
        %parallel_loop3A_348 = arith.constant 3 : i32
        %parallel_loop3A_349 = arith.constant 2 : i32
        %parallel_loop3A_350 = arith.index_cast %parallel_loop3A_348 : i32 to index
        %parallel_loop3A_351 = arith.index_cast %parallel_loop3A_349 : i32 to index
        %parallel_loop3A_352 = arith.index_cast %parallel_loop3A_193 : i32 to index
        %parallel_loop3A_353 = tpu.vector_load %arg8[%parallel_loop3A_350, %parallel_loop3A_351, %parallel_loop3A_352] {strides = array<i32>} : memref<4x4x1024xf32, #tpu.memory_space<vmem>>, vector<16xf32>,
        %parallel_loop3A_354 = arith.addf %parallel_loop3A_353, %parallel_loop3A_308 : vector<16xf32>
        %parallel_loop3A_355 = arith.constant 3 : i32
        %parallel_loop3A_356 = arith.constant 2 : i32
        %parallel_loop3A_357 = arith.index_cast %parallel_loop3A_355 : i32 to index
        %parallel_loop3A_358 = arith.index_cast %parallel_loop3A_356 : i32 to index
        %parallel_loop3A_359 = arith.index_cast %parallel_loop3A_193 : i32 to index
        %parallel_loop3A_360 = tpu.vector_load %arg8[%parallel_loop3A_357, %parallel_loop3A_358, %parallel_loop3A_359] {strides = array<i32>} : memref<4x4x1024xf32, #tpu.memory_space<vmem>>, vector<16xf32>,
        tpu.vector_store %arg8[%parallel_loop3A_357, %parallel_loop3A_358, %parallel_loop3A_359], %parallel_loop3A_354 {strides = array<i32>} : memref<4x4x1024xf32, #tpu.memory_space<vmem>>, vector<16xf32>,
        %parallel_loop3A_361 = arith.constant 3 : i32
        %parallel_loop3A_362 = vector.broadcast %parallel_loop3A_361 : i32 to vector<16xi32>
        %parallel_loop3A_363 = tpu.vector_load_idx %arg12[%parallel_loop3A_362, %parallel_loop3A_195] : memref<4x1000xf32, #tpu.memory_space<vmem>>[vector<16xi32>, vector<16xi32>], vector<16xf32>,
        %parallel_loop3A_364 = arith.constant 0 : i32
        %parallel_loop3A_365 = arith.constant 3 : i32
        %parallel_loop3A_366 = arith.index_cast %parallel_loop3A_364 : i32 to index
        %parallel_loop3A_367 = arith.index_cast %parallel_loop3A_365 : i32 to index
        %parallel_loop3A_368 = arith.index_cast %parallel_loop3A_193 : i32 to index
        %parallel_loop3A_369 = tpu.vector_load %arg8[%parallel_loop3A_366, %parallel_loop3A_367, %parallel_loop3A_368] {strides = array<i32>} : memref<4x4x1024xf32, #tpu.memory_space<vmem>>, vector<16xf32>,
        %parallel_loop3A_370 = arith.addf %parallel_loop3A_369, %parallel_loop3A_363 : vector<16xf32>
        %parallel_loop3A_371 = arith.constant 0 : i32
        %parallel_loop3A_372 = arith.constant 3 : i32
        %parallel_loop3A_373 = arith.index_cast %parallel_loop3A_371 : i32 to index
        %parallel_loop3A_374 = arith.index_cast %parallel_loop3A_372 : i32 to index
        %parallel_loop3A_375 = arith.index_cast %parallel_loop3A_193 : i32 to index
        %parallel_loop3A_376 = tpu.vector_load %arg8[%parallel_loop3A_373, %parallel_loop3A_374, %parallel_loop3A_375] {strides = array<i32>} : memref<4x4x1024xf32, #tpu.memory_space<vmem>>, vector<16xf32>,
        tpu.vector_store %arg8[%parallel_loop3A_373, %parallel_loop3A_374, %parallel_loop3A_375], %parallel_loop3A_370 {strides = array<i32>} : memref<4x4x1024xf32, #tpu.memory_space<vmem>>, vector<16xf32>,
        %parallel_loop3A_377 = arith.constant 1 : i32
        %parallel_loop3A_378 = arith.constant 3 : i32
        %parallel_loop3A_379 = arith.index_cast %parallel_loop3A_377 : i32 to index
        %parallel_loop3A_380 = arith.index_cast %parallel_loop3A_378 : i32 to index
        %parallel_loop3A_381 = arith.index_cast %parallel_loop3A_193 : i32 to index
        %parallel_loop3A_382 = tpu.vector_load %arg8[%parallel_loop3A_379, %parallel_loop3A_380, %parallel_loop3A_381] {strides = array<i32>} : memref<4x4x1024xf32, #tpu.memory_space<vmem>>, vector<16xf32>,
        %parallel_loop3A_383 = arith.addf %parallel_loop3A_382, %parallel_loop3A_363 : vector<16xf32>
        %parallel_loop3A_384 = arith.constant 1 : i32
        %parallel_loop3A_385 = arith.constant 3 : i32
        %parallel_loop3A_386 = arith.index_cast %parallel_loop3A_384 : i32 to index
        %parallel_loop3A_387 = arith.index_cast %parallel_loop3A_385 : i32 to index
        %parallel_loop3A_388 = arith.index_cast %parallel_loop3A_193 : i32 to index
        %parallel_loop3A_389 = tpu.vector_load %arg8[%parallel_loop3A_386, %parallel_loop3A_387, %parallel_loop3A_388] {strides = array<i32>} : memref<4x4x1024xf32, #tpu.memory_space<vmem>>, vector<16xf32>,
        tpu.vector_store %arg8[%parallel_loop3A_386, %parallel_loop3A_387, %parallel_loop3A_388], %parallel_loop3A_383 {strides = array<i32>} : memref<4x4x1024xf32, #tpu.memory_space<vmem>>, vector<16xf32>,
        %parallel_loop3A_390 = arith.constant 2 : i32
        %parallel_loop3A_391 = arith.constant 3 : i32
        %parallel_loop3A_392 = arith.index_cast %parallel_loop3A_390 : i32 to index
        %parallel_loop3A_393 = arith.index_cast %parallel_loop3A_391 : i32 to index
        %parallel_loop3A_394 = arith.index_cast %parallel_loop3A_193 : i32 to index
        %parallel_loop3A_395 = tpu.vector_load %arg8[%parallel_loop3A_392, %parallel_loop3A_393, %parallel_loop3A_394] {strides = array<i32>} : memref<4x4x1024xf32, #tpu.memory_space<vmem>>, vector<16xf32>,
        %parallel_loop3A_396 = arith.addf %parallel_loop3A_395, %parallel_loop3A_363 : vector<16xf32>
        %parallel_loop3A_397 = arith.constant 2 : i32
        %parallel_loop3A_398 = arith.constant 3 : i32
        %parallel_loop3A_399 = arith.index_cast %parallel_loop3A_397 : i32 to index
        %parallel_loop3A_400 = arith.index_cast %parallel_loop3A_398 : i32 to index
        %parallel_loop3A_401 = arith.index_cast %parallel_loop3A_193 : i32 to index
        %parallel_loop3A_402 = tpu.vector_load %arg8[%parallel_loop3A_399, %parallel_loop3A_400, %parallel_loop3A_401] {strides = array<i32>} : memref<4x4x1024xf32, #tpu.memory_space<vmem>>, vector<16xf32>,
        tpu.vector_store %arg8[%parallel_loop3A_399, %parallel_loop3A_400, %parallel_loop3A_401], %parallel_loop3A_396 {strides = array<i32>} : memref<4x4x1024xf32, #tpu.memory_space<vmem>>, vector<16xf32>,
        %parallel_loop3A_403 = arith.constant 3 : i32
        %parallel_loop3A_404 = arith.constant 3 : i32
        %parallel_loop3A_405 = arith.index_cast %parallel_loop3A_403 : i32 to index
        %parallel_loop3A_406 = arith.index_cast %parallel_loop3A_404 : i32 to index
        %parallel_loop3A_407 = arith.index_cast %parallel_loop3A_193 : i32 to index
        %parallel_loop3A_408 = tpu.vector_load %arg8[%parallel_loop3A_405, %parallel_loop3A_406, %parallel_loop3A_407] {strides = array<i32>} : memref<4x4x1024xf32, #tpu.memory_space<vmem>>, vector<16xf32>,
        %parallel_loop3A_409 = arith.addf %parallel_loop3A_408, %parallel_loop3A_363 : vector<16xf32>
        %parallel_loop3A_410 = arith.constant 3 : i32
        %parallel_loop3A_411 = arith.constant 3 : i32
        %parallel_loop3A_412 = arith.index_cast %parallel_loop3A_410 : i32 to index
        %parallel_loop3A_413 = arith.index_cast %parallel_loop3A_411 : i32 to index
        %parallel_loop3A_414 = arith.index_cast %parallel_loop3A_193 : i32 to index
        %parallel_loop3A_415 = tpu.vector_load %arg8[%parallel_loop3A_412, %parallel_loop3A_413, %parallel_loop3A_414] {strides = array<i32>} : memref<4x4x1024xf32, #tpu.memory_space<vmem>>, vector<16xf32>,
        tpu.vector_store %arg8[%parallel_loop3A_412, %parallel_loop3A_413, %parallel_loop3A_414], %parallel_loop3A_409 {strides = array<i32>} : memref<4x4x1024xf32, #tpu.memory_space<vmem>>, vector<16xf32>,
      } {sc.loop_unroll_factor = 4 : i64, sc.parallel_access}
      %mul3A_110 = arith.constant 4 : i32
      %mul3A_111 = arith.muli %add3A_86, %mul3A_110 : i32
      %add3A_112 = arith.addi %mul3A_2, %mul3A_111 : i32
      %dma_start3A_113 = arith.constant 0 : i32
      %dma_start3A_114 = arith.constant 0 : i32
      %dma_start3A_115 = tpu.memref_slice %arg5[%dma_start3A_113, %add3A_112, %dma_start3A_114] : memref<4x4096x1024xf32, #tpu.memory_space<hbm>> -> memref<4x4x1024xf32, #tpu.memory_space<hbm>>
      %dma_start3A_116 = arith.constant 0 : i32
      %dma_start3A_117 = arith.constant 0 : i32
      %dma_start3A_118 = tpu.memref_slice %arg5[%dma_start3A_116, %add3A_112, %dma_start3A_117] : memref<4x4096x1024xf32, #tpu.memory_space<hbm>> -> memref<4x4x1024xf32, #tpu.memory_space<hbm>>
      tpu.enqueue_dma source(%arg8 : memref<4x4x1024xf32, #tpu.memory_space<vmem>>) target(%dma_start3A_118 : memref<4x4x1024xf32, #tpu.memory_space<hbm>>) target_semaphore(%arg20 : memref<!tpu.dma_semaphore, #tpu.memory_space<semaphore_mem>>)
      %mul3A_119 = arith.constant 4 : i32
      %mul3A_120 = arith.muli %scan3A_50, %mul3A_119 : i32
      %add3A_121 = arith.constant 2 : i32
      %add3A_122 = arith.addi %mul3A_120, %add3A_121 : i32
      %add3A_123 = arith.constant 1 : i32
      %add3A_124 = arith.addi %add3A_122, %add3A_123 : i32
      %lt3A_125 = arith.constant 32 : i32
      %lt3A_126 = arith.cmpi slt, %add3A_124, %lt3A_125 : i32
      %convert_element_type3A_127 = arith.extui %lt3A_126 : i1 to i32
      %cond3A_128 = arith.constant 0 : i32
      %cond3A_129 = arith.cmpi ne, %convert_element_type3A_127, %cond3A_128 : i32
      scf.if %cond3A_129 {
        %add3A_191 = arith.constant 1 : i32
        %add3A_192 = arith.addi %add3A_122, %add3A_191 : i32
        %ge3A = arith.constant 4 : i32
        %ge3A_193 = arith.cmpi sge, %add3A_192, %ge3A : i32
        %convert_element_type3A_194 = arith.extui %ge3A_193 : i1 to i32
        %cond3A_195 = arith.constant 0 : i32
        %cond3A_196 = arith.cmpi ne, %convert_element_type3A_194, %cond3A_195 : i32
        scf.if %cond3A_196 {
          %add3A_212 = arith.constant 1 : i32
          %add3A_213 = arith.addi %add3A_122, %add3A_212 : i32
          %sub3A = arith.constant 4 : i32
          %sub3A_214 = arith.subi %add3A_213, %sub3A : i32
          %mul3A_215 = arith.constant 4 : i32
          %mul3A_216 = arith.muli %sub3A_214, %mul3A_215 : i32
          %add3A_217 = arith.addi %mul3A_2, %mul3A_216 : i32
          %dma_wait3A_218 = arith.constant 0 : i32
          %dma_wait3A_219 = arith.constant 0 : i32
          %dma_wait3A_220 = tpu.memref_slice %arg5[%dma_wait3A_218, %add3A_217, %dma_wait3A_219] : memref<4x4096x1024xf32, #tpu.memory_space<hbm>> -> memref<4x4x1024xf32, #tpu.memory_space<hbm>>
          %dma_wait3A_221 = arith.constant 0 : i32
          %dma_wait3A_222 = arith.constant 0 : i32
          %dma_wait3A_223 = tpu.memref_slice %arg5[%dma_wait3A_221, %add3A_217, %dma_wait3A_222] : memref<4x4096x1024xf32, #tpu.memory_space<hbm>> -> memref<4x4x1024xf32, #tpu.memory_space<hbm>>
          tpu.wait_dma2 semaphore(%arg22 : memref<!tpu.dma_semaphore, #tpu.memory_space<semaphore_mem>>) src(%arg10 : memref<4x4x1024xf32, #tpu.memory_space<vmem>>) dst(%dma_wait3A_223 : memref<4x4x1024xf32, #tpu.memory_space<hbm>>)
        } else {
        }
        %add3A_197 = arith.constant 1 : i32
        %add3A_198 = arith.addi %add3A_122, %add3A_197 : i32
        %mul3A_199 = arith.constant 4 : i32
        %mul3A_200 = arith.muli %add3A_198, %mul3A_199 : i32
        %add3A_201 = arith.addi %mul3A_2, %mul3A_200 : i32
        %dma_start3A_202 = arith.constant 0 : i32
        %dma_start3A_203 = arith.constant 0 : i32
        %dma_start3A_204 = tpu.memref_slice %arg2[%dma_start3A_202, %add3A_201, %dma_start3A_203] : memref<4x4096x1024xf32, #tpu.memory_space<hbm>> -> memref<4x4x1024xf32, #tpu.memory_space<hbm>>
        %dma_start3A_205 = arith.constant 0 : i32
        %dma_start3A_206 = arith.constant 0 : i32
        %dma_start3A_207 = tpu.memref_slice %arg2[%dma_start3A_205, %add3A_201, %dma_start3A_206] : memref<4x4096x1024xf32, #tpu.memory_space<hbm>> -> memref<4x4x1024xf32, #tpu.memory_space<hbm>>
        tpu.enqueue_dma source(%dma_start3A_207 : memref<4x4x1024xf32, #tpu.memory_space<hbm>>) target(%arg10 : memref<4x4x1024xf32, #tpu.memory_space<vmem>>) target_semaphore(%arg18 : memref<!tpu.dma_semaphore, #tpu.memory_space<semaphore_mem>>)
        %dma_start3A_208 = arith.constant 0 : i32
        %dma_start3A_209 = tpu.memref_slice %arg4[%add3A_201, %dma_start3A_208] : memref<4096x1000xf32, #tpu.memory_space<hbm>> -> memref<4x1000xf32, #tpu.memory_space<hbm>>
        %dma_start3A_210 = arith.constant 0 : i32
        %dma_start3A_211 = tpu.memref_slice %arg4[%add3A_201, %dma_start3A_210] : memref<4096x1000xf32, #tpu.memory_space<hbm>> -> memref<4x1000xf32, #tpu.memory_space<hbm>>
        tpu.enqueue_dma source(%dma_start3A_211 : memref<4x1000xf32, #tpu.memory_space<hbm>>) target(%arg14 : memref<4x1000xf32, #tpu.memory_space<vmem>>) target_semaphore(%arg18 : memref<!tpu.dma_semaphore, #tpu.memory_space<semaphore_mem>>)
      } else {
      }
      %mul3A_130 = arith.constant 4 : i32
      %mul3A_131 = arith.muli %add3A_122, %mul3A_130 : i32
      %add3A_132 = arith.addi %mul3A_2, %mul3A_131 : i32
      %dma_wait3A_133 = arith.constant 0 : i32
      %dma_wait3A_134 = arith.constant 0 : i32
      %dma_wait3A_135 = tpu.memref_slice %arg2[%dma_wait3A_133, %add3A_132, %dma_wait3A_134] : memref<4x4096x1024xf32, #tpu.memory_space<hbm>> -> memref<4x4x1024xf32, #tpu.memory_space<hbm>>
      %dma_wait3A_136 = arith.constant 0 : i32
      %dma_wait3A_137 = arith.constant 0 : i32
      %dma_wait3A_138 = tpu.memref_slice %arg2[%dma_wait3A_136, %add3A_132, %dma_wait3A_137] : memref<4x4096x1024xf32, #tpu.memory_space<hbm>> -> memref<4x4x1024xf32, #tpu.memory_space<hbm>>
      tpu.wait_dma2 semaphore(%arg17 : memref<!tpu.dma_semaphore, #tpu.memory_space<semaphore_mem>>) src(%dma_wait3A_138 : memref<4x4x1024xf32, #tpu.memory_space<hbm>>) dst(%arg9 : memref<4x4x1024xf32, #tpu.memory_space<vmem>>)
      %dma_wait3A_139 = arith.constant 0 : i32
      %dma_wait3A_140 = tpu.memref_slice %arg4[%add3A_132, %dma_wait3A_139] : memref<4096x1000xf32, #tpu.memory_space<hbm>> -> memref<4x1000xf32, #tpu.memory_space<hbm>>
      %dma_wait3A_141 = arith.constant 0 : i32
      %dma_wait3A_142 = tpu.memref_slice %arg4[%add3A_132, %dma_wait3A_141] : memref<4096x1000xf32, #tpu.memory_space<hbm>> -> memref<4x1000xf32, #tpu.memory_space<hbm>>
      tpu.wait_dma2 semaphore(%arg17 : memref<!tpu.dma_semaphore, #tpu.memory_space<semaphore_mem>>) src(%dma_wait3A_142 : memref<4x1000xf32, #tpu.memory_space<hbm>>) dst(%arg13 : memref<4x1000xf32, #tpu.memory_space<vmem>>)
      %parallel_loop3A_143 = arith.constant 0 : i32
      %parallel_loop3A_144 = arith.constant 64 : i32
      %parallel_loop3A_145 = arith.constant 1 : i32
      scf.for %parallel_loop3A_191 = %parallel_loop3A_143 to %parallel_loop3A_144 step %parallel_loop3A_145  : i32 {
        %parallel_loop3A_192 = arith.constant 16 : i32
        %parallel_loop3A_193 = arith.muli %parallel_loop3A_191, %parallel_loop3A_192 : i32
        %parallel_loop3A_194 = arith.index_cast %parallel_loop3A_193 : i32 to index
        %parallel_loop3A_195 = tpu.vector_load %arg6[%parallel_loop3A_194] {strides = array<i32>} : memref<1024xi32, #tpu.memory_space<vmem>>, vector<16xi32>,
        %parallel_loop3A_196 = arith.constant 0 : i32
        %parallel_loop3A_197 = vector.broadcast %parallel_loop3A_196 : i32 to vector<16xi32>
        %parallel_loop3A_198 = tpu.vector_load_idx %arg13[%parallel_loop3A_197, %parallel_loop3A_195] : memref<4x1000xf32, #tpu.memory_space<vmem>>[vector<16xi32>, vector<16xi32>], vector<16xf32>,
        %parallel_loop3A_199 = arith.constant 0 : i32
        %parallel_loop3A_200 = arith.constant 0 : i32
        %parallel_loop3A_201 = arith.index_cast %parallel_loop3A_199 : i32 to index
        %parallel_loop3A_202 = arith.index_cast %parallel_loop3A_200 : i32 to index
        %parallel_loop3A_203 = arith.index_cast %parallel_loop3A_193 : i32 to index
        %parallel_loop3A_204 = tpu.vector_load %arg9[%parallel_loop3A_201, %parallel_loop3A_202, %parallel_loop3A_203] {strides = array<i32>} : memref<4x4x1024xf32, #tpu.memory_space<vmem>>, vector<16xf32>,
        %parallel_loop3A_205 = arith.addf %parallel_loop3A_204, %parallel_loop3A_198 : vector<16xf32>
        %parallel_loop3A_206 = arith.constant 0 : i32
        %parallel_loop3A_207 = arith.constant 0 : i32
        %parallel_loop3A_208 = arith.index_cast %parallel_loop3A_206 : i32 to index
        %parallel_loop3A_209 = arith.index_cast %parallel_loop3A_207 : i32 to index
        %parallel_loop3A_210 = arith.index_cast %parallel_loop3A_193 : i32 to index
        %parallel_loop3A_211 = tpu.vector_load %arg9[%parallel_loop3A_208, %parallel_loop3A_209, %parallel_loop3A_210] {strides = array<i32>} : memref<4x4x1024xf32, #tpu.memory_space<vmem>>, vector<16xf32>,
        tpu.vector_store %arg9[%parallel_loop3A_208, %parallel_loop3A_209, %parallel_loop3A_210], %parallel_loop3A_205 {strides = array<i32>} : memref<4x4x1024xf32, #tpu.memory_space<vmem>>, vector<16xf32>,
        %parallel_loop3A_212 = arith.constant 1 : i32
        %parallel_loop3A_213 = arith.constant 0 : i32
        %parallel_loop3A_214 = arith.index_cast %parallel_loop3A_212 : i32 to index
        %parallel_loop3A_215 = arith.index_cast %parallel_loop3A_213 : i32 to index
        %parallel_loop3A_216 = arith.index_cast %parallel_loop3A_193 : i32 to index
        %parallel_loop3A_217 = tpu.vector_load %arg9[%parallel_loop3A_214, %parallel_loop3A_215, %parallel_loop3A_216] {strides = array<i32>} : memref<4x4x1024xf32, #tpu.memory_space<vmem>>, vector<16xf32>,
        %parallel_loop3A_218 = arith.addf %parallel_loop3A_217, %parallel_loop3A_198 : vector<16xf32>
        %parallel_loop3A_219 = arith.constant 1 : i32
        %parallel_loop3A_220 = arith.constant 0 : i32
        %parallel_loop3A_221 = arith.index_cast %parallel_loop3A_219 : i32 to index
        %parallel_loop3A_222 = arith.index_cast %parallel_loop3A_220 : i32 to index
        %parallel_loop3A_223 = arith.index_cast %parallel_loop3A_193 : i32 to index
        %parallel_loop3A_224 = tpu.vector_load %arg9[%parallel_loop3A_221, %parallel_loop3A_222, %parallel_loop3A_223] {strides = array<i32>} : memref<4x4x1024xf32, #tpu.memory_space<vmem>>, vector<16xf32>,
        tpu.vector_store %arg9[%parallel_loop3A_221, %parallel_loop3A_222, %parallel_loop3A_223], %parallel_loop3A_218 {strides = array<i32>} : memref<4x4x1024xf32, #tpu.memory_space<vmem>>, vector<16xf32>,
        %parallel_loop3A_225 = arith.constant 2 : i32
        %parallel_loop3A_226 = arith.constant 0 : i32
        %parallel_loop3A_227 = arith.index_cast %parallel_loop3A_225 : i32 to index
        %parallel_loop3A_228 = arith.index_cast %parallel_loop3A_226 : i32 to index
        %parallel_loop3A_229 = arith.index_cast %parallel_loop3A_193 : i32 to index
        %parallel_loop3A_230 = tpu.vector_load %arg9[%parallel_loop3A_227, %parallel_loop3A_228, %parallel_loop3A_229] {strides = array<i32>} : memref<4x4x1024xf32, #tpu.memory_space<vmem>>, vector<16xf32>,
        %parallel_loop3A_231 = arith.addf %parallel_loop3A_230, %parallel_loop3A_198 : vector<16xf32>
        %parallel_loop3A_232 = arith.constant 2 : i32
        %parallel_loop3A_233 = arith.constant 0 : i32
        %parallel_loop3A_234 = arith.index_cast %parallel_loop3A_232 : i32 to index
        %parallel_loop3A_235 = arith.index_cast %parallel_loop3A_233 : i32 to index
        %parallel_loop3A_236 = arith.index_cast %parallel_loop3A_193 : i32 to index
        %parallel_loop3A_237 = tpu.vector_load %arg9[%parallel_loop3A_234, %parallel_loop3A_235, %parallel_loop3A_236] {strides = array<i32>} : memref<4x4x1024xf32, #tpu.memory_space<vmem>>, vector<16xf32>,
        tpu.vector_store %arg9[%parallel_loop3A_234, %parallel_loop3A_235, %parallel_loop3A_236], %parallel_loop3A_231 {strides = array<i32>} : memref<4x4x1024xf32, #tpu.memory_space<vmem>>, vector<16xf32>,
        %parallel_loop3A_238 = arith.constant 3 : i32
        %parallel_loop3A_239 = arith.constant 0 : i32
        %parallel_loop3A_240 = arith.index_cast %parallel_loop3A_238 : i32 to index
        %parallel_loop3A_241 = arith.index_cast %parallel_loop3A_239 : i32 to index
        %parallel_loop3A_242 = arith.index_cast %parallel_loop3A_193 : i32 to index
        %parallel_loop3A_243 = tpu.vector_load %arg9[%parallel_loop3A_240, %parallel_loop3A_241, %parallel_loop3A_242] {strides = array<i32>} : memref<4x4x1024xf32, #tpu.memory_space<vmem>>, vector<16xf32>,
        %parallel_loop3A_244 = arith.addf %parallel_loop3A_243, %parallel_loop3A_198 : vector<16xf32>
        %parallel_loop3A_245 = arith.constant 3 : i32
        %parallel_loop3A_246 = arith.constant 0 : i32
        %parallel_loop3A_247 = arith.index_cast %parallel_loop3A_245 : i32 to index
        %parallel_loop3A_248 = arith.index_cast %parallel_loop3A_246 : i32 to index
        %parallel_loop3A_249 = arith.index_cast %parallel_loop3A_193 : i32 to index
        %parallel_loop3A_250 = tpu.vector_load %arg9[%parallel_loop3A_247, %parallel_loop3A_248, %parallel_loop3A_249] {strides = array<i32>} : memref<4x4x1024xf32, #tpu.memory_space<vmem>>, vector<16xf32>,
        tpu.vector_store %arg9[%parallel_loop3A_247, %parallel_loop3A_248, %parallel_loop3A_249], %parallel_loop3A_244 {strides = array<i32>} : memref<4x4x1024xf32, #tpu.memory_space<vmem>>, vector<16xf32>,
        %parallel_loop3A_251 = arith.constant 1 : i32
        %parallel_loop3A_252 = vector.broadcast %parallel_loop3A_251 : i32 to vector<16xi32>
        %parallel_loop3A_253 = tpu.vector_load_idx %arg13[%parallel_loop3A_252, %parallel_loop3A_195] : memref<4x1000xf32, #tpu.memory_space<vmem>>[vector<16xi32>, vector<16xi32>], vector<16xf32>,
        %parallel_loop3A_254 = arith.constant 0 : i32
        %parallel_loop3A_255 = arith.constant 1 : i32
        %parallel_loop3A_256 = arith.index_cast %parallel_loop3A_254 : i32 to index
        %parallel_loop3A_257 = arith.index_cast %parallel_loop3A_255 : i32 to index
        %parallel_loop3A_258 = arith.index_cast %parallel_loop3A_193 : i32 to index
        %parallel_loop3A_259 = tpu.vector_load %arg9[%parallel_loop3A_256, %parallel_loop3A_257, %parallel_loop3A_258] {strides = array<i32>} : memref<4x4x1024xf32, #tpu.memory_space<vmem>>, vector<16xf32>,
        %parallel_loop3A_260 = arith.addf %parallel_loop3A_259, %parallel_loop3A_253 : vector<16xf32>
        %parallel_loop3A_261 = arith.constant 0 : i32
        %parallel_loop3A_262 = arith.constant 1 : i32
        %parallel_loop3A_263 = arith.index_cast %parallel_loop3A_261 : i32 to index
        %parallel_loop3A_264 = arith.index_cast %parallel_loop3A_262 : i32 to index
        %parallel_loop3A_265 = arith.index_cast %parallel_loop3A_193 : i32 to index
        %parallel_loop3A_266 = tpu.vector_load %arg9[%parallel_loop3A_263, %parallel_loop3A_264, %parallel_loop3A_265] {strides = array<i32>} : memref<4x4x1024xf32, #tpu.memory_space<vmem>>, vector<16xf32>,
        tpu.vector_store %arg9[%parallel_loop3A_263, %parallel_loop3A_264, %parallel_loop3A_265], %parallel_loop3A_260 {strides = array<i32>} : memref<4x4x1024xf32, #tpu.memory_space<vmem>>, vector<16xf32>,
        %parallel_loop3A_267 = arith.constant 1 : i32
        %parallel_loop3A_268 = arith.constant 1 : i32
        %parallel_loop3A_269 = arith.index_cast %parallel_loop3A_267 : i32 to index
        %parallel_loop3A_270 = arith.index_cast %parallel_loop3A_268 : i32 to index
        %parallel_loop3A_271 = arith.index_cast %parallel_loop3A_193 : i32 to index
        %parallel_loop3A_272 = tpu.vector_load %arg9[%parallel_loop3A_269, %parallel_loop3A_270, %parallel_loop3A_271] {strides = array<i32>} : memref<4x4x1024xf32, #tpu.memory_space<vmem>>, vector<16xf32>,
        %parallel_loop3A_273 = arith.addf %parallel_loop3A_272, %parallel_loop3A_253 : vector<16xf32>
        %parallel_loop3A_274 = arith.constant 1 : i32
        %parallel_loop3A_275 = arith.constant 1 : i32
        %parallel_loop3A_276 = arith.index_cast %parallel_loop3A_274 : i32 to index
        %parallel_loop3A_277 = arith.index_cast %parallel_loop3A_275 : i32 to index
        %parallel_loop3A_278 = arith.index_cast %parallel_loop3A_193 : i32 to index
        %parallel_loop3A_279 = tpu.vector_load %arg9[%parallel_loop3A_276, %parallel_loop3A_277, %parallel_loop3A_278] {strides = array<i32>} : memref<4x4x1024xf32, #tpu.memory_space<vmem>>, vector<16xf32>,
        tpu.vector_store %arg9[%parallel_loop3A_276, %parallel_loop3A_277, %parallel_loop3A_278], %parallel_loop3A_273 {strides = array<i32>} : memref<4x4x1024xf32, #tpu.memory_space<vmem>>, vector<16xf32>,
        %parallel_loop3A_280 = arith.constant 2 : i32
        %parallel_loop3A_281 = arith.constant 1 : i32
        %parallel_loop3A_282 = arith.index_cast %parallel_loop3A_280 : i32 to index
        %parallel_loop3A_283 = arith.index_cast %parallel_loop3A_281 : i32 to index
        %parallel_loop3A_284 = arith.index_cast %parallel_loop3A_193 : i32 to index
        %parallel_loop3A_285 = tpu.vector_load %arg9[%parallel_loop3A_282, %parallel_loop3A_283, %parallel_loop3A_284] {strides = array<i32>} : memref<4x4x1024xf32, #tpu.memory_space<vmem>>, vector<16xf32>,
        %parallel_loop3A_286 = arith.addf %parallel_loop3A_285, %parallel_loop3A_253 : vector<16xf32>
        %parallel_loop3A_287 = arith.constant 2 : i32
        %parallel_loop3A_288 = arith.constant 1 : i32
        %parallel_loop3A_289 = arith.index_cast %parallel_loop3A_287 : i32 to index
        %parallel_loop3A_290 = arith.index_cast %parallel_loop3A_288 : i32 to index
        %parallel_loop3A_291 = arith.index_cast %parallel_loop3A_193 : i32 to index
        %parallel_loop3A_292 = tpu.vector_load %arg9[%parallel_loop3A_289, %parallel_loop3A_290, %parallel_loop3A_291] {strides = array<i32>} : memref<4x4x1024xf32, #tpu.memory_space<vmem>>, vector<16xf32>,
        tpu.vector_store %arg9[%parallel_loop3A_289, %parallel_loop3A_290, %parallel_loop3A_291], %parallel_loop3A_286 {strides = array<i32>} : memref<4x4x1024xf32, #tpu.memory_space<vmem>>, vector<16xf32>,
        %parallel_loop3A_293 = arith.constant 3 : i32
        %parallel_loop3A_294 = arith.constant 1 : i32
        %parallel_loop3A_295 = arith.index_cast %parallel_loop3A_293 : i32 to index
        %parallel_loop3A_296 = arith.index_cast %parallel_loop3A_294 : i32 to index
        %parallel_loop3A_297 = arith.index_cast %parallel_loop3A_193 : i32 to index
        %parallel_loop3A_298 = tpu.vector_load %arg9[%parallel_loop3A_295, %parallel_loop3A_296, %parallel_loop3A_297] {strides = array<i32>} : memref<4x4x1024xf32, #tpu.memory_space<vmem>>, vector<16xf32>,
        %parallel_loop3A_299 = arith.addf %parallel_loop3A_298, %parallel_loop3A_253 : vector<16xf32>
        %parallel_loop3A_300 = arith.constant 3 : i32
        %parallel_loop3A_301 = arith.constant 1 : i32
        %parallel_loop3A_302 = arith.index_cast %parallel_loop3A_300 : i32 to index
        %parallel_loop3A_303 = arith.index_cast %parallel_loop3A_301 : i32 to index
        %parallel_loop3A_304 = arith.index_cast %parallel_loop3A_193 : i32 to index
        %parallel_loop3A_305 = tpu.vector_load %arg9[%parallel_loop3A_302, %parallel_loop3A_303, %parallel_loop3A_304] {strides = array<i32>} : memref<4x4x1024xf32, #tpu.memory_space<vmem>>, vector<16xf32>,
        tpu.vector_store %arg9[%parallel_loop3A_302, %parallel_loop3A_303, %parallel_loop3A_304], %parallel_loop3A_299 {strides = array<i32>} : memref<4x4x1024xf32, #tpu.memory_space<vmem>>, vector<16xf32>,
        %parallel_loop3A_306 = arith.constant 2 : i32
        %parallel_loop3A_307 = vector.broadcast %parallel_loop3A_306 : i32 to vector<16xi32>
        %parallel_loop3A_308 = tpu.vector_load_idx %arg13[%parallel_loop3A_307, %parallel_loop3A_195] : memref<4x1000xf32, #tpu.memory_space<vmem>>[vector<16xi32>, vector<16xi32>], vector<16xf32>,
        %parallel_loop3A_309 = arith.constant 0 : i32
        %parallel_loop3A_310 = arith.constant 2 : i32
        %parallel_loop3A_311 = arith.index_cast %parallel_loop3A_309 : i32 to index
        %parallel_loop3A_312 = arith.index_cast %parallel_loop3A_310 : i32 to index
        %parallel_loop3A_313 = arith.index_cast %parallel_loop3A_193 : i32 to index
        %parallel_loop3A_314 = tpu.vector_load %arg9[%parallel_loop3A_311, %parallel_loop3A_312, %parallel_loop3A_313] {strides = array<i32>} : memref<4x4x1024xf32, #tpu.memory_space<vmem>>, vector<16xf32>,
        %parallel_loop3A_315 = arith.addf %parallel_loop3A_314, %parallel_loop3A_308 : vector<16xf32>
        %parallel_loop3A_316 = arith.constant 0 : i32
        %parallel_loop3A_317 = arith.constant 2 : i32
        %parallel_loop3A_318 = arith.index_cast %parallel_loop3A_316 : i32 to index
        %parallel_loop3A_319 = arith.index_cast %parallel_loop3A_317 : i32 to index
        %parallel_loop3A_320 = arith.index_cast %parallel_loop3A_193 : i32 to index
        %parallel_loop3A_321 = tpu.vector_load %arg9[%parallel_loop3A_318, %parallel_loop3A_319, %parallel_loop3A_320] {strides = array<i32>} : memref<4x4x1024xf32, #tpu.memory_space<vmem>>, vector<16xf32>,
        tpu.vector_store %arg9[%parallel_loop3A_318, %parallel_loop3A_319, %parallel_loop3A_320], %parallel_loop3A_315 {strides = array<i32>} : memref<4x4x1024xf32, #tpu.memory_space<vmem>>, vector<16xf32>,
        %parallel_loop3A_322 = arith.constant 1 : i32
        %parallel_loop3A_323 = arith.constant 2 : i32
        %parallel_loop3A_324 = arith.index_cast %parallel_loop3A_322 : i32 to index
        %parallel_loop3A_325 = arith.index_cast %parallel_loop3A_323 : i32 to index
        %parallel_loop3A_326 = arith.index_cast %parallel_loop3A_193 : i32 to index
        %parallel_loop3A_327 = tpu.vector_load %arg9[%parallel_loop3A_324, %parallel_loop3A_325, %parallel_loop3A_326] {strides = array<i32>} : memref<4x4x1024xf32, #tpu.memory_space<vmem>>, vector<16xf32>,
        %parallel_loop3A_328 = arith.addf %parallel_loop3A_327, %parallel_loop3A_308 : vector<16xf32>
        %parallel_loop3A_329 = arith.constant 1 : i32
        %parallel_loop3A_330 = arith.constant 2 : i32
        %parallel_loop3A_331 = arith.index_cast %parallel_loop3A_329 : i32 to index
        %parallel_loop3A_332 = arith.index_cast %parallel_loop3A_330 : i32 to index
        %parallel_loop3A_333 = arith.index_cast %parallel_loop3A_193 : i32 to index
        %parallel_loop3A_334 = tpu.vector_load %arg9[%parallel_loop3A_331, %parallel_loop3A_332, %parallel_loop3A_333] {strides = array<i32>} : memref<4x4x1024xf32, #tpu.memory_space<vmem>>, vector<16xf32>,
        tpu.vector_store %arg9[%parallel_loop3A_331, %parallel_loop3A_332, %parallel_loop3A_333], %parallel_loop3A_328 {strides = array<i32>} : memref<4x4x1024xf32, #tpu.memory_space<vmem>>, vector<16xf32>,
        %parallel_loop3A_335 = arith.constant 2 : i32
        %parallel_loop3A_336 = arith.constant 2 : i32
        %parallel_loop3A_337 = arith.index_cast %parallel_loop3A_335 : i32 to index
        %parallel_loop3A_338 = arith.index_cast %parallel_loop3A_336 : i32 to index
        %parallel_loop3A_339 = arith.index_cast %parallel_loop3A_193 : i32 to index
        %parallel_loop3A_340 = tpu.vector_load %arg9[%parallel_loop3A_337, %parallel_loop3A_338, %parallel_loop3A_339] {strides = array<i32>} : memref<4x4x1024xf32, #tpu.memory_space<vmem>>, vector<16xf32>,
        %parallel_loop3A_341 = arith.addf %parallel_loop3A_340, %parallel_loop3A_308 : vector<16xf32>
        %parallel_loop3A_342 = arith.constant 2 : i32
        %parallel_loop3A_343 = arith.constant 2 : i32
        %parallel_loop3A_344 = arith.index_cast %parallel_loop3A_342 : i32 to index
        %parallel_loop3A_345 = arith.index_cast %parallel_loop3A_343 : i32 to index
        %parallel_loop3A_346 = arith.index_cast %parallel_loop3A_193 : i32 to index
        %parallel_loop3A_347 = tpu.vector_load %arg9[%parallel_loop3A_344, %parallel_loop3A_345, %parallel_loop3A_346] {strides = array<i32>} : memref<4x4x1024xf32, #tpu.memory_space<vmem>>, vector<16xf32>,
        tpu.vector_store %arg9[%parallel_loop3A_344, %parallel_loop3A_345, %parallel_loop3A_346], %parallel_loop3A_341 {strides = array<i32>} : memref<4x4x1024xf32, #tpu.memory_space<vmem>>, vector<16xf32>,
        %parallel_loop3A_348 = arith.constant 3 : i32
        %parallel_loop3A_349 = arith.constant 2 : i32
        %parallel_loop3A_350 = arith.index_cast %parallel_loop3A_348 : i32 to index
        %parallel_loop3A_351 = arith.index_cast %parallel_loop3A_349 : i32 to index
        %parallel_loop3A_352 = arith.index_cast %parallel_loop3A_193 : i32 to index
        %parallel_loop3A_353 = tpu.vector_load %arg9[%parallel_loop3A_350, %parallel_loop3A_351, %parallel_loop3A_352] {strides = array<i32>} : memref<4x4x1024xf32, #tpu.memory_space<vmem>>, vector<16xf32>,
        %parallel_loop3A_354 = arith.addf %parallel_loop3A_353, %parallel_loop3A_308 : vector<16xf32>
        %parallel_loop3A_355 = arith.constant 3 : i32
        %parallel_loop3A_356 = arith.constant 2 : i32
        %parallel_loop3A_357 = arith.index_cast %parallel_loop3A_355 : i32 to index
        %parallel_loop3A_358 = arith.index_cast %parallel_loop3A_356 : i32 to index
        %parallel_loop3A_359 = arith.index_cast %parallel_loop3A_193 : i32 to index
        %parallel_loop3A_360 = tpu.vector_load %arg9[%parallel_loop3A_357, %parallel_loop3A_358, %parallel_loop3A_359] {strides = array<i32>} : memref<4x4x1024xf32, #tpu.memory_space<vmem>>, vector<16xf32>,
        tpu.vector_store %arg9[%parallel_loop3A_357, %parallel_loop3A_358, %parallel_loop3A_359], %parallel_loop3A_354 {strides = array<i32>} : memref<4x4x1024xf32, #tpu.memory_space<vmem>>, vector<16xf32>,
        %parallel_loop3A_361 = arith.constant 3 : i32
        %parallel_loop3A_362 = vector.broadcast %parallel_loop3A_361 : i32 to vector<16xi32>
        %parallel_loop3A_363 = tpu.vector_load_idx %arg13[%parallel_loop3A_362, %parallel_loop3A_195] : memref<4x1000xf32, #tpu.memory_space<vmem>>[vector<16xi32>, vector<16xi32>], vector<16xf32>,
        %parallel_loop3A_364 = arith.constant 0 : i32
        %parallel_loop3A_365 = arith.constant 3 : i32
        %parallel_loop3A_366 = arith.index_cast %parallel_loop3A_364 : i32 to index
        %parallel_loop3A_367 = arith.index_cast %parallel_loop3A_365 : i32 to index
        %parallel_loop3A_368 = arith.index_cast %parallel_loop3A_193 : i32 to index
        %parallel_loop3A_369 = tpu.vector_load %arg9[%parallel_loop3A_366, %parallel_loop3A_367, %parallel_loop3A_368] {strides = array<i32>} : memref<4x4x1024xf32, #tpu.memory_space<vmem>>, vector<16xf32>,
        %parallel_loop3A_370 = arith.addf %parallel_loop3A_369, %parallel_loop3A_363 : vector<16xf32>
        %parallel_loop3A_371 = arith.constant 0 : i32
        %parallel_loop3A_372 = arith.constant 3 : i32
        %parallel_loop3A_373 = arith.index_cast %parallel_loop3A_371 : i32 to index
        %parallel_loop3A_374 = arith.index_cast %parallel_loop3A_372 : i32 to index
        %parallel_loop3A_375 = arith.index_cast %parallel_loop3A_193 : i32 to index
        %parallel_loop3A_376 = tpu.vector_load %arg9[%parallel_loop3A_373, %parallel_loop3A_374, %parallel_loop3A_375] {strides = array<i32>} : memref<4x4x1024xf32, #tpu.memory_space<vmem>>, vector<16xf32>,
        tpu.vector_store %arg9[%parallel_loop3A_373, %parallel_loop3A_374, %parallel_loop3A_375], %parallel_loop3A_370 {strides = array<i32>} : memref<4x4x1024xf32, #tpu.memory_space<vmem>>, vector<16xf32>,
        %parallel_loop3A_377 = arith.constant 1 : i32
        %parallel_loop3A_378 = arith.constant 3 : i32
        %parallel_loop3A_379 = arith.index_cast %parallel_loop3A_377 : i32 to index
        %parallel_loop3A_380 = arith.index_cast %parallel_loop3A_378 : i32 to index
        %parallel_loop3A_381 = arith.index_cast %parallel_loop3A_193 : i32 to index
        %parallel_loop3A_382 = tpu.vector_load %arg9[%parallel_loop3A_379, %parallel_loop3A_380, %parallel_loop3A_381] {strides = array<i32>} : memref<4x4x1024xf32, #tpu.memory_space<vmem>>, vector<16xf32>,
        %parallel_loop3A_383 = arith.addf %parallel_loop3A_382, %parallel_loop3A_363 : vector<16xf32>
        %parallel_loop3A_384 = arith.constant 1 : i32
        %parallel_loop3A_385 = arith.constant 3 : i32
        %parallel_loop3A_386 = arith.index_cast %parallel_loop3A_384 : i32 to index
        %parallel_loop3A_387 = arith.index_cast %parallel_loop3A_385 : i32 to index
        %parallel_loop3A_388 = arith.index_cast %parallel_loop3A_193 : i32 to index
        %parallel_loop3A_389 = tpu.vector_load %arg9[%parallel_loop3A_386, %parallel_loop3A_387, %parallel_loop3A_388] {strides = array<i32>} : memref<4x4x1024xf32, #tpu.memory_space<vmem>>, vector<16xf32>,
        tpu.vector_store %arg9[%parallel_loop3A_386, %parallel_loop3A_387, %parallel_loop3A_388], %parallel_loop3A_383 {strides = array<i32>} : memref<4x4x1024xf32, #tpu.memory_space<vmem>>, vector<16xf32>,
        %parallel_loop3A_390 = arith.constant 2 : i32
        %parallel_loop3A_391 = arith.constant 3 : i32
        %parallel_loop3A_392 = arith.index_cast %parallel_loop3A_390 : i32 to index
        %parallel_loop3A_393 = arith.index_cast %parallel_loop3A_391 : i32 to index
        %parallel_loop3A_394 = arith.index_cast %parallel_loop3A_193 : i32 to index
        %parallel_loop3A_395 = tpu.vector_load %arg9[%parallel_loop3A_392, %parallel_loop3A_393, %parallel_loop3A_394] {strides = array<i32>} : memref<4x4x1024xf32, #tpu.memory_space<vmem>>, vector<16xf32>,
        %parallel_loop3A_396 = arith.addf %parallel_loop3A_395, %parallel_loop3A_363 : vector<16xf32>
        %parallel_loop3A_397 = arith.constant 2 : i32
        %parallel_loop3A_398 = arith.constant 3 : i32
        %parallel_loop3A_399 = arith.index_cast %parallel_loop3A_397 : i32 to index
        %parallel_loop3A_400 = arith.index_cast %parallel_loop3A_398 : i32 to index
        %parallel_loop3A_401 = arith.index_cast %parallel_loop3A_193 : i32 to index
        %parallel_loop3A_402 = tpu.vector_load %arg9[%parallel_loop3A_399, %parallel_loop3A_400, %parallel_loop3A_401] {strides = array<i32>} : memref<4x4x1024xf32, #tpu.memory_space<vmem>>, vector<16xf32>,
        tpu.vector_store %arg9[%parallel_loop3A_399, %parallel_loop3A_400, %parallel_loop3A_401], %parallel_loop3A_396 {strides = array<i32>} : memref<4x4x1024xf32, #tpu.memory_space<vmem>>, vector<16xf32>,
        %parallel_loop3A_403 = arith.constant 3 : i32
        %parallel_loop3A_404 = arith.constant 3 : i32
        %parallel_loop3A_405 = arith.index_cast %parallel_loop3A_403 : i32 to index
        %parallel_loop3A_406 = arith.index_cast %parallel_loop3A_404 : i32 to index
        %parallel_loop3A_407 = arith.index_cast %parallel_loop3A_193 : i32 to index
        %parallel_loop3A_408 = tpu.vector_load %arg9[%parallel_loop3A_405, %parallel_loop3A_406, %parallel_loop3A_407] {strides = array<i32>} : memref<4x4x1024xf32, #tpu.memory_space<vmem>>, vector<16xf32>,
        %parallel_loop3A_409 = arith.addf %parallel_loop3A_408, %parallel_loop3A_363 : vector<16xf32>
        %parallel_loop3A_410 = arith.constant 3 : i32
        %parallel_loop3A_411 = arith.constant 3 : i32
        %parallel_loop3A_412 = arith.index_cast %parallel_loop3A_410 : i32 to index
        %parallel_loop3A_413 = arith.index_cast %parallel_loop3A_411 : i32 to index
        %parallel_loop3A_414 = arith.index_cast %parallel_loop3A_193 : i32 to index
        %parallel_loop3A_415 = tpu.vector_load %arg9[%parallel_loop3A_412, %parallel_loop3A_413, %parallel_loop3A_414] {strides = array<i32>} : memref<4x4x1024xf32, #tpu.memory_space<vmem>>, vector<16xf32>,
        tpu.vector_store %arg9[%parallel_loop3A_412, %parallel_loop3A_413, %parallel_loop3A_414], %parallel_loop3A_409 {strides = array<i32>} : memref<4x4x1024xf32, #tpu.memory_space<vmem>>, vector<16xf32>,
      } {sc.loop_unroll_factor = 4 : i64, sc.parallel_access}
      %mul3A_146 = arith.constant 4 : i32
      %mul3A_147 = arith.muli %add3A_122, %mul3A_146 : i32
      %add3A_148 = arith.addi %mul3A_2, %mul3A_147 : i32
      %dma_start3A_149 = arith.constant 0 : i32
      %dma_start3A_150 = arith.constant 0 : i32
      %dma_start3A_151 = tpu.memref_slice %arg5[%dma_start3A_149, %add3A_148, %dma_start3A_150] : memref<4x4096x1024xf32, #tpu.memory_space<hbm>> -> memref<4x4x1024xf32, #tpu.memory_space<hbm>>
      %dma_start3A_152 = arith.constant 0 : i32
      %dma_start3A_153 = arith.constant 0 : i32
      %dma_start3A_154 = tpu.memref_slice %arg5[%dma_start3A_152, %add3A_148, %dma_start3A_153] : memref<4x4096x1024xf32, #tpu.memory_space<hbm>> -> memref<4x4x1024xf32, #tpu.memory_space<hbm>>
      tpu.enqueue_dma source(%arg9 : memref<4x4x1024xf32, #tpu.memory_space<vmem>>) target(%dma_start3A_154 : memref<4x4x1024xf32, #tpu.memory_space<hbm>>) target_semaphore(%arg21 : memref<!tpu.dma_semaphore, #tpu.memory_space<semaphore_mem>>)
      %mul3A_155 = arith.constant 4 : i32
      %mul3A_156 = arith.muli %scan3A_50, %mul3A_155 : i32
      %add3A_157 = arith.constant 3 : i32
      %add3A_158 = arith.addi %mul3A_156, %add3A_157 : i32
      %add3A_159 = arith.constant 1 : i32
      %add3A_160 = arith.addi %add3A_158, %add3A_159 : i32
      %lt3A_161 = arith.constant 32 : i32
      %lt3A_162 = arith.cmpi slt, %add3A_160, %lt3A_161 : i32
      %convert_element_type3A_163 = arith.extui %lt3A_162 : i1 to i32
      %cond3A_164 = arith.constant 0 : i32
      %cond3A_165 = arith.cmpi ne, %convert_element_type3A_163, %cond3A_164 : i32
      scf.if %cond3A_165 {
        %add3A_191 = arith.constant 1 : i32
        %add3A_192 = arith.addi %add3A_158, %add3A_191 : i32
        %ge3A = arith.constant 4 : i32
        %ge3A_193 = arith.cmpi sge, %add3A_192, %ge3A : i32
        %convert_element_type3A_194 = arith.extui %ge3A_193 : i1 to i32
        %cond3A_195 = arith.constant 0 : i32
        %cond3A_196 = arith.cmpi ne, %convert_element_type3A_194, %cond3A_195 : i32
        scf.if %cond3A_196 {
          %add3A_212 = arith.constant 1 : i32
          %add3A_213 = arith.addi %add3A_158, %add3A_212 : i32
          %sub3A = arith.constant 4 : i32
          %sub3A_214 = arith.subi %add3A_213, %sub3A : i32
          %mul3A_215 = arith.constant 4 : i32
          %mul3A_216 = arith.muli %sub3A_214, %mul3A_215 : i32
          %add3A_217 = arith.addi %mul3A_2, %mul3A_216 : i32
          %dma_wait3A_218 = arith.constant 0 : i32
          %dma_wait3A_219 = arith.constant 0 : i32
          %dma_wait3A_220 = tpu.memref_slice %arg5[%dma_wait3A_218, %add3A_217, %dma_wait3A_219] : memref<4x4096x1024xf32, #tpu.memory_space<hbm>> -> memref<4x4x1024xf32, #tpu.memory_space<hbm>>
          %dma_wait3A_221 = arith.constant 0 : i32
          %dma_wait3A_222 = arith.constant 0 : i32
          %dma_wait3A_223 = tpu.memref_slice %arg5[%dma_wait3A_221, %add3A_217, %dma_wait3A_222] : memref<4x4096x1024xf32, #tpu.memory_space<hbm>> -> memref<4x4x1024xf32, #tpu.memory_space<hbm>>
          tpu.wait_dma2 semaphore(%arg19 : memref<!tpu.dma_semaphore, #tpu.memory_space<semaphore_mem>>) src(%arg7 : memref<4x4x1024xf32, #tpu.memory_space<vmem>>) dst(%dma_wait3A_223 : memref<4x4x1024xf32, #tpu.memory_space<hbm>>)
        } else {
        }
        %add3A_197 = arith.constant 1 : i32
        %add3A_198 = arith.addi %add3A_158, %add3A_197 : i32
        %mul3A_199 = arith.constant 4 : i32
        %mul3A_200 = arith.muli %add3A_198, %mul3A_199 : i32
        %add3A_201 = arith.addi %mul3A_2, %mul3A_200 : i32
        %dma_start3A_202 = arith.constant 0 : i32
        %dma_start3A_203 = arith.constant 0 : i32
        %dma_start3A_204 = tpu.memref_slice %arg2[%dma_start3A_202, %add3A_201, %dma_start3A_203] : memref<4x4096x1024xf32, #tpu.memory_space<hbm>> -> memref<4x4x1024xf32, #tpu.memory_space<hbm>>
        %dma_start3A_205 = arith.constant 0 : i32
        %dma_start3A_206 = arith.constant 0 : i32
        %dma_start3A_207 = tpu.memref_slice %arg2[%dma_start3A_205, %add3A_201, %dma_start3A_206] : memref<4x4096x1024xf32, #tpu.memory_space<hbm>> -> memref<4x4x1024xf32, #tpu.memory_space<hbm>>
        tpu.enqueue_dma source(%dma_start3A_207 : memref<4x4x1024xf32, #tpu.memory_space<hbm>>) target(%arg7 : memref<4x4x1024xf32, #tpu.memory_space<vmem>>) target_semaphore(%arg15 : memref<!tpu.dma_semaphore, #tpu.memory_space<semaphore_mem>>)
        %dma_start3A_208 = arith.constant 0 : i32
        %dma_start3A_209 = tpu.memref_slice %arg4[%add3A_201, %dma_start3A_208] : memref<4096x1000xf32, #tpu.memory_space<hbm>> -> memref<4x1000xf32, #tpu.memory_space<hbm>>
        %dma_start3A_210 = arith.constant 0 : i32
        %dma_start3A_211 = tpu.memref_slice %arg4[%add3A_201, %dma_start3A_210] : memref<4096x1000xf32, #tpu.memory_space<hbm>> -> memref<4x1000xf32, #tpu.memory_space<hbm>>
        tpu.enqueue_dma source(%dma_start3A_211 : memref<4x1000xf32, #tpu.memory_space<hbm>>) target(%arg11 : memref<4x1000xf32, #tpu.memory_space<vmem>>) target_semaphore(%arg15 : memref<!tpu.dma_semaphore, #tpu.memory_space<semaphore_mem>>)
      } else {
      }
      %mul3A_166 = arith.constant 4 : i32
      %mul3A_167 = arith.muli %add3A_158, %mul3A_166 : i32
      %add3A_168 = arith.addi %mul3A_2, %mul3A_167 : i32
      %dma_wait3A_169 = arith.constant 0 : i32
      %dma_wait3A_170 = arith.constant 0 : i32
      %dma_wait3A_171 = tpu.memref_slice %arg2[%dma_wait3A_169, %add3A_168, %dma_wait3A_170] : memref<4x4096x1024xf32, #tpu.memory_space<hbm>> -> memref<4x4x1024xf32, #tpu.memory_space<hbm>>
      %dma_wait3A_172 = arith.constant 0 : i32
      %dma_wait3A_173 = arith.constant 0 : i32
      %dma_wait3A_174 = tpu.memref_slice %arg2[%dma_wait3A_172, %add3A_168, %dma_wait3A_173] : memref<4x4096x1024xf32, #tpu.memory_space<hbm>> -> memref<4x4x1024xf32, #tpu.memory_space<hbm>>
      tpu.wait_dma2 semaphore(%arg18 : memref<!tpu.dma_semaphore, #tpu.memory_space<semaphore_mem>>) src(%dma_wait3A_174 : memref<4x4x1024xf32, #tpu.memory_space<hbm>>) dst(%arg10 : memref<4x4x1024xf32, #tpu.memory_space<vmem>>)
      %dma_wait3A_175 = arith.constant 0 : i32
      %dma_wait3A_176 = tpu.memref_slice %arg4[%add3A_168, %dma_wait3A_175] : memref<4096x1000xf32, #tpu.memory_space<hbm>> -> memref<4x1000xf32, #tpu.memory_space<hbm>>
      %dma_wait3A_177 = arith.constant 0 : i32
      %dma_wait3A_178 = tpu.memref_slice %arg4[%add3A_168, %dma_wait3A_177] : memref<4096x1000xf32, #tpu.memory_space<hbm>> -> memref<4x1000xf32, #tpu.memory_space<hbm>>
      tpu.wait_dma2 semaphore(%arg18 : memref<!tpu.dma_semaphore, #tpu.memory_space<semaphore_mem>>) src(%dma_wait3A_178 : memref<4x1000xf32, #tpu.memory_space<hbm>>) dst(%arg14 : memref<4x1000xf32, #tpu.memory_space<vmem>>)
      %parallel_loop3A_179 = arith.constant 0 : i32
      %parallel_loop3A_180 = arith.constant 64 : i32
      %parallel_loop3A_181 = arith.constant 1 : i32
      scf.for %parallel_loop3A_191 = %parallel_loop3A_179 to %parallel_loop3A_180 step %parallel_loop3A_181  : i32 {
        %parallel_loop3A_192 = arith.constant 16 : i32
        %parallel_loop3A_193 = arith.muli %parallel_loop3A_191, %parallel_loop3A_192 : i32
        %parallel_loop3A_194 = arith.index_cast %parallel_loop3A_193 : i32 to index
        %parallel_loop3A_195 = tpu.vector_load %arg6[%parallel_loop3A_194] {strides = array<i32>} : memref<1024xi32, #tpu.memory_space<vmem>>, vector<16xi32>,
        %parallel_loop3A_196 = arith.constant 0 : i32
        %parallel_loop3A_197 = vector.broadcast %parallel_loop3A_196 : i32 to vector<16xi32>
        %parallel_loop3A_198 = tpu.vector_load_idx %arg14[%parallel_loop3A_197, %parallel_loop3A_195] : memref<4x1000xf32, #tpu.memory_space<vmem>>[vector<16xi32>, vector<16xi32>], vector<16xf32>,
        %parallel_loop3A_199 = arith.constant 0 : i32
        %parallel_loop3A_200 = arith.constant 0 : i32
        %parallel_loop3A_201 = arith.index_cast %parallel_loop3A_199 : i32 to index
        %parallel_loop3A_202 = arith.index_cast %parallel_loop3A_200 : i32 to index
        %parallel_loop3A_203 = arith.index_cast %parallel_loop3A_193 : i32 to index
        %parallel_loop3A_204 = tpu.vector_load %arg10[%parallel_loop3A_201, %parallel_loop3A_202, %parallel_loop3A_203] {strides = array<i32>} : memref<4x4x1024xf32, #tpu.memory_space<vmem>>, vector<16xf32>,
        %parallel_loop3A_205 = arith.addf %parallel_loop3A_204, %parallel_loop3A_198 : vector<16xf32>
        %parallel_loop3A_206 = arith.constant 0 : i32
        %parallel_loop3A_207 = arith.constant 0 : i32
        %parallel_loop3A_208 = arith.index_cast %parallel_loop3A_206 : i32 to index
        %parallel_loop3A_209 = arith.index_cast %parallel_loop3A_207 : i32 to index
        %parallel_loop3A_210 = arith.index_cast %parallel_loop3A_193 : i32 to index
        %parallel_loop3A_211 = tpu.vector_load %arg10[%parallel_loop3A_208, %parallel_loop3A_209, %parallel_loop3A_210] {strides = array<i32>} : memref<4x4x1024xf32, #tpu.memory_space<vmem>>, vector<16xf32>,
        tpu.vector_store %arg10[%parallel_loop3A_208, %parallel_loop3A_209, %parallel_loop3A_210], %parallel_loop3A_205 {strides = array<i32>} : memref<4x4x1024xf32, #tpu.memory_space<vmem>>, vector<16xf32>,
        %parallel_loop3A_212 = arith.constant 1 : i32
        %parallel_loop3A_213 = arith.constant 0 : i32
        %parallel_loop3A_214 = arith.index_cast %parallel_loop3A_212 : i32 to index
        %parallel_loop3A_215 = arith.index_cast %parallel_loop3A_213 : i32 to index
        %parallel_loop3A_216 = arith.index_cast %parallel_loop3A_193 : i32 to index
        %parallel_loop3A_217 = tpu.vector_load %arg10[%parallel_loop3A_214, %parallel_loop3A_215, %parallel_loop3A_216] {strides = array<i32>} : memref<4x4x1024xf32, #tpu.memory_space<vmem>>, vector<16xf32>,
        %parallel_loop3A_218 = arith.addf %parallel_loop3A_217, %parallel_loop3A_198 : vector<16xf32>
        %parallel_loop3A_219 = arith.constant 1 : i32
        %parallel_loop3A_220 = arith.constant 0 : i32
        %parallel_loop3A_221 = arith.index_cast %parallel_loop3A_219 : i32 to index
        %parallel_loop3A_222 = arith.index_cast %parallel_loop3A_220 : i32 to index
        %parallel_loop3A_223 = arith.index_cast %parallel_loop3A_193 : i32 to index
        %parallel_loop3A_224 = tpu.vector_load %arg10[%parallel_loop3A_221, %parallel_loop3A_222, %parallel_loop3A_223] {strides = array<i32>} : memref<4x4x1024xf32, #tpu.memory_space<vmem>>, vector<16xf32>,
        tpu.vector_store %arg10[%parallel_loop3A_221, %parallel_loop3A_222, %parallel_loop3A_223], %parallel_loop3A_218 {strides = array<i32>} : memref<4x4x1024xf32, #tpu.memory_space<vmem>>, vector<16xf32>,
        %parallel_loop3A_225 = arith.constant 2 : i32
        %parallel_loop3A_226 = arith.constant 0 : i32
        %parallel_loop3A_227 = arith.index_cast %parallel_loop3A_225 : i32 to index
        %parallel_loop3A_228 = arith.index_cast %parallel_loop3A_226 : i32 to index
        %parallel_loop3A_229 = arith.index_cast %parallel_loop3A_193 : i32 to index
        %parallel_loop3A_230 = tpu.vector_load %arg10[%parallel_loop3A_227, %parallel_loop3A_228, %parallel_loop3A_229] {strides = array<i32>} : memref<4x4x1024xf32, #tpu.memory_space<vmem>>, vector<16xf32>,
        %parallel_loop3A_231 = arith.addf %parallel_loop3A_230, %parallel_loop3A_198 : vector<16xf32>
        %parallel_loop3A_232 = arith.constant 2 : i32
        %parallel_loop3A_233 = arith.constant 0 : i32
        %parallel_loop3A_234 = arith.index_cast %parallel_loop3A_232 : i32 to index
        %parallel_loop3A_235 = arith.index_cast %parallel_loop3A_233 : i32 to index
        %parallel_loop3A_236 = arith.index_cast %parallel_loop3A_193 : i32 to index
        %parallel_loop3A_237 = tpu.vector_load %arg10[%parallel_loop3A_234, %parallel_loop3A_235, %parallel_loop3A_236] {strides = array<i32>} : memref<4x4x1024xf32, #tpu.memory_space<vmem>>, vector<16xf32>,
        tpu.vector_store %arg10[%parallel_loop3A_234, %parallel_loop3A_235, %parallel_loop3A_236], %parallel_loop3A_231 {strides = array<i32>} : memref<4x4x1024xf32, #tpu.memory_space<vmem>>, vector<16xf32>,
        %parallel_loop3A_238 = arith.constant 3 : i32
        %parallel_loop3A_239 = arith.constant 0 : i32
        %parallel_loop3A_240 = arith.index_cast %parallel_loop3A_238 : i32 to index
        %parallel_loop3A_241 = arith.index_cast %parallel_loop3A_239 : i32 to index
        %parallel_loop3A_242 = arith.index_cast %parallel_loop3A_193 : i32 to index
        %parallel_loop3A_243 = tpu.vector_load %arg10[%parallel_loop3A_240, %parallel_loop3A_241, %parallel_loop3A_242] {strides = array<i32>} : memref<4x4x1024xf32, #tpu.memory_space<vmem>>, vector<16xf32>,
        %parallel_loop3A_244 = arith.addf %parallel_loop3A_243, %parallel_loop3A_198 : vector<16xf32>
        %parallel_loop3A_245 = arith.constant 3 : i32
        %parallel_loop3A_246 = arith.constant 0 : i32
        %parallel_loop3A_247 = arith.index_cast %parallel_loop3A_245 : i32 to index
        %parallel_loop3A_248 = arith.index_cast %parallel_loop3A_246 : i32 to index
        %parallel_loop3A_249 = arith.index_cast %parallel_loop3A_193 : i32 to index
        %parallel_loop3A_250 = tpu.vector_load %arg10[%parallel_loop3A_247, %parallel_loop3A_248, %parallel_loop3A_249] {strides = array<i32>} : memref<4x4x1024xf32, #tpu.memory_space<vmem>>, vector<16xf32>,
        tpu.vector_store %arg10[%parallel_loop3A_247, %parallel_loop3A_248, %parallel_loop3A_249], %parallel_loop3A_244 {strides = array<i32>} : memref<4x4x1024xf32, #tpu.memory_space<vmem>>, vector<16xf32>,
        %parallel_loop3A_251 = arith.constant 1 : i32
        %parallel_loop3A_252 = vector.broadcast %parallel_loop3A_251 : i32 to vector<16xi32>
        %parallel_loop3A_253 = tpu.vector_load_idx %arg14[%parallel_loop3A_252, %parallel_loop3A_195] : memref<4x1000xf32, #tpu.memory_space<vmem>>[vector<16xi32>, vector<16xi32>], vector<16xf32>,
        %parallel_loop3A_254 = arith.constant 0 : i32
        %parallel_loop3A_255 = arith.constant 1 : i32
        %parallel_loop3A_256 = arith.index_cast %parallel_loop3A_254 : i32 to index
        %parallel_loop3A_257 = arith.index_cast %parallel_loop3A_255 : i32 to index
        %parallel_loop3A_258 = arith.index_cast %parallel_loop3A_193 : i32 to index
        %parallel_loop3A_259 = tpu.vector_load %arg10[%parallel_loop3A_256, %parallel_loop3A_257, %parallel_loop3A_258] {strides = array<i32>} : memref<4x4x1024xf32, #tpu.memory_space<vmem>>, vector<16xf32>,
        %parallel_loop3A_260 = arith.addf %parallel_loop3A_259, %parallel_loop3A_253 : vector<16xf32>
        %parallel_loop3A_261 = arith.constant 0 : i32
        %parallel_loop3A_262 = arith.constant 1 : i32
        %parallel_loop3A_263 = arith.index_cast %parallel_loop3A_261 : i32 to index
        %parallel_loop3A_264 = arith.index_cast %parallel_loop3A_262 : i32 to index
        %parallel_loop3A_265 = arith.index_cast %parallel_loop3A_193 : i32 to index
        %parallel_loop3A_266 = tpu.vector_load %arg10[%parallel_loop3A_263, %parallel_loop3A_264, %parallel_loop3A_265] {strides = array<i32>} : memref<4x4x1024xf32, #tpu.memory_space<vmem>>, vector<16xf32>,
        tpu.vector_store %arg10[%parallel_loop3A_263, %parallel_loop3A_264, %parallel_loop3A_265], %parallel_loop3A_260 {strides = array<i32>} : memref<4x4x1024xf32, #tpu.memory_space<vmem>>, vector<16xf32>,
        %parallel_loop3A_267 = arith.constant 1 : i32
        %parallel_loop3A_268 = arith.constant 1 : i32
        %parallel_loop3A_269 = arith.index_cast %parallel_loop3A_267 : i32 to index
        %parallel_loop3A_270 = arith.index_cast %parallel_loop3A_268 : i32 to index
        %parallel_loop3A_271 = arith.index_cast %parallel_loop3A_193 : i32 to index
        %parallel_loop3A_272 = tpu.vector_load %arg10[%parallel_loop3A_269, %parallel_loop3A_270, %parallel_loop3A_271] {strides = array<i32>} : memref<4x4x1024xf32, #tpu.memory_space<vmem>>, vector<16xf32>,
        %parallel_loop3A_273 = arith.addf %parallel_loop3A_272, %parallel_loop3A_253 : vector<16xf32>
        %parallel_loop3A_274 = arith.constant 1 : i32
        %parallel_loop3A_275 = arith.constant 1 : i32
        %parallel_loop3A_276 = arith.index_cast %parallel_loop3A_274 : i32 to index
        %parallel_loop3A_277 = arith.index_cast %parallel_loop3A_275 : i32 to index
        %parallel_loop3A_278 = arith.index_cast %parallel_loop3A_193 : i32 to index
        %parallel_loop3A_279 = tpu.vector_load %arg10[%parallel_loop3A_276, %parallel_loop3A_277, %parallel_loop3A_278] {strides = array<i32>} : memref<4x4x1024xf32, #tpu.memory_space<vmem>>, vector<16xf32>,
        tpu.vector_store %arg10[%parallel_loop3A_276, %parallel_loop3A_277, %parallel_loop3A_278], %parallel_loop3A_273 {strides = array<i32>} : memref<4x4x1024xf32, #tpu.memory_space<vmem>>, vector<16xf32>,
        %parallel_loop3A_280 = arith.constant 2 : i32
        %parallel_loop3A_281 = arith.constant 1 : i32
        %parallel_loop3A_282 = arith.index_cast %parallel_loop3A_280 : i32 to index
        %parallel_loop3A_283 = arith.index_cast %parallel_loop3A_281 : i32 to index
        %parallel_loop3A_284 = arith.index_cast %parallel_loop3A_193 : i32 to index
        %parallel_loop3A_285 = tpu.vector_load %arg10[%parallel_loop3A_282, %parallel_loop3A_283, %parallel_loop3A_284] {strides = array<i32>} : memref<4x4x1024xf32, #tpu.memory_space<vmem>>, vector<16xf32>,
        %parallel_loop3A_286 = arith.addf %parallel_loop3A_285, %parallel_loop3A_253 : vector<16xf32>
        %parallel_loop3A_287 = arith.constant 2 : i32
        %parallel_loop3A_288 = arith.constant 1 : i32
        %parallel_loop3A_289 = arith.index_cast %parallel_loop3A_287 : i32 to index
        %parallel_loop3A_290 = arith.index_cast %parallel_loop3A_288 : i32 to index
        %parallel_loop3A_291 = arith.index_cast %parallel_loop3A_193 : i32 to index
        %parallel_loop3A_292 = tpu.vector_load %arg10[%parallel_loop3A_289, %parallel_loop3A_290, %parallel_loop3A_291] {strides = array<i32>} : memref<4x4x1024xf32, #tpu.memory_space<vmem>>, vector<16xf32>,
        tpu.vector_store %arg10[%parallel_loop3A_289, %parallel_loop3A_290, %parallel_loop3A_291], %parallel_loop3A_286 {strides = array<i32>} : memref<4x4x1024xf32, #tpu.memory_space<vmem>>, vector<16xf32>,
        %parallel_loop3A_293 = arith.constant 3 : i32
        %parallel_loop3A_294 = arith.constant 1 : i32
        %parallel_loop3A_295 = arith.index_cast %parallel_loop3A_293 : i32 to index
        %parallel_loop3A_296 = arith.index_cast %parallel_loop3A_294 : i32 to index
        %parallel_loop3A_297 = arith.index_cast %parallel_loop3A_193 : i32 to index
        %parallel_loop3A_298 = tpu.vector_load %arg10[%parallel_loop3A_295, %parallel_loop3A_296, %parallel_loop3A_297] {strides = array<i32>} : memref<4x4x1024xf32, #tpu.memory_space<vmem>>, vector<16xf32>,
        %parallel_loop3A_299 = arith.addf %parallel_loop3A_298, %parallel_loop3A_253 : vector<16xf32>
        %parallel_loop3A_300 = arith.constant 3 : i32
        %parallel_loop3A_301 = arith.constant 1 : i32
        %parallel_loop3A_302 = arith.index_cast %parallel_loop3A_300 : i32 to index
        %parallel_loop3A_303 = arith.index_cast %parallel_loop3A_301 : i32 to index
        %parallel_loop3A_304 = arith.index_cast %parallel_loop3A_193 : i32 to index
        %parallel_loop3A_305 = tpu.vector_load %arg10[%parallel_loop3A_302, %parallel_loop3A_303, %parallel_loop3A_304] {strides = array<i32>} : memref<4x4x1024xf32, #tpu.memory_space<vmem>>, vector<16xf32>,
        tpu.vector_store %arg10[%parallel_loop3A_302, %parallel_loop3A_303, %parallel_loop3A_304], %parallel_loop3A_299 {strides = array<i32>} : memref<4x4x1024xf32, #tpu.memory_space<vmem>>, vector<16xf32>,
        %parallel_loop3A_306 = arith.constant 2 : i32
        %parallel_loop3A_307 = vector.broadcast %parallel_loop3A_306 : i32 to vector<16xi32>
        %parallel_loop3A_308 = tpu.vector_load_idx %arg14[%parallel_loop3A_307, %parallel_loop3A_195] : memref<4x1000xf32, #tpu.memory_space<vmem>>[vector<16xi32>, vector<16xi32>], vector<16xf32>,
        %parallel_loop3A_309 = arith.constant 0 : i32
        %parallel_loop3A_310 = arith.constant 2 : i32
        %parallel_loop3A_311 = arith.index_cast %parallel_loop3A_309 : i32 to index
        %parallel_loop3A_312 = arith.index_cast %parallel_loop3A_310 : i32 to index
        %parallel_loop3A_313 = arith.index_cast %parallel_loop3A_193 : i32 to index
        %parallel_loop3A_314 = tpu.vector_load %arg10[%parallel_loop3A_311, %parallel_loop3A_312, %parallel_loop3A_313] {strides = array<i32>} : memref<4x4x1024xf32, #tpu.memory_space<vmem>>, vector<16xf32>,
        %parallel_loop3A_315 = arith.addf %parallel_loop3A_314, %parallel_loop3A_308 : vector<16xf32>
        %parallel_loop3A_316 = arith.constant 0 : i32
        %parallel_loop3A_317 = arith.constant 2 : i32
        %parallel_loop3A_318 = arith.index_cast %parallel_loop3A_316 : i32 to index
        %parallel_loop3A_319 = arith.index_cast %parallel_loop3A_317 : i32 to index
        %parallel_loop3A_320 = arith.index_cast %parallel_loop3A_193 : i32 to index
        %parallel_loop3A_321 = tpu.vector_load %arg10[%parallel_loop3A_318, %parallel_loop3A_319, %parallel_loop3A_320] {strides = array<i32>} : memref<4x4x1024xf32, #tpu.memory_space<vmem>>, vector<16xf32>,
        tpu.vector_store %arg10[%parallel_loop3A_318, %parallel_loop3A_319, %parallel_loop3A_320], %parallel_loop3A_315 {strides = array<i32>} : memref<4x4x1024xf32, #tpu.memory_space<vmem>>, vector<16xf32>,
        %parallel_loop3A_322 = arith.constant 1 : i32
        %parallel_loop3A_323 = arith.constant 2 : i32
        %parallel_loop3A_324 = arith.index_cast %parallel_loop3A_322 : i32 to index
        %parallel_loop3A_325 = arith.index_cast %parallel_loop3A_323 : i32 to index
        %parallel_loop3A_326 = arith.index_cast %parallel_loop3A_193 : i32 to index
        %parallel_loop3A_327 = tpu.vector_load %arg10[%parallel_loop3A_324, %parallel_loop3A_325, %parallel_loop3A_326] {strides = array<i32>} : memref<4x4x1024xf32, #tpu.memory_space<vmem>>, vector<16xf32>,
        %parallel_loop3A_328 = arith.addf %parallel_loop3A_327, %parallel_loop3A_308 : vector<16xf32>
        %parallel_loop3A_329 = arith.constant 1 : i32
        %parallel_loop3A_330 = arith.constant 2 : i32
        %parallel_loop3A_331 = arith.index_cast %parallel_loop3A_329 : i32 to index
        %parallel_loop3A_332 = arith.index_cast %parallel_loop3A_330 : i32 to index
        %parallel_loop3A_333 = arith.index_cast %parallel_loop3A_193 : i32 to index
        %parallel_loop3A_334 = tpu.vector_load %arg10[%parallel_loop3A_331, %parallel_loop3A_332, %parallel_loop3A_333] {strides = array<i32>} : memref<4x4x1024xf32, #tpu.memory_space<vmem>>, vector<16xf32>,
        tpu.vector_store %arg10[%parallel_loop3A_331, %parallel_loop3A_332, %parallel_loop3A_333], %parallel_loop3A_328 {strides = array<i32>} : memref<4x4x1024xf32, #tpu.memory_space<vmem>>, vector<16xf32>,
        %parallel_loop3A_335 = arith.constant 2 : i32
        %parallel_loop3A_336 = arith.constant 2 : i32
        %parallel_loop3A_337 = arith.index_cast %parallel_loop3A_335 : i32 to index
        %parallel_loop3A_338 = arith.index_cast %parallel_loop3A_336 : i32 to index
        %parallel_loop3A_339 = arith.index_cast %parallel_loop3A_193 : i32 to index
        %parallel_loop3A_340 = tpu.vector_load %arg10[%parallel_loop3A_337, %parallel_loop3A_338, %parallel_loop3A_339] {strides = array<i32>} : memref<4x4x1024xf32, #tpu.memory_space<vmem>>, vector<16xf32>,
        %parallel_loop3A_341 = arith.addf %parallel_loop3A_340, %parallel_loop3A_308 : vector<16xf32>
        %parallel_loop3A_342 = arith.constant 2 : i32
        %parallel_loop3A_343 = arith.constant 2 : i32
        %parallel_loop3A_344 = arith.index_cast %parallel_loop3A_342 : i32 to index
        %parallel_loop3A_345 = arith.index_cast %parallel_loop3A_343 : i32 to index
        %parallel_loop3A_346 = arith.index_cast %parallel_loop3A_193 : i32 to index
        %parallel_loop3A_347 = tpu.vector_load %arg10[%parallel_loop3A_344, %parallel_loop3A_345, %parallel_loop3A_346] {strides = array<i32>} : memref<4x4x1024xf32, #tpu.memory_space<vmem>>, vector<16xf32>,
        tpu.vector_store %arg10[%parallel_loop3A_344, %parallel_loop3A_345, %parallel_loop3A_346], %parallel_loop3A_341 {strides = array<i32>} : memref<4x4x1024xf32, #tpu.memory_space<vmem>>, vector<16xf32>,
        %parallel_loop3A_348 = arith.constant 3 : i32
        %parallel_loop3A_349 = arith.constant 2 : i32
        %parallel_loop3A_350 = arith.index_cast %parallel_loop3A_348 : i32 to index
        %parallel_loop3A_351 = arith.index_cast %parallel_loop3A_349 : i32 to index
        %parallel_loop3A_352 = arith.index_cast %parallel_loop3A_193 : i32 to index
        %parallel_loop3A_353 = tpu.vector_load %arg10[%parallel_loop3A_350, %parallel_loop3A_351, %parallel_loop3A_352] {strides = array<i32>} : memref<4x4x1024xf32, #tpu.memory_space<vmem>>, vector<16xf32>,
        %parallel_loop3A_354 = arith.addf %parallel_loop3A_353, %parallel_loop3A_308 : vector<16xf32>
        %parallel_loop3A_355 = arith.constant 3 : i32
        %parallel_loop3A_356 = arith.constant 2 : i32
        %parallel_loop3A_357 = arith.index_cast %parallel_loop3A_355 : i32 to index
        %parallel_loop3A_358 = arith.index_cast %parallel_loop3A_356 : i32 to index
        %parallel_loop3A_359 = arith.index_cast %parallel_loop3A_193 : i32 to index
        %parallel_loop3A_360 = tpu.vector_load %arg10[%parallel_loop3A_357, %parallel_loop3A_358, %parallel_loop3A_359] {strides = array<i32>} : memref<4x4x1024xf32, #tpu.memory_space<vmem>>, vector<16xf32>,
        tpu.vector_store %arg10[%parallel_loop3A_357, %parallel_loop3A_358, %parallel_loop3A_359], %parallel_loop3A_354 {strides = array<i32>} : memref<4x4x1024xf32, #tpu.memory_space<vmem>>, vector<16xf32>,
        %parallel_loop3A_361 = arith.constant 3 : i32
        %parallel_loop3A_362 = vector.broadcast %parallel_loop3A_361 : i32 to vector<16xi32>
        %parallel_loop3A_363 = tpu.vector_load_idx %arg14[%parallel_loop3A_362, %parallel_loop3A_195] : memref<4x1000xf32, #tpu.memory_space<vmem>>[vector<16xi32>, vector<16xi32>], vector<16xf32>,
        %parallel_loop3A_364 = arith.constant 0 : i32
        %parallel_loop3A_365 = arith.constant 3 : i32
        %parallel_loop3A_366 = arith.index_cast %parallel_loop3A_364 : i32 to index
        %parallel_loop3A_367 = arith.index_cast %parallel_loop3A_365 : i32 to index
        %parallel_loop3A_368 = arith.index_cast %parallel_loop3A_193 : i32 to index
        %parallel_loop3A_369 = tpu.vector_load %arg10[%parallel_loop3A_366, %parallel_loop3A_367, %parallel_loop3A_368] {strides = array<i32>} : memref<4x4x1024xf32, #tpu.memory_space<vmem>>, vector<16xf32>,
        %parallel_loop3A_370 = arith.addf %parallel_loop3A_369, %parallel_loop3A_363 : vector<16xf32>
        %parallel_loop3A_371 = arith.constant 0 : i32
        %parallel_loop3A_372 = arith.constant 3 : i32
        %parallel_loop3A_373 = arith.index_cast %parallel_loop3A_371 : i32 to index
        %parallel_loop3A_374 = arith.index_cast %parallel_loop3A_372 : i32 to index
        %parallel_loop3A_375 = arith.index_cast %parallel_loop3A_193 : i32 to index
        %parallel_loop3A_376 = tpu.vector_load %arg10[%parallel_loop3A_373, %parallel_loop3A_374, %parallel_loop3A_375] {strides = array<i32>} : memref<4x4x1024xf32, #tpu.memory_space<vmem>>, vector<16xf32>,
        tpu.vector_store %arg10[%parallel_loop3A_373, %parallel_loop3A_374, %parallel_loop3A_375], %parallel_loop3A_370 {strides = array<i32>} : memref<4x4x1024xf32, #tpu.memory_space<vmem>>, vector<16xf32>,
        %parallel_loop3A_377 = arith.constant 1 : i32
        %parallel_loop3A_378 = arith.constant 3 : i32
        %parallel_loop3A_379 = arith.index_cast %parallel_loop3A_377 : i32 to index
        %parallel_loop3A_380 = arith.index_cast %parallel_loop3A_378 : i32 to index
        %parallel_loop3A_381 = arith.index_cast %parallel_loop3A_193 : i32 to index
        %parallel_loop3A_382 = tpu.vector_load %arg10[%parallel_loop3A_379, %parallel_loop3A_380, %parallel_loop3A_381] {strides = array<i32>} : memref<4x4x1024xf32, #tpu.memory_space<vmem>>, vector<16xf32>,
        %parallel_loop3A_383 = arith.addf %parallel_loop3A_382, %parallel_loop3A_363 : vector<16xf32>
        %parallel_loop3A_384 = arith.constant 1 : i32
        %parallel_loop3A_385 = arith.constant 3 : i32
        %parallel_loop3A_386 = arith.index_cast %parallel_loop3A_384 : i32 to index
        %parallel_loop3A_387 = arith.index_cast %parallel_loop3A_385 : i32 to index
        %parallel_loop3A_388 = arith.index_cast %parallel_loop3A_193 : i32 to index
        %parallel_loop3A_389 = tpu.vector_load %arg10[%parallel_loop3A_386, %parallel_loop3A_387, %parallel_loop3A_388] {strides = array<i32>} : memref<4x4x1024xf32, #tpu.memory_space<vmem>>, vector<16xf32>,
        tpu.vector_store %arg10[%parallel_loop3A_386, %parallel_loop3A_387, %parallel_loop3A_388], %parallel_loop3A_383 {strides = array<i32>} : memref<4x4x1024xf32, #tpu.memory_space<vmem>>, vector<16xf32>,
        %parallel_loop3A_390 = arith.constant 2 : i32
        %parallel_loop3A_391 = arith.constant 3 : i32
        %parallel_loop3A_392 = arith.index_cast %parallel_loop3A_390 : i32 to index
        %parallel_loop3A_393 = arith.index_cast %parallel_loop3A_391 : i32 to index
        %parallel_loop3A_394 = arith.index_cast %parallel_loop3A_193 : i32 to index
        %parallel_loop3A_395 = tpu.vector_load %arg10[%parallel_loop3A_392, %parallel_loop3A_393, %parallel_loop3A_394] {strides = array<i32>} : memref<4x4x1024xf32, #tpu.memory_space<vmem>>, vector<16xf32>,
        %parallel_loop3A_396 = arith.addf %parallel_loop3A_395, %parallel_loop3A_363 : vector<16xf32>
        %parallel_loop3A_397 = arith.constant 2 : i32
        %parallel_loop3A_398 = arith.constant 3 : i32
        %parallel_loop3A_399 = arith.index_cast %parallel_loop3A_397 : i32 to index
        %parallel_loop3A_400 = arith.index_cast %parallel_loop3A_398 : i32 to index
        %parallel_loop3A_401 = arith.index_cast %parallel_loop3A_193 : i32 to index
        %parallel_loop3A_402 = tpu.vector_load %arg10[%parallel_loop3A_399, %parallel_loop3A_400, %parallel_loop3A_401] {strides = array<i32>} : memref<4x4x1024xf32, #tpu.memory_space<vmem>>, vector<16xf32>,
        tpu.vector_store %arg10[%parallel_loop3A_399, %parallel_loop3A_400, %parallel_loop3A_401], %parallel_loop3A_396 {strides = array<i32>} : memref<4x4x1024xf32, #tpu.memory_space<vmem>>, vector<16xf32>,
        %parallel_loop3A_403 = arith.constant 3 : i32
        %parallel_loop3A_404 = arith.constant 3 : i32
        %parallel_loop3A_405 = arith.index_cast %parallel_loop3A_403 : i32 to index
        %parallel_loop3A_406 = arith.index_cast %parallel_loop3A_404 : i32 to index
        %parallel_loop3A_407 = arith.index_cast %parallel_loop3A_193 : i32 to index
        %parallel_loop3A_408 = tpu.vector_load %arg10[%parallel_loop3A_405, %parallel_loop3A_406, %parallel_loop3A_407] {strides = array<i32>} : memref<4x4x1024xf32, #tpu.memory_space<vmem>>, vector<16xf32>,
        %parallel_loop3A_409 = arith.addf %parallel_loop3A_408, %parallel_loop3A_363 : vector<16xf32>
        %parallel_loop3A_410 = arith.constant 3 : i32
        %parallel_loop3A_411 = arith.constant 3 : i32
        %parallel_loop3A_412 = arith.index_cast %parallel_loop3A_410 : i32 to index
        %parallel_loop3A_413 = arith.index_cast %parallel_loop3A_411 : i32 to index
        %parallel_loop3A_414 = arith.index_cast %parallel_loop3A_193 : i32 to index
        %parallel_loop3A_415 = tpu.vector_load %arg10[%parallel_loop3A_412, %parallel_loop3A_413, %parallel_loop3A_414] {strides = array<i32>} : memref<4x4x1024xf32, #tpu.memory_space<vmem>>, vector<16xf32>,
        tpu.vector_store %arg10[%parallel_loop3A_412, %parallel_loop3A_413, %parallel_loop3A_414], %parallel_loop3A_409 {strides = array<i32>} : memref<4x4x1024xf32, #tpu.memory_space<vmem>>, vector<16xf32>,
      } {sc.loop_unroll_factor = 4 : i64, sc.parallel_access}
      %mul3A_182 = arith.constant 4 : i32
      %mul3A_183 = arith.muli %add3A_158, %mul3A_182 : i32
      %add3A_184 = arith.addi %mul3A_2, %mul3A_183 : i32
      %dma_start3A_185 = arith.constant 0 : i32
      %dma_start3A_186 = arith.constant 0 : i32
      %dma_start3A_187 = tpu.memref_slice %arg5[%dma_start3A_185, %add3A_184, %dma_start3A_186] : memref<4x4096x1024xf32, #tpu.memory_space<hbm>> -> memref<4x4x1024xf32, #tpu.memory_space<hbm>>
      %dma_start3A_188 = arith.constant 0 : i32
      %dma_start3A_189 = arith.constant 0 : i32
      %dma_start3A_190 = tpu.memref_slice %arg5[%dma_start3A_188, %add3A_184, %dma_start3A_189] : memref<4x4096x1024xf32, #tpu.memory_space<hbm>> -> memref<4x4x1024xf32, #tpu.memory_space<hbm>>
      tpu.enqueue_dma source(%arg10 : memref<4x4x1024xf32, #tpu.memory_space<vmem>>) target(%dma_start3A_190 : memref<4x4x1024xf32, #tpu.memory_space<hbm>>) target_semaphore(%arg22 : memref<!tpu.dma_semaphore, #tpu.memory_space<semaphore_mem>>)
    }
    %scan3A_18 = arith.constant 8 : i32
    %add3A_19 = arith.constant 112 : i32
    %add3A_20 = arith.addi %mul3A_2, %add3A_19 : i32
    %dma_wait3A = arith.constant 0 : i32
    %dma_wait3A_21 = arith.constant 0 : i32
    %dma_wait3A_22 = tpu.memref_slice %arg5[%dma_wait3A, %add3A_20, %dma_wait3A_21] : memref<4x4096x1024xf32, #tpu.memory_space<hbm>> -> memref<4x4x1024xf32, #tpu.memory_space<hbm>>
    %dma_wait3A_23 = arith.constant 0 : i32
    %dma_wait3A_24 = arith.constant 0 : i32
    %dma_wait3A_25 = tpu.memref_slice %arg5[%dma_wait3A_23, %add3A_20, %dma_wait3A_24] : memref<4x4096x1024xf32, #tpu.memory_space<hbm>> -> memref<4x4x1024xf32, #tpu.memory_space<hbm>>
    tpu.wait_dma2 semaphore(%arg19 : memref<!tpu.dma_semaphore, #tpu.memory_space<semaphore_mem>>) src(%arg7 : memref<4x4x1024xf32, #tpu.memory_space<vmem>>) dst(%dma_wait3A_25 : memref<4x4x1024xf32, #tpu.memory_space<hbm>>)
    %add3A_26 = arith.constant 116 : i32
    %add3A_27 = arith.addi %mul3A_2, %add3A_26 : i32
    %dma_wait3A_28 = arith.constant 0 : i32
    %dma_wait3A_29 = arith.constant 0 : i32
    %dma_wait3A_30 = tpu.memref_slice %arg5[%dma_wait3A_28, %add3A_27, %dma_wait3A_29] : memref<4x4096x1024xf32, #tpu.memory_space<hbm>> -> memref<4x4x1024xf32, #tpu.memory_space<hbm>>
    %dma_wait3A_31 = arith.constant 0 : i32
    %dma_wait3A_32 = arith.constant 0 : i32
    %dma_wait3A_33 = tpu.memref_slice %arg5[%dma_wait3A_31, %add3A_27, %dma_wait3A_32] : memref<4x4096x1024xf32, #tpu.memory_space<hbm>> -> memref<4x4x1024xf32, #tpu.memory_space<hbm>>
    tpu.wait_dma2 semaphore(%arg20 : memref<!tpu.dma_semaphore, #tpu.memory_space<semaphore_mem>>) src(%arg8 : memref<4x4x1024xf32, #tpu.memory_space<vmem>>) dst(%dma_wait3A_33 : memref<4x4x1024xf32, #tpu.memory_space<hbm>>)
    %add3A_34 = arith.constant 120 : i32
    %add3A_35 = arith.addi %mul3A_2, %add3A_34 : i32
    %dma_wait3A_36 = arith.constant 0 : i32
    %dma_wait3A_37 = arith.constant 0 : i32
    %dma_wait3A_38 = tpu.memref_slice %arg5[%dma_wait3A_36, %add3A_35, %dma_wait3A_37] : memref<4x4096x1024xf32, #tpu.memory_space<hbm>> -> memref<4x4x1024xf32, #tpu.memory_space<hbm>>
    %dma_wait3A_39 = arith.constant 0 : i32
    %dma_wait3A_40 = arith.constant 0 : i32
    %dma_wait3A_41 = tpu.memref_slice %arg5[%dma_wait3A_39, %add3A_35, %dma_wait3A_40] : memref<4x4096x1024xf32, #tpu.memory_space<hbm>> -> memref<4x4x1024xf32, #tpu.memory_space<hbm>>
    tpu.wait_dma2 semaphore(%arg21 : memref<!tpu.dma_semaphore, #tpu.memory_space<semaphore_mem>>) src(%arg9 : memref<4x4x1024xf32, #tpu.memory_space<vmem>>) dst(%dma_wait3A_41 : memref<4x4x1024xf32, #tpu.memory_space<hbm>>)
    %add3A_42 = arith.constant 124 : i32
    %add3A_43 = arith.addi %mul3A_2, %add3A_42 : i32
    %dma_wait3A_44 = arith.constant 0 : i32
    %dma_wait3A_45 = arith.constant 0 : i32
    %dma_wait3A_46 = tpu.memref_slice %arg5[%dma_wait3A_44, %add3A_43, %dma_wait3A_45] : memref<4x4096x1024xf32, #tpu.memory_space<hbm>> -> memref<4x4x1024xf32, #tpu.memory_space<hbm>>
    %dma_wait3A_47 = arith.constant 0 : i32
    %dma_wait3A_48 = arith.constant 0 : i32
    %dma_wait3A_49 = tpu.memref_slice %arg5[%dma_wait3A_47, %add3A_43, %dma_wait3A_48] : memref<4x4096x1024xf32, #tpu.memory_space<hbm>> -> memref<4x4x1024xf32, #tpu.memory_space<hbm>>
    tpu.wait_dma2 semaphore(%arg22 : memref<!tpu.dma_semaphore, #tpu.memory_space<semaphore_mem>>) src(%arg10 : memref<4x4x1024xf32, #tpu.memory_space<vmem>>) dst(%dma_wait3A_49 : memref<4x4x1024xf32, #tpu.memory_space<hbm>>)
    return
  }
}

</mosaic_0001>

<sc_bundles>
// kernel: kernel.3.cloned.1.call-start
scs
__scs_entry_jumppad:
0x0: {  	(pc) =	sbr.rel $0x88, $3  }
0x1: {  	(tag) =	ssettag $0x0;
	lr =	simm.s32 $0x1  }
0x2: {  	[smem:$0x3F9E] =	sst lr;
	_ =	strace $0xD0000000  }
0x3: {  	_ = 	snop  }
0x4: {  	_ = 	snop  }
0x5: {  	_ = 	snop  }
0x6: {  	_ = 	snop  }
0x7: {  	_ = 	snop  }
__scs_overlays_trampoline_lowered:
0x8: {  	[smem:$0x3FAD] =	sst s0  }
0x9: {  	[smem:$0x3FAE] =	sst s1  }
0xa: {  	[smem:$0x3FAF] =	sst s2  }
0xb: {  	[smem:$0x3FB0] =	sst s3  }
0xc: {  	[smem:$0x3FB1] =	sst s4  }
0xd: {  	[smem:$0x3FB2] =	sst s5  }
0xe: {  	[smem:$0x3FB3] =	sst s6  }
0xf: {  	[smem:$0x3FB4] =	sst s7  }
0x10: {  	[smem:$0x3FB5] =	sst s8  }
0x11: {  	[smem:$0x3FB6] =	sst s9;
	s0 =	simm.s32 @!p0 $0x0  }
0x12: {  	s1 =	sld [smem:$0x3F9C];
	s0 =	simm.s32 @p0 $0x1  }
0x13: {  	[smem:$0x3FB7] =	sst s0;
	s0 =	simm.s32 @!p1 $0x0  }
0x14: {  	s2 =	sld [smem:$0x3F9B];
	s0 =	simm.s32 @p1 $0x1  }
0x15: {  	[smem:$0x3FB8] =	sst s0;
	s0 =	simm.s32 @!p2 $0x0  }
0x16: {  	s3 =	sld [smem:$0x3FDB];
	s0 =	simm.s32 @p2 $0x1  }
0x17: {  	s4 =	simm.s32 $0x1BF5;
	[smem:$0x3FBA] =	sst s0  }
0x18: {  	s0 =	sld [smem:$0x3F9D];
	_ =	swait.ge [sflag:s4], $0x0  }
0x19: {  	s7 =	sld [smem:$0x3F9E]  }
0x1a: {  	s8 =	sadd.s32 $0xFFFFE003, lr  }
0x1b: {  	s9 =	sadd.s32 $0xFFFFFEF7, lr;
	s5 =	simm.s32 $0xFFFFFFFF;
	p2 =	slt.u32 s8, $0xFFFFF086  }
0x1c: {  	p1 =	slt.u32 s9, $0xF7A;
	s5 =	simm.s32 @!p2 $0x0  }
0x1d: {  	s5 =	simm.s32 @p1 $0x1;
	p0 =	seq.s32 s7, s2  }
0x1e: {  	s7 =	smul.u32 @!p0 $0xF7A, s2;
	p2 =	seq.s32 @!p0 s5, $0x0  }
0x1f: {  	s9 =	smul.u32 $0xF7A, s1;
	s8 =	simm.s32 @!p0 $0x1BF5;
	p2 =	por !p2, p0  }
0x20: {  	[sflag:s8] =	ssyncset.s32 @!p0 $0xFFFFF086;
	s6 =	sadd.s32 @!p0 s3, s7;
	s7 =	simm.s32 @!p0 $0x108  }
0x21: {  	s3 =	sadd.s32 s3, s9;
	s6 =	sadd.s32 @!p0 $0x88, s6;
	s7 =	simm.s32 @p2 $0x1082  }
0x22: {  	[simem:s7], [sflag:s8] =	dma.local @!p0 [hbm:s6], $0xF7A  }
0x23: {  	s9 =	sor.u32 $0xD0000000, s2;
	s6 =	simm.s32 $0x108;
	_ =	swait.ge @!p0 [sflag:s8], $0x0  }
0x24: {  	s3 =	sadd.s32 $0x88, s3;
	s6 =	simm.s32 @!p1 $0x1082;
	[sflag:s4] =	ssyncset.s32 $0xFFFFF086  }
0x25: {  	[simem:s6], [sflag:s4] =	dma.local [hbm:s3], $0xF7A  }
0x26: {  	[smem:$0x3F9E] =	sst s1;
	(tag) =	ssettag s2;
	_ =	strace s9  }
0x27: {  	s1 =	sld [smem:$0x3FAE]  }
0x28: {  	s2 =	sld [smem:$0x3FAF]  }
0x29: {  	s4 =	sld [smem:$0x3FB1]  }
0x2a: {  	p0 =	seq.s32 s5, $0x0;
	s5 =	sld [smem:$0x3FB2]  }
0x2b: {  	s6 =	sld [smem:$0x3FB3]  }
0x2c: {  	s7 =	sld [smem:$0x3FB4]  }
0x2d: {  	s3 =	simm.s32 $0x108;
	s8 =	sld [smem:$0x3FB5]  }
0x2e: {  	s3 =	simm.s32 @!p0 $0x1082;
	s9 =	sld [smem:$0x3FB6]  }
0x2f: {  	lr =	sadd.s32 s0, s3;
	s0 =	sld [smem:$0x3FAD]  }
0x30: {  	s3 =	sld [smem:$0x3FB0]  }
0x31: {  	[smem:$0x3FB9] =	sst s10  }
0x32: {  	s10 =	sld [smem:$0x3FB7];
	_ =	sdelay $0x3  }
0x33: {  	p0 =	seq.s32 s10, $0x1;
	s10 =	sld [smem:$0x3FB9];
	_ =	sdelay $0x3  }
0x34: {  	[smem:$0x3FB9] =	sst s10  }
0x35: {  	s10 =	sld [smem:$0x3FB8];
	_ =	sdelay $0x3  }
0x36: {  	p1 =	seq.s32 s10, $0x1;
	s10 =	sld [smem:$0x3FB9];
	_ =	sdelay $0x3  }
0x37: {  	[smem:$0x3FB9] =	sst s10  }
0x38: {  	s10 =	sld [smem:$0x3FBA]  }
0x39: {  	_ = 	snop;
	(pc) =	sbr.ind lr, $3  }
0x3a: {  	_ = 	snop  }
0x3b: {  	_ = 	snop  }
0x3c: {  	p2 =	seq.s32 s10, $0x1;
	s10 =	sld [smem:$0x3FB9]  }
0x3d: {  	_ =	shalt  }
0x3e: {  	_ =	shalt  }
0x3f: {  	_ =	shalt  }
0x40: {  	_ =	shalt  }
0x41: {  	_ =	shalt  }
0x42: {  	_ =	shalt  }
0x43: {  	_ =	shalt  }
0x44: {  	_ =	shalt  }
0x45: {  	_ =	shalt  }
0x46: {  	_ =	shalt  }
0x47: {  	_ =	shalt  }
0x48: {  	_ =	shalt  }
0x49: {  	_ =	shalt  }
0x4a: {  	_ =	shalt  }
0x4b: {  	_ =	shalt  }
0x4c: {  	_ =	shalt  }
0x4d: {  	_ =	shalt  }
0x4e: {  	_ =	shalt  }
0x4f: {  	_ =	shalt  }
0x50: {  	_ =	shalt  }
0x51: {  	_ =	shalt  }
0x52: {  	_ =	shalt  }
0x53: {  	_ =	shalt  }
0x54: {  	_ =	shalt  }
0x55: {  	_ =	shalt  }
0x56: {  	_ =	shalt  }
0x57: {  	_ =	shalt  }
0x58: {  	_ =	shalt  }
0x59: {  	_ =	shalt  }
0x5a: {  	_ =	shalt  }
0x5b: {  	_ =	shalt  }
0x5c: {  	_ =	shalt  }
0x5d: {  	_ =	shalt  }
0x5e: {  	_ =	shalt  }
0x5f: {  	_ =	shalt  }
0x60: {  	_ =	shalt  }
0x61: {  	_ =	shalt  }
0x62: {  	_ =	shalt  }
0x63: {  	_ =	shalt  }
0x64: {  	_ =	shalt  }
0x65: {  	_ =	shalt  }
0x66: {  	_ =	shalt  }
0x67: {  	_ =	shalt  }
0x68: {  	_ =	shalt  }
0x69: {  	_ =	shalt  }
0x6a: {  	_ =	shalt  }
0x6b: {  	_ =	shalt  }
0x6c: {  	_ =	shalt  }
0x6d: {  	_ =	shalt  }
0x6e: {  	_ =	shalt  }
0x6f: {  	_ =	shalt  }
0x70: {  	_ =	shalt  }
0x71: {  	_ =	shalt  }
0x72: {  	_ =	shalt  }
0x73: {  	_ =	shalt  }
0x74: {  	_ =	shalt  }
0x75: {  	_ =	shalt  }
0x76: {  	_ =	shalt  }
0x77: {  	_ =	shalt  }
0x78: {  	_ =	shalt  }
0x79: {  	_ =	shalt  }
0x7a: {  	_ =	shalt  }
0x7b: {  	_ =	shalt  }
0x7c: {  	_ =	shalt  }
0x7d: {  	_ =	shalt  }
0x7e: {  	_ =	shalt  }
0x7f: {  	_ =	shalt  }
0x80: {  	_ =	shalt  }
0x81: {  	_ =	shalt  }
0x82: {  	_ =	shalt  }
0x83: {  	_ =	shalt  }
0x84: {  	_ =	shalt  }
0x85: {  	_ =	shalt  }
0x86: {  	_ =	shalt  }
0x87: {  	_ =	shalt  }
.Lfunc_end0:
.L_simem_size_0:
called_computation_lowered:
.L_overlay_start_0:
0x88: {  	s2 =	sld [smem:$0x3FD9]  }
0x89: {  	s3 =	sld [smem:$0x3FFE];
	_ =	sdelay $0x1  }
0x8a: {  	s1 =	srdreg.scid  }
0x8b: {  	s0 =	sand.u32 $0x1, s1  }
0x8c: {  	s18 =	sshll.u32 s0, $0xA;
	s2 =	sadd.s32 s3, s2  }
0x8d: {  	s2 =	sadd.s32 s2, s18  }
0x8e: {  	[smem:$0x3FC5] =	sst s2  }
0x8f: {  	_ = 	snop  }
0x90: {  	s2 =	sld [smem:$0x3FC9]  }
0x91: {  	s19 =	sld [smem:$0x3FC8]  }
0x92: {  	s4 =	sld [smem:$0x3FC7]  }
0x93: {  	s5 =	sld [smem:$0x3FD0];
	(tm) =	ssettm $0x1  }
0x94: {  	s6 =	sld [smem:$0x3FFB];
	_ =	sdelay $0x3  }
0x95: {  	_ =	strace s6  }
0x96: {  	s6 =	sld [smem:$0x3FFC];
	_ =	sdelay $0x3  }
0x97: {  	_ =	strace s6  }
0x98: {  	s6 =	sld [smem:$0x3FFD];
	_ =	sdelay $0x3  }
0x99: {  	_ =	strace s6  }
0x9a: {  	_ =	strace $0x8FFFFFFF  }
0x9b: {  	s20 =	sld [smem:$0x3FDB];
	_ =	sdelay $0x1  }
0x9c: {  	s7 =	simm.s32 $_scs_section_size  }
0x9d: {  	s8 =	simm.s32 $_size__tile_overlayer_lowered;
	s9 =	simm.s32 $_tile_overlayer_lowered  }
0x9e: {  	s23 =	simm.s32 $0x1BFF;
	s22 =	sshll.u32 s9, $0x1;
	s6 =	sadd.s32 s7, s20  }
0x9f: {  	s10 =	simm.s32 $0x0;
	s21 =	sshll.u32 s8, $0x1;
	s8 =	sadd.s32 s22, s6  }
0xa0: {  	[timem:s10], [sflag:s23] =	dma.local [hbm:s8], s21  }
0xa1: {  	_ =	swait.ge [sflag:s23], s21  }
0xa2: {  	s7 =	ssub.s32 $0x0, s21;
	[sflag:s23] =	ssyncset.done $0x0  }
0xa3: {  	[sflag:s23] =	ssyncadd.s32 s7;
	_ =	sdelay $0x1  }
0xa4: {  	s24 =	simm.s32 $0x1B8B  }
0xa5: {  	_ =	swait.ge [sflag:s24], $0x1  }
0xa6: {  	[sflag:s24] =	ssyncset.done $0x0  }
0xa7: {  	s25 =	simm.s32 $0x1B8E;
	[sflag:s24] =	ssyncadd.s32 $0xFFFFFFFF  }
0xa8: {  	s26 =	simm.s32 $execute0_lowered;
	[smem:$0x3FD2] =	sst s25  }
0xa9: {  	s7 =	sshll.u32 s26, $0x1;
	_ =	strace $0x80000046;
	[dreg:$0x1] =	wrdreg $0xFFFFFFFF  }
0xaa: {  	s28 =	simm.s32 $_size_execute0_lowered;
	s6 =	sadd.s32 s6, s7;
	[dreg:$0x0] =	wrdreg $0x0  }
0xab: {  	s7 =	sshll.u32 s28, $0x1;
	[dreg:$0x2] =	wrdreg s6  }
0xac: {  	[dreg:$0x3] =	wrdreg s7  }
0xad: {  	[dreg:$0x4] =	wrdreg $0xC0  }
0xae: {  	_ =	task [dreg:s10], $0x5FFFF  }
0xaf: {  	[dreg:$0x1] =	wrdreg $0xFFFFFFFF  }
0xb0: {  	[dreg:$0x0] =	wrdreg $0x60  }
0xb1: {  	[dreg:$0x2] =	wrdreg s2  }
0xb2: {  	[dreg:$0x3] =	wrdreg s19  }
0xb3: {  	[dreg:$0x4] =	wrdreg s4  }
0xb4: {  	[dreg:$0x5] =	wrdreg s5  }
0xb5: {  	[dreg:$0x6] =	wrdreg $0x9  }
0xb6: {  	_ =	task.clear_ibuf [dreg:s10], $0x7FFFF;
	_ =	strace $0x90000046  }
0xb7: {  	s29 =	simm.s32 $0x9;
	_ =	strace $0x80000048  }
0xb8: {  	_ =	swait.ge [sflag:s29], $0x1  }
0xb9: {  	[sflag:s29] =	ssyncadd.s32 $0xFFFFFFFF  }
0xba: {  	_ =	strace $0x90000048  }
0xbb: {  	_ =	sfence  }
0xbc: {  	s30 =	sld [smem:$0x0];
	_ =	sdelay $0x2  }
0xbd: {  	s31 =	sshll.u32 s1, $0xD;
	s1 =	sshrl.u32 s1, $0x2  }
0xbe: {  	s3 =	sand.u32 $0x4000, s31;
	s1 =	sadd.s32 s1, s30  }
0xbf: {  	s0 =	sor.u32 s3, s0;
	s1 =	sshll.u32 s1, $0x11  }
0xc0: {  	s0 =	sor.u32 s1, s0  }
0xc1: {  	s0 =	sadd.s32 $0x8F2B, s0  }
0xc2: {  	[sflag:s0] =	ssyncadd.remote.s32 $0x1  }
0xc3: {  	_ =	sfence.sel $0xFFFF  }
0xc4: {  	[dreg:$0x0] =	wrdreg $0xFFFFFFFF;
	(pc) =	sbr.abs _section_cstart, $3  }
0xc5: {  	[dreg:$0x1] =	wrdreg $0xFFFFFFFF  }
0xc6: {  	_ =	task.clear_ibuf [dreg:s10], $0x2FFFF;
	_ =	strace $0x9FFFFFFF  }
0xc7: {  	(tm) =	ssettm $0x7FFFFFFF  }
tec
execute0_lowered:
.L_overlay_start_1:
0x0: {  	(tag) =	ssettag $0x1  }
0x1: {  	s4 =	rddreg [dreg:$0x0]  }
0x2: {  	s5 =	rddreg [dreg:$0x2];
	s0 =	srdreg.scid  }
0x3: {  	s3 =	simm.s32 $0x0;
	s2 =	stileid.u32;
	s0 =	sand.u32 $0x1, s0  }
0x4: {  	s2 =	sshll.u32 s2, $0xF;
	s1 =	ssub.s32 $0x2, s0;
	s0 =	sshll.u32 s0, $0xE  }
0x5: {  	[smem:$0x7FF] =	sst s3;
	s2 =	sor.u32 s0, s2  }
0x6: {  	_ =	strace $0x80000047;
	s25 =	sadd.s32 s5, s2;
	[smem:$0x7F7] =	sst s2  }
0x7: {  	s26 =	sor.u32 $0x400, s2;
	[smem:$0x7F4] =	sst s25  }
0x8: {  	s22 =	sshrl.u32 s1, $0x1;
	s28 =	sor.u32 $0x440, s2;
	[smem:$0x7F5] =	sst s26  }
0x9: {  	s24 =	sadd.s32 s4, s2;
	s2 =	sor.u32 $0x800, s2;
	[smem:$0x7F6] =	sst s28  }
0xa: {  	s23 =	ssub.s32 s1, s22;
	[smem:$0x7F8] =	sst s2  }
0xb: {  	s0 =	smax.u32 s23, $0x1;
	[smem:$0x7FC] =	sst s24  }
0xc: {  	s14 =	simm.s32 $0x10400;
	s29 =	sadd.s32 $0x80000, s24;
	[smem:$0x7F9] =	sst s0  }
0xd: {  	s3 =	simm.s32 $0x400;
	s30 =	sadd.s32 $0x100000, s24;
	[smem:$0x7FA] =	sst s29  }
0xe: {  	s5 =	simm.s32 $0x11400;
	s31 =	sadd.s32 $0x180000, s24;
	[smem:$0x7FB] =	sst s30  }
0xf: {  	s4 =	simm.s32 $0x0;
	s2 =	simm.s32 $0x200;
	[smem:$0x7FD] =	sst s31  }
.LBB2_1:
0x10: {  	[smem:$0x7F3] =	sst s4  }
0x11: {  	s0 =	rddreg [dreg:$0x1];
	s1 =	simm.s32 $0x0;
	s22 =	simm.s32 $0x9  }
0x12: {  	[tilespmem:s1], [sflag:$0x9] =	stream.linear.gather [hbm4b:s0+s1], $0x400, $0x38;
	[tilespmem:$0x14400] =	vst v63  }
0x13: {  	_ =	swait.ge [sflag:s22], $0x400  }
0x14: {  	s23 =	sld [smem:$0x7FC]  }
0x15: {  	[sflag:s22] =	ssyncset.done $0x0  }
0x16: {  	s24 =	sld [smem:$0x7FA];
	[sflag:s22] =	ssyncadd.s32 $0xFFFFFC00  }
0x17: {  	[tilespmem:s3], [sflag:$0x1] =	stream.strided.gather [hbm4b:s23+s2], $0x1000, s3, s2, $0x38;
	[tilespmem:$0x14400] =	vst v63  }
0x18: {  	s25 =	simm.s32 $0x1400;
	s26 =	sld [smem:$0x7FB]  }
0x19: {  	[tilespmem:s25], [sflag:$0x1] =	stream.strided.gather [hbm4b:s24+s2], $0x1000, s3, s2, $0x38;
	[tilespmem:$0x14400] =	vst v63  }
0x1a: {  	s28 =	simm.s32 $0x2400;
	s29 =	sld [smem:$0x7FD]  }
0x1b: {  	[tilespmem:s28], [sflag:$0x1] =	stream.strided.gather [hbm4b:s26+s2], $0x1000, s3, s2, $0x38;
	[tilespmem:$0x14400] =	vst v63  }
0x1c: {  	s30 =	simm.s32 $0x3400;
	s31 =	sld [smem:$0x7F4]  }
0x1d: {  	[tilespmem:s30], [sflag:$0x1] =	stream.strided.gather [hbm4b:s29+s2], $0x1000, s3, s2, $0x38;
	[tilespmem:$0x14400] =	vst v63  }
0x1e: {  	s0 =	simm.s32 $0x0  }
0x1f: {  	[tilespmem:s14], [sflag:$0x1] =	stream.strided.gather [hbm4b:s31+s2], $0x1000, s3, s2, $0x38;
	[tilespmem:$0x14400] =	vst v63  }
.LBB2_2:
0x20: {  	p0 =	seq.s32 s0, $0x0  }
0x21: {  	[smem:$0x7EE] =	sst s0;
	s4 =	sshll.u32 s0, $0xB;
	s0 =	simm.s32 @!p0 $0x6  }
0x22: {  	_ =	swait.ge @!p0 [sflag:s0], $0x4000  }
0x23: {  	s1 =	sld [smem:$0x7F7];
	_ =	sdelay $0x1  }
0x24: {  	[sflag:s0] =	ssyncset.done @!p0 $0x0  }
0x25: {  	[sflag:s0] =	ssyncadd.s32 @!p0 $0xFFFFC000;
	s1 =	sor.u32 s1, s4  }
0x26: {  	s0 =	rddreg [dreg:$0x0];
	s6 =	sor.u32 $0x40, s1  }
0x27: {  	s22 =	simm.s32 $0x4400;
	s0 =	sadd.s32 s0, s6  }
0x28: {  	[tilespmem:s22], [sflag:$0x2] =	stream.strided.gather [hbm4b:s0+s2], $0x1000, s3, s2, $0x38;
	[tilespmem:$0x14400] =	vst v63  }
0x29: {  	s24 =	simm.s32 $0x5400;
	[smem:$0x7EF] =	sst s4;
	s23 =	sadd.s32 $0x80000, s0  }
0x2a: {  	[tilespmem:s24], [sflag:$0x2] =	stream.strided.gather [hbm4b:s23+s2], $0x1000, s3, s2, $0x38;
	[tilespmem:$0x14400] =	vst v63  }
0x2b: {  	s26 =	simm.s32 $0x6400;
	s8 =	rddreg [dreg:$0x2];
	s25 =	sadd.s32 $0x100000, s0  }
0x2c: {  	[tilespmem:s26], [sflag:$0x2] =	stream.strided.gather [hbm4b:s25+s2], $0x1000, s3, s2, $0x38;
	[tilespmem:$0x14400] =	vst v63  }
0x2d: {  	s7 =	simm.s32 $0x7400;
	[smem:$0x7F0] =	sst s1;
	s0 =	sadd.s32 $0x180000, s0  }
0x2e: {  	[tilespmem:s7], [sflag:$0x2] =	stream.strided.gather [hbm4b:s0+s2], $0x1000, s3, s2, $0x38;
	[tilespmem:$0x14400] =	vst v63  }
0x2f: {  	s9 =	simm.s32 $0x1;
	[smem:$0x7F1] =	sst s6;
	s0 =	sadd.s32 s8, s6  }
0x30: {  	[tilespmem:s5], [sflag:$0x2] =	stream.strided.gather [hbm4b:s0+s2], $0x1000, s3, s2, $0x38;
	[tilespmem:$0x14400] =	vst v63  }
0x31: {  	_ =	swait.ge [sflag:s9], $0x4000  }
0x32: {  	[sflag:s9] =	ssyncset.done $0x0  }
0x33: {  	s10 =	simm.s32 $0x0;
	[sflag:s9] =	ssyncadd.s32 $0xFFFFC000  }
0x34: {  	s4 =	sand.u32 $0x40, s10;
	_ =	swait.ge [sflag:s9], $0x1000  }
0x35: {  	s11 =	sand.u32 $0x380, s10;
	s1 =	sor.u32 $0x30, s4;
	[sflag:s9] =	ssyncset.done $0x0  }
0x36: {  	s12 =	sor.u32 s1, s11;
	[sflag:s9] =	ssyncadd.s32 $0xFFFFF000  }
0x37: {  	v0 =	vld [tilespmem:s12+$0x0];
	_ =	sdelay $0x4  }
0x38: {  	v1 =	vshll.u32 v0, $0x2  }
0x39: {  	s5 =	sand.u32 $0xE00, s10;
	v0 =	vand.u32 $0x7F, v0;
	v1 =	vand.u32 $0xFFFFFE00, v1  }
0x3a: {  	s3 =	sadd.s32 $0x400, s5;
	v6 =	vor.u32 v0, v1  }
0x3b: {  	s2 =	sor.u32 $0x10, s4;
	s8 =	sor.u32 s1, s3  }
0x3c: {  	s17 =	sor.u32 $0x20, s4;
	s13 =	sor.u32 s2, s11;
	v2 =	vld [tilespmem:s8+$0x0]  }
0x3d: {  	s7 =	sor.u32 s17, s11;
	v0 =	vld [tilespmem:s13+$0x0]  }
0x3e: {  	v1 =	vld [tilespmem:s7+$0x0]  }
0x3f: {  	v4 =	vld.idx.msk [tilespmem:v6+s14+$0x0], $0xffff;
	_ =	sdelay $0x3  }
0x40: {  	v3 =	vshll.u32 v0, $0x2;
	v5 =	vshll.u32 v1, $0x2  }
0x41: {  	v0 =	vand.u32 $0x7F, v0;
	v3 =	vand.u32 $0xFFFFFE00, v3;
	v7 =	vadd.f32 v2, v4  }
0x42: {  	s15 =	simm.s32 $0x0;
	s9 =	sadd.s32 $0x1400, s5;
	v3 =	vor.u32 v0, v3;
	v0 =	vand.u32 $0x7F, v1;
	v2 =	vand.u32 $0xFFFFFE00, v5  }
0x43: {  	s10 =	sor.u32 s1, s9;
	v2 =	vor.u32 v0, v2;
	v0 =	vld [tilespmem:s15+$0x0];
	[tilespmem:s8+$0x0] =	vst v7  }
0x44: {  	v1 =	vld [tilespmem:s10+$0x0]  }
0x45: {  	s16 =	sor.u32 s2, s3  }
0x46: {  	v8 =	vld [tilespmem:s16+$0x0]  }
0x47: {  	v5 =	vld.idx.msk [tilespmem:v3+s14+$0x0], $0xffff  }
0x48: {  	s6 =	sor.u32 s17, s3;
	v7 =	vld.idx.msk [tilespmem:v2+s14+$0x0], $0xffff;
	v9 =	vshll.u32 v0, $0x2  }
0x49: {  	v0 =	vand.u32 $0x7F, v0;
	v10 =	vadd.f32 v1, v4;
	v1 =	vand.u32 $0xFFFFFE00, v9;
	v9 =	vld [tilespmem:s6+$0x0]  }
0x4a: {  	s11 =	sadd.s32 $0x2400, s5;
	v1 =	vor.u32 v0, v1  }
0x4b: {  	s19 =	sor.u32 s1, s11;
	[tilespmem:s10+$0x0] =	vst v10  }
0x4c: {  	v0 =	vld [tilespmem:s19+$0x0]  }
0x4d: {  	s3 =	sor.u32 s4, s3;
	v8 =	vadd.f32 v8, v5  }
0x4e: {  	v10 =	vld [tilespmem:s3+$0x0];
	v9 =	vadd.f32 v9, v7  }
0x4f: {  	s12 =	sor.u32 s2, s9;
	[tilespmem:s16+$0x0] =	vst v8;
	v8 =	vld.idx.msk [tilespmem:v1+s14+$0x0], $0xffff  }
0x50: {  	s13 =	sor.u32 s17, s9;
	[tilespmem:s6+$0x0] =	vst v9;
	v9 =	vld [tilespmem:s12+$0x0]  }
0x51: {  	v0 =	vadd.f32 v0, v4;
	v11 =	vld [tilespmem:s13+$0x0]  }
0x52: {  	s20 =	sadd.s32 $0x3400, s5  }
0x53: {  	s21 =	sor.u32 s1, s20;
	[tilespmem:s19+$0x0] =	vst v0  }
0x54: {  	v0 =	vld [tilespmem:s21+$0x0];
	v10 =	vadd.f32 v10, v8  }
0x55: {  	v9 =	vadd.f32 v9, v5  }
0x56: {  	s9 =	sor.u32 s4, s9;
	[tilespmem:s3+$0x0] =	vst v10;
	v10 =	vadd.f32 v11, v7  }
0x57: {  	s15 =	sor.u32 s2, s11;
	v11 =	vor.u32 $0x80, v6;
	v12 =	vld [tilespmem:s9+$0x0];
	[tilespmem:s12+$0x0] =	vst v9  }
0x58: {  	s22 =	sor.u32 s17, s11;
	v9 =	vld [tilespmem:s15+$0x0];
	[tilespmem:s13+$0x0] =	vst v10  }
0x59: {  	v0 =	vadd.f32 v0, v4;
	v4 =	vld [tilespmem:s22+$0x0];
	_ =	sdelay $0x1  }
0x5a: {  	[tilespmem:s21+$0x0] =	vst v0  }
0x5b: {  	v0 =	vld.idx.msk [tilespmem:v11+s14+$0x0], $0xffff;
	v10 =	vadd.f32 v12, v8  }
0x5c: {  	v11 =	vld [tilespmem:s8+$0x80];
	v9 =	vadd.f32 v9, v5  }
0x5d: {  	s23 =	sor.u32 s4, s11;
	[tilespmem:s9+$0x0] =	vst v10;
	v4 =	vadd.f32 v4, v7  }
0x5e: {  	s24 =	sor.u32 s2, s20;
	v10 =	vld [tilespmem:s23+$0x0];
	[tilespmem:s15+$0x0] =	vst v9  }
0x5f: {  	[tilespmem:s22+$0x0] =	vst v4;
	v4 =	vld [tilespmem:s24+$0x0]  }
0x60: {  	s25 =	sor.u32 s17, s20  }
0x61: {  	v9 =	vld [tilespmem:s25+$0x0];
	v11 =	vadd.f32 v11, v0  }
0x62: {  	s26 =	sadd.s32 $0x1480, s5;
	v12 =	vor.u32 $0x80, v3  }
0x63: {  	s18 =	sor.u32 s1, s26;
	[tilespmem:s8+$0x80] =	vst v11;
	v10 =	vadd.f32 v10, v8  }
0x64: {  	v11 =	vor.u32 $0x80, v2;
	v13 =	vld [tilespmem:s18+$0x0];
	v4 =	vadd.f32 v4, v5  }
0x65: {  	s19 =	sor.u32 s4, s20;
	[tilespmem:s23+$0x0] =	vst v10  }
0x66: {  	v5 =	vadd.f32 v9, v7;
	v7 =	vld [tilespmem:s19+$0x0];
	[tilespmem:s24+$0x0] =	vst v4  }
0x67: {  	v4 =	vld.idx.msk [tilespmem:v12+s14+$0x0], $0xffff  }
0x68: {  	[tilespmem:s25+$0x0] =	vst v5;
	v10 =	vld [tilespmem:s16+$0x80]  }
0x69: {  	v5 =	vld.idx.msk [tilespmem:v11+s14+$0x0], $0xffff;
	v9 =	vadd.f32 v13, v0;
	v11 =	vor.u32 $0x80, v1  }
0x6a: {  	s20 =	sadd.s32 $0x2480, s5;
	v12 =	vld [tilespmem:s6+$0x80]  }
0x6b: {  	s11 =	sor.u32 s1, s20;
	[tilespmem:s18+$0x0] =	vst v9;
	v7 =	vadd.f32 v7, v8  }
0x6c: {  	v9 =	vld [tilespmem:s11+$0x0]  }
0x6d: {  	[tilespmem:s19+$0x0] =	vst v7  }
0x6e: {  	v7 =	vadd.f32 v10, v4;
	v13 =	vld.idx.msk [tilespmem:v11+s14+$0x0], $0xffff  }
0x6f: {  	v8 =	vadd.f32 v12, v5;
	v10 =	vld [tilespmem:s3+$0x80]  }
0x70: {  	s15 =	sor.u32 s2, s26;
	[tilespmem:s16+$0x80] =	vst v7  }
0x71: {  	s16 =	sor.u32 s17, s26;
	[tilespmem:s6+$0x80] =	vst v8;
	v7 =	vadd.f32 v9, v0;
	v9 =	vld [tilespmem:s15+$0x0]  }
0x72: {  	s18 =	sadd.s32 $0x3480, s5;
	v8 =	vld [tilespmem:s16+$0x0]  }
0x73: {  	s21 =	sor.u32 s1, s18;
	[tilespmem:s11+$0x0] =	vst v7  }
0x74: {  	v7 =	vld [tilespmem:s21+$0x0];
	v10 =	vadd.f32 v10, v13;
	_ =	sdelay $0x1  }
0x75: {  	s22 =	sor.u32 s4, s26;
	v9 =	vadd.f32 v9, v4;
	[tilespmem:s3+$0x80] =	vst v10  }
0x76: {  	p1 =	por $0x0, $0x0;
	v11 =	vor.u32 $0x100, v6;
	s11 =	simm.s32 $0x1;
	v8 =	vadd.f32 v8, v5;
	v10 =	vld [tilespmem:s22+$0x0]  }
0x77: {  	s24 =	sor.u32 s2, s20;
	s11 =	simm.s32 @!p1 $0x0;
	[tilespmem:s15+$0x0] =	vst v9  }
0x78: {  	s26 =	sor.u32 s17, s20;
	s25 =	sshll.u32 s11, $0x6;
	[tilespmem:s16+$0x0] =	vst v8;
	v0 =	vadd.f32 v7, v0;
	v7 =	vld [tilespmem:s24+$0x0]  }
0x79: {  	s3 =	sadd.s32 $0x0, s25;
	v8 =	vld [tilespmem:s26+$0x0]  }
0x7a: {  	s23 =	sadd.s32 $0x30, s3;
	[tilespmem:s21+$0x0] =	vst v0  }
0x7b: {  	s11 =	simm.s32 $0x40;
	s0 =	sor.u32 $0x100, s23;
	v12 =	vld.idx.msk [tilespmem:v11+s14+$0x0], $0xffff;
	v9 =	vadd.f32 v10, v13  }
0x7c: {  	s12 =	sand.u32 $0x40, s11;
	v0 =	vld [tilespmem:s0+$0x400]  }
0x7d: {  	s9 =	sor.u32 s4, s20;
	s8 =	sand.u32 $0x380, s11;
	s28 =	sor.u32 $0x30, s12;
	[tilespmem:s22+$0x0] =	vst v9;
	v7 =	vadd.f32 v7, v4  }
0x7e: {  	s13 =	sor.u32 s28, s8;
	v8 =	vadd.f32 v8, v5;
	v9 =	vld [tilespmem:s9+$0x0]  }
0x7f: {  	s16 =	sor.u32 s2, s18;
	[tilespmem:s24+$0x0] =	vst v7;
	v7 =	vld [tilespmem:s13+$0x0]  }
0x80: {  	s19 =	sor.u32 s17, s18;
	[tilespmem:s26+$0x0] =	vst v8;
	v10 =	vld [tilespmem:s16+$0x0]  }
0x81: {  	v0 =	vadd.f32 v0, v12;
	v8 =	vld [tilespmem:s19+$0x0]  }
0x82: {  	s25 =	sadd.s32 $0x1500, s5  }
0x83: {  	v14 =	vor.u32 $0x100, v3;
	s20 =	sor.u32 s1, s25;
	s30 =	sor.u32 $0x10, s12;
	[tilespmem:s0+$0x400] =	vst v0  }
0x84: {  	v15 =	vor.u32 $0x100, v2;
	s29 =	sor.u32 $0x20, s12;
	s21 =	sor.u32 s30, s8;
	v11 =	vld [tilespmem:s20+$0x0];
	v0 =	vadd.f32 v9, v13  }
0x85: {  	s8 =	sor.u32 s29, s8;
	v16 =	vld [tilespmem:s21+$0x0];
	v9 =	vshll.u32 v7, $0x2;
	v4 =	vadd.f32 v10, v4  }
0x86: {  	s18 =	sor.u32 s4, s18;
	v17 =	vld [tilespmem:s8+$0x0];
	s22 =	simm.s32 $0x100;
	v7 =	vand.u32 $0x7F, v7;
	v9 =	vand.u32 $0xFFFFFE00, v9;
	[tilespmem:s9+$0x0] =	vst v0;
	v5 =	vadd.f32 v8, v5  }
0x87: {  	s31 =	sand.u32 $0xE00, s22;
	v0 =	vor.u32 v7, v9;
	v7 =	vld [tilespmem:s18+$0x0];
	[tilespmem:s16+$0x0] =	vst v4  }
0x88: {  	s24 =	simm.s32 $0x100;
	s0 =	sadd.s32 $0x400, s31;
	[tilespmem:s19+$0x0] =	vst v5;
	v8 =	vld.idx.msk [tilespmem:v14+s14+$0x0], $0xffff  }
0x89: {  	s13 =	sor.u32 s28, s0;
	s9 =	sadd.s32 $0x10, s3;
	v4 =	vadd.f32 v11, v12;
	v9 =	vld.idx.msk [tilespmem:v15+s14+$0x0], $0xffff;
	[dreg:$0x11] =	wrdreg s24  }
0x8a: {  	v10 =	vand.u32 $0x7F, v16;
	s16 =	sadd.s32 $0x2500, s5;
	v5 =	vshll.u32 v16, $0x2;
	s19 =	sor.u32 $0x100, s9;
	v16 =	vld [tilespmem:s13+$0x0]  }
0x8b: {  	s26 =	sor.u32 s1, s16;
	v18 =	vld [tilespmem:s19+$0x400];
	[tilespmem:s20+$0x0] =	vst v4  }
0x8c: {  	s8 =	sadd.s32 $0x20, s3;
	v4 =	vand.u32 $0xFFFFFE00, v5;
	v5 =	vshll.u32 v17, $0x2;
	v14 =	vld [tilespmem:s26+$0x0]  }
0x8d: {  	s20 =	sor.u32 $0x100, s8;
	v11 =	vand.u32 $0xFFFFFE00, v5;
	v5 =	vor.u32 v10, v4;
	v15 =	vld.idx.msk [tilespmem:v0+s14+$0x0], $0xffff  }
0x8e: {  	s24 =	simm.s32 $0x40;
	v19 =	vld [tilespmem:s20+$0x400]  }
0x8f: {  	s6 =	sor.u32 s12, s0;
	v4 =	vand.u32 $0x7F, v17;
	v17 =	vld [tilespmem:s24+$0x0]  }
0x90: {  	s10 =	sor.u32 s30, s0;
	v21 =	vld [tilespmem:s6+$0x0];
	v7 =	vadd.f32 v7, v13  }
0x91: {  	v22 =	vld [tilespmem:s10+$0x0];
	v4 =	vor.u32 v4, v11;
	v14 =	vadd.f32 v14, v12  }
0x92: {  	s15 =	sadd.s32 $0x3500, s5;
	s11 =	sor.u32 s29, s0;
	s0 =	sor.u32 $0x100, s3;
	[tilespmem:s18+$0x0] =	vst v7;
	v11 =	vld.idx.msk [tilespmem:v5+s14+$0x0], $0xffff;
	v16 =	vadd.f32 v16, v15  }
0x93: {  	s21 =	sadd.s32 $0x1400, s31;
	v7 =	vadd.f32 v18, v8;
	v18 =	vadd.f32 v19, v9;
	v19 =	vld [tilespmem:s0+$0x400];
	[tilespmem:s26+$0x0] =	vst v14;
	s26 =	sor.u32 s1, s15  }
0x94: {  	v20 =	vor.u32 $0x100, v1;
	s22 =	sor.u32 s28, s21;
	v13 =	vshll.u32 v17, $0x2;
	[tilespmem:s13+$0x0] =	vst v16;
	v23 =	vld [tilespmem:s26+$0x0]  }
0x95: {  	v13 =	vand.u32 $0xFFFFFE00, v13;
	v14 =	vand.u32 $0x7F, v17;
	v16 =	vld [tilespmem:s22+$0x0]  }
0x96: {  	v10 =	vld.idx.msk [tilespmem:v4+s14+$0x0], $0xffff;
	v14 =	vor.u32 v14, v13  }
0x97: {  	v6 =	vor.u32 $0x180, v6;
	[tilespmem:s19+$0x400] =	vst v7;
	s19 =	sor.u32 s2, s25;
	v17 =	vld [tilespmem:s11+$0x0]  }
0x98: {  	[tilespmem:s20+$0x400] =	vst v18;
	v18 =	vld [tilespmem:s19+$0x0]  }
0x99: {  	s20 =	sor.u32 s17, s25;
	v13 =	vld.idx.msk [tilespmem:v20+s14+$0x0], $0xffff;
	v7 =	vadd.f32 v23, v12  }
0x9a: {  	v12 =	vld [tilespmem:s20+$0x0];
	v16 =	vadd.f32 v16, v15  }
0x9b: {  	s7 =	sadd.s32 $0x2400, s31;
	v20 =	vld.idx.msk [tilespmem:v14+s14+$0x0], $0xffff;
	[tilespmem:s26+$0x0] =	vst v7  }
0x9c: {  	[tilespmem:s22+$0x0] =	vst v16;
	v16 =	vadd.f32 v22, v11;
	s22 =	sor.u32 s28, s7;
	v7 =	vld.idx.msk [tilespmem:v6+s14+$0x0], $0xffff  }
0x9d: {  	s23 =	sor.u32 $0x180, s23;
	v6 =	vadd.f32 v17, v10;
	v17 =	vld [tilespmem:s22+$0x0]  }
0x9e: {  	s24 =	sor.u32 s30, s21;
	[tilespmem:s10+$0x0] =	vst v16;
	v16 =	vadd.f32 v19, v13;
	v19 =	vld [tilespmem:s23+$0x400]  }
0x9f: {  	s26 =	sor.u32 s29, s21;
	[tilespmem:s11+$0x0] =	vst v6;
	v6 =	vadd.f32 v18, v8;
	v18 =	vld [tilespmem:s24+$0x0]  }
0xa0: {  	v21 =	vadd.f32 v21, v20;
	[tilespmem:s0+$0x400] =	vst v16;
	s0 =	sor.u32 s4, s25;
	v16 =	vld [tilespmem:s26+$0x0]  }
0xa1: {  	s18 =	sor.u32 s2, s16;
	[tilespmem:s19+$0x0] =	vst v6;
	v6 =	vadd.f32 v12, v9;
	v12 =	vld [tilespmem:s0+$0x0]  }
0xa2: {  	s19 =	sor.u32 s12, s21;
	[tilespmem:s6+$0x0] =	vst v21;
	v58 =	vld [tilespmem:s18+$0x0];
	v17 =	vadd.f32 v17, v15  }
0xa3: {  	s21 =	sadd.s32 $0x3400, s31;
	[tilespmem:s20+$0x0] =	vst v6;
	v6 =	vadd.f32 v19, v7;
	v19 =	vld [tilespmem:s19+$0x0];
	s20 =	sor.u32 s17, s16  }
0xa4: {  	s25 =	sadd.s32 $0x1580, s5;
	[tilespmem:s22+$0x0] =	vst v17;
	v17 =	vld [tilespmem:s20+$0x0];
	v18 =	vadd.f32 v18, v11;
	s22 =	sor.u32 s28, s21  }
0xa5: {  	[tilespmem:s23+$0x400] =	vst v6;
	v6 =	vadd.f32 v16, v10;
	v16 =	vld [tilespmem:s22+$0x0];
	s23 =	sor.u32 s1, s25  }
0xa6: {  	[tilespmem:s24+$0x0] =	vst v18;
	v18 =	vld [tilespmem:s23+$0x0];
	v12 =	vadd.f32 v12, v13;
	s24 =	sor.u32 s30, s7  }
0xa7: {  	[tilespmem:s26+$0x0] =	vst v6;
	v6 =	vld [tilespmem:s24+$0x0];
	v59 =	vadd.f32 v58, v8;
	s26 =	sor.u32 s29, s7  }
0xa8: {  	v60 =	vor.u32 $0x80, v0;
	[tilespmem:s0+$0x0] =	vst v12;
	s0 =	sor.u32 s4, s16;
	v12 =	vld [tilespmem:s26+$0x0];
	v19 =	vadd.f32 v19, v20  }
0xa9: {  	[tilespmem:s18+$0x0] =	vst v59;
	v17 =	vadd.f32 v17, v9;
	v61 =	vld [tilespmem:s0+$0x0];
	s18 =	sor.u32 s2, s15  }
0xaa: {  	[tilespmem:s19+$0x0] =	vst v19;
	s19 =	sor.u32 s12, s7;
	v19 =	vld [tilespmem:s18+$0x0];
	v15 =	vadd.f32 v16, v15  }
0xab: {  	[tilespmem:s20+$0x0] =	vst v17;
	v16 =	vld [tilespmem:s19+$0x0];
	s20 =	sor.u32 s17, s15  }
0xac: {  	[tilespmem:s22+$0x0] =	vst v15;
	v15 =	vld [tilespmem:s20+$0x0];
	v6 =	vadd.f32 v6, v11  }
0xad: {  	v12 =	vadd.f32 v12, v10;
	v17 =	vld.idx.msk [tilespmem:v60+s14+$0x0], $0xffff  }
0xae: {  	s22 =	sor.u32 s30, s21;
	[tilespmem:s24+$0x0] =	vst v6;
	v6 =	vadd.f32 v18, v7;
	v18 =	vld [tilespmem:s13+$0x80]  }
0xaf: {  	v3 =	vor.u32 $0x180, v3;
	s16 =	sadd.s32 $0x2580, s5;
	s24 =	sor.u32 s29, s21;
	[tilespmem:s26+$0x0] =	vst v12;
	v12 =	vadd.f32 v61, v13;
	v62 =	vld [tilespmem:s22+$0x0]  }
0xb0: {  	s7 =	sor.u32 s1, s16;
	[tilespmem:s23+$0x0] =	vst v6;
	v6 =	vor.u32 $0x180, v2;
	v2 =	vadd.f32 v16, v20;
	v16 =	vld [tilespmem:s24+$0x0]  }
0xb1: {  	s26 =	sor.u32 s4, s15;
	v8 =	vadd.f32 v19, v8;
	[tilespmem:s0+$0x0] =	vst v12;
	v63 =	vld [tilespmem:s7+$0x0]  }
0xb2: {  	v12 =	vor.u32 $0x80, v5;
	[tilespmem:s19+$0x0] =	vst v2;
	s19 =	sor.u32 s12, s21;
	v2 =	vadd.f32 v15, v9;
	v9 =	vld [tilespmem:s26+$0x0]  }
0xb3: {  	[tilespmem:s18+$0x0] =	vst v8;
	v8 =	vor.u32 $0x80, v4;
	v15 =	vld [tilespmem:s19+$0x0];
	v18 =	vadd.f32 v18, v17  }
0xb4: {  	[tilespmem:s20+$0x0] =	vst v2;
	v2 =	vld.idx.msk [tilespmem:v3+s14+$0x0], $0xffff;
	v3 =	vadd.f32 v62, v11;
	s20 =	sadd.s32 $0x1480, s31  }
0xb5: {  	[tilespmem:s13+$0x80] =	vst v18;
	v10 =	vadd.f32 v16, v10;
	v6 =	vld.idx.msk [tilespmem:v6+s14+$0x0], $0xffff;
	s21 =	sor.u32 s28, s20  }
0xb6: {  	[tilespmem:s22+$0x0] =	vst v3;
	v3 =	vor.u32 $0x80, v14;
	v16 =	vld [tilespmem:s21+$0x0]  }
0xb7: {  	[tilespmem:s24+$0x0] =	vst v10;
	v11 =	vld.idx.msk [tilespmem:v12+s14+$0x0], $0xffff  }
0xb8: {  	v10 =	vadd.f32 v15, v20;
	v12 =	vld.idx.msk [tilespmem:v8+s14+$0x0], $0xffff  }
0xb9: {  	v8 =	vld [tilespmem:s10+$0x80]  }
0xba: {  	v15 =	vld [tilespmem:s11+$0x80];
	[tilespmem:s19+$0x0] =	vst v10  }
0xbb: {  	v1 =	vor.u32 $0x180, v1;
	v10 =	vld.idx.msk [tilespmem:v3+s14+$0x0], $0xffff;
	v3 =	vadd.f32 v16, v17  }
0xbc: {  	s9 =	sor.u32 $0x180, s9;
	s15 =	sadd.s32 $0x2480, s31;
	v16 =	vld [tilespmem:s6+$0x80]  }
0xbd: {  	s23 =	sor.u32 s28, s15;
	[tilespmem:s21+$0x0] =	vst v3;
	v3 =	vadd.f32 v9, v13;
	v9 =	vld [tilespmem:s9+$0x400]  }
0xbe: {  	s8 =	sor.u32 $0x180, s8;
	v8 =	vadd.f32 v8, v11;
	v13 =	vld [tilespmem:s23+$0x0]  }
0xbf: {  	[tilespmem:s26+$0x0] =	vst v3;
	v3 =	vadd.f32 v15, v12;
	v15 =	vld [tilespmem:s8+$0x400]  }
0xc0: {  	s0 =	sor.u32 s30, s20;
	[tilespmem:s10+$0x80] =	vst v8;
	v1 =	vld.idx.msk [tilespmem:v1+s14+$0x0], $0xffff  }
0xc1: {  	s22 =	sor.u32 s29, s20;
	v8 =	vld [tilespmem:s0+$0x0];
	[tilespmem:s11+$0x80] =	vst v3;
	v3 =	vadd.f32 v16, v10  }
0xc2: {  	v18 =	vadd.f32 v63, v7;
	s26 =	sor.u32 $0x180, s3;
	v16 =	vld [tilespmem:s22+$0x0]  }
0xc3: {  	v9 =	vadd.f32 v9, v2;
	[tilespmem:s6+$0x80] =	vst v3;
	v3 =	vadd.f32 v13, v17;
	v13 =	vld [tilespmem:s26+$0x400]  }
0xc4: {  	[tilespmem:s7+$0x0] =	vst v18  }
0xc5: {  	p1 =	por !p1, !p1;
	s5 =	sadd.s32 $0x3580, s5;
	s18 =	sor.u32 s12, s20;
	[tilespmem:s9+$0x400] =	vst v9;
	v9 =	vadd.f32 v15, v6  }
0xc6: {  	s1 =	sor.u32 s1, s5;
	s20 =	sadd.s32 $0x3480, s31;
	s6 =	sor.u32 s2, s25;
	v19 =	vld [tilespmem:s18+$0x0];
	[tilespmem:s23+$0x0] =	vst v3;
	v8 =	vadd.f32 v8, v11  }
0xc7: {  	s24 =	smov.u32 s31;
	s13 =	sor.u32 s28, s20;
	s7 =	sor.u32 s17, s25;
	v3 =	vld [tilespmem:s6+$0x0];
	[tilespmem:s8+$0x400] =	vst v9;
	v16 =	vadd.f32 v16, v12  }
0xc8: {  	s19 =	sor.u32 s2, s16;
	s21 =	sor.u32 s4, s25;
	s3 =	smov.u32 s28;
	v15 =	vld [tilespmem:s13+$0x0];
	[tilespmem:s0+$0x0] =	vst v8;
	v13 =	vadd.f32 v13, v1  }
0xc9: {  	s10 =	sor.u32 s30, s15;
	s28 =	sor.u32 s17, s16;
	s11 =	sor.u32 s12, s20;
	v9 =	vld [tilespmem:s1+$0x0];
	[tilespmem:s22+$0x0] =	vst v16  }
0xca: {  	s2 =	sor.u32 s2, s5;
	s25 =	sor.u32 s17, s5;
	s8 =	simm.s32 $0x1;
	v8 =	vld [tilespmem:s7+$0x0];
	[tilespmem:s26+$0x400] =	vst v13  }
0xcb: {  	s9 =	sor.u32 s29, s15;
	s8 =	simm.s32 @!p1 $0x0;
	v18 =	vld [tilespmem:s10+$0x0];
	v16 =	vadd.f32 v19, v10;
	v19 =	vor.u32 $0x100, v0;
	[smem:$0x7F2] =	sst s2  }
0xcc: {  	s23 =	sor.u32 s4, s16;
	s22 =	sor.u32 s4, s5;
	s4 =	sshll.u32 s8, $0x6;
	v3 =	vadd.f32 v3, v2;
	v20 =	vld [tilespmem:s9+$0x0]  }
0xcd: {  	s17 =	smov.u32 s21;
	s8 =	sor.u32 s12, s15;
	s5 =	sadd.s32 $0x100, s4;
	v13 =	vadd.f32 v15, v17;
	[tilespmem:s18+$0x0] =	vst v16;
	v16 =	vld [tilespmem:s21+$0x0]  }
0xce: {  	s15 =	sor.u32 s30, s20;
	s20 =	sor.u32 s29, s20;
	v7 =	vadd.f32 v9, v7;
	s0 =	sadd.s32 $0x10, s5;
	[tilespmem:s6+$0x0] =	vst v3;
	v17 =	vld [tilespmem:s8+$0x0]  }
0xcf: {  	s26 =	sadd.s32 $0x20, s5;
	s21 =	smov.u32 s12;
	v9 =	vadd.f32 v8, v6;
	s12 =	sadd.s32 $0x30, s5;
	[tilespmem:s13+$0x0] =	vst v13;
	v15 =	vld [tilespmem:s19+$0x0]  }
0xd0: {  	s6 =	sor.u32 $0x100, s0;
	v8 =	vor.u32 $0x100, v5;
	v3 =	vor.u32 $0x180, v5;
	s18 =	sor.u32 $0x180, s0;
	[tilespmem:s1+$0x0] =	vst v7;
	v5 =	vadd.f32 v18, v11;
	s0 =	sor.u32 $0x100, s12;
	v13 =	vld.idx.msk [tilespmem:v19+s14+$0x0], $0xffff  }
0xd1: {  	s16 =	sor.u32 $0x100, s5;
	s2 =	simm.s32 $0x80;
	s31 =	sor.u32 $0x100, s26;
	v7 =	vor.u32 $0x100, v14;
	[tilespmem:s7+$0x0] =	vst v9;
	v9 =	vor.u32 $0x100, v4;
	v4 =	vor.u32 $0x180, v4;
	v18 =	vld [tilespmem:s0+$0x400]  }
0xd2: {  	s13 =	sor.u32 $0x180, s26;
	s1 =	simm.s32 $0x4;
	s7 =	sor.u32 $0x180, s5;
	[tilespmem:s10+$0x0] =	vst v5;
	v5 =	vor.u32 $0x180, v14;
	v14 =	vld [tilespmem:s28+$0x0];
	v19 =	vadd.f32 v20, v12;
	v16 =	vadd.f32 v16, v1  }
.LBB2_3:
0xd3: {  	[dreg:$0xd] =	wrdreg s2  }
0xd4: {  	s10 =	sand.u32 $0x40, s2;
	s5 =	rddreg [dreg:$0xd]  }
0xd5: {  	v20 =	vld [tilespmem:s15+$0x0];
	[tilespmem:s9+$0x0] =	vst v19;
	s9 =	sor.u32 $0x30, s10;
	s2 =	sand.u32 $0x380, s5;
	v17 =	vadd.f32 v17, v10  }
0xd6: {  	[dreg:$0x16] =	wrdreg s18;
	[tilespmem:s17+$0x0] =	vst v16;
	v19 =	vld [tilespmem:s20+$0x0];
	s4 =	sor.u32 s9, s2  }
0xd7: {  	[dreg:$0x12] =	wrdreg s22;
	s22 =	sor.u32 $0x10, s10;
	s18 =	sor.u32 $0x20, s10;
	v15 =	vadd.f32 v15, v2;
	[tilespmem:s8+$0x0] =	vst v17;
	v17 =	vld [tilespmem:s4+$0x0]  }
0xd8: {  	s5 =	sor.u32 s22, s2;
	s2 =	sor.u32 s18, s2;
	v18 =	vadd.f32 v18, v13;
	v16 =	vld [tilespmem:s23+$0x0]  }
0xd9: {  	[dreg:$0x17] =	wrdreg s7;
	s7 =	sadd.s32 $0x1500, s24;
	v21 =	vld [tilespmem:s2+$0x0];
	[tilespmem:s19+$0x0] =	vst v15  }
0xda: {  	s17 =	sor.u32 s3, s7;
	v11 =	vadd.f32 v20, v11;
	v15 =	vld [tilespmem:s5+$0x0];
	[tilespmem:s0+$0x400] =	vst v18  }
0xdb: {  	v14 =	vadd.f32 v14, v6;
	v18 =	vld [tilespmem:s17+$0x0]  }
0xdc: {  	s0 =	sld [smem:$0x7F2];
	v12 =	vadd.f32 v19, v12;
	v19 =	vld [tilespmem:s11+$0x0];
	[tilespmem:s15+$0x0] =	vst v11  }
0xdd: {  	[tilespmem:s28+$0x0] =	vst v14;
	v11 =	vld.idx.msk [tilespmem:v8+s14+$0x0], $0xffff;
	v14 =	vshll.u32 v17, $0x2;
	v16 =	vadd.f32 v16, v1  }
0xde: {  	v20 =	vld [tilespmem:s6+$0x400];
	[tilespmem:s20+$0x0] =	vst v12;
	v12 =	vand.u32 $0x7F, v17;
	v17 =	vand.u32 $0xFFFFFE00, v14  }
0xdf: {  	[dreg:$0x1c] =	wrdreg s13;
	v57 =	vld [tilespmem:s0+$0x0];
	[tilespmem:s23+$0x0] =	vst v16;
	v16 =	vor.u32 v12, v17  }
0xe0: {  	s13 =	sor.u32 s30, s7;
	v23 =	vld [tilespmem:s31+$0x400];
	v8 =	vshll.u32 v15, $0x2;
	v12 =	vand.u32 $0x7F, v15;
	v15 =	vadd.f32 v18, v13;
	s23 =	rddreg [dreg:$0x11]  }
0xe1: {  	[smem:$0x7E5] =	sst s13;
	s19 =	sadd.s32 $0x2500, s24;
	v14 =	vld.idx.msk [tilespmem:v9+s14+$0x0], $0xffff;
	v19 =	vadd.f32 v19, v10;
	s13 =	sadd.s32 $0x100, s23  }
0xe2: {  	s8 =	sor.u32 s21, s7;
	s2 =	sor.u32 s3, s19;
	v25 =	vld [tilespmem:s25+$0x0];
	s23 =	sand.u32 $0xE00, s13;
	[tilespmem:s17+$0x0] =	vst v15  }
0xe3: {  	[smem:$0x7E6] =	sst s8;
	v8 =	vand.u32 $0xFFFFFE00, v8;
	v9 =	vshll.u32 v21, $0x2;
	[tilespmem:s11+$0x0] =	vst v19;
	s11 =	sor.u32 s21, s19;
	s8 =	sadd.s32 $0x400, s23;
	v19 =	vld [tilespmem:s2+$0x0]  }
0xe4: {  	v9 =	vand.u32 $0xFFFFFE00, v9;
	v18 =	vor.u32 v12, v8;
	v12 =	vand.u32 $0x7F, v21;
	[smem:$0x7E7] =	sst s11;
	s11 =	sor.u32 s9, s8;
	v22 =	vld.idx.msk [tilespmem:v16+s14+$0x0], $0xffff  }
0xe5: {  	v20 =	vadd.f32 v20, v11;
	v24 =	vor.u32 v12, v9;
	v26 =	vld [tilespmem:s11+$0x0]  }
0xe6: {  	s26 =	sshra.s32 s13, $0x2;
	v23 =	vadd.f32 v23, v14  }
0xe7: {  	s1 =	sadd.s32 $0x4, s1;
	v2 =	vadd.f32 v57, v2;
	[tilespmem:s6+$0x400] =	vst v20;
	v27 =	vld [tilespmem:s26+$0x0]  }
0xe8: {  	[dreg:$0x9] =	wrdreg s1;
	v20 =	vadd.f32 v25, v6;
	v10 =	vor.u32 $0x80, v18;
	v28 =	vld [tilespmem:s16+$0x400];
	[tilespmem:s31+$0x400] =	vst v23  }
0xe9: {  	p2 =	slt.u32 s1, $0x3C;
	s1 =	smov.u32 s3;
	s5 =	sor.u32 s29, s7;
	v8 =	vor.u32 $0x100, v18;
	v17 =	vor.u32 $0x180, v18;
	v18 =	vld.idx.msk [tilespmem:v18+s14+$0x0], $0xffff;
	[tilespmem:s0+$0x0] =	vst v2;
	v19 =	vadd.f32 v19, v13  }
0xea: {  	s3 =	sor.u32 s10, s8;
	s17 =	sor.u32 s22, s8;
	v6 =	vld.idx.msk [tilespmem:v24+s14+$0x0], $0xffff;
	s14 =	sadd.s32 $0x3500, s24;
	[tilespmem:s25+$0x0] =	vst v20;
	v20 =	vadd.f32 v26, v22  }
0xeb: {  	v2 =	vld [tilespmem:s3+$0x0];
	s0 =	sadd.s32 $0x1400, s23;
	s25 =	sor.u32 s21, s14;
	s7 =	sor.u32 s1, s14;
	[tilespmem:s2+$0x0] =	vst v19  }
0xec: {  	s31 =	sor.u32 s9, s0;
	s26 =	sor.u32 s30, s14;
	v59 =	vshll.u32 v27, $0x2;
	[smem:$0x7E9] =	sst s25;
	v60 =	vld [tilespmem:s7+$0x0];
	[tilespmem:s11+$0x0] =	vst v20  }
0xed: {  	s15 =	sor.u32 s18, s8;
	[smem:$0x7E8] =	sst s26;
	v23 =	vand.u32 $0xFFFFFE00, v59;
	s26 =	sor.u32 s22, s0;
	v19 =	vand.u32 $0x7F, v27;
	v62 =	vld [tilespmem:s31+$0x0]  }
0xee: {  	v58 =	vld [tilespmem:s17+$0x0];
	s25 =	sor.u32 s18, s0;
	s2 =	sor.u32 s10, s0;
	s0 =	sld [smem:$0x7E5];
	v23 =	vor.u32 v19, v23  }
0xef: {  	v63 =	vor.u32 $0x180, v0;
	v61 =	vld [tilespmem:s15+$0x0]  }
0xf0: {  	v12 =	vor.u32 $0x80, v24;
	v33 =	vld [tilespmem:s5+$0x0]  }
0xf1: {  	v9 =	vor.u32 $0x100, v24;
	v15 =	vor.u32 $0x180, v24;
	s8 =	sor.u32 s29, s14;
	s14 =	simm.s32 $0x10400;
	v29 =	vld [tilespmem:s0+$0x0];
	v24 =	vadd.f32 v60, v13  }
0xf2: {  	v20 =	vld.idx.msk [tilespmem:v7+s14+$0x0], $0xffff;
	v34 =	vadd.f32 v62, v22  }
0xf3: {  	v21 =	vadd.f32 v58, v18;
	v13 =	vld.idx.msk [tilespmem:v23+s14+$0x0], $0xffff;
	[tilespmem:s7+$0x0] =	vst v24  }
0xf4: {  	s6 =	smov.u32 s24;
	s24 =	sadd.s32 $0x2400, s23;
	v32 =	vadd.f32 v61, v6;
	v35 =	vld.idx.msk [tilespmem:v63+s14+$0x0], $0xffff;
	s14 =	sor.u32 $0x180, s12;
	[tilespmem:s31+$0x0] =	vst v34  }
0xf5: {  	v40 =	vadd.f32 v33, v14;
	[tilespmem:s17+$0x0] =	vst v21;
	s12 =	sor.u32 s9, s24;
	v24 =	vld [tilespmem:s14+$0x400]  }
0xf6: {  	[tilespmem:s15+$0x0] =	vst v32;
	v38 =	vadd.f32 v29, v11;
	v37 =	vld [tilespmem:s12+$0x0]  }
0xf7: {  	v41 =	vld [tilespmem:s25+$0x0];
	[tilespmem:s5+$0x0] =	vst v40  }
0xf8: {  	s20 =	sor.u32 s30, s19;
	s19 =	sor.u32 s29, s19;
	v39 =	vld [tilespmem:s26+$0x0];
	v36 =	vadd.f32 v28, v20;
	[tilespmem:s0+$0x0] =	vst v38;
	s0 =	sld [smem:$0x7E6]  }
0xf9: {  	v44 =	vld [tilespmem:s19+$0x0];
	v2 =	vadd.f32 v2, v13  }
0xfa: {  	[tilespmem:s16+$0x400] =	vst v36;
	v43 =	vld [tilespmem:s20+$0x0];
	v24 =	vadd.f32 v24, v35  }
0xfb: {  	v42 =	vld [tilespmem:s0+$0x0];
	[tilespmem:s3+$0x0] =	vst v2;
	v2 =	vadd.f32 v37, v22  }
0xfc: {  	s16 =	sadd.s32 $0x1580, s6;
	[tilespmem:s14+$0x400] =	vst v24  }
0xfd: {  	s5 =	sadd.s32 $0x3400, s23;
	v28 =	vadd.f32 v39, v18;
	s28 =	sor.u32 s1, s16;
	v45 =	vld [tilespmem:s2+$0x0];
	[tilespmem:s12+$0x0] =	vst v2  }
0xfe: {  	v19 =	vor.u32 $0x80, v23;
	v46 =	vadd.f32 v41, v6;
	s12 =	sor.u32 s9, s5;
	v2 =	vld [tilespmem:s28+$0x0]  }
0xff: {  	v0 =	vmovc v16;
	v7 =	vor.u32 $0x100, v23;
	v16 =	vor.u32 $0x180, v23;
	s7 =	sor.u32 s22, s24;
	[tilespmem:s26+$0x0] =	vst v28;
	v23 =	vadd.f32 v43, v11;
	v47 =	vld [tilespmem:s12+$0x0]  }
0x100: {  	v26 =	vadd.f32 v44, v14;
	v28 =	vld [tilespmem:s7+$0x0];
	[tilespmem:s25+$0x0] =	vst v46  }
0x101: {  	s4 =	sor.u32 s10, s24;
	s24 =	sor.u32 s18, s24;
	v27 =	vadd.f32 v42, v20;
	s14 =	sld [smem:$0x7E7];
	[tilespmem:s20+$0x0] =	vst v23  }
0x102: {  	v24 =	vld [tilespmem:s24+$0x0];
	s20 =	sld [smem:$0x7E8];
	[tilespmem:s19+$0x0] =	vst v26;
	v48 =	vadd.f32 v45, v13  }
0x103: {  	v49 =	vor.u32 $0x80, v0;
	v50 =	vld [tilespmem:s8+$0x0];
	[tilespmem:s0+$0x0] =	vst v27;
	v2 =	vadd.f32 v2, v35  }
0x104: {  	v30 =	vld [tilespmem:s14+$0x0];
	[tilespmem:s2+$0x0] =	vst v48;
	v22 =	vadd.f32 v47, v22  }
0x105: {  	s19 =	sadd.s32 $0x2580, s6;
	v52 =	vadd.f32 v28, v18;
	v23 =	vld [tilespmem:s20+$0x0];
	[tilespmem:s28+$0x0] =	vst v2  }
0x106: {  	s25 =	sor.u32 s1, s19;
	v51 =	vld [tilespmem:s4+$0x0];
	[tilespmem:s12+$0x0] =	vst v22  }
0x107: {  	[tilespmem:s7+$0x0] =	vst v52;
	s7 =	simm.s32 $0x10400;
	v53 =	vld [tilespmem:s25+$0x0]  }
0x108: {  	[smem:$0x7EA] =	sst s3;
	s3 =	sor.u32 s21, s16;
	v2 =	vadd.f32 v24, v6;
	v22 =	vld.idx.msk [tilespmem:v49+s7+$0x0], $0xffff  }
0x109: {  	[smem:$0x7EC] =	sst s3;
	s3 =	sor.u32 s22, s5;
	v54 =	vadd.f32 v30, v20;
	v55 =	vld [tilespmem:s11+$0x80]  }
0x10a: {  	s31 =	sor.u32 s10, s5;
	s5 =	sor.u32 s18, s5;
	v14 =	vadd.f32 v50, v14;
	s28 =	sld [smem:$0x7E9];
	[tilespmem:s24+$0x0] =	vst v2;
	v2 =	vadd.f32 v23, v11;
	v11 =	vld [tilespmem:s3+$0x0]  }
0x10b: {  	[tilespmem:s14+$0x0] =	vst v54;
	v57 =	vld [tilespmem:s5+$0x0]  }
0x10c: {  	v56 =	vadd.f32 v51, v13;
	[tilespmem:s8+$0x0] =	vst v14  }
0x10d: {  	s26 =	sor.u32 s30, s16;
	s14 =	simm.s32 $0x10400;
	v58 =	vld [tilespmem:s28+$0x0];
	[tilespmem:s20+$0x0] =	vst v2  }
0x10e: {  	[smem:$0x7EB] =	sst s26;
	[tilespmem:s4+$0x0] =	vst v56;
	v2 =	vld.idx.msk [tilespmem:v3+s14+$0x0], $0xffff;
	v14 =	vadd.f32 v53, v35  }
0x10f: {  	s26 =	sor.u32 s21, s19;
	s12 =	sadd.s32 $0x3580, s6;
	s24 =	smov.u32 s23;
	v3 =	vmov v17;
	v17 =	vld [tilespmem:s31+$0x0];
	v59 =	vadd.f32 v55, v22  }
0x110: {  	s23 =	sor.u32 s21, s12;
	s21 =	sor.u32 s1, s12;
	s6 =	sadd.s32 $0x1480, s24;
	v11 =	vadd.f32 v11, v18;
	v18 =	vadd.f32 v57, v6;
	v6 =	vld.idx.msk [tilespmem:v4+s14+$0x0], $0xffff;
	[tilespmem:s25+$0x0] =	vst v14  }
0x111: {  	v14 =	vld [tilespmem:s21+$0x0];
	[tilespmem:s11+$0x80] =	vst v59;
	s11 =	sor.u32 s9, s6  }
0x112: {  	v4 =	vmov v15;
	[tilespmem:s3+$0x0] =	vst v11;
	v15 =	vld [tilespmem:s11+$0x0]  }
0x113: {  	s16 =	sor.u32 s29, s16;
	[smem:$0x7ED] =	sst s26;
	v20 =	vadd.f32 v58, v20;
	v11 =	vld.idx.msk [tilespmem:v10+s14+$0x0], $0xffff  }
0x114: {  	s26 =	sor.u32 s30, s19;
	s19 =	sor.u32 s29, s19;
	s0 =	sor.u32 s18, s6;
	[tilespmem:s5+$0x0] =	vst v18;
	v10 =	vadd.f32 v17, v13;
	v13 =	vld [tilespmem:s17+$0x80]  }
0x115: {  	s25 =	sor.u32 s29, s12;
	s29 =	smov.u32 s18;
	s18 =	sld [smem:$0x7EA];
	[tilespmem:s28+$0x0] =	vst v20;
	v12 =	vld.idx.msk [tilespmem:v12+s14+$0x0], $0xffff  }
0x116: {  	s1 =	smov.u32 s9;
	s20 =	sor.u32 s30, s12;
	v17 =	vld [tilespmem:s15+$0x80];
	[tilespmem:s31+$0x0] =	vst v10;
	v14 =	vadd.f32 v14, v35  }
0x117: {  	s7 =	sor.u32 s22, s6;
	[smem:$0x7F2] =	sst s20;
	s20 =	smov.u32 s22;
	v10 =	vld.idx.msk [tilespmem:v19+s14+$0x0], $0xffff;
	v15 =	vadd.f32 v15, v22  }
0x118: {  	s22 =	rddreg [dreg:$0x16];
	s12 =	smov.u32 s10;
	[tilespmem:s21+$0x0] =	vst v14;
	v14 =	vld [tilespmem:s18+$0x80];
	s21 =	sadd.s32 $0x2480, s24  }
0x119: {  	s2 =	sor.u32 s12, s6;
	[tilespmem:s11+$0x0] =	vst v15;
	s6 =	sor.u32 s1, s21;
	v15 =	vld [tilespmem:s22+$0x400]  }
0x11a: {  	v18 =	vld [tilespmem:s6+$0x0]  }
0x11b: {  	s10 =	rddreg [dreg:$0x1c];
	v13 =	vadd.f32 v13, v11  }
0x11c: {  	v19 =	vld [tilespmem:s10+$0x400];
	v17 =	vadd.f32 v17, v12  }
0x11d: {  	[tilespmem:s17+$0x80] =	vst v13;
	v13 =	vld.idx.msk [tilespmem:v5+s14+$0x0], $0xffff;
	v14 =	vadd.f32 v14, v10  }
0x11e: {  	v5 =	vmov v16;
	[tilespmem:s15+$0x80] =	vst v17;
	v16 =	vld [tilespmem:s7+$0x0];
	v15 =	vadd.f32 v15, v2  }
0x11f: {  	s17 =	rddreg [dreg:$0x17];
	v17 =	vld [tilespmem:s0+$0x0];
	[tilespmem:s18+$0x80] =	vst v14;
	v14 =	vadd.f32 v18, v22  }
0x120: {  	s18 =	sadd.s32 $0x3480, s24;
	v18 =	vld [tilespmem:s17+$0x400];
	[tilespmem:s22+$0x400] =	vst v15;
	s22 =	sld [smem:$0x7EB]  }
0x121: {  	v20 =	vld [tilespmem:s2+$0x0];
	[tilespmem:s6+$0x0] =	vst v14;
	s6 =	sor.u32 s1, s18  }
0x122: {  	v15 =	vadd.f32 v19, v6;
	v19 =	vld [tilespmem:s6+$0x0]  }
0x123: {  	p1 =	por !p1, !p1;
	[dreg:$0x11] =	wrdreg s13;
	s30 =	smov.u32 s20;
	v16 =	vadd.f32 v16, v11;
	v14 =	vld [tilespmem:s22+$0x0]  }
0x124: {  	s3 =	smov.u32 s1;
	s8 =	sor.u32 s12, s21;
	s4 =	sor.u32 s20, s21;
	[tilespmem:s10+$0x400] =	vst v15;
	v15 =	vadd.f32 v17, v12  }
0x125: {  	s9 =	sor.u32 s29, s21;
	s21 =	smov.u32 s12;
	s10 =	rddreg [dreg:$0x12];
	v60 =	vld [tilespmem:s16+$0x0];
	[tilespmem:s7+$0x0] =	vst v16;
	v16 =	vadd.f32 v18, v13  }
0x126: {  	v61 =	vor.u32 $0x100, v0;
	s11 =	sor.u32 s12, s18;
	s12 =	sld [smem:$0x7EC];
	[tilespmem:s0+$0x0] =	vst v15;
	s0 =	simm.s32 $0x1;
	v18 =	vld [tilespmem:s10+$0x0];
	v17 =	vadd.f32 v20, v10  }
0x127: {  	s28 =	smov.u32 s19;
	s19 =	smov.u32 s26;
	v20 =	vld [tilespmem:s4+$0x0];
	s0 =	simm.s32 @!p1 $0x0;
	[tilespmem:s17+$0x400] =	vst v16;
	v15 =	vadd.f32 v19, v22  }
0x128: {  	s15 =	sor.u32 s20, s18;
	s20 =	sor.u32 s29, s18;
	v62 =	vld [tilespmem:s9+$0x0];
	s0 =	sshll.u32 s0, $0x6;
	v14 =	vadd.f32 v14, v2;
	[tilespmem:s2+$0x0] =	vst v17  }
0x129: {  	s1 =	rddreg [dreg:$0x9];
	s17 =	smov.u32 s12;
	s2 =	sadd.s32 s0, s13;
	v16 =	vld [tilespmem:s12+$0x0];
	[tilespmem:s6+$0x0] =	vst v15  }
.Ltmp0:
0x12a: {  	v17 =	vld [tilespmem:s8+$0x0];
	s18 =	sadd.s32 $0x10, s2;
	s12 =	sadd.s32 $0x30, s2;
	[tilespmem:s22+$0x0] =	vst v14;
	v14 =	vadd.f32 v60, v6;
	(pc) =	sbr.rel @p2 .LBB2_3-.Ltmp0, $4  }
0x12b: {  	s7 =	sor.u32 $0x180, s2;
	s22 =	sadd.s32 $0x20, s2;
	v63 =	vadd.f32 v18, v1;
	v1 =	vmov v13;
	s6 =	sor.u32 $0x100, s18;
	v13 =	vld.idx.msk [tilespmem:v61+s14+$0x0], $0xffff  }
0x12c: {  	v20 =	vadd.f32 v20, v11;
	s0 =	sor.u32 $0x100, s12;
	s18 =	sor.u32 $0x180, s18;
	v15 =	vld [tilespmem:s26+$0x0];
	s31 =	sor.u32 $0x100, s22;
	[tilespmem:s16+$0x0] =	vst v14  }
0x12d: {  	s13 =	sor.u32 $0x180, s22;
	v18 =	vld [tilespmem:s0+$0x400];
	s26 =	rddreg [dreg:$0xd];
	s22 =	smov.u32 s23;
	[tilespmem:s10+$0x0] =	vst v63  }
0x12e: {  	v19 =	vadd.f32 v62, v12;
	s23 =	sld [smem:$0x7ED];
	s16 =	sor.u32 $0x100, s2;
	[tilespmem:s4+$0x0] =	vst v20;
	s2 =	sadd.s32 $0x40, s26;
	v14 =	vld [tilespmem:s28+$0x0];
	v16 =	vadd.f32 v16, v1  }
0x12f: {  	v20 =	vld [tilespmem:s15+$0x0]  }
0x130: {  	v17 =	vadd.f32 v17, v10;
	[tilespmem:s9+$0x0] =	vst v19  }
0x131: {  	v19 =	vld [tilespmem:s20+$0x0]  }
0x132: {  	[tilespmem:s8+$0x0] =	vst v17  }
0x133: {  	v17 =	vld [tilespmem:s11+$0x0]  }
0x134: {  	v11 =	vadd.f32 v20, v11;
	_ =	sdelay $0x1  }
0x135: {  	v12 =	vadd.f32 v19, v12;
	[tilespmem:s15+$0x0] =	vst v11  }
0x136: {  	v8 =	vld.idx.msk [tilespmem:v8+s14+$0x0], $0xffff  }
0x137: {  	v11 =	vld [tilespmem:s6+$0x400];
	v10 =	vadd.f32 v17, v10;
	[tilespmem:s20+$0x0] =	vst v12  }
0x138: {  	v9 =	vld.idx.msk [tilespmem:v9+s14+$0x0], $0xffff  }
0x139: {  	v12 =	vld [tilespmem:s31+$0x400];
	[tilespmem:s11+$0x0] =	vst v10  }
0x13a: {  	v10 =	vadd.f32 v18, v13;
	v7 =	vld.idx.msk [tilespmem:v7+s14+$0x0], $0xffff  }
0x13b: {  	s1 =	sadd.s32 $0x1500, s24;
	v17 =	vld [tilespmem:s16+$0x400]  }
0x13c: {  	s11 =	sor.u32 s3, s1;
	[tilespmem:s0+$0x400] =	vst v10;
	v10 =	vadd.f32 v11, v8  }
0x13d: {  	v11 =	vld [tilespmem:s11+$0x0]  }
0x13e: {  	s2 =	sor.u32 s30, s1;
	v12 =	vadd.f32 v12, v9;
	[tilespmem:s6+$0x400] =	vst v10  }
0x13f: {  	v10 =	vld [tilespmem:s2+$0x0]  }
0x140: {  	s4 =	sor.u32 s29, s1;
	v17 =	vadd.f32 v17, v7;
	[tilespmem:s31+$0x400] =	vst v12  }
0x141: {  	v12 =	vld [tilespmem:s4+$0x0]  }
0x142: {  	s1 =	sor.u32 s21, s1;
	v11 =	vadd.f32 v11, v13;
	[tilespmem:s16+$0x400] =	vst v17  }
0x143: {  	s5 =	sadd.s32 $0x2500, s24;
	v17 =	vld [tilespmem:s1+$0x0]  }
0x144: {  	s15 =	sor.u32 s3, s5;
	[tilespmem:s11+$0x0] =	vst v11;
	v10 =	vadd.f32 v10, v8  }
0x145: {  	v11 =	vld [tilespmem:s15+$0x0]  }
0x146: {  	s16 =	sor.u32 s30, s5;
	v12 =	vadd.f32 v12, v9;
	[tilespmem:s2+$0x0] =	vst v10  }
0x147: {  	v10 =	vld [tilespmem:s16+$0x0]  }
0x148: {  	s20 =	sor.u32 s29, s5;
	v17 =	vadd.f32 v17, v7;
	[tilespmem:s4+$0x0] =	vst v12  }
0x149: {  	v12 =	vld [tilespmem:s20+$0x0]  }
0x14a: {  	s26 =	sor.u32 s21, s5;
	v11 =	vadd.f32 v11, v13;
	[tilespmem:s1+$0x0] =	vst v17  }
0x14b: {  	s5 =	sadd.s32 $0x3500, s24;
	v17 =	vld [tilespmem:s26+$0x0]  }
0x14c: {  	s8 =	sor.u32 s3, s5;
	[tilespmem:s15+$0x0] =	vst v11;
	v10 =	vadd.f32 v10, v8  }
0x14d: {  	v11 =	vld [tilespmem:s8+$0x0]  }
0x14e: {  	s9 =	sor.u32 s30, s5;
	v12 =	vadd.f32 v12, v9;
	[tilespmem:s16+$0x0] =	vst v10  }
0x14f: {  	v10 =	vld [tilespmem:s9+$0x0]  }
0x150: {  	v0 =	vor.u32 $0x180, v0;
	s10 =	sor.u32 s29, s5;
	v17 =	vadd.f32 v17, v7;
	[tilespmem:s20+$0x0] =	vst v12  }
0x151: {  	v12 =	vld [tilespmem:s10+$0x0]  }
0x152: {  	s1 =	sor.u32 s21, s5;
	v11 =	vadd.f32 v11, v13;
	[tilespmem:s26+$0x0] =	vst v17  }
0x153: {  	v13 =	vld [tilespmem:s1+$0x0]  }
0x154: {  	[tilespmem:s8+$0x0] =	vst v11;
	v8 =	vadd.f32 v10, v8  }
0x155: {  	s11 =	sor.u32 $0x180, s12;
	v0 =	vld.idx.msk [tilespmem:v0+s14+$0x0], $0xffff  }
0x156: {  	v10 =	vld [tilespmem:s11+$0x400];
	v9 =	vadd.f32 v12, v9;
	[tilespmem:s9+$0x0] =	vst v8  }
0x157: {  	v3 =	vld.idx.msk [tilespmem:v3+s14+$0x0], $0xffff  }
0x158: {  	v7 =	vadd.f32 v13, v7;
	v8 =	vld [tilespmem:s18+$0x400];
	[tilespmem:s10+$0x0] =	vst v9  }
0x159: {  	v4 =	vld.idx.msk [tilespmem:v4+s14+$0x0], $0xffff  }
0x15a: {  	[tilespmem:s1+$0x0] =	vst v7;
	v7 =	vld [tilespmem:s13+$0x400]  }
0x15b: {  	v5 =	vld.idx.msk [tilespmem:v5+s14+$0x0], $0xffff  }
0x15c: {  	v9 =	vld [tilespmem:s7+$0x400]  }
0x15d: {  	v10 =	vadd.f32 v10, v0  }
0x15e: {  	s12 =	sadd.s32 $0x1580, s24  }
0x15f: {  	s14 =	sor.u32 s3, s12;
	[tilespmem:s11+$0x400] =	vst v10;
	v8 =	vadd.f32 v8, v3  }
0x160: {  	v10 =	vld [tilespmem:s14+$0x0];
	v7 =	vadd.f32 v7, v4  }
0x161: {  	s15 =	sor.u32 s30, s12;
	[tilespmem:s18+$0x400] =	vst v8;
	v8 =	vadd.f32 v9, v5  }
0x162: {  	s16 =	sor.u32 s29, s12;
	v9 =	vld [tilespmem:s15+$0x0];
	[tilespmem:s13+$0x400] =	vst v7  }
0x163: {  	s1 =	sor.u32 s21, s12;
	v7 =	vld [tilespmem:s16+$0x0];
	[tilespmem:s7+$0x400] =	vst v8  }
0x164: {  	v8 =	vld [tilespmem:s1+$0x0]  }
0x165: {  	v10 =	vadd.f32 v10, v0  }
0x166: {  	s18 =	sadd.s32 $0x2580, s24  }
0x167: {  	s20 =	sor.u32 s3, s18;
	[tilespmem:s14+$0x0] =	vst v10;
	v9 =	vadd.f32 v9, v3  }
0x168: {  	[tilespmem:s17+$0x0] =	vst v16;
	v10 =	vld [tilespmem:s20+$0x0];
	v7 =	vadd.f32 v7, v4  }
0x169: {  	v11 =	vld [tilespmem:s23+$0x0];
	[tilespmem:s15+$0x0] =	vst v9;
	v8 =	vadd.f32 v8, v5  }
0x16a: {  	[tilespmem:s16+$0x0] =	vst v7;
	v7 =	vadd.f32 v15, v2  }
0x16b: {  	s26 =	sor.u32 s30, s18;
	[tilespmem:s1+$0x0] =	vst v8;
	v8 =	vadd.f32 v14, v6  }
0x16c: {  	s8 =	sor.u32 s29, s18;
	v9 =	vld [tilespmem:s26+$0x0];
	[tilespmem:s19+$0x0] =	vst v7  }
0x16d: {  	s9 =	sor.u32 s21, s18;
	v12 =	vld [tilespmem:s8+$0x0];
	v7 =	vadd.f32 v10, v0;
	[tilespmem:s28+$0x0] =	vst v8  }
0x16e: {  	s10 =	sadd.s32 $0x3580, s24;
	v13 =	vld [tilespmem:s9+$0x0];
	v8 =	vadd.f32 v11, v1;
	s7 =	sld [smem:$0x7F2]  }
0x16f: {  	s11 =	sor.u32 s3, s10;
	v11 =	vld [tilespmem:s25+$0x0];
	[tilespmem:s20+$0x0] =	vst v7  }
0x170: {  	[tilespmem:s23+$0x0] =	vst v8;
	v8 =	vld [tilespmem:s11+$0x0]  }
0x171: {  	v7 =	vadd.f32 v9, v3;
	v10 =	vld [tilespmem:s7+$0x0]  }
0x172: {  	v9 =	vadd.f32 v12, v4;
	v12 =	vld [tilespmem:s22+$0x0]  }
0x173: {  	s12 =	sor.u32 s30, s10;
	[tilespmem:s26+$0x0] =	vst v7;
	v7 =	vadd.f32 v13, v5  }
0x174: {  	s13 =	sor.u32 s29, s10;
	[tilespmem:s8+$0x0] =	vst v9;
	v9 =	vld [tilespmem:s12+$0x0]  }
0x175: {  	s1 =	sor.u32 s21, s10;
	[tilespmem:s9+$0x0] =	vst v7;
	v7 =	vld [tilespmem:s13+$0x0];
	v6 =	vadd.f32 v11, v6  }
0x176: {  	v0 =	vadd.f32 v8, v0;
	v2 =	vadd.f32 v10, v2;
	v10 =	vld [tilespmem:s1+$0x0]  }
0x177: {  	[tilespmem:s25+$0x0] =	vst v6;
	v1 =	vadd.f32 v12, v1  }
0x178: {  	[tilespmem:s11+$0x0] =	vst v0  }
0x179: {  	v0 =	vadd.f32 v9, v3;
	[tilespmem:s22+$0x0] =	vst v1  }
0x17a: {  	[tilespmem:s7+$0x0] =	vst v2;
	v1 =	vadd.f32 v7, v4  }
0x17b: {  	[tilespmem:s12+$0x0] =	vst v0;
	v0 =	vadd.f32 v10, v5  }
0x17c: {  	[tilespmem:s13+$0x0] =	vst v1  }
0x17d: {  	[tilespmem:s1+$0x0] =	vst v0  }
0x17e: {  	s1 =	sld [smem:$0x7F0];
	_ =	sdelay $0x1  }
0x17f: {  	s14 =	rddreg [dreg:$0x3]  }
0x180: {  	s15 =	simm.s32 $0x200;
	s16 =	simm.s32 $0x400;
	s0 =	sadd.s32 s14, s1  }
0x181: {  	[hbm4b:s0+s15] =	stream.strided.scatter [tilespmem:s16], [sflag:$0x5], $0x1000, s16, s15, $0x38;
	[tilespmem:$0x14400] =	vst v63  }
0x182: {  	s17 =	simm.s32 $0x1400;
	s1 =	sadd.s32 $0x80000, s0  }
0x183: {  	[hbm4b:s1+s15] =	stream.strided.scatter [tilespmem:s17], [sflag:$0x5], $0x1000, s16, s15, $0x38;
	[tilespmem:$0x14400] =	vst v63  }
0x184: {  	s19 =	simm.s32 $0x2400;
	s18 =	sadd.s32 $0x100000, s0  }
0x185: {  	[hbm4b:s18+s15] =	stream.strided.scatter [tilespmem:s19], [sflag:$0x5], $0x1000, s16, s15, $0x38;
	[tilespmem:$0x14400] =	vst v63  }
0x186: {  	s20 =	simm.s32 $0x3400;
	s0 =	sadd.s32 $0x180000, s0  }
0x187: {  	[hbm4b:s0+s15] =	stream.strided.scatter [tilespmem:s20], [sflag:$0x5], $0x1000, s16, s15, $0x38;
	[tilespmem:$0x14400] =	vst v63  }
0x188: {  	s0 =	simm.s32 @!p0 $0x7  }
0x189: {  	_ =	swait.ge @!p0 [sflag:s0], $0x4000  }
0x18a: {  	s21 =	sld [smem:$0x7F5]  }
0x18b: {  	s22 =	sld [smem:$0x7EF]  }
0x18c: {  	[sflag:s0] =	ssyncset.done @!p0 $0x0  }
0x18d: {  	[sflag:s0] =	ssyncadd.s32 @!p0 $0xFFFFC000  }
0x18e: {  	s0 =	rddreg [dreg:$0x0];
	s23 =	sadd.s32 s21, s22  }
0x18f: {  	s24 =	simm.s32 $0x8400;
	s0 =	sadd.s32 s0, s23  }
0x190: {  	[tilespmem:s24], [sflag:$0x3] =	stream.strided.gather [hbm4b:s0+s15], $0x1000, s16, s15, $0x38;
	[tilespmem:$0x14400] =	vst v63  }
0x191: {  	s26 =	simm.s32 $0x9400;
	s25 =	sadd.s32 $0x80000, s0  }
0x192: {  	[tilespmem:s26], [sflag:$0x3] =	stream.strided.gather [hbm4b:s25+s15], $0x1000, s16, s15, $0x38;
	[tilespmem:$0x14400] =	vst v63  }
0x193: {  	s6 =	simm.s32 $0xA400;
	s10 =	simm.s32 $0x2;
	s4 =	sadd.s32 $0x100000, s0  }
0x194: {  	[tilespmem:s6], [sflag:$0x3] =	stream.strided.gather [hbm4b:s4+s15], $0x1000, s16, s15, $0x38;
	[tilespmem:$0x14400] =	vst v63  }
0x195: {  	s7 =	simm.s32 $0xB400;
	s8 =	rddreg [dreg:$0x2];
	s0 =	sadd.s32 $0x180000, s0  }
0x196: {  	[tilespmem:s7], [sflag:$0x3] =	stream.strided.gather [hbm4b:s0+s15], $0x1000, s16, s15, $0x38;
	[tilespmem:$0x14400] =	vst v63  }
0x197: {  	s9 =	simm.s32 $0x12400;
	[smem:$0x7E1] =	sst s23;
	s0 =	sadd.s32 s8, s23  }
0x198: {  	[tilespmem:s9], [sflag:$0x3] =	stream.strided.gather [hbm4b:s0+s15], $0x1000, s16, s15, $0x38;
	[tilespmem:$0x14400] =	vst v63  }
0x199: {  	_ =	swait.ge [sflag:s10], $0x4000  }
0x19a: {  	[sflag:s10] =	ssyncset.done $0x0  }
0x19b: {  	s11 =	simm.s32 $0x0;
	[sflag:s10] =	ssyncadd.s32 $0xFFFFC000  }
0x19c: {  	s31 =	sand.u32 $0x40, s11;
	_ =	swait.ge [sflag:s10], $0x1000  }
0x19d: {  	s12 =	sand.u32 $0x380, s11;
	s1 =	sor.u32 $0x30, s31;
	[sflag:s10] =	ssyncset.done $0x0  }
0x19e: {  	s13 =	sor.u32 s1, s12;
	[sflag:s10] =	ssyncadd.s32 $0xFFFFF000  }
0x19f: {  	v0 =	vld [tilespmem:s13+$0x0];
	_ =	sdelay $0x4  }
0x1a0: {  	v1 =	vshll.u32 v0, $0x2  }
0x1a1: {  	v0 =	vand.u32 $0x7F, v0;
	v1 =	vand.u32 $0xFFFFFE00, v1  }
0x1a2: {  	v6 =	vor.u32 v0, v1  }
0x1a3: {  	s5 =	sand.u32 $0xE00, s11;
	s2 =	sor.u32 $0x10, s31  }
0x1a4: {  	s14 =	sor.u32 s2, s12;
	s15 =	sadd.s32 $0x4400, s5  }
0x1a5: {  	s16 =	sor.u32 s1, s15;
	v0 =	vld [tilespmem:s14+$0x0]  }
0x1a6: {  	s28 =	simm.s32 $0x11400;
	v1 =	vld [tilespmem:s16+$0x0]  }
0x1a7: {  	s4 =	sor.u32 $0x20, s31;
	v4 =	vld.idx.msk [tilespmem:v6+s28+$0x0], $0xffff  }
0x1a8: {  	s17 =	sor.u32 s4, s12  }
0x1a9: {  	v3 =	vld [tilespmem:s17+$0x0];
	_ =	sdelay $0x2  }
0x1aa: {  	v2 =	vshll.u32 v0, $0x2;
	v1 =	vadd.f32 v1, v4  }
0x1ab: {  	s18 =	simm.s32 $0x0;
	s10 =	sadd.s32 $0x5400, s5;
	v0 =	vand.u32 $0x7F, v0;
	v2 =	vand.u32 $0xFFFFFE00, v2  }
0x1ac: {  	s19 =	sor.u32 s1, s10;
	v5 =	vshll.u32 v3, $0x2;
	v2 =	vor.u32 v0, v2;
	v0 =	vld [tilespmem:s18+$0x0];
	[tilespmem:s16+$0x0] =	vst v1  }
0x1ad: {  	v1 =	vand.u32 $0xFFFFFE00, v5;
	v5 =	vld [tilespmem:s19+$0x0]  }
0x1ae: {  	v3 =	vand.u32 $0x7F, v3  }
0x1af: {  	v3 =	vor.u32 v3, v1  }
0x1b0: {  	s3 =	sor.u32 s2, s15  }
0x1b1: {  	v8 =	vld [tilespmem:s3+$0x0]  }
0x1b2: {  	s7 =	sor.u32 s4, s15;
	v7 =	vld.idx.msk [tilespmem:v2+s28+$0x0], $0xffff;
	v1 =	vshll.u32 v0, $0x2;
	v5 =	vadd.f32 v5, v4  }
0x1b3: {  	s20 =	sadd.s32 $0x6400, s5;
	v10 =	vld [tilespmem:s7+$0x0];
	v0 =	vand.u32 $0x7F, v0;
	v1 =	vand.u32 $0xFFFFFE00, v1  }
0x1b4: {  	s21 =	sor.u32 s1, s20;
	v1 =	vor.u32 v0, v1;
	v9 =	vld.idx.msk [tilespmem:v3+s28+$0x0], $0xffff;
	[tilespmem:s19+$0x0] =	vst v5  }
0x1b5: {  	v0 =	vld [tilespmem:s21+$0x0];
	_ =	sdelay $0x1  }
0x1b6: {  	s6 =	sor.u32 s31, s15;
	v5 =	vadd.f32 v8, v7  }
0x1b7: {  	v8 =	vld [tilespmem:s6+$0x0]  }
0x1b8: {  	s22 =	sor.u32 s2, s10;
	[tilespmem:s3+$0x0] =	vst v5;
	v5 =	vadd.f32 v10, v9;
	v10 =	vld.idx.msk [tilespmem:v1+s28+$0x0], $0xffff  }
0x1b9: {  	v11 =	vld [tilespmem:s22+$0x0];
	v0 =	vadd.f32 v0, v4  }
0x1ba: {  	s24 =	sadd.s32 $0x7400, s5;
	s23 =	sor.u32 s4, s10;
	[tilespmem:s7+$0x0] =	vst v5  }
0x1bb: {  	s25 =	sor.u32 s1, s24;
	v5 =	vld [tilespmem:s23+$0x0];
	[tilespmem:s21+$0x0] =	vst v0  }
0x1bc: {  	v0 =	vld [tilespmem:s25+$0x0]  }
0x1bd: {  	v8 =	vadd.f32 v8, v10  }
0x1be: {  	v11 =	vadd.f32 v11, v7  }
0x1bf: {  	s10 =	sor.u32 s31, s10;
	[tilespmem:s6+$0x0] =	vst v8;
	v8 =	vor.u32 $0x80, v6  }
0x1c0: {  	s26 =	sor.u32 s2, s20;
	[tilespmem:s22+$0x0] =	vst v11;
	v12 =	vld [tilespmem:s10+$0x0];
	v5 =	vadd.f32 v5, v9  }
0x1c1: {  	v11 =	vld [tilespmem:s26+$0x0];
	v0 =	vadd.f32 v0, v4  }
0x1c2: {  	s0 =	sor.u32 s4, s20;
	[tilespmem:s23+$0x0] =	vst v5  }
0x1c3: {  	v4 =	vld [tilespmem:s0+$0x0];
	[tilespmem:s25+$0x0] =	vst v0  }
0x1c4: {  	v0 =	vld.idx.msk [tilespmem:v8+s28+$0x0], $0xffff  }
0x1c5: {  	v5 =	vadd.f32 v12, v10;
	v8 =	vld [tilespmem:s16+$0x80]  }
0x1c6: {  	v11 =	vadd.f32 v11, v7  }
0x1c7: {  	s11 =	sor.u32 s31, s20;
	[tilespmem:s10+$0x0] =	vst v5  }
0x1c8: {  	s12 =	sor.u32 s2, s24;
	[tilespmem:s26+$0x0] =	vst v11;
	v5 =	vld [tilespmem:s11+$0x0];
	v4 =	vadd.f32 v4, v9  }
0x1c9: {  	v11 =	vld [tilespmem:s12+$0x0]  }
0x1ca: {  	s13 =	sor.u32 s4, s24;
	[tilespmem:s0+$0x0] =	vst v4;
	v4 =	vadd.f32 v8, v0  }
0x1cb: {  	s15 =	sadd.s32 $0x5480, s5;
	v8 =	vld [tilespmem:s13+$0x0]  }
0x1cc: {  	v12 =	vor.u32 $0x80, v2;
	[tilespmem:s16+$0x80] =	vst v4;
	s16 =	sor.u32 s1, s15  }
0x1cd: {  	v4 =	vadd.f32 v5, v10;
	v5 =	vld [tilespmem:s16+$0x0]  }
0x1ce: {  	v13 =	vor.u32 $0x80, v3;
	v7 =	vadd.f32 v11, v7  }
0x1cf: {  	s17 =	sor.u32 s31, s24;
	[tilespmem:s11+$0x0] =	vst v4  }
0x1d0: {  	[tilespmem:s12+$0x0] =	vst v7;
	v4 =	vld [tilespmem:s17+$0x0];
	v8 =	vadd.f32 v8, v9  }
0x1d1: {  	v7 =	vld.idx.msk [tilespmem:v12+s28+$0x0], $0xffff  }
0x1d2: {  	[tilespmem:s13+$0x0] =	vst v8;
	v8 =	vld [tilespmem:s3+$0x80];
	v5 =	vadd.f32 v5, v0  }
0x1d3: {  	s18 =	sadd.s32 $0x6480, s5;
	v9 =	vor.u32 $0x80, v1;
	v11 =	vld.idx.msk [tilespmem:v13+s28+$0x0], $0xffff  }
0x1d4: {  	s19 =	sor.u32 s1, s18;
	v12 =	vld [tilespmem:s7+$0x80];
	[tilespmem:s16+$0x0] =	vst v5  }
0x1d5: {  	v4 =	vadd.f32 v4, v10;
	v5 =	vld [tilespmem:s19+$0x0];
	_ =	sdelay $0x1  }
0x1d6: {  	[tilespmem:s17+$0x0] =	vst v4;
	v4 =	vadd.f32 v8, v7  }
0x1d7: {  	v13 =	vld.idx.msk [tilespmem:v9+s28+$0x0], $0xffff  }
0x1d8: {  	s20 =	sor.u32 s2, s15;
	v8 =	vld [tilespmem:s6+$0x80];
	v9 =	vadd.f32 v12, v11;
	[tilespmem:s3+$0x80] =	vst v4  }
0x1d9: {  	v4 =	vld [tilespmem:s20+$0x0];
	v5 =	vadd.f32 v5, v0  }
0x1da: {  	s21 =	sor.u32 s4, s15;
	[tilespmem:s7+$0x80] =	vst v9;
	s7 =	sadd.s32 $0x7480, s5  }
0x1db: {  	v9 =	vld [tilespmem:s21+$0x0];
	s22 =	sor.u32 s1, s7;
	[tilespmem:s19+$0x0] =	vst v5  }
0x1dc: {  	v5 =	vld [tilespmem:s22+$0x0]  }
0x1dd: {  	v8 =	vadd.f32 v8, v13  }
0x1de: {  	v4 =	vadd.f32 v4, v7  }
0x1df: {  	p1 =	por $0x0, $0x0;
	s9 =	sor.u32 s31, s15;
	[tilespmem:s6+$0x80] =	vst v8;
	v8 =	vor.u32 $0x100, v6;
	s6 =	simm.s32 $0x1  }
0x1e0: {  	s23 =	sor.u32 s2, s18;
	v10 =	vld [tilespmem:s9+$0x0];
	v9 =	vadd.f32 v9, v11;
	s6 =	simm.s32 @!p1 $0x0;
	[tilespmem:s20+$0x0] =	vst v4  }
0x1e1: {  	s6 =	sshll.u32 s6, $0x6;
	v4 =	vld [tilespmem:s23+$0x0];
	v0 =	vadd.f32 v5, v0  }
0x1e2: {  	s24 =	sor.u32 s4, s18;
	[tilespmem:s21+$0x0] =	vst v9;
	s25 =	sadd.s32 $0x0, s6  }
0x1e3: {  	v5 =	vld [tilespmem:s24+$0x0];
	s14 =	sadd.s32 $0x30, s25;
	[tilespmem:s22+$0x0] =	vst v0  }
0x1e4: {  	s26 =	sor.u32 $0x100, s14;
	v12 =	vld.idx.msk [tilespmem:v8+s28+$0x0], $0xffff  }
0x1e5: {  	v0 =	vadd.f32 v10, v13;
	v8 =	vld [tilespmem:s26+$0x4400]  }
0x1e6: {  	s15 =	simm.s32 $0x40;
	v4 =	vadd.f32 v4, v7  }
0x1e7: {  	s10 =	sor.u32 s31, s18;
	s12 =	sand.u32 $0x40, s15;
	[tilespmem:s9+$0x0] =	vst v0  }
0x1e8: {  	s8 =	sand.u32 $0x380, s15;
	s29 =	sor.u32 $0x30, s12;
	s16 =	sor.u32 s2, s7;
	v0 =	vld [tilespmem:s10+$0x0];
	v5 =	vadd.f32 v5, v11;
	[tilespmem:s23+$0x0] =	vst v4  }
0x1e9: {  	s17 =	sor.u32 s29, s8;
	v4 =	vld [tilespmem:s16+$0x0]  }
0x1ea: {  	s18 =	sor.u32 s4, s7;
	[tilespmem:s24+$0x0] =	vst v5;
	v5 =	vld [tilespmem:s17+$0x0];
	v8 =	vadd.f32 v8, v12  }
0x1eb: {  	s17 =	sadd.s32 $0x5500, s5;
	v9 =	vld [tilespmem:s18+$0x0]  }
0x1ec: {  	s20 =	sor.u32 s1, s17;
	[tilespmem:s26+$0x4400] =	vst v8  }
0x1ed: {  	s0 =	sor.u32 $0x10, s12;
	v8 =	vor.u32 $0x100, v2;
	v0 =	vadd.f32 v0, v13;
	v10 =	vld [tilespmem:s20+$0x0]  }
0x1ee: {  	v14 =	vor.u32 $0x100, v3;
	s30 =	sor.u32 $0x20, s12;
	s21 =	sor.u32 s0, s8;
	v4 =	vadd.f32 v4, v7  }
0x1ef: {  	s8 =	sor.u32 s30, s8;
	v15 =	vld [tilespmem:s21+$0x0];
	v7 =	vshll.u32 v5, $0x2;
	[tilespmem:s10+$0x0] =	vst v0  }
0x1f0: {  	s7 =	sor.u32 s31, s7;
	v16 =	vld [tilespmem:s8+$0x0];
	s23 =	sadd.s32 $0x10, s25;
	v0 =	vand.u32 $0x7F, v5;
	v9 =	vadd.f32 v9, v11;
	v5 =	vand.u32 $0xFFFFFE00, v7;
	[tilespmem:s16+$0x0] =	vst v4  }
0x1f1: {  	v7 =	vld [tilespmem:s7+$0x0];
	v0 =	vor.u32 v0, v5;
	[smem:$0x7E2] =	sst s23  }
0x1f2: {  	s19 =	smov.u32 s1;
	v8 =	vld.idx.msk [tilespmem:v8+s28+$0x0], $0xffff;
	[tilespmem:s18+$0x0] =	vst v9;
	v4 =	vadd.f32 v10, v12  }
0x1f3: {  	s24 =	simm.s32 $0x100;
	s16 =	sadd.s32 $0x6500, s5;
	s18 =	sor.u32 $0x100, s23;
	v9 =	vld.idx.msk [tilespmem:v14+s28+$0x0], $0xffff  }
0x1f4: {  	s22 =	smov.u32 s25;
	s3 =	sand.u32 $0xE00, s24;
	s25 =	sor.u32 s19, s16;
	v14 =	vld [tilespmem:s18+$0x4400];
	[tilespmem:s20+$0x0] =	vst v4  }
0x1f5: {  	s26 =	sadd.s32 $0x4400, s3;
	v11 =	vand.u32 $0x7F, v15;
	v5 =	vshll.u32 v15, $0x2;
	v10 =	vshll.u32 v16, $0x2;
	v15 =	vld [tilespmem:s25+$0x0];
	[smem:$0x7E3] =	sst s22  }
0x1f6: {  	s13 =	sor.u32 s29, s26;
	s10 =	sadd.s32 $0x20, s22;
	v5 =	vand.u32 $0xFFFFFE00, v5;
	v4 =	vand.u32 $0xFFFFFE00, v10;
	v10 =	vand.u32 $0x7F, v16;
	v16 =	vld.idx.msk [tilespmem:v0+s28+$0x0], $0xffff  }
0x1f7: {  	s21 =	sor.u32 $0x100, s10;
	v5 =	vor.u32 v11, v5;
	v17 =	vld [tilespmem:s13+$0x0]  }
0x1f8: {  	s20 =	smov.u32 s22;
	v4 =	vor.u32 v10, v4;
	s22 =	simm.s32 $0x40;
	v18 =	vld [tilespmem:s21+$0x4400]  }
0x1f9: {  	s9 =	sor.u32 s12, s26;
	v19 =	vld [tilespmem:s22+$0x0]  }
0x1fa: {  	s11 =	sor.u32 s30, s26;
	v21 =	vld [tilespmem:s9+$0x0]  }
0x1fb: {  	v23 =	vld [tilespmem:s11+$0x0];
	v15 =	vadd.f32 v15, v12  }
0x1fc: {  	v20 =	vor.u32 $0x100, v1;
	s15 =	sadd.s32 $0x7500, s5;
	s6 =	smov.u32 s19;
	v11 =	vld.idx.msk [tilespmem:v5+s28+$0x0], $0xffff;
	v17 =	vadd.f32 v17, v16  }
0x1fd: {  	s23 =	sor.u32 s6, s15;
	s22 =	sadd.s32 $0x5400, s3;
	v10 =	vld.idx.msk [tilespmem:v4+s28+$0x0], $0xffff;
	[tilespmem:s25+$0x0] =	vst v15  }
0x1fe: {  	v7 =	vadd.f32 v7, v13;
	v13 =	vshll.u32 v19, $0x2;
	s25 =	sor.u32 s29, s22;
	v22 =	vld [tilespmem:s23+$0x0];
	[tilespmem:s13+$0x0] =	vst v17  }
0x1ff: {  	s8 =	sor.u32 s0, s26;
	v13 =	vand.u32 $0xFFFFFE00, v13;
	v17 =	vand.u32 $0x7F, v19;
	v19 =	vld [tilespmem:s25+$0x0]  }
0x200: {  	[tilespmem:s7+$0x0] =	vst v7;
	v7 =	vadd.f32 v14, v8;
	v15 =	vld [tilespmem:s8+$0x0];
	v14 =	vor.u32 v17, v13  }
0x201: {  	v6 =	vor.u32 $0x180, v6;
	s26 =	sor.u32 $0x100, s20;
	v17 =	vadd.f32 v18, v9;
	v13 =	vld.idx.msk [tilespmem:v20+s28+$0x0], $0xffff  }
0x202: {  	[tilespmem:s18+$0x4400] =	vst v7;
	s18 =	sor.u32 s2, s17;
	v18 =	vld [tilespmem:s26+$0x4400]  }
0x203: {  	s19 =	sor.u32 s4, s17;
	[tilespmem:s21+$0x4400] =	vst v17;
	v17 =	vld [tilespmem:s18+$0x0];
	v7 =	vadd.f32 v22, v12  }
0x204: {  	v12 =	vld [tilespmem:s19+$0x0];
	v19 =	vadd.f32 v19, v16  }
0x205: {  	s20 =	sadd.s32 $0x6400, s3;
	v20 =	vld.idx.msk [tilespmem:v14+s28+$0x0], $0xffff;
	[tilespmem:s23+$0x0] =	vst v7  }
0x206: {  	s21 =	sor.u32 s29, s20;
	v15 =	vadd.f32 v15, v11;
	[tilespmem:s25+$0x0] =	vst v19;
	v7 =	vld.idx.msk [tilespmem:v6+s28+$0x0], $0xffff  }
0x207: {  	s23 =	sor.u32 $0x180, s14;
	v6 =	vadd.f32 v23, v10;
	v19 =	vld [tilespmem:s21+$0x0]  }
0x208: {  	s24 =	sor.u32 s0, s22;
	[tilespmem:s8+$0x0] =	vst v15;
	v15 =	vadd.f32 v18, v13;
	v18 =	vld [tilespmem:s23+$0x4400]  }
0x209: {  	s25 =	sor.u32 s30, s22;
	[tilespmem:s11+$0x0] =	vst v6;
	v6 =	vadd.f32 v17, v8;
	v17 =	vld [tilespmem:s24+$0x0]  }
0x20a: {  	[tilespmem:s26+$0x4400] =	vst v15;
	s26 =	sor.u32 s31, s17;
	v15 =	vld [tilespmem:s25+$0x0];
	v21 =	vadd.f32 v21, v20  }
0x20b: {  	s17 =	sor.u32 s2, s16;
	[tilespmem:s18+$0x0] =	vst v6;
	v6 =	vadd.f32 v12, v9;
	v12 =	vld [tilespmem:s26+$0x0]  }
0x20c: {  	s18 =	sor.u32 s12, s22;
	v57 =	vld [tilespmem:s17+$0x0];
	[tilespmem:s9+$0x0] =	vst v21;
	v19 =	vadd.f32 v19, v16  }
0x20d: {  	s22 =	sadd.s32 $0x7400, s3;
	[tilespmem:s19+$0x0] =	vst v6;
	v6 =	vadd.f32 v18, v7;
	v18 =	vld [tilespmem:s18+$0x0];
	s19 =	sor.u32 s4, s16  }
0x20e: {  	s14 =	sadd.s32 $0x5580, s5;
	v17 =	vadd.f32 v17, v11;
	[tilespmem:s21+$0x0] =	vst v19;
	v19 =	vld [tilespmem:s19+$0x0];
	s21 =	sor.u32 s29, s22  }
0x20f: {  	[tilespmem:s23+$0x4400] =	vst v6;
	v6 =	vadd.f32 v15, v10;
	s23 =	sor.u32 s6, s14;
	v15 =	vld [tilespmem:s21+$0x0]  }
0x210: {  	[tilespmem:s24+$0x0] =	vst v17;
	v17 =	vld [tilespmem:s23+$0x0];
	v12 =	vadd.f32 v12, v13;
	s24 =	sor.u32 s0, s20  }
0x211: {  	[tilespmem:s25+$0x0] =	vst v6;
	v6 =	vld [tilespmem:s24+$0x0];
	v58 =	vadd.f32 v57, v8;
	s25 =	sor.u32 s30, s20  }
0x212: {  	v59 =	vor.u32 $0x80, v0;
	[tilespmem:s26+$0x0] =	vst v12;
	s26 =	sor.u32 s31, s16;
	v12 =	vld [tilespmem:s25+$0x0];
	v18 =	vadd.f32 v18, v20  }
0x213: {  	[tilespmem:s17+$0x0] =	vst v58;
	v60 =	vld [tilespmem:s26+$0x0];
	s17 =	sor.u32 s2, s15;
	v19 =	vadd.f32 v19, v9  }
0x214: {  	[tilespmem:s18+$0x0] =	vst v18;
	s18 =	sor.u32 s12, s20;
	v18 =	vld [tilespmem:s17+$0x0];
	v15 =	vadd.f32 v15, v16  }
0x215: {  	s20 =	sor.u32 s4, s15;
	v16 =	vld [tilespmem:s18+$0x0];
	[tilespmem:s19+$0x0] =	vst v19  }
0x216: {  	v6 =	vadd.f32 v6, v11;
	[tilespmem:s21+$0x0] =	vst v15;
	v15 =	vld [tilespmem:s20+$0x0]  }
0x217: {  	v12 =	vadd.f32 v12, v10;
	v19 =	vld.idx.msk [tilespmem:v59+s28+$0x0], $0xffff  }
0x218: {  	s21 =	sor.u32 s0, s22;
	[tilespmem:s24+$0x0] =	vst v6;
	v6 =	vadd.f32 v17, v7;
	v17 =	vld [tilespmem:s13+$0x80]  }
0x219: {  	s24 =	smov.u32 s0;
	s0 =	sor.u32 s30, s22;
	[tilespmem:s25+$0x0] =	vst v12;
	v12 =	vadd.f32 v60, v13;
	v61 =	vld [tilespmem:s21+$0x0]  }
0x21a: {  	v3 =	vor.u32 $0x180, v3;
	[tilespmem:s23+$0x0] =	vst v6;
	v6 =	vadd.f32 v16, v20;
	v16 =	vld [tilespmem:s0+$0x0]  }
0x21b: {  	s16 =	sadd.s32 $0x6580, s5;
	v8 =	vadd.f32 v18, v8;
	[tilespmem:s26+$0x0] =	vst v12  }
0x21c: {  	s7 =	sor.u32 s6, s16;
	s23 =	smov.u32 s6;
	s6 =	sor.u32 s12, s22;
	v12 =	vor.u32 $0x80, v5;
	[tilespmem:s18+$0x0] =	vst v6;
	v6 =	vadd.f32 v15, v9  }
0x21d: {  	s15 =	sor.u32 s31, s15;
	[tilespmem:s17+$0x0] =	vst v8;
	v8 =	vor.u32 $0x80, v4;
	v15 =	vld [tilespmem:s6+$0x0];
	v17 =	vadd.f32 v17, v19  }
0x21e: {  	s17 =	sadd.s32 $0x5480, s3;
	v9 =	vld [tilespmem:s15+$0x0];
	[tilespmem:s20+$0x0] =	vst v6;
	v11 =	vadd.f32 v61, v11  }
0x21f: {  	s19 =	sor.u32 s29, s17;
	[tilespmem:s13+$0x80] =	vst v17;
	v10 =	vadd.f32 v16, v10;
	v6 =	vld.idx.msk [tilespmem:v3+s28+$0x0], $0xffff  }
0x220: {  	[tilespmem:s21+$0x0] =	vst v11;
	v16 =	vld [tilespmem:s19+$0x0]  }
0x221: {  	v2 =	vor.u32 $0x180, v2;
	v11 =	vld.idx.msk [tilespmem:v12+s28+$0x0], $0xffff;
	[tilespmem:s0+$0x0] =	vst v10  }
0x222: {  	v3 =	vor.u32 $0x80, v14;
	v10 =	vadd.f32 v15, v20;
	v12 =	vld.idx.msk [tilespmem:v8+s28+$0x0], $0xffff  }
0x223: {  	v8 =	vld [tilespmem:s8+$0x80]  }
0x224: {  	v15 =	vld [tilespmem:s11+$0x80];
	[tilespmem:s6+$0x0] =	vst v10  }
0x225: {  	v62 =	vld [tilespmem:s7+$0x0];
	s22 =	sld [smem:$0x7E2]  }
0x226: {  	v2 =	vld.idx.msk [tilespmem:v2+s28+$0x0], $0xffff;
	v9 =	vadd.f32 v9, v13  }
0x227: {  	v1 =	vor.u32 $0x180, v1;
	v10 =	vld.idx.msk [tilespmem:v3+s28+$0x0], $0xffff;
	v3 =	vadd.f32 v16, v19  }
0x228: {  	s6 =	sadd.s32 $0x6480, s3;
	v16 =	vld [tilespmem:s9+$0x80];
	[tilespmem:s15+$0x0] =	vst v9;
	v8 =	vadd.f32 v8, v11;
	s25 =	sor.u32 $0x180, s22  }
0x229: {  	s26 =	sor.u32 s29, s6;
	[tilespmem:s19+$0x0] =	vst v3;
	v9 =	vadd.f32 v15, v12;
	v3 =	vld [tilespmem:s25+$0x4400]  }
0x22a: {  	s10 =	sor.u32 $0x180, s10;
	v13 =	vld [tilespmem:s26+$0x0];
	[tilespmem:s8+$0x80] =	vst v8  }
0x22b: {  	v15 =	vld [tilespmem:s10+$0x4400];
	[tilespmem:s11+$0x80] =	vst v9  }
0x22c: {  	v17 =	vadd.f32 v62, v7;
	s15 =	sor.u32 s24, s17;
	v1 =	vld.idx.msk [tilespmem:v1+s28+$0x0], $0xffff;
	s11 =	sld [smem:$0x7E3]  }
0x22d: {  	s5 =	sadd.s32 $0x7580, s5;
	s8 =	sor.u32 s30, s17;
	v8 =	vadd.f32 v16, v10;
	v16 =	vld [tilespmem:s15+$0x0]  }
0x22e: {  	s13 =	sor.u32 s23, s5;
	v9 =	vld [tilespmem:s8+$0x0];
	[tilespmem:s7+$0x0] =	vst v17;
	v3 =	vadd.f32 v3, v2  }
0x22f: {  	v17 =	vld [tilespmem:s13+$0x0];
	[tilespmem:s9+$0x80] =	vst v8;
	s11 =	sor.u32 $0x180, s11;
	v8 =	vadd.f32 v13, v19  }
0x230: {  	s20 =	sor.u32 s12, s17;
	s22 =	sadd.s32 $0x7480, s3;
	v13 =	vld [tilespmem:s11+$0x4400];
	[tilespmem:s25+$0x4400] =	vst v3;
	v3 =	vadd.f32 v15, v6  }
0x231: {  	s21 =	sor.u32 s2, s14;
	s17 =	smov.u32 s2;
	s2 =	sor.u32 s29, s22;
	v18 =	vld [tilespmem:s20+$0x0];
	[tilespmem:s26+$0x0] =	vst v8  }
0x232: {  	s18 =	sor.u32 s31, s14;
	s7 =	sor.u32 s4, s14;
	s14 =	sor.u32 s24, s6;
	v15 =	vadd.f32 v16, v11;
	v16 =	vld [tilespmem:s2+$0x0];
	[tilespmem:s10+$0x4400] =	vst v3  }
0x233: {  	v8 =	vld [tilespmem:s21+$0x0];
	v3 =	vadd.f32 v9, v12;
	[smem:$0x7E4] =	sst s14  }
0x234: {  	[tilespmem:s15+$0x0] =	vst v15  }
0x235: {  	s0 =	sor.u32 s17, s5;
	v13 =	vadd.f32 v13, v1;
	v9 =	vld [tilespmem:s7+$0x0];
	[tilespmem:s8+$0x0] =	vst v3  }
0x236: {  	v15 =	vadd.f32 v18, v10;
	v18 =	vld [tilespmem:s14+$0x0];
	[dreg:$0x5] =	wrdreg s0  }
0x237: {  	p1 =	por !p1, !p1;
	s1 =	simm.s32 $0x100;
	v7 =	vadd.f32 v17, v7;
	[tilespmem:s11+$0x4400] =	vst v13  }
0x238: {  	s23 =	sor.u32 s31, s16;
	s19 =	sor.u32 s17, s16;
	s10 =	simm.s32 $0x1;
	v3 =	vadd.f32 v8, v2;
	[tilespmem:s20+$0x0] =	vst v15  }
0x239: {  	v20 =	vor.u32 $0x100, v0;
	s17 =	sor.u32 s4, s5;
	s9 =	sor.u32 s30, s6;
	s10 =	simm.s32 @!p1 $0x0;
	v8 =	vadd.f32 v16, v19;
	[tilespmem:s13+$0x0] =	vst v7  }
0x23a: {  	s26 =	sor.u32 s31, s5;
	s25 =	sor.u32 s4, s16;
	s16 =	sshll.u32 s10, $0x6;
	v63 =	vld [tilespmem:s9+$0x0];
	[tilespmem:s21+$0x0] =	vst v3;
	v9 =	vadd.f32 v9, v6  }
0x23b: {  	s8 =	sor.u32 s12, s6;
	s15 =	sor.u32 s24, s22;
	s4 =	sadd.s32 $0x100, s16;
	v16 =	vld [tilespmem:s18+$0x0];
	[tilespmem:s2+$0x0] =	vst v8  }
0x23c: {  	s11 =	sor.u32 s12, s22;
	s20 =	sor.u32 s30, s22;
	s0 =	sadd.s32 $0x10, s4;
	v17 =	vld [tilespmem:s8+$0x0];
	[tilespmem:s7+$0x0] =	vst v9  }
0x23d: {  	s22 =	sadd.s32 $0x20, s4;
	s14 =	sadd.s32 $0x30, s4;
	v15 =	vld [tilespmem:s19+$0x0];
	s2 =	sld [smem:$0x7E4]  }
0x23e: {  	s6 =	sor.u32 $0x100, s0;
	s13 =	sor.u32 $0x180, s0;
	s0 =	sor.u32 $0x100, s14;
	v8 =	vor.u32 $0x100, v5;
	v3 =	vor.u32 $0x180, v5;
	v13 =	vld.idx.msk [tilespmem:v20+s28+$0x0], $0xffff;
	v5 =	vadd.f32 v18, v11  }
0x23f: {  	v7 =	vor.u32 $0x100, v14;
	s16 =	sor.u32 $0x100, s4;
	s31 =	sor.u32 $0x100, s22;
	s10 =	sor.u32 $0x180, s22;
	v18 =	vld [tilespmem:s0+$0x4400];
	v9 =	vor.u32 $0x100, v4;
	v4 =	vor.u32 $0x180, v4  }
0x240: {  	v19 =	vadd.f32 v63, v12;
	s7 =	sor.u32 $0x180, s4;
	s4 =	simm.s32 $0x4;
	v16 =	vadd.f32 v16, v1;
	[tilespmem:s2+$0x0] =	vst v5;
	v5 =	vor.u32 $0x180, v14;
	v14 =	vld [tilespmem:s25+$0x0];
	s2 =	simm.s32 $0x80  }
.LBB2_5:
0x241: {  	[dreg:$0x1d] =	wrdreg s13  }
0x242: {  	[dreg:$0x13] =	wrdreg s10  }
0x243: {  	[dreg:$0xe] =	wrdreg s2;
	s10 =	sand.u32 $0x40, s2  }
0x244: {  	[tilespmem:s9+$0x0] =	vst v19;
	s9 =	rddreg [dreg:$0xe];
	s22 =	sor.u32 $0x10, s10  }
0x245: {  	v20 =	vld [tilespmem:s15+$0x0];
	[tilespmem:s18+$0x0] =	vst v16;
	s18 =	sor.u32 $0x20, s10;
	s2 =	sand.u32 $0x380, s9;
	s9 =	sor.u32 $0x30, s10  }
0x246: {  	v19 =	vld [tilespmem:s20+$0x0];
	s13 =	sor.u32 s9, s2;
	s5 =	sor.u32 s22, s2;
	s2 =	sor.u32 s18, s2;
	v17 =	vadd.f32 v17, v10  }
0x247: {  	v15 =	vadd.f32 v15, v2;
	v21 =	vld [tilespmem:s2+$0x0]  }
0x248: {  	v18 =	vadd.f32 v18, v13;
	[tilespmem:s8+$0x0] =	vst v17;
	v17 =	vld [tilespmem:s13+$0x0]  }
0x249: {  	[tilespmem:s19+$0x0] =	vst v15;
	s19 =	sadd.s32 $0x5500, s3;
	v16 =	vld [tilespmem:s23+$0x0]  }
0x24a: {  	[dreg:$0x1f] =	wrdreg s26;
	v11 =	vadd.f32 v20, v11;
	[tilespmem:s0+$0x4400] =	vst v18;
	v15 =	vld [tilespmem:s5+$0x0];
	s26 =	sor.u32 s29, s19  }
0x24b: {  	v18 =	vld [tilespmem:s26+$0x0]  }
0x24c: {  	v14 =	vadd.f32 v14, v6;
	v12 =	vadd.f32 v19, v12;
	v19 =	vld [tilespmem:s11+$0x0];
	[tilespmem:s15+$0x0] =	vst v11  }
0x24d: {  	v11 =	vld.idx.msk [tilespmem:v8+s28+$0x0], $0xffff  }
0x24e: {  	[tilespmem:s25+$0x0] =	vst v14;
	s13 =	sadd.s32 $0x100, s1;
	s1 =	rddreg [dreg:$0x5];
	v20 =	vld [tilespmem:s6+$0x4400];
	v14 =	vshll.u32 v17, $0x2;
	v16 =	vadd.f32 v16, v1  }
0x24f: {  	v57 =	vld [tilespmem:s1+$0x0];
	[tilespmem:s20+$0x0] =	vst v12;
	v12 =	vand.u32 $0x7F, v17;
	v8 =	vshll.u32 v15, $0x2;
	v17 =	vand.u32 $0xFFFFFE00, v14  }
0x250: {  	[dreg:$0x18] =	wrdreg s7;
	s7 =	sadd.s32 $0x6500, s3;
	v23 =	vld [tilespmem:s31+$0x4400];
	[tilespmem:s23+$0x0] =	vst v16;
	v16 =	vor.u32 v12, v17;
	v12 =	vand.u32 $0x7F, v15;
	v15 =	vadd.f32 v18, v13  }
0x251: {  	s2 =	sor.u32 s29, s7;
	s21 =	sor.u32 s12, s19;
	v14 =	vld.idx.msk [tilespmem:v9+s28+$0x0], $0xffff;
	v19 =	vadd.f32 v19, v10;
	s23 =	sand.u32 $0xE00, s13  }
0x252: {  	[smem:$0x7DA] =	sst s21;
	s21 =	sor.u32 s12, s7;
	v25 =	vld [tilespmem:s17+$0x0];
	[tilespmem:s26+$0x0] =	vst v15;
	s26 =	sadd.s32 $0x4400, s23  }
0x253: {  	[smem:$0x7DB] =	sst s21;
	v9 =	vshll.u32 v21, $0x2;
	v8 =	vand.u32 $0xFFFFFE00, v8;
	[tilespmem:s11+$0x0] =	vst v19;
	v19 =	vld [tilespmem:s2+$0x0];
	s21 =	sor.u32 s9, s26  }
0x254: {  	v9 =	vand.u32 $0xFFFFFE00, v9;
	v18 =	vor.u32 v12, v8;
	v12 =	vand.u32 $0x7F, v21;
	v26 =	vld [tilespmem:s21+$0x0]  }
0x255: {  	v20 =	vadd.f32 v20, v11;
	v24 =	vor.u32 v12, v9;
	v22 =	vld.idx.msk [tilespmem:v16+s28+$0x0], $0xffff  }
0x256: {  	s25 =	sshra.s32 s13, $0x2;
	v23 =	vadd.f32 v23, v14  }
0x257: {  	s4 =	sadd.s32 $0x4, s4;
	v2 =	vadd.f32 v57, v2;
	[tilespmem:s6+$0x4400] =	vst v20;
	v27 =	vld [tilespmem:s25+$0x0]  }
0x258: {  	[dreg:$0xa] =	wrdreg s4;
	v20 =	vadd.f32 v25, v6;
	v10 =	vor.u32 $0x80, v18;
	v28 =	vld [tilespmem:s16+$0x4400];
	[tilespmem:s31+$0x4400] =	vst v23  }
0x259: {  	p2 =	slt.u32 s4, $0x3C;
	s4 =	sadd.s32 $0x7500, s3;
	s8 =	sor.u32 s24, s7;
	v8 =	vor.u32 $0x100, v18;
	v17 =	vor.u32 $0x180, v18;
	v18 =	vld.idx.msk [tilespmem:v18+s28+$0x0], $0xffff;
	[tilespmem:s1+$0x0] =	vst v2;
	v19 =	vadd.f32 v19, v13  }
0x25a: {  	s5 =	sor.u32 s24, s19;
	s0 =	sor.u32 s30, s19;
	s20 =	sor.u32 s10, s26;
	v6 =	vld.idx.msk [tilespmem:v24+s28+$0x0], $0xffff;
	[tilespmem:s17+$0x0] =	vst v20;
	v20 =	vadd.f32 v26, v22  }
0x25b: {  	s19 =	sor.u32 s30, s7;
	s7 =	sor.u32 s29, s4;
	v2 =	vld [tilespmem:s20+$0x0];
	s1 =	sadd.s32 $0x5400, s23;
	[tilespmem:s2+$0x0] =	vst v19  }
0x25c: {  	v59 =	vshll.u32 v27, $0x2;
	s31 =	sor.u32 s9, s1;
	v60 =	vld [tilespmem:s7+$0x0];
	[tilespmem:s21+$0x0] =	vst v20  }
0x25d: {  	s15 =	sor.u32 s22, s26;
	v23 =	vand.u32 $0xFFFFFE00, v59;
	v19 =	vand.u32 $0x7F, v27;
	v62 =	vld [tilespmem:s31+$0x0]  }
0x25e: {  	v58 =	vld [tilespmem:s15+$0x0];
	v23 =	vor.u32 v19, v23  }
0x25f: {  	v63 =	vor.u32 $0x180, v0;
	s11 =	sor.u32 s18, s26;
	v29 =	vld [tilespmem:s5+$0x0]  }
0x260: {  	v12 =	vor.u32 $0x80, v24;
	v61 =	vld [tilespmem:s11+$0x0]  }
0x261: {  	s14 =	sor.u32 $0x180, s14;
	s25 =	sor.u32 s12, s4;
	v9 =	vor.u32 $0x100, v24;
	v15 =	vor.u32 $0x180, v24;
	v33 =	vld [tilespmem:s0+$0x0];
	v24 =	vadd.f32 v60, v13  }
0x262: {  	s6 =	smov.u32 s24;
	[smem:$0x7DD] =	sst s25;
	s26 =	sor.u32 s24, s4;
	v20 =	vld.idx.msk [tilespmem:v7+s28+$0x0], $0xffff;
	v34 =	vadd.f32 v62, v22  }
0x263: {  	s24 =	sadd.s32 $0x6400, s23;
	[smem:$0x7DC] =	sst s26;
	s17 =	sor.u32 s30, s4;
	v13 =	vld.idx.msk [tilespmem:v23+s28+$0x0], $0xffff;
	[tilespmem:s7+$0x0] =	vst v24  }
0x264: {  	s26 =	sor.u32 s22, s1;
	s25 =	sor.u32 s18, s1;
	s2 =	sor.u32 s10, s1;
	v21 =	vadd.f32 v58, v18;
	v35 =	vld.idx.msk [tilespmem:v63+s28+$0x0], $0xffff;
	[tilespmem:s31+$0x0] =	vst v34  }
0x265: {  	s1 =	smov.u32 s30;
	s30 =	smov.u32 s12;
	s12 =	sor.u32 s9, s24;
	v32 =	vadd.f32 v61, v6;
	v24 =	vld [tilespmem:s14+$0x4400]  }
0x266: {  	v38 =	vadd.f32 v29, v11;
	[tilespmem:s15+$0x0] =	vst v21;
	v37 =	vld [tilespmem:s12+$0x0]  }
0x267: {  	[tilespmem:s11+$0x0] =	vst v32;
	v39 =	vld [tilespmem:s26+$0x0];
	v36 =	vadd.f32 v28, v20;
	s31 =	sld [smem:$0x7DA]  }
0x268: {  	v40 =	vadd.f32 v33, v14;
	[tilespmem:s5+$0x0] =	vst v38;
	v41 =	vld [tilespmem:s25+$0x0]  }
0x269: {  	v43 =	vld [tilespmem:s8+$0x0];
	[tilespmem:s16+$0x4400] =	vst v36;
	v2 =	vadd.f32 v2, v13  }
0x26a: {  	[tilespmem:s0+$0x0] =	vst v40;
	v42 =	vld [tilespmem:s31+$0x0];
	v24 =	vadd.f32 v24, v35  }
0x26b: {  	[tilespmem:s20+$0x0] =	vst v2;
	v2 =	vadd.f32 v37, v22  }
0x26c: {  	v44 =	vld [tilespmem:s19+$0x0];
	s16 =	sadd.s32 $0x5580, s3;
	v28 =	vadd.f32 v39, v18;
	[tilespmem:s14+$0x4400] =	vst v24  }
0x26d: {  	v19 =	vor.u32 $0x80, v23;
	s5 =	sadd.s32 $0x7400, s23;
	s28 =	sor.u32 s29, s16;
	v46 =	vadd.f32 v41, v6;
	v45 =	vld [tilespmem:s2+$0x0];
	[tilespmem:s12+$0x0] =	vst v2  }
0x26e: {  	v0 =	vmovc v16;
	v7 =	vor.u32 $0x100, v23;
	v16 =	vor.u32 $0x180, v23;
	v23 =	vadd.f32 v43, v11;
	[tilespmem:s26+$0x0] =	vst v28;
	s12 =	sor.u32 s9, s5;
	v2 =	vld [tilespmem:s28+$0x0]  }
0x26f: {  	s7 =	sor.u32 s22, s24;
	[tilespmem:s25+$0x0] =	vst v46;
	s25 =	sld [smem:$0x7DC];
	v27 =	vadd.f32 v42, v20;
	v47 =	vld [tilespmem:s12+$0x0]  }
0x270: {  	v28 =	vld [tilespmem:s7+$0x0];
	[tilespmem:s8+$0x0] =	vst v23  }
0x271: {  	v26 =	vadd.f32 v44, v14;
	[tilespmem:s31+$0x0] =	vst v27;
	s31 =	sld [smem:$0x7DB]  }
0x272: {  	s4 =	sor.u32 s10, s24;
	s24 =	sor.u32 s18, s24;
	v23 =	vld [tilespmem:s25+$0x0];
	v48 =	vadd.f32 v45, v13  }
0x273: {  	v49 =	vor.u32 $0x80, v0;
	v24 =	vld [tilespmem:s24+$0x0];
	[tilespmem:s19+$0x0] =	vst v26;
	v2 =	vadd.f32 v2, v35  }
0x274: {  	v30 =	vld [tilespmem:s31+$0x0];
	[tilespmem:s2+$0x0] =	vst v48;
	v22 =	vadd.f32 v47, v22  }
0x275: {  	v50 =	vld [tilespmem:s17+$0x0];
	s2 =	sadd.s32 $0x6580, s3;
	[tilespmem:s28+$0x0] =	vst v2  }
0x276: {  	v51 =	vld [tilespmem:s4+$0x0];
	s8 =	sor.u32 s29, s2;
	[tilespmem:s12+$0x0] =	vst v22  }
0x277: {  	v52 =	vadd.f32 v28, v18;
	s28 =	simm.s32 $0x11400;
	v53 =	vld [tilespmem:s8+$0x0]  }
0x278: {  	v2 =	vadd.f32 v24, v6;
	v22 =	vld.idx.msk [tilespmem:v49+s28+$0x0], $0xffff  }
0x279: {  	[smem:$0x7DF] =	sst s20;
	s0 =	sor.u32 s22, s5;
	s20 =	sor.u32 s30, s16;
	[tilespmem:s7+$0x0] =	vst v52;
	v54 =	vadd.f32 v30, v20;
	v55 =	vld [tilespmem:s21+$0x80]  }
0x27a: {  	[smem:$0x7DE] =	sst s20;
	s20 =	sor.u32 s10, s5;
	s5 =	sor.u32 s18, s5;
	[tilespmem:s24+$0x0] =	vst v2;
	v2 =	vadd.f32 v23, v11;
	v11 =	vld [tilespmem:s0+$0x0]  }
0x27b: {  	v14 =	vadd.f32 v50, v14;
	[tilespmem:s31+$0x0] =	vst v54;
	v57 =	vld [tilespmem:s5+$0x0];
	s31 =	sld [smem:$0x7DD]  }
0x27c: {  	v56 =	vadd.f32 v51, v13;
	[tilespmem:s25+$0x0] =	vst v2  }
0x27d: {  	[tilespmem:s17+$0x0] =	vst v14;
	v2 =	vld.idx.msk [tilespmem:v3+s28+$0x0], $0xffff  }
0x27e: {  	v58 =	vld [tilespmem:s31+$0x0];
	[tilespmem:s4+$0x0] =	vst v56;
	v14 =	vadd.f32 v53, v35  }
0x27f: {  	s14 =	sor.u32 s6, s16;
	s26 =	sor.u32 s30, s2;
	s17 =	sadd.s32 $0x7580, s3;
	v3 =	vmov v17;
	v17 =	vld [tilespmem:s20+$0x0];
	v11 =	vadd.f32 v11, v18  }
0x280: {  	[smem:$0x7E0] =	sst s26;
	s3 =	smov.u32 s23;
	s26 =	sor.u32 s29, s17;
	v59 =	vadd.f32 v55, v22;
	v18 =	vadd.f32 v57, v6;
	v6 =	vld.idx.msk [tilespmem:v4+s28+$0x0], $0xffff;
	[tilespmem:s8+$0x0] =	vst v14  }
0x281: {  	s19 =	sor.u32 s6, s2;
	s24 =	sor.u32 s6, s17;
	s6 =	sadd.s32 $0x5480, s3;
	[tilespmem:s0+$0x0] =	vst v11;
	v14 =	vld [tilespmem:s26+$0x0]  }
0x282: {  	[tilespmem:s21+$0x80] =	vst v59;
	s21 =	sor.u32 s9, s6;
	v11 =	vld.idx.msk [tilespmem:v10+s28+$0x0], $0xffff  }
0x283: {  	v4 =	vmov v15;
	[tilespmem:s5+$0x0] =	vst v18;
	v15 =	vld [tilespmem:s21+$0x0];
	v20 =	vadd.f32 v58, v20  }
0x284: {  	[dreg:$0x5] =	wrdreg s24;
	v12 =	vld.idx.msk [tilespmem:v12+s28+$0x0], $0xffff;
	v10 =	vadd.f32 v17, v13  }
0x285: {  	s7 =	sor.u32 s22, s6;
	s24 =	smov.u32 s22;
	s22 =	sld [smem:$0x7DF];
	v13 =	vld [tilespmem:s15+$0x80];
	[tilespmem:s31+$0x0] =	vst v20  }
0x286: {  	s16 =	sor.u32 s1, s16;
	v17 =	vld [tilespmem:s11+$0x80];
	[tilespmem:s20+$0x0] =	vst v10;
	v14 =	vadd.f32 v14, v35  }
0x287: {  	s2 =	sor.u32 s1, s2;
	s12 =	smov.u32 s10;
	s10 =	rddreg [dreg:$0x13];
	v10 =	vld.idx.msk [tilespmem:v19+s28+$0x0], $0xffff  }
0x288: {  	s25 =	smov.u32 s2;
	s23 =	sor.u32 s30, s17;
	s17 =	sor.u32 s1, s17;
	v15 =	vadd.f32 v15, v22;
	[tilespmem:s26+$0x0] =	vst v14;
	v14 =	vld [tilespmem:s22+$0x80]  }
0x289: {  	s29 =	smov.u32 s9;
	s1 =	rddreg [dreg:$0x1d];
	v19 =	vld [tilespmem:s10+$0x4400];
	s26 =	sadd.s32 $0x6480, s3  }
0x28a: {  	s2 =	sor.u32 s12, s6;
	s0 =	sor.u32 s18, s6;
	v13 =	vadd.f32 v13, v11;
	[tilespmem:s21+$0x0] =	vst v15;
	s6 =	sor.u32 s29, s26;
	v15 =	vld [tilespmem:s1+$0x4400]  }
0x28b: {  	v17 =	vadd.f32 v17, v12;
	v18 =	vld [tilespmem:s6+$0x0]  }
0x28c: {  	[tilespmem:s15+$0x80] =	vst v13;
	v13 =	vld.idx.msk [tilespmem:v5+s28+$0x0], $0xffff  }
0x28d: {  	v5 =	vmov v16;
	[tilespmem:s11+$0x80] =	vst v17;
	v16 =	vld [tilespmem:s7+$0x0];
	v14 =	vadd.f32 v14, v10  }
0x28e: {  	s30 =	smov.u32 s18;
	s8 =	sor.u32 s12, s26;
	v17 =	vld [tilespmem:s0+$0x0]  }
0x28f: {  	s4 =	sor.u32 s24, s26;
	s9 =	sor.u32 s30, s26;
	s26 =	rddreg [dreg:$0x18];
	v15 =	vadd.f32 v15, v2;
	[tilespmem:s22+$0x80] =	vst v14  }
0x290: {  	v14 =	vadd.f32 v18, v22;
	v18 =	vld [tilespmem:s26+$0x4400]  }
0x291: {  	v20 =	vld [tilespmem:s2+$0x0];
	[tilespmem:s1+$0x4400] =	vst v15;
	v15 =	vadd.f32 v19, v6  }
0x292: {  	s22 =	sadd.s32 $0x7480, s3;
	v16 =	vadd.f32 v16, v11;
	[tilespmem:s6+$0x0] =	vst v14  }
0x293: {  	s6 =	sor.u32 s29, s22;
	v14 =	vld [tilespmem:s14+$0x0];
	[tilespmem:s10+$0x4400] =	vst v15;
	v15 =	vadd.f32 v17, v12  }
0x294: {  	v19 =	vld [tilespmem:s6+$0x0];
	[tilespmem:s7+$0x0] =	vst v16  }
0x295: {  	p1 =	por !p1, !p1;
	s21 =	rddreg [dreg:$0x1f];
	v60 =	vld [tilespmem:s16+$0x0];
	[tilespmem:s0+$0x0] =	vst v15;
	s0 =	simm.s32 $0x1;
	v16 =	vadd.f32 v18, v13  }
0x296: {  	s18 =	sld [smem:$0x7DE];
	v18 =	vld [tilespmem:s21+$0x0];
	v17 =	vadd.f32 v20, v10;
	s0 =	simm.s32 @!p1 $0x0  }
0x297: {  	v61 =	vor.u32 $0x100, v0;
	v20 =	vld [tilespmem:s4+$0x0];
	s0 =	sshll.u32 s0, $0x6;
	[tilespmem:s26+$0x4400] =	vst v16  }
0x298: {  	s11 =	sor.u32 s12, s22;
	s15 =	sor.u32 s24, s22;
	v62 =	vld [tilespmem:s9+$0x0];
	v14 =	vadd.f32 v14, v2;
	s26 =	sadd.s32 s0, s13;
	[tilespmem:s2+$0x0] =	vst v17  }
0x299: {  	s20 =	sor.u32 s30, s22;
	s1 =	smov.u32 s13;
	v15 =	vadd.f32 v19, v22;
	s13 =	sadd.s32 $0x10, s26;
	v16 =	vld [tilespmem:s18+$0x0]  }
.Ltmp1:
0x29a: {  	[tilespmem:s14+$0x0] =	vst v14;
	v14 =	vadd.f32 v60, v6;
	s22 =	sadd.s32 $0x20, s26;
	s14 =	sadd.s32 $0x30, s26;
	v17 =	vld [tilespmem:s8+$0x0];
	(pc) =	sbr.rel @p2 .LBB2_5-.Ltmp1, $4  }
0x29b: {  	s7 =	sor.u32 $0x180, s26;
	[tilespmem:s6+$0x0] =	vst v15;
	v15 =	vld [tilespmem:s19+$0x0];
	s6 =	sor.u32 $0x100, s13;
	s31 =	sor.u32 $0x100, s22;
	v63 =	vadd.f32 v18, v1  }
0x29c: {  	s0 =	sor.u32 $0x100, s14;
	v1 =	vmov v13;
	v20 =	vadd.f32 v20, v11;
	v13 =	vld.idx.msk [tilespmem:v61+s28+$0x0], $0xffff;
	[tilespmem:s16+$0x0] =	vst v14;
	s16 =	sor.u32 $0x100, s26;
	s26 =	rddreg [dreg:$0xe]  }
0x29d: {  	v18 =	vld [tilespmem:s0+$0x4400];
	s2 =	sadd.s32 $0x40, s26;
	s26 =	smov.u32 s23;
	s23 =	sld [smem:$0x7E0];
	[tilespmem:s21+$0x0] =	vst v63  }
0x29e: {  	s13 =	sor.u32 $0x180, s13;
	s10 =	sor.u32 $0x180, s22;
	v19 =	vadd.f32 v62, v12;
	v14 =	vld [tilespmem:s25+$0x0];
	[tilespmem:s4+$0x0] =	vst v20;
	s4 =	rddreg [dreg:$0xa];
	v16 =	vadd.f32 v16, v1  }
0x29f: {  	v20 =	vld [tilespmem:s15+$0x0]  }
0x2a0: {  	v17 =	vadd.f32 v17, v10;
	[tilespmem:s9+$0x0] =	vst v19  }
0x2a1: {  	v19 =	vld [tilespmem:s20+$0x0]  }
0x2a2: {  	[tilespmem:s8+$0x0] =	vst v17  }
0x2a3: {  	v17 =	vld [tilespmem:s11+$0x0]  }
0x2a4: {  	v11 =	vadd.f32 v20, v11;
	_ =	sdelay $0x1  }
0x2a5: {  	v12 =	vadd.f32 v19, v12;
	[tilespmem:s15+$0x0] =	vst v11  }
0x2a6: {  	v8 =	vld.idx.msk [tilespmem:v8+s28+$0x0], $0xffff  }
0x2a7: {  	v11 =	vld [tilespmem:s6+$0x4400];
	v10 =	vadd.f32 v17, v10;
	[tilespmem:s20+$0x0] =	vst v12  }
0x2a8: {  	v9 =	vld.idx.msk [tilespmem:v9+s28+$0x0], $0xffff  }
0x2a9: {  	v12 =	vld [tilespmem:s31+$0x4400];
	[tilespmem:s11+$0x0] =	vst v10  }
0x2aa: {  	v10 =	vadd.f32 v18, v13;
	v7 =	vld.idx.msk [tilespmem:v7+s28+$0x0], $0xffff  }
0x2ab: {  	s1 =	sadd.s32 $0x5500, s3;
	v17 =	vld [tilespmem:s16+$0x4400]  }
0x2ac: {  	s22 =	sor.u32 s29, s1;
	[tilespmem:s0+$0x4400] =	vst v10;
	v10 =	vadd.f32 v11, v8  }
0x2ad: {  	v11 =	vld [tilespmem:s22+$0x0]  }
0x2ae: {  	s2 =	sor.u32 s24, s1;
	v12 =	vadd.f32 v12, v9;
	[tilespmem:s6+$0x4400] =	vst v10  }
0x2af: {  	v10 =	vld [tilespmem:s2+$0x0]  }
0x2b0: {  	s4 =	sor.u32 s30, s1;
	v17 =	vadd.f32 v17, v7;
	[tilespmem:s31+$0x4400] =	vst v12  }
0x2b1: {  	v12 =	vld [tilespmem:s4+$0x0]  }
0x2b2: {  	s1 =	sor.u32 s12, s1;
	v11 =	vadd.f32 v11, v13;
	[tilespmem:s16+$0x4400] =	vst v17  }
0x2b3: {  	s5 =	sadd.s32 $0x6500, s3;
	v17 =	vld [tilespmem:s1+$0x0]  }
0x2b4: {  	s8 =	sor.u32 s29, s5;
	[tilespmem:s22+$0x0] =	vst v11;
	v10 =	vadd.f32 v10, v8  }
0x2b5: {  	v11 =	vld [tilespmem:s8+$0x0]  }
0x2b6: {  	s9 =	sor.u32 s24, s5;
	v12 =	vadd.f32 v12, v9;
	[tilespmem:s2+$0x0] =	vst v10  }
0x2b7: {  	v10 =	vld [tilespmem:s9+$0x0]  }
0x2b8: {  	s11 =	sor.u32 s30, s5;
	v17 =	vadd.f32 v17, v7;
	[tilespmem:s4+$0x0] =	vst v12  }
0x2b9: {  	v12 =	vld [tilespmem:s11+$0x0]  }
0x2ba: {  	s15 =	sor.u32 s12, s5;
	v11 =	vadd.f32 v11, v13;
	[tilespmem:s1+$0x0] =	vst v17  }
0x2bb: {  	s16 =	sadd.s32 $0x7500, s3;
	v17 =	vld [tilespmem:s15+$0x0]  }
0x2bc: {  	s20 =	sor.u32 s29, s16;
	[tilespmem:s8+$0x0] =	vst v11;
	v10 =	vadd.f32 v10, v8  }
0x2bd: {  	v11 =	vld [tilespmem:s20+$0x0]  }
0x2be: {  	s21 =	sor.u32 s24, s16;
	v12 =	vadd.f32 v12, v9;
	[tilespmem:s9+$0x0] =	vst v10  }
0x2bf: {  	v10 =	vld [tilespmem:s21+$0x0]  }
0x2c0: {  	v0 =	vor.u32 $0x180, v0;
	s22 =	sor.u32 s30, s16;
	v17 =	vadd.f32 v17, v7;
	[tilespmem:s11+$0x0] =	vst v12  }
0x2c1: {  	v12 =	vld [tilespmem:s22+$0x0]  }
0x2c2: {  	s1 =	sor.u32 s12, s16;
	v11 =	vadd.f32 v11, v13;
	[tilespmem:s15+$0x0] =	vst v17  }
0x2c3: {  	v13 =	vld [tilespmem:s1+$0x0]  }
0x2c4: {  	[tilespmem:s20+$0x0] =	vst v11;
	v8 =	vadd.f32 v10, v8  }
0x2c5: {  	s4 =	sor.u32 $0x180, s14;
	v0 =	vld.idx.msk [tilespmem:v0+s28+$0x0], $0xffff  }
0x2c6: {  	v10 =	vld [tilespmem:s4+$0x4400];
	v9 =	vadd.f32 v12, v9;
	[tilespmem:s21+$0x0] =	vst v8  }
0x2c7: {  	v3 =	vld.idx.msk [tilespmem:v3+s28+$0x0], $0xffff  }
0x2c8: {  	v7 =	vadd.f32 v13, v7;
	v8 =	vld [tilespmem:s13+$0x4400];
	[tilespmem:s22+$0x0] =	vst v9  }
0x2c9: {  	v4 =	vld.idx.msk [tilespmem:v4+s28+$0x0], $0xffff  }
0x2ca: {  	[tilespmem:s1+$0x0] =	vst v7;
	v7 =	vld [tilespmem:s10+$0x4400]  }
0x2cb: {  	v5 =	vld.idx.msk [tilespmem:v5+s28+$0x0], $0xffff  }
0x2cc: {  	v9 =	vld [tilespmem:s7+$0x4400]  }
0x2cd: {  	v10 =	vadd.f32 v10, v0  }
0x2ce: {  	s8 =	sadd.s32 $0x5580, s3  }
0x2cf: {  	s9 =	sor.u32 s29, s8;
	[tilespmem:s4+$0x4400] =	vst v10;
	v8 =	vadd.f32 v8, v3  }
0x2d0: {  	v10 =	vld [tilespmem:s9+$0x0];
	v7 =	vadd.f32 v7, v4  }
0x2d1: {  	s11 =	sor.u32 s24, s8;
	[tilespmem:s13+$0x4400] =	vst v8;
	v8 =	vadd.f32 v9, v5  }
0x2d2: {  	s13 =	sor.u32 s30, s8;
	v9 =	vld [tilespmem:s11+$0x0];
	[tilespmem:s10+$0x4400] =	vst v7  }
0x2d3: {  	s1 =	sor.u32 s12, s8;
	v7 =	vld [tilespmem:s13+$0x0];
	[tilespmem:s7+$0x4400] =	vst v8  }
0x2d4: {  	v8 =	vld [tilespmem:s1+$0x0]  }
0x2d5: {  	v10 =	vadd.f32 v10, v0  }
0x2d6: {  	s14 =	sadd.s32 $0x6580, s3  }
0x2d7: {  	s15 =	sor.u32 s29, s14;
	[tilespmem:s9+$0x0] =	vst v10;
	v9 =	vadd.f32 v9, v3  }
0x2d8: {  	[tilespmem:s18+$0x0] =	vst v16;
	v10 =	vld [tilespmem:s15+$0x0];
	v7 =	vadd.f32 v7, v4  }
0x2d9: {  	s16 =	sor.u32 s24, s14;
	v11 =	vld [tilespmem:s23+$0x0];
	[tilespmem:s11+$0x0] =	vst v9;
	v8 =	vadd.f32 v8, v5  }
0x2da: {  	s18 =	sor.u32 s30, s14;
	v9 =	vld [tilespmem:s16+$0x0];
	[tilespmem:s13+$0x0] =	vst v7;
	v7 =	vadd.f32 v15, v2  }
0x2db: {  	s20 =	sor.u32 s12, s14;
	v12 =	vld [tilespmem:s18+$0x0];
	[tilespmem:s1+$0x0] =	vst v8;
	v8 =	vadd.f32 v14, v6  }
0x2dc: {  	v13 =	vld [tilespmem:s20+$0x0];
	[tilespmem:s19+$0x0] =	vst v7  }
0x2dd: {  	v7 =	vadd.f32 v10, v0;
	[tilespmem:s25+$0x0] =	vst v8  }
0x2de: {  	s21 =	sadd.s32 $0x7580, s3;
	v8 =	vadd.f32 v11, v1;
	s7 =	rddreg [dreg:$0x5];
	v11 =	vld [tilespmem:s17+$0x0]  }
0x2df: {  	s22 =	sor.u32 s29, s21;
	[tilespmem:s15+$0x0] =	vst v7;
	v7 =	vadd.f32 v9, v3;
	v10 =	vld [tilespmem:s7+$0x0]  }
0x2e0: {  	[tilespmem:s23+$0x0] =	vst v8;
	v8 =	vld [tilespmem:s22+$0x0];
	v9 =	vadd.f32 v12, v4  }
0x2e1: {  	s3 =	sor.u32 s24, s21;
	v12 =	vld [tilespmem:s26+$0x0];
	[tilespmem:s16+$0x0] =	vst v7;
	v7 =	vadd.f32 v13, v5  }
0x2e2: {  	s23 =	sor.u32 s30, s21;
	[tilespmem:s18+$0x0] =	vst v9;
	v9 =	vld [tilespmem:s3+$0x0]  }
0x2e3: {  	s1 =	sor.u32 s12, s21;
	[tilespmem:s20+$0x0] =	vst v7;
	v7 =	vld [tilespmem:s23+$0x0];
	v6 =	vadd.f32 v11, v6  }
0x2e4: {  	v2 =	vadd.f32 v10, v2;
	v10 =	vld [tilespmem:s1+$0x0]  }
0x2e5: {  	v0 =	vadd.f32 v8, v0;
	[tilespmem:s17+$0x0] =	vst v6  }
0x2e6: {  	v1 =	vadd.f32 v12, v1;
	[tilespmem:s7+$0x0] =	vst v2  }
0x2e7: {  	[tilespmem:s22+$0x0] =	vst v0;
	v0 =	vadd.f32 v9, v3  }
0x2e8: {  	[tilespmem:s26+$0x0] =	vst v1;
	v1 =	vadd.f32 v7, v4  }
0x2e9: {  	[tilespmem:s3+$0x0] =	vst v0;
	v0 =	vadd.f32 v10, v5  }
0x2ea: {  	[tilespmem:s23+$0x0] =	vst v1  }
0x2eb: {  	[tilespmem:s1+$0x0] =	vst v0  }
0x2ec: {  	s1 =	sld [smem:$0x7F1];
	_ =	sdelay $0x1  }
0x2ed: {  	s24 =	rddreg [dreg:$0x3];
	s4 =	simm.s32 $0x4400  }
0x2ee: {  	s25 =	simm.s32 $0x200;
	s26 =	simm.s32 $0x400;
	s0 =	sadd.s32 s24, s1  }
0x2ef: {  	[hbm4b:s0+s25] =	stream.strided.scatter [tilespmem:s4], [sflag:$0x6], $0x1000, s26, s25, $0x38;
	[tilespmem:$0x14400] =	vst v63  }
0x2f0: {  	s6 =	simm.s32 $0x5400;
	s5 =	sadd.s32 $0x80000, s0  }
0x2f1: {  	[hbm4b:s5+s25] =	stream.strided.scatter [tilespmem:s6], [sflag:$0x6], $0x1000, s26, s25, $0x38;
	[tilespmem:$0x14400] =	vst v63  }
0x2f2: {  	s8 =	simm.s32 $0x6400;
	s7 =	sadd.s32 $0x100000, s0  }
0x2f3: {  	[hbm4b:s7+s25] =	stream.strided.scatter [tilespmem:s8], [sflag:$0x6], $0x1000, s26, s25, $0x38;
	[tilespmem:$0x14400] =	vst v63  }
0x2f4: {  	s9 =	simm.s32 $0x7400;
	s0 =	sadd.s32 $0x180000, s0  }
0x2f5: {  	[hbm4b:s0+s25] =	stream.strided.scatter [tilespmem:s9], [sflag:$0x6], $0x1000, s26, s25, $0x38;
	[tilespmem:$0x14400] =	vst v63  }
0x2f6: {  	s0 =	simm.s32 @!p0 $0x8  }
0x2f7: {  	_ =	swait.ge @!p0 [sflag:s0], $0x4000  }
0x2f8: {  	s10 =	sld [smem:$0x7F6]  }
0x2f9: {  	s11 =	sld [smem:$0x7EF]  }
0x2fa: {  	[sflag:s0] =	ssyncset.done @!p0 $0x0  }
0x2fb: {  	[sflag:s0] =	ssyncadd.s32 @!p0 $0xFFFFC000  }
0x2fc: {  	s0 =	rddreg [dreg:$0x0];
	s12 =	sadd.s32 s10, s11  }
0x2fd: {  	s13 =	simm.s32 $0xC400;
	s0 =	sadd.s32 s0, s12  }
0x2fe: {  	[tilespmem:s13], [sflag:$0x4] =	stream.strided.gather [hbm4b:s0+s25], $0x1000, s26, s25, $0x38;
	[tilespmem:$0x14400] =	vst v63  }
0x2ff: {  	s15 =	simm.s32 $0xD400;
	s14 =	sadd.s32 $0x80000, s0  }
0x300: {  	[tilespmem:s15], [sflag:$0x4] =	stream.strided.gather [hbm4b:s14+s25], $0x1000, s26, s25, $0x38;
	[tilespmem:$0x14400] =	vst v63  }
0x301: {  	s21 =	simm.s32 $0x3;
	s17 =	simm.s32 $0xE400;
	s16 =	sadd.s32 $0x100000, s0  }
0x302: {  	[tilespmem:s17], [sflag:$0x4] =	stream.strided.gather [hbm4b:s16+s25], $0x1000, s26, s25, $0x38;
	[tilespmem:$0x14400] =	vst v63  }
0x303: {  	s18 =	simm.s32 $0xF400;
	s19 =	rddreg [dreg:$0x2];
	s0 =	sadd.s32 $0x180000, s0  }
0x304: {  	[tilespmem:s18], [sflag:$0x4] =	stream.strided.gather [hbm4b:s0+s25], $0x1000, s26, s25, $0x38;
	[tilespmem:$0x14400] =	vst v63  }
0x305: {  	s20 =	simm.s32 $0x13400;
	[smem:$0x7D6] =	sst s12;
	s0 =	sadd.s32 s19, s12  }
0x306: {  	[tilespmem:s20], [sflag:$0x4] =	stream.strided.gather [hbm4b:s0+s25], $0x1000, s26, s25, $0x38;
	[tilespmem:$0x14400] =	vst v63  }
0x307: {  	_ =	swait.ge [sflag:s21], $0x4000  }
0x308: {  	[sflag:s21] =	ssyncset.done $0x0  }
0x309: {  	s22 =	simm.s32 $0x0;
	[sflag:s21] =	ssyncadd.s32 $0xFFFFC000  }
0x30a: {  	s31 =	sand.u32 $0x40, s22;
	_ =	swait.ge [sflag:s21], $0x1000  }
0x30b: {  	s23 =	sand.u32 $0x380, s22;
	s1 =	sor.u32 $0x30, s31;
	[sflag:s21] =	ssyncset.done $0x0  }
0x30c: {  	s24 =	sor.u32 s1, s23;
	[sflag:s21] =	ssyncadd.s32 $0xFFFFF000  }
0x30d: {  	v0 =	vld [tilespmem:s24+$0x0];
	_ =	sdelay $0x4  }
0x30e: {  	v1 =	vshll.u32 v0, $0x2  }
0x30f: {  	v0 =	vand.u32 $0x7F, v0;
	v1 =	vand.u32 $0xFFFFFE00, v1  }
0x310: {  	v6 =	vor.u32 v0, v1  }
0x311: {  	s2 =	sor.u32 $0x10, s31;
	s5 =	sand.u32 $0xE00, s22  }
0x312: {  	s25 =	sor.u32 s2, s23;
	s26 =	sadd.s32 $0x8400, s5  }
0x313: {  	s0 =	sor.u32 s1, s26;
	v0 =	vld [tilespmem:s25+$0x0]  }
0x314: {  	s28 =	simm.s32 $0x12400;
	v1 =	vld [tilespmem:s0+$0x0]  }
0x315: {  	s4 =	sor.u32 $0x20, s31;
	v4 =	vld.idx.msk [tilespmem:v6+s28+$0x0], $0xffff  }
0x316: {  	s11 =	sor.u32 s4, s23  }
0x317: {  	v3 =	vld [tilespmem:s11+$0x0];
	_ =	sdelay $0x2  }
0x318: {  	v2 =	vshll.u32 v0, $0x2;
	v1 =	vadd.f32 v1, v4  }
0x319: {  	s13 =	sadd.s32 $0x9400, s5;
	s12 =	simm.s32 $0x0;
	v0 =	vand.u32 $0x7F, v0;
	v2 =	vand.u32 $0xFFFFFE00, v2  }
0x31a: {  	s14 =	sor.u32 s1, s13;
	v5 =	vshll.u32 v3, $0x2;
	v2 =	vor.u32 v0, v2;
	v0 =	vld [tilespmem:s12+$0x0];
	[tilespmem:s0+$0x0] =	vst v1  }
0x31b: {  	v1 =	vand.u32 $0xFFFFFE00, v5;
	v5 =	vld [tilespmem:s14+$0x0]  }
0x31c: {  	v3 =	vand.u32 $0x7F, v3  }
0x31d: {  	v3 =	vor.u32 v3, v1  }
0x31e: {  	s3 =	sor.u32 s2, s26  }
0x31f: {  	v8 =	vld [tilespmem:s3+$0x0]  }
0x320: {  	s7 =	sor.u32 s4, s26;
	v7 =	vld.idx.msk [tilespmem:v2+s28+$0x0], $0xffff;
	v1 =	vshll.u32 v0, $0x2;
	v5 =	vadd.f32 v5, v4  }
0x321: {  	s15 =	sadd.s32 $0xA400, s5;
	v10 =	vld [tilespmem:s7+$0x0];
	v0 =	vand.u32 $0x7F, v0;
	v1 =	vand.u32 $0xFFFFFE00, v1  }
0x322: {  	s16 =	sor.u32 s1, s15;
	v1 =	vor.u32 v0, v1;
	v9 =	vld.idx.msk [tilespmem:v3+s28+$0x0], $0xffff;
	[tilespmem:s14+$0x0] =	vst v5  }
0x323: {  	v0 =	vld [tilespmem:s16+$0x0];
	_ =	sdelay $0x1  }
0x324: {  	s6 =	sor.u32 s31, s26;
	v5 =	vadd.f32 v8, v7  }
0x325: {  	v8 =	vld [tilespmem:s6+$0x0]  }
0x326: {  	s17 =	sor.u32 s2, s13;
	[tilespmem:s3+$0x0] =	vst v5;
	v5 =	vadd.f32 v10, v9;
	v10 =	vld.idx.msk [tilespmem:v1+s28+$0x0], $0xffff  }
0x327: {  	v11 =	vld [tilespmem:s17+$0x0];
	v0 =	vadd.f32 v0, v4  }
0x328: {  	s18 =	sor.u32 s4, s13;
	s19 =	sadd.s32 $0xB400, s5;
	[tilespmem:s7+$0x0] =	vst v5  }
0x329: {  	s20 =	sor.u32 s1, s19;
	v5 =	vld [tilespmem:s18+$0x0];
	[tilespmem:s16+$0x0] =	vst v0  }
0x32a: {  	v0 =	vld [tilespmem:s20+$0x0]  }
0x32b: {  	v8 =	vadd.f32 v8, v10  }
0x32c: {  	v11 =	vadd.f32 v11, v7  }
0x32d: {  	s10 =	sor.u32 s31, s13;
	[tilespmem:s6+$0x0] =	vst v8;
	v8 =	vor.u32 $0x80, v6  }
0x32e: {  	s21 =	sor.u32 s2, s15;
	[tilespmem:s17+$0x0] =	vst v11;
	v12 =	vld [tilespmem:s10+$0x0];
	v5 =	vadd.f32 v5, v9  }
0x32f: {  	v11 =	vld [tilespmem:s21+$0x0];
	v0 =	vadd.f32 v0, v4  }
0x330: {  	s22 =	sor.u32 s4, s15;
	[tilespmem:s18+$0x0] =	vst v5  }
0x331: {  	v4 =	vld [tilespmem:s22+$0x0];
	[tilespmem:s20+$0x0] =	vst v0  }
0x332: {  	v0 =	vld.idx.msk [tilespmem:v8+s28+$0x0], $0xffff  }
0x333: {  	v5 =	vadd.f32 v12, v10;
	v8 =	vld [tilespmem:s0+$0x80]  }
0x334: {  	v11 =	vadd.f32 v11, v7  }
0x335: {  	s11 =	sor.u32 s31, s15;
	[tilespmem:s10+$0x0] =	vst v5  }
0x336: {  	s23 =	sor.u32 s2, s19;
	[tilespmem:s21+$0x0] =	vst v11;
	v5 =	vld [tilespmem:s11+$0x0];
	v4 =	vadd.f32 v4, v9  }
0x337: {  	v11 =	vld [tilespmem:s23+$0x0]  }
0x338: {  	s24 =	sor.u32 s4, s19;
	[tilespmem:s22+$0x0] =	vst v4;
	v4 =	vadd.f32 v8, v0  }
0x339: {  	s25 =	sadd.s32 $0x9480, s5;
	v8 =	vld [tilespmem:s24+$0x0]  }
0x33a: {  	s26 =	sor.u32 s1, s25;
	v12 =	vor.u32 $0x80, v2;
	[tilespmem:s0+$0x80] =	vst v4  }
0x33b: {  	v4 =	vadd.f32 v5, v10;
	v5 =	vld [tilespmem:s26+$0x0]  }
0x33c: {  	v13 =	vor.u32 $0x80, v3;
	v7 =	vadd.f32 v11, v7  }
0x33d: {  	s0 =	sor.u32 s31, s19;
	[tilespmem:s11+$0x0] =	vst v4  }
0x33e: {  	[tilespmem:s23+$0x0] =	vst v7;
	v4 =	vld [tilespmem:s0+$0x0];
	v8 =	vadd.f32 v8, v9  }
0x33f: {  	v7 =	vld.idx.msk [tilespmem:v12+s28+$0x0], $0xffff  }
0x340: {  	[tilespmem:s24+$0x0] =	vst v8;
	v8 =	vld [tilespmem:s3+$0x80];
	v5 =	vadd.f32 v5, v0  }
0x341: {  	s12 =	sadd.s32 $0xA480, s5;
	v9 =	vor.u32 $0x80, v1;
	v11 =	vld.idx.msk [tilespmem:v13+s28+$0x0], $0xffff  }
0x342: {  	s16 =	sor.u32 s1, s12;
	v12 =	vld [tilespmem:s7+$0x80];
	[tilespmem:s26+$0x0] =	vst v5  }
0x343: {  	v4 =	vadd.f32 v4, v10;
	v5 =	vld [tilespmem:s16+$0x0];
	_ =	sdelay $0x1  }
0x344: {  	[tilespmem:s0+$0x0] =	vst v4;
	v4 =	vadd.f32 v8, v7  }
0x345: {  	v13 =	vld.idx.msk [tilespmem:v9+s28+$0x0], $0xffff  }
0x346: {  	s17 =	sor.u32 s2, s25;
	v8 =	vld [tilespmem:s6+$0x80];
	v9 =	vadd.f32 v12, v11;
	[tilespmem:s3+$0x80] =	vst v4  }
0x347: {  	v4 =	vld [tilespmem:s17+$0x0];
	v5 =	vadd.f32 v5, v0  }
0x348: {  	s18 =	sor.u32 s4, s25;
	s19 =	sadd.s32 $0xB480, s5;
	[tilespmem:s7+$0x80] =	vst v9  }
0x349: {  	s26 =	sor.u32 s1, s19;
	v9 =	vld [tilespmem:s18+$0x0];
	[tilespmem:s16+$0x0] =	vst v5  }
0x34a: {  	v5 =	vld [tilespmem:s26+$0x0]  }
0x34b: {  	v8 =	vadd.f32 v8, v13  }
0x34c: {  	v4 =	vadd.f32 v4, v7  }
0x34d: {  	p0 =	por $0x0, $0x0;
	s9 =	sor.u32 s31, s25;
	[tilespmem:s6+$0x80] =	vst v8;
	v8 =	vor.u32 $0x100, v6;
	s6 =	simm.s32 $0x1  }
0x34e: {  	s0 =	sor.u32 s2, s12;
	v10 =	vld [tilespmem:s9+$0x0];
	v9 =	vadd.f32 v9, v11;
	s6 =	simm.s32 @!p0 $0x0;
	[tilespmem:s17+$0x0] =	vst v4  }
0x34f: {  	s6 =	sshll.u32 s6, $0x6;
	v4 =	vld [tilespmem:s0+$0x0];
	v0 =	vadd.f32 v5, v0  }
0x350: {  	s15 =	sor.u32 s4, s12;
	[tilespmem:s18+$0x0] =	vst v9;
	s16 =	sadd.s32 $0x0, s6  }
0x351: {  	v5 =	vld [tilespmem:s15+$0x0];
	s14 =	sadd.s32 $0x30, s16;
	[tilespmem:s26+$0x0] =	vst v0  }
0x352: {  	s20 =	sor.u32 $0x100, s14;
	v12 =	vld.idx.msk [tilespmem:v8+s28+$0x0], $0xffff  }
0x353: {  	v0 =	vadd.f32 v10, v13;
	v8 =	vld [tilespmem:s20+$0x8400]  }
0x354: {  	s21 =	simm.s32 $0x40;
	v4 =	vadd.f32 v4, v7  }
0x355: {  	s10 =	sor.u32 s31, s12;
	s12 =	sand.u32 $0x40, s21;
	[tilespmem:s9+$0x0] =	vst v0  }
0x356: {  	s8 =	sand.u32 $0x380, s21;
	s22 =	sor.u32 s2, s19;
	s29 =	sor.u32 $0x30, s12;
	v0 =	vld [tilespmem:s10+$0x0];
	v5 =	vadd.f32 v5, v11;
	[tilespmem:s0+$0x0] =	vst v4  }
0x357: {  	s23 =	sor.u32 s29, s8;
	v4 =	vld [tilespmem:s22+$0x0]  }
0x358: {  	s24 =	sor.u32 s4, s19;
	[tilespmem:s15+$0x0] =	vst v5;
	v5 =	vld [tilespmem:s23+$0x0];
	v8 =	vadd.f32 v8, v12  }
0x359: {  	s17 =	sadd.s32 $0x9500, s5;
	v9 =	vld [tilespmem:s24+$0x0]  }
0x35a: {  	s26 =	sor.u32 s1, s17;
	[tilespmem:s20+$0x8400] =	vst v8  }
0x35b: {  	s0 =	sor.u32 $0x10, s12;
	v8 =	vor.u32 $0x100, v2;
	v0 =	vadd.f32 v0, v13;
	v10 =	vld [tilespmem:s26+$0x0]  }
0x35c: {  	v14 =	vor.u32 $0x100, v3;
	s30 =	sor.u32 $0x20, s12;
	s18 =	sor.u32 s0, s8;
	v4 =	vadd.f32 v4, v7  }
0x35d: {  	s8 =	sor.u32 s30, s8;
	v15 =	vld [tilespmem:s18+$0x0];
	v7 =	vshll.u32 v5, $0x2;
	[tilespmem:s10+$0x0] =	vst v0  }
0x35e: {  	s7 =	sor.u32 s31, s19;
	v16 =	vld [tilespmem:s8+$0x0];
	s20 =	sadd.s32 $0x10, s16;
	v0 =	vand.u32 $0x7F, v5;
	v9 =	vadd.f32 v9, v11;
	v5 =	vand.u32 $0xFFFFFE00, v7;
	[tilespmem:s22+$0x0] =	vst v4  }
0x35f: {  	v7 =	vld [tilespmem:s7+$0x0];
	v0 =	vor.u32 v0, v5;
	[smem:$0x7D7] =	sst s20  }
0x360: {  	s25 =	smov.u32 s1;
	s21 =	simm.s32 $0x100;
	v8 =	vld.idx.msk [tilespmem:v8+s28+$0x0], $0xffff;
	[tilespmem:s24+$0x0] =	vst v9;
	v4 =	vadd.f32 v10, v12  }
0x361: {  	s19 =	smov.u32 s16;
	s16 =	sadd.s32 $0xA500, s5;
	s18 =	sor.u32 $0x100, s20;
	v9 =	vld.idx.msk [tilespmem:v14+s28+$0x0], $0xffff  }
0x362: {  	s3 =	sand.u32 $0xE00, s21;
	s22 =	sor.u32 s25, s16;
	v14 =	vld [tilespmem:s18+$0x8400];
	[tilespmem:s26+$0x0] =	vst v4  }
0x363: {  	v11 =	vand.u32 $0x7F, v15;
	v5 =	vshll.u32 v15, $0x2;
	v10 =	vshll.u32 v16, $0x2;
	s24 =	sadd.s32 $0x8400, s3;
	v15 =	vld [tilespmem:s22+$0x0];
	[smem:$0x7D8] =	sst s19  }
0x364: {  	s10 =	sadd.s32 $0x20, s19;
	v5 =	vand.u32 $0xFFFFFE00, v5;
	s13 =	sor.u32 s29, s24;
	v4 =	vand.u32 $0xFFFFFE00, v10;
	v10 =	vand.u32 $0x7F, v16;
	v16 =	vld.idx.msk [tilespmem:v0+s28+$0x0], $0xffff  }
0x365: {  	s20 =	sor.u32 $0x100, s10;
	v5 =	vor.u32 v11, v5;
	v17 =	vld [tilespmem:s13+$0x0]  }
0x366: {  	s23 =	simm.s32 $0x40;
	v4 =	vor.u32 v10, v4;
	v18 =	vld [tilespmem:s20+$0x8400]  }
0x367: {  	s9 =	sor.u32 s12, s24;
	v19 =	vld [tilespmem:s23+$0x0]  }
0x368: {  	s11 =	sor.u32 s30, s24;
	v21 =	vld [tilespmem:s9+$0x0]  }
0x369: {  	v23 =	vld [tilespmem:s11+$0x0];
	v15 =	vadd.f32 v15, v12  }
0x36a: {  	v20 =	vor.u32 $0x100, v1;
	s6 =	smov.u32 s25;
	s15 =	sadd.s32 $0xB500, s5;
	v11 =	vld.idx.msk [tilespmem:v5+s28+$0x0], $0xffff;
	v17 =	vadd.f32 v17, v16  }
0x36b: {  	s21 =	sor.u32 s6, s15;
	v10 =	vld.idx.msk [tilespmem:v4+s28+$0x0], $0xffff;
	[tilespmem:s22+$0x0] =	vst v15;
	s22 =	sadd.s32 $0x9400, s3  }
0x36c: {  	v7 =	vadd.f32 v7, v13;
	v13 =	vshll.u32 v19, $0x2;
	v22 =	vld [tilespmem:s21+$0x0];
	[tilespmem:s13+$0x0] =	vst v17;
	s25 =	sor.u32 s29, s22  }
0x36d: {  	s8 =	sor.u32 s0, s24;
	v13 =	vand.u32 $0xFFFFFE00, v13;
	v17 =	vand.u32 $0x7F, v19;
	v19 =	vld [tilespmem:s25+$0x0]  }
0x36e: {  	s26 =	smov.u32 s19;
	[tilespmem:s7+$0x0] =	vst v7;
	v7 =	vadd.f32 v14, v8;
	v15 =	vld [tilespmem:s8+$0x0];
	v14 =	vor.u32 v17, v13  }
0x36f: {  	v6 =	vor.u32 $0x180, v6;
	s26 =	sor.u32 $0x100, s26;
	v17 =	vadd.f32 v18, v9;
	v13 =	vld.idx.msk [tilespmem:v20+s28+$0x0], $0xffff  }
0x370: {  	[tilespmem:s18+$0x8400] =	vst v7;
	s18 =	sor.u32 s2, s17;
	v18 =	vld [tilespmem:s26+$0x8400]  }
0x371: {  	s19 =	sor.u32 s4, s17;
	[tilespmem:s20+$0x8400] =	vst v17;
	v17 =	vld [tilespmem:s18+$0x0];
	v7 =	vadd.f32 v22, v12  }
0x372: {  	v12 =	vld [tilespmem:s19+$0x0];
	v19 =	vadd.f32 v19, v16  }
0x373: {  	s20 =	sadd.s32 $0xA400, s3;
	v20 =	vld.idx.msk [tilespmem:v14+s28+$0x0], $0xffff;
	[tilespmem:s21+$0x0] =	vst v7  }
0x374: {  	v15 =	vadd.f32 v15, v11;
	s21 =	sor.u32 s29, s20;
	[tilespmem:s25+$0x0] =	vst v19;
	v7 =	vld.idx.msk [tilespmem:v6+s28+$0x0], $0xffff  }
0x375: {  	s23 =	sor.u32 $0x180, s14;
	v6 =	vadd.f32 v23, v10;
	v19 =	vld [tilespmem:s21+$0x0]  }
0x376: {  	s24 =	sor.u32 s0, s22;
	[tilespmem:s8+$0x0] =	vst v15;
	v15 =	vadd.f32 v18, v13;
	v18 =	vld [tilespmem:s23+$0x8400]  }
0x377: {  	s25 =	sor.u32 s30, s22;
	[tilespmem:s11+$0x0] =	vst v6;
	v6 =	vadd.f32 v17, v8;
	v17 =	vld [tilespmem:s24+$0x0]  }
0x378: {  	[tilespmem:s26+$0x8400] =	vst v15;
	s26 =	sor.u32 s31, s17;
	v15 =	vld [tilespmem:s25+$0x0];
	v21 =	vadd.f32 v21, v20  }
0x379: {  	s17 =	sor.u32 s2, s16;
	[tilespmem:s18+$0x0] =	vst v6;
	v6 =	vadd.f32 v12, v9;
	v12 =	vld [tilespmem:s26+$0x0]  }
0x37a: {  	s18 =	sor.u32 s12, s22;
	v57 =	vld [tilespmem:s17+$0x0];
	[tilespmem:s9+$0x0] =	vst v21;
	v19 =	vadd.f32 v19, v16  }
0x37b: {  	s22 =	sadd.s32 $0xB400, s3;
	[tilespmem:s19+$0x0] =	vst v6;
	v6 =	vadd.f32 v18, v7;
	v18 =	vld [tilespmem:s18+$0x0];
	s19 =	sor.u32 s4, s16  }
0x37c: {  	s14 =	sadd.s32 $0x9580, s5;
	v17 =	vadd.f32 v17, v11;
	[tilespmem:s21+$0x0] =	vst v19;
	v19 =	vld [tilespmem:s19+$0x0];
	s21 =	sor.u32 s29, s22  }
0x37d: {  	[tilespmem:s23+$0x8400] =	vst v6;
	v6 =	vadd.f32 v15, v10;
	s23 =	sor.u32 s6, s14;
	v15 =	vld [tilespmem:s21+$0x0]  }
0x37e: {  	[tilespmem:s24+$0x0] =	vst v17;
	v17 =	vld [tilespmem:s23+$0x0];
	v12 =	vadd.f32 v12, v13;
	s24 =	sor.u32 s0, s20  }
0x37f: {  	[tilespmem:s25+$0x0] =	vst v6;
	v6 =	vld [tilespmem:s24+$0x0];
	v58 =	vadd.f32 v57, v8;
	s25 =	sor.u32 s30, s20  }
0x380: {  	v59 =	vor.u32 $0x80, v0;
	[tilespmem:s26+$0x0] =	vst v12;
	s26 =	sor.u32 s31, s16;
	v12 =	vld [tilespmem:s25+$0x0];
	v18 =	vadd.f32 v18, v20  }
0x381: {  	[tilespmem:s17+$0x0] =	vst v58;
	v60 =	vld [tilespmem:s26+$0x0];
	s17 =	sor.u32 s2, s15;
	v19 =	vadd.f32 v19, v9  }
0x382: {  	[tilespmem:s18+$0x0] =	vst v18;
	s18 =	sor.u32 s12, s20;
	v18 =	vld [tilespmem:s17+$0x0];
	v15 =	vadd.f32 v15, v16  }
0x383: {  	s20 =	sor.u32 s4, s15;
	v16 =	vld [tilespmem:s18+$0x0];
	[tilespmem:s19+$0x0] =	vst v19  }
0x384: {  	v6 =	vadd.f32 v6, v11;
	[tilespmem:s21+$0x0] =	vst v15;
	v15 =	vld [tilespmem:s20+$0x0]  }
0x385: {  	v12 =	vadd.f32 v12, v10;
	v19 =	vld.idx.msk [tilespmem:v59+s28+$0x0], $0xffff  }
0x386: {  	s21 =	sor.u32 s0, s22;
	[tilespmem:s24+$0x0] =	vst v6;
	v6 =	vadd.f32 v17, v7;
	v17 =	vld [tilespmem:s13+$0x80]  }
0x387: {  	s24 =	smov.u32 s0;
	s0 =	sor.u32 s30, s22;
	[tilespmem:s25+$0x0] =	vst v12;
	v12 =	vadd.f32 v60, v13;
	v61 =	vld [tilespmem:s21+$0x0]  }
0x388: {  	v3 =	vor.u32 $0x180, v3;
	[tilespmem:s23+$0x0] =	vst v6;
	v6 =	vadd.f32 v16, v20;
	v16 =	vld [tilespmem:s0+$0x0]  }
0x389: {  	s16 =	sadd.s32 $0xA580, s5;
	v8 =	vadd.f32 v18, v8;
	[tilespmem:s26+$0x0] =	vst v12  }
0x38a: {  	s7 =	sor.u32 s6, s16;
	s23 =	smov.u32 s6;
	s6 =	sor.u32 s12, s22;
	v12 =	vor.u32 $0x80, v5;
	[tilespmem:s18+$0x0] =	vst v6;
	v6 =	vadd.f32 v15, v9  }
0x38b: {  	s15 =	sor.u32 s31, s15;
	[tilespmem:s17+$0x0] =	vst v8;
	v8 =	vor.u32 $0x80, v4;
	v15 =	vld [tilespmem:s6+$0x0];
	v17 =	vadd.f32 v17, v19  }
0x38c: {  	s17 =	sadd.s32 $0x9480, s3;
	v9 =	vld [tilespmem:s15+$0x0];
	[tilespmem:s20+$0x0] =	vst v6;
	v11 =	vadd.f32 v61, v11  }
0x38d: {  	s19 =	sor.u32 s29, s17;
	[tilespmem:s13+$0x80] =	vst v17;
	v10 =	vadd.f32 v16, v10;
	v6 =	vld.idx.msk [tilespmem:v3+s28+$0x0], $0xffff  }
0x38e: {  	[tilespmem:s21+$0x0] =	vst v11;
	v16 =	vld [tilespmem:s19+$0x0]  }
0x38f: {  	v2 =	vor.u32 $0x180, v2;
	v11 =	vld.idx.msk [tilespmem:v12+s28+$0x0], $0xffff;
	[tilespmem:s0+$0x0] =	vst v10  }
0x390: {  	v3 =	vor.u32 $0x80, v14;
	v10 =	vadd.f32 v15, v20;
	v12 =	vld.idx.msk [tilespmem:v8+s28+$0x0], $0xffff  }
0x391: {  	v8 =	vld [tilespmem:s8+$0x80]  }
0x392: {  	v15 =	vld [tilespmem:s11+$0x80];
	[tilespmem:s6+$0x0] =	vst v10  }
0x393: {  	v62 =	vld [tilespmem:s7+$0x0];
	s22 =	sld [smem:$0x7D7]  }
0x394: {  	v2 =	vld.idx.msk [tilespmem:v2+s28+$0x0], $0xffff;
	v9 =	vadd.f32 v9, v13  }
0x395: {  	v1 =	vor.u32 $0x180, v1;
	v10 =	vld.idx.msk [tilespmem:v3+s28+$0x0], $0xffff;
	v3 =	vadd.f32 v16, v19  }
0x396: {  	s6 =	sadd.s32 $0xA480, s3;
	v16 =	vld [tilespmem:s9+$0x80];
	[tilespmem:s15+$0x0] =	vst v9;
	v8 =	vadd.f32 v8, v11;
	s25 =	sor.u32 $0x180, s22  }
0x397: {  	s26 =	sor.u32 s29, s6;
	[tilespmem:s19+$0x0] =	vst v3;
	v9 =	vadd.f32 v15, v12;
	v3 =	vld [tilespmem:s25+$0x8400]  }
0x398: {  	s10 =	sor.u32 $0x180, s10;
	v13 =	vld [tilespmem:s26+$0x0];
	[tilespmem:s8+$0x80] =	vst v8  }
0x399: {  	v15 =	vld [tilespmem:s10+$0x8400];
	[tilespmem:s11+$0x80] =	vst v9  }
0x39a: {  	v17 =	vadd.f32 v62, v7;
	s15 =	sor.u32 s24, s17;
	v1 =	vld.idx.msk [tilespmem:v1+s28+$0x0], $0xffff;
	s11 =	sld [smem:$0x7D8]  }
0x39b: {  	s5 =	sadd.s32 $0xB580, s5;
	s8 =	sor.u32 s30, s17;
	v8 =	vadd.f32 v16, v10;
	v16 =	vld [tilespmem:s15+$0x0]  }
0x39c: {  	s13 =	sor.u32 s23, s5;
	v9 =	vld [tilespmem:s8+$0x0];
	[tilespmem:s7+$0x0] =	vst v17;
	v3 =	vadd.f32 v3, v2  }
0x39d: {  	v17 =	vld [tilespmem:s13+$0x0];
	[tilespmem:s9+$0x80] =	vst v8;
	s11 =	sor.u32 $0x180, s11;
	v8 =	vadd.f32 v13, v19  }
0x39e: {  	s20 =	sor.u32 s12, s17;
	s22 =	sadd.s32 $0xB480, s3;
	v13 =	vld [tilespmem:s11+$0x8400];
	[tilespmem:s25+$0x8400] =	vst v3;
	v3 =	vadd.f32 v15, v6  }
0x39f: {  	s21 =	sor.u32 s2, s14;
	s17 =	smov.u32 s2;
	s2 =	sor.u32 s29, s22;
	v18 =	vld [tilespmem:s20+$0x0];
	[tilespmem:s26+$0x0] =	vst v8  }
0x3a0: {  	s18 =	sor.u32 s31, s14;
	s7 =	sor.u32 s4, s14;
	s14 =	sor.u32 s24, s6;
	v15 =	vadd.f32 v16, v11;
	v16 =	vld [tilespmem:s2+$0x0];
	[tilespmem:s10+$0x8400] =	vst v3  }
0x3a1: {  	v8 =	vld [tilespmem:s21+$0x0];
	v3 =	vadd.f32 v9, v12;
	[smem:$0x7D9] =	sst s14  }
0x3a2: {  	[tilespmem:s15+$0x0] =	vst v15  }
0x3a3: {  	s0 =	sor.u32 s17, s5;
	v13 =	vadd.f32 v13, v1;
	v9 =	vld [tilespmem:s7+$0x0];
	[tilespmem:s8+$0x0] =	vst v3  }
0x3a4: {  	v15 =	vadd.f32 v18, v10;
	v18 =	vld [tilespmem:s14+$0x0];
	[dreg:$0x6] =	wrdreg s0  }
0x3a5: {  	p0 =	por !p0, !p0;
	s1 =	simm.s32 $0x100;
	v7 =	vadd.f32 v17, v7;
	[tilespmem:s11+$0x8400] =	vst v13  }
0x3a6: {  	s23 =	sor.u32 s31, s16;
	s19 =	sor.u32 s17, s16;
	s10 =	simm.s32 $0x1;
	v3 =	vadd.f32 v8, v2;
	[tilespmem:s20+$0x0] =	vst v15  }
0x3a7: {  	v20 =	vor.u32 $0x100, v0;
	s17 =	sor.u32 s4, s5;
	s9 =	sor.u32 s30, s6;
	s10 =	simm.s32 @!p0 $0x0;
	v8 =	vadd.f32 v16, v19;
	[tilespmem:s13+$0x0] =	vst v7  }
0x3a8: {  	s26 =	sor.u32 s31, s5;
	s25 =	sor.u32 s4, s16;
	s16 =	sshll.u32 s10, $0x6;
	v63 =	vld [tilespmem:s9+$0x0];
	[tilespmem:s21+$0x0] =	vst v3;
	v9 =	vadd.f32 v9, v6  }
0x3a9: {  	s8 =	sor.u32 s12, s6;
	s15 =	sor.u32 s24, s22;
	s4 =	sadd.s32 $0x100, s16;
	v16 =	vld [tilespmem:s18+$0x0];
	[tilespmem:s2+$0x0] =	vst v8  }
0x3aa: {  	s11 =	sor.u32 s12, s22;
	s20 =	sor.u32 s30, s22;
	s0 =	sadd.s32 $0x10, s4;
	v17 =	vld [tilespmem:s8+$0x0];
	[tilespmem:s7+$0x0] =	vst v9  }
0x3ab: {  	s22 =	sadd.s32 $0x20, s4;
	s14 =	sadd.s32 $0x30, s4;
	v15 =	vld [tilespmem:s19+$0x0];
	s2 =	sld [smem:$0x7D9]  }
0x3ac: {  	s6 =	sor.u32 $0x100, s0;
	s13 =	sor.u32 $0x180, s0;
	s0 =	sor.u32 $0x100, s14;
	v8 =	vor.u32 $0x100, v5;
	v3 =	vor.u32 $0x180, v5;
	v13 =	vld.idx.msk [tilespmem:v20+s28+$0x0], $0xffff;
	v5 =	vadd.f32 v18, v11  }
0x3ad: {  	v7 =	vor.u32 $0x100, v14;
	s16 =	sor.u32 $0x100, s4;
	s31 =	sor.u32 $0x100, s22;
	s10 =	sor.u32 $0x180, s22;
	v18 =	vld [tilespmem:s0+$0x8400];
	v9 =	vor.u32 $0x100, v4;
	v4 =	vor.u32 $0x180, v4  }
0x3ae: {  	v19 =	vadd.f32 v63, v12;
	s7 =	sor.u32 $0x180, s4;
	s4 =	simm.s32 $0x4;
	v16 =	vadd.f32 v16, v1;
	[tilespmem:s2+$0x0] =	vst v5;
	v5 =	vor.u32 $0x180, v14;
	v14 =	vld [tilespmem:s25+$0x0];
	s2 =	simm.s32 $0x80  }
.LBB2_7:
0x3af: {  	[dreg:$0x19] =	wrdreg s7  }
0x3b0: {  	[dreg:$0x14] =	wrdreg s10  }
0x3b1: {  	[dreg:$0xf] =	wrdreg s2;
	s10 =	sand.u32 $0x40, s2  }
0x3b2: {  	[tilespmem:s9+$0x0] =	vst v19;
	s5 =	rddreg [dreg:$0xf];
	s9 =	sor.u32 $0x30, s10  }
0x3b3: {  	v20 =	vld [tilespmem:s15+$0x0];
	[tilespmem:s18+$0x0] =	vst v16;
	s22 =	sor.u32 $0x10, s10;
	s18 =	sor.u32 $0x20, s10;
	s2 =	sand.u32 $0x380, s5  }
0x3b4: {  	v19 =	vld [tilespmem:s20+$0x0];
	s7 =	sor.u32 s9, s2;
	s5 =	sor.u32 s22, s2;
	s2 =	sor.u32 s18, s2;
	v17 =	vadd.f32 v17, v10  }
0x3b5: {  	v15 =	vadd.f32 v15, v2;
	v21 =	vld [tilespmem:s2+$0x0]  }
0x3b6: {  	v18 =	vadd.f32 v18, v13;
	[tilespmem:s8+$0x0] =	vst v17;
	v17 =	vld [tilespmem:s7+$0x0]  }
0x3b7: {  	[dreg:$0x1e] =	wrdreg s13;
	s13 =	sadd.s32 $0x9500, s3;
	[tilespmem:s19+$0x0] =	vst v15;
	v16 =	vld [tilespmem:s23+$0x0]  }
0x3b8: {  	s21 =	sor.u32 s29, s13;
	v11 =	vadd.f32 v20, v11;
	[tilespmem:s0+$0x8400] =	vst v18;
	v15 =	vld [tilespmem:s5+$0x0]  }
0x3b9: {  	v18 =	vld [tilespmem:s21+$0x0]  }
0x3ba: {  	v14 =	vadd.f32 v14, v6;
	v12 =	vadd.f32 v19, v12;
	v19 =	vld [tilespmem:s11+$0x0];
	[tilespmem:s15+$0x0] =	vst v11  }
0x3bb: {  	v11 =	vld.idx.msk [tilespmem:v8+s28+$0x0], $0xffff  }
0x3bc: {  	[tilespmem:s25+$0x0] =	vst v14;
	s25 =	rddreg [dreg:$0x6];
	v20 =	vld [tilespmem:s6+$0x8400];
	v14 =	vshll.u32 v17, $0x2;
	v16 =	vadd.f32 v16, v1  }
0x3bd: {  	s19 =	sor.u32 s12, s13;
	v57 =	vld [tilespmem:s25+$0x0];
	[tilespmem:s20+$0x0] =	vst v12;
	v12 =	vand.u32 $0x7F, v17;
	v8 =	vshll.u32 v15, $0x2;
	v17 =	vand.u32 $0xFFFFFE00, v14  }
0x3be: {  	s0 =	sor.u32 s30, s13;
	s5 =	sor.u32 s24, s13;
	s13 =	sadd.s32 $0x100, s1;
	v23 =	vld [tilespmem:s31+$0x8400];
	[tilespmem:s23+$0x0] =	vst v16;
	v16 =	vor.u32 v12, v17;
	v12 =	vand.u32 $0x7F, v15;
	v15 =	vadd.f32 v18, v13  }
0x3bf: {  	s7 =	sadd.s32 $0xA500, s3;
	[smem:$0x7CE] =	sst s19;
	v14 =	vld.idx.msk [tilespmem:v9+s28+$0x0], $0xffff;
	v19 =	vadd.f32 v19, v10;
	s23 =	sand.u32 $0xE00, s13  }
0x3c0: {  	s2 =	sor.u32 s29, s7;
	v25 =	vld [tilespmem:s17+$0x0];
	s19 =	sadd.s32 $0x8400, s23;
	[tilespmem:s21+$0x0] =	vst v15;
	s21 =	sor.u32 s12, s7  }
0x3c1: {  	v9 =	vshll.u32 v21, $0x2;
	v8 =	vand.u32 $0xFFFFFE00, v8;
	[tilespmem:s11+$0x0] =	vst v19;
	[smem:$0x7CF] =	sst s21;
	v19 =	vld [tilespmem:s2+$0x0];
	s21 =	sor.u32 s9, s19  }
0x3c2: {  	v9 =	vand.u32 $0xFFFFFE00, v9;
	v18 =	vor.u32 v12, v8;
	v12 =	vand.u32 $0x7F, v21;
	v26 =	vld [tilespmem:s21+$0x0]  }
0x3c3: {  	v20 =	vadd.f32 v20, v11;
	v24 =	vor.u32 v12, v9;
	v22 =	vld.idx.msk [tilespmem:v16+s28+$0x0], $0xffff  }
0x3c4: {  	[smem:$0x7D4] =	sst s26;
	s26 =	sshra.s32 s13, $0x2;
	v23 =	vadd.f32 v23, v14  }
0x3c5: {  	s4 =	sadd.s32 $0x4, s4;
	v2 =	vadd.f32 v57, v2;
	[tilespmem:s6+$0x8400] =	vst v20;
	v27 =	vld [tilespmem:s26+$0x0]  }
0x3c6: {  	[dreg:$0xb] =	wrdreg s4;
	v20 =	vadd.f32 v25, v6;
	v10 =	vor.u32 $0x80, v18;
	v28 =	vld [tilespmem:s16+$0x8400];
	[tilespmem:s31+$0x8400] =	vst v23  }
0x3c7: {  	p1 =	slt.u32 s4, $0x3C;
	s4 =	sadd.s32 $0xB500, s3;
	s8 =	sor.u32 s24, s7;
	v8 =	vor.u32 $0x100, v18;
	v17 =	vor.u32 $0x180, v18;
	v18 =	vld.idx.msk [tilespmem:v18+s28+$0x0], $0xffff;
	[tilespmem:s25+$0x0] =	vst v2;
	v19 =	vadd.f32 v19, v13  }
0x3c8: {  	s1 =	sadd.s32 $0x9400, s23;
	s20 =	sor.u32 s10, s19;
	s11 =	sor.u32 s22, s19;
	v6 =	vld.idx.msk [tilespmem:v24+s28+$0x0], $0xffff;
	[tilespmem:s17+$0x0] =	vst v20;
	v20 =	vadd.f32 v26, v22  }
0x3c9: {  	s15 =	sor.u32 s18, s19;
	s19 =	sor.u32 s30, s7;
	s7 =	sor.u32 s29, s4;
	v2 =	vld [tilespmem:s20+$0x0];
	[tilespmem:s2+$0x0] =	vst v19  }
0x3ca: {  	s31 =	sor.u32 s9, s1;
	v59 =	vshll.u32 v27, $0x2;
	v60 =	vld [tilespmem:s7+$0x0];
	[tilespmem:s21+$0x0] =	vst v20  }
0x3cb: {  	v23 =	vand.u32 $0xFFFFFE00, v59;
	v19 =	vand.u32 $0x7F, v27;
	v62 =	vld [tilespmem:s31+$0x0]  }
0x3cc: {  	v58 =	vld [tilespmem:s11+$0x0];
	v23 =	vor.u32 v19, v23  }
0x3cd: {  	v63 =	vor.u32 $0x180, v0;
	v29 =	vld [tilespmem:s5+$0x0]  }
0x3ce: {  	v12 =	vor.u32 $0x80, v24;
	v61 =	vld [tilespmem:s15+$0x0]  }
0x3cf: {  	s14 =	sor.u32 $0x180, s14;
	s26 =	sor.u32 s24, s4;
	v9 =	vor.u32 $0x100, v24;
	v15 =	vor.u32 $0x180, v24;
	v33 =	vld [tilespmem:s0+$0x0];
	v24 =	vadd.f32 v60, v13  }
0x3d0: {  	s6 =	smov.u32 s24;
	[smem:$0x7D0] =	sst s26;
	s25 =	sor.u32 s12, s4;
	v20 =	vld.idx.msk [tilespmem:v7+s28+$0x0], $0xffff;
	v34 =	vadd.f32 v62, v22  }
0x3d1: {  	s24 =	sadd.s32 $0xA400, s23;
	s26 =	sor.u32 s22, s1;
	[smem:$0x7D1] =	sst s25;
	v13 =	vld.idx.msk [tilespmem:v23+s28+$0x0], $0xffff;
	[tilespmem:s7+$0x0] =	vst v24  }
0x3d2: {  	s17 =	sor.u32 s30, s4;
	s25 =	sor.u32 s18, s1;
	s2 =	sor.u32 s10, s1;
	v21 =	vadd.f32 v58, v18;
	v35 =	vld.idx.msk [tilespmem:v63+s28+$0x0], $0xffff;
	[tilespmem:s31+$0x0] =	vst v34  }
0x3d3: {  	s1 =	smov.u32 s30;
	s30 =	smov.u32 s12;
	s12 =	sor.u32 s9, s24;
	v32 =	vadd.f32 v61, v6;
	v24 =	vld [tilespmem:s14+$0x8400]  }
0x3d4: {  	v38 =	vadd.f32 v29, v11;
	[tilespmem:s11+$0x0] =	vst v21;
	v37 =	vld [tilespmem:s12+$0x0]  }
0x3d5: {  	[tilespmem:s15+$0x0] =	vst v32;
	v39 =	vld [tilespmem:s26+$0x0];
	v36 =	vadd.f32 v28, v20;
	s31 =	sld [smem:$0x7CE]  }
0x3d6: {  	v40 =	vadd.f32 v33, v14;
	[tilespmem:s5+$0x0] =	vst v38;
	v41 =	vld [tilespmem:s25+$0x0]  }
0x3d7: {  	v43 =	vld [tilespmem:s8+$0x0];
	[tilespmem:s16+$0x8400] =	vst v36;
	v2 =	vadd.f32 v2, v13  }
0x3d8: {  	[tilespmem:s0+$0x0] =	vst v40;
	v42 =	vld [tilespmem:s31+$0x0];
	v24 =	vadd.f32 v24, v35  }
0x3d9: {  	[tilespmem:s20+$0x0] =	vst v2;
	v2 =	vadd.f32 v37, v22  }
0x3da: {  	v44 =	vld [tilespmem:s19+$0x0];
	s16 =	sadd.s32 $0x9580, s3;
	v28 =	vadd.f32 v39, v18;
	[tilespmem:s14+$0x8400] =	vst v24  }
0x3db: {  	v19 =	vor.u32 $0x80, v23;
	s5 =	sadd.s32 $0xB400, s23;
	s28 =	sor.u32 s29, s16;
	v46 =	vadd.f32 v41, v6;
	v45 =	vld [tilespmem:s2+$0x0];
	[tilespmem:s12+$0x0] =	vst v2  }
0x3dc: {  	v0 =	vmovc v16;
	v7 =	vor.u32 $0x100, v23;
	v16 =	vor.u32 $0x180, v23;
	v23 =	vadd.f32 v43, v11;
	[tilespmem:s26+$0x0] =	vst v28;
	s12 =	sor.u32 s9, s5;
	v2 =	vld [tilespmem:s28+$0x0]  }
0x3dd: {  	s7 =	sor.u32 s22, s24;
	[tilespmem:s25+$0x0] =	vst v46;
	s25 =	sld [smem:$0x7D0];
	v27 =	vadd.f32 v42, v20;
	v47 =	vld [tilespmem:s12+$0x0]  }
0x3de: {  	v28 =	vld [tilespmem:s7+$0x0];
	[tilespmem:s8+$0x0] =	vst v23  }
0x3df: {  	v26 =	vadd.f32 v44, v14;
	[tilespmem:s31+$0x0] =	vst v27;
	s31 =	sld [smem:$0x7CF]  }
0x3e0: {  	s4 =	sor.u32 s10, s24;
	s24 =	sor.u32 s18, s24;
	v23 =	vld [tilespmem:s25+$0x0];
	v48 =	vadd.f32 v45, v13  }
0x3e1: {  	v49 =	vor.u32 $0x80, v0;
	v24 =	vld [tilespmem:s24+$0x0];
	[tilespmem:s19+$0x0] =	vst v26;
	v2 =	vadd.f32 v2, v35  }
0x3e2: {  	v30 =	vld [tilespmem:s31+$0x0];
	[tilespmem:s2+$0x0] =	vst v48;
	v22 =	vadd.f32 v47, v22  }
0x3e3: {  	v50 =	vld [tilespmem:s17+$0x0];
	s2 =	sadd.s32 $0xA580, s3;
	[tilespmem:s28+$0x0] =	vst v2  }
0x3e4: {  	v51 =	vld [tilespmem:s4+$0x0];
	s8 =	sor.u32 s29, s2;
	[tilespmem:s12+$0x0] =	vst v22  }
0x3e5: {  	v52 =	vadd.f32 v28, v18;
	s28 =	simm.s32 $0x12400;
	v53 =	vld [tilespmem:s8+$0x0]  }
0x3e6: {  	v2 =	vadd.f32 v24, v6;
	v22 =	vld.idx.msk [tilespmem:v49+s28+$0x0], $0xffff  }
0x3e7: {  	[smem:$0x7D3] =	sst s20;
	s0 =	sor.u32 s22, s5;
	s20 =	sor.u32 s30, s16;
	[tilespmem:s7+$0x0] =	vst v52;
	v54 =	vadd.f32 v30, v20;
	v55 =	vld [tilespmem:s21+$0x80]  }
0x3e8: {  	[smem:$0x7D2] =	sst s20;
	s20 =	sor.u32 s10, s5;
	s5 =	sor.u32 s18, s5;
	[tilespmem:s24+$0x0] =	vst v2;
	v2 =	vadd.f32 v23, v11;
	v11 =	vld [tilespmem:s0+$0x0]  }
0x3e9: {  	v14 =	vadd.f32 v50, v14;
	[tilespmem:s31+$0x0] =	vst v54;
	v57 =	vld [tilespmem:s5+$0x0];
	s31 =	sld [smem:$0x7D1]  }
0x3ea: {  	v56 =	vadd.f32 v51, v13;
	[tilespmem:s25+$0x0] =	vst v2  }
0x3eb: {  	[tilespmem:s17+$0x0] =	vst v14;
	v2 =	vld.idx.msk [tilespmem:v3+s28+$0x0], $0xffff  }
0x3ec: {  	v58 =	vld [tilespmem:s31+$0x0];
	[tilespmem:s4+$0x0] =	vst v56;
	v14 =	vadd.f32 v53, v35  }
0x3ed: {  	s14 =	sor.u32 s6, s16;
	s26 =	sor.u32 s30, s2;
	s17 =	sadd.s32 $0xB580, s3;
	v3 =	vmov v17;
	v17 =	vld [tilespmem:s20+$0x0];
	v11 =	vadd.f32 v11, v18  }
0x3ee: {  	[smem:$0x7D5] =	sst s26;
	s3 =	smov.u32 s23;
	s26 =	sor.u32 s29, s17;
	v59 =	vadd.f32 v55, v22;
	v18 =	vadd.f32 v57, v6;
	v6 =	vld.idx.msk [tilespmem:v4+s28+$0x0], $0xffff;
	[tilespmem:s8+$0x0] =	vst v14  }
0x3ef: {  	s19 =	sor.u32 s6, s2;
	s24 =	sor.u32 s6, s17;
	s6 =	sadd.s32 $0x9480, s3;
	[tilespmem:s0+$0x0] =	vst v11;
	v14 =	vld [tilespmem:s26+$0x0]  }
0x3f0: {  	[tilespmem:s21+$0x80] =	vst v59;
	s21 =	sor.u32 s9, s6;
	v11 =	vld.idx.msk [tilespmem:v10+s28+$0x0], $0xffff  }
0x3f1: {  	v4 =	vmov v15;
	[tilespmem:s5+$0x0] =	vst v18;
	v15 =	vld [tilespmem:s21+$0x0];
	v20 =	vadd.f32 v58, v20  }
0x3f2: {  	[dreg:$0x6] =	wrdreg s24;
	v12 =	vld.idx.msk [tilespmem:v12+s28+$0x0], $0xffff;
	v10 =	vadd.f32 v17, v13  }
0x3f3: {  	s7 =	sor.u32 s22, s6;
	s24 =	smov.u32 s22;
	s22 =	sld [smem:$0x7D3];
	v13 =	vld [tilespmem:s11+$0x80];
	[tilespmem:s31+$0x0] =	vst v20  }
0x3f4: {  	s16 =	sor.u32 s1, s16;
	v17 =	vld [tilespmem:s15+$0x80];
	[tilespmem:s20+$0x0] =	vst v10;
	v14 =	vadd.f32 v14, v35  }
0x3f5: {  	s2 =	sor.u32 s1, s2;
	s12 =	smov.u32 s10;
	s10 =	rddreg [dreg:$0x14];
	v10 =	vld.idx.msk [tilespmem:v19+s28+$0x0], $0xffff  }
0x3f6: {  	s25 =	smov.u32 s2;
	s23 =	sor.u32 s30, s17;
	s17 =	sor.u32 s1, s17;
	v15 =	vadd.f32 v15, v22;
	[tilespmem:s26+$0x0] =	vst v14;
	v14 =	vld [tilespmem:s22+$0x80]  }
0x3f7: {  	s29 =	smov.u32 s9;
	s1 =	rddreg [dreg:$0x1e];
	v19 =	vld [tilespmem:s10+$0x8400];
	s26 =	sadd.s32 $0xA480, s3  }
0x3f8: {  	s2 =	sor.u32 s12, s6;
	s0 =	sor.u32 s18, s6;
	v13 =	vadd.f32 v13, v11;
	[tilespmem:s21+$0x0] =	vst v15;
	s6 =	sor.u32 s29, s26;
	v15 =	vld [tilespmem:s1+$0x8400]  }
0x3f9: {  	v17 =	vadd.f32 v17, v12;
	v18 =	vld [tilespmem:s6+$0x0]  }
0x3fa: {  	[tilespmem:s11+$0x80] =	vst v13;
	v13 =	vld.idx.msk [tilespmem:v5+s28+$0x0], $0xffff  }
0x3fb: {  	v5 =	vmov v16;
	[tilespmem:s15+$0x80] =	vst v17;
	v16 =	vld [tilespmem:s7+$0x0];
	v14 =	vadd.f32 v14, v10  }
0x3fc: {  	s30 =	smov.u32 s18;
	s8 =	sor.u32 s12, s26;
	v17 =	vld [tilespmem:s0+$0x0]  }
0x3fd: {  	s4 =	sor.u32 s24, s26;
	s9 =	sor.u32 s30, s26;
	s26 =	rddreg [dreg:$0x19];
	v15 =	vadd.f32 v15, v2;
	[tilespmem:s22+$0x80] =	vst v14  }
0x3fe: {  	v14 =	vadd.f32 v18, v22;
	v18 =	vld [tilespmem:s26+$0x8400]  }
0x3ff: {  	v20 =	vld [tilespmem:s2+$0x0];
	[tilespmem:s1+$0x8400] =	vst v15;
	v15 =	vadd.f32 v19, v6  }
0x400: {  	s22 =	sadd.s32 $0xB480, s3;
	v16 =	vadd.f32 v16, v11;
	[tilespmem:s6+$0x0] =	vst v14  }
0x401: {  	s21 =	sld [smem:$0x7D4];
	s6 =	sor.u32 s29, s22;
	v14 =	vld [tilespmem:s14+$0x0];
	[tilespmem:s10+$0x8400] =	vst v15;
	v15 =	vadd.f32 v17, v12  }
0x402: {  	v19 =	vld [tilespmem:s6+$0x0];
	[tilespmem:s7+$0x0] =	vst v16  }
0x403: {  	p0 =	por !p0, !p0;
	v60 =	vld [tilespmem:s16+$0x0];
	[tilespmem:s0+$0x0] =	vst v15;
	s0 =	simm.s32 $0x1;
	v16 =	vadd.f32 v18, v13  }
0x404: {  	s18 =	sld [smem:$0x7D2];
	v18 =	vld [tilespmem:s21+$0x0];
	v17 =	vadd.f32 v20, v10;
	s0 =	simm.s32 @!p0 $0x0  }
0x405: {  	v61 =	vor.u32 $0x100, v0;
	v20 =	vld [tilespmem:s4+$0x0];
	s0 =	sshll.u32 s0, $0x6;
	[tilespmem:s26+$0x8400] =	vst v16  }
0x406: {  	s11 =	sor.u32 s12, s22;
	s15 =	sor.u32 s24, s22;
	v62 =	vld [tilespmem:s9+$0x0];
	v14 =	vadd.f32 v14, v2;
	s26 =	sadd.s32 s0, s13;
	[tilespmem:s2+$0x0] =	vst v17  }
0x407: {  	s20 =	sor.u32 s30, s22;
	s1 =	smov.u32 s13;
	v15 =	vadd.f32 v19, v22;
	s13 =	sadd.s32 $0x10, s26;
	v16 =	vld [tilespmem:s18+$0x0]  }
.Ltmp2:
0x408: {  	[tilespmem:s14+$0x0] =	vst v14;
	v14 =	vadd.f32 v60, v6;
	s22 =	sadd.s32 $0x20, s26;
	s14 =	sadd.s32 $0x30, s26;
	v17 =	vld [tilespmem:s8+$0x0];
	(pc) =	sbr.rel @p1 .LBB2_7-.Ltmp2, $4  }
0x409: {  	s7 =	sor.u32 $0x180, s26;
	[tilespmem:s6+$0x0] =	vst v15;
	v15 =	vld [tilespmem:s19+$0x0];
	s6 =	sor.u32 $0x100, s13;
	s31 =	sor.u32 $0x100, s22;
	v63 =	vadd.f32 v18, v1  }
0x40a: {  	s0 =	sor.u32 $0x100, s14;
	v1 =	vmov v13;
	v20 =	vadd.f32 v20, v11;
	v13 =	vld.idx.msk [tilespmem:v61+s28+$0x0], $0xffff;
	[tilespmem:s16+$0x0] =	vst v14;
	s16 =	sor.u32 $0x100, s26;
	s26 =	rddreg [dreg:$0xf]  }
0x40b: {  	v18 =	vld [tilespmem:s0+$0x8400];
	s2 =	sadd.s32 $0x40, s26;
	s26 =	smov.u32 s23;
	s23 =	sld [smem:$0x7D5];
	[tilespmem:s21+$0x0] =	vst v63  }
0x40c: {  	s13 =	sor.u32 $0x180, s13;
	s10 =	sor.u32 $0x180, s22;
	v19 =	vadd.f32 v62, v12;
	v14 =	vld [tilespmem:s25+$0x0];
	[tilespmem:s4+$0x0] =	vst v20;
	s4 =	rddreg [dreg:$0xb];
	v16 =	vadd.f32 v16, v1  }
0x40d: {  	_ = 	snop  }
0x40e: {  	[tilespmem:s9+$0x0] =	vst v19;
	v19 =	vld [tilespmem:s15+$0x0]  }
0x40f: {  	v17 =	vadd.f32 v17, v10  }
0x410: {  	v20 =	vld [tilespmem:s20+$0x0]  }
0x411: {  	[tilespmem:s8+$0x0] =	vst v17  }
0x412: {  	v17 =	vld [tilespmem:s11+$0x0]  }
0x413: {  	v11 =	vadd.f32 v19, v11;
	_ =	sdelay $0x1  }
0x414: {  	v12 =	vadd.f32 v20, v12;
	[tilespmem:s15+$0x0] =	vst v11  }
0x415: {  	v8 =	vld.idx.msk [tilespmem:v8+s28+$0x0], $0xffff  }
0x416: {  	v10 =	vadd.f32 v17, v10;
	[tilespmem:s20+$0x0] =	vst v12;
	v11 =	vld [tilespmem:s6+$0x8400]  }
0x417: {  	v9 =	vld.idx.msk [tilespmem:v9+s28+$0x0], $0xffff  }
0x418: {  	v12 =	vld [tilespmem:s31+$0x8400];
	[tilespmem:s11+$0x0] =	vst v10  }
0x419: {  	v10 =	vadd.f32 v18, v13;
	v7 =	vld.idx.msk [tilespmem:v7+s28+$0x0], $0xffff  }
0x41a: {  	s1 =	sadd.s32 $0x9500, s3;
	v17 =	vld [tilespmem:s16+$0x8400]  }
0x41b: {  	s9 =	sor.u32 s29, s1;
	[tilespmem:s0+$0x8400] =	vst v10;
	v10 =	vadd.f32 v11, v8  }
0x41c: {  	v11 =	vld [tilespmem:s9+$0x0]  }
0x41d: {  	s2 =	sor.u32 s24, s1;
	v12 =	vadd.f32 v12, v9;
	[tilespmem:s6+$0x8400] =	vst v10  }
0x41e: {  	v10 =	vld [tilespmem:s2+$0x0]  }
0x41f: {  	s4 =	sor.u32 s30, s1;
	v17 =	vadd.f32 v17, v7;
	[tilespmem:s31+$0x8400] =	vst v12  }
0x420: {  	v12 =	vld [tilespmem:s4+$0x0]  }
0x421: {  	s1 =	sor.u32 s12, s1;
	[tilespmem:s16+$0x8400] =	vst v17;
	v11 =	vadd.f32 v11, v13  }
0x422: {  	s5 =	sadd.s32 $0xA500, s3;
	v17 =	vld [tilespmem:s1+$0x0]  }
0x423: {  	s11 =	sor.u32 s29, s5;
	[tilespmem:s9+$0x0] =	vst v11;
	v10 =	vadd.f32 v10, v8  }
0x424: {  	v11 =	vld [tilespmem:s11+$0x0]  }
0x425: {  	s15 =	sor.u32 s24, s5;
	v12 =	vadd.f32 v12, v9;
	[tilespmem:s2+$0x0] =	vst v10  }
0x426: {  	v10 =	vld [tilespmem:s15+$0x0]  }
0x427: {  	s16 =	sor.u32 s30, s5;
	v17 =	vadd.f32 v17, v7;
	[tilespmem:s4+$0x0] =	vst v12  }
0x428: {  	v12 =	vld [tilespmem:s16+$0x0]  }
0x429: {  	s20 =	sor.u32 s12, s5;
	[tilespmem:s1+$0x0] =	vst v17;
	v11 =	vadd.f32 v11, v13  }
0x42a: {  	s21 =	sadd.s32 $0xB500, s3;
	v17 =	vld [tilespmem:s20+$0x0]  }
0x42b: {  	s22 =	sor.u32 s29, s21;
	[tilespmem:s11+$0x0] =	vst v11;
	v10 =	vadd.f32 v10, v8  }
0x42c: {  	v11 =	vld [tilespmem:s22+$0x0]  }
0x42d: {  	s31 =	sor.u32 s24, s21;
	v12 =	vadd.f32 v12, v9;
	[tilespmem:s15+$0x0] =	vst v10  }
0x42e: {  	v10 =	vld [tilespmem:s31+$0x0]  }
0x42f: {  	v0 =	vor.u32 $0x180, v0;
	s8 =	sor.u32 s30, s21;
	v17 =	vadd.f32 v17, v7;
	[tilespmem:s16+$0x0] =	vst v12  }
0x430: {  	v12 =	vld [tilespmem:s8+$0x0]  }
0x431: {  	s1 =	sor.u32 s12, s21;
	[tilespmem:s20+$0x0] =	vst v17;
	v11 =	vadd.f32 v11, v13  }
0x432: {  	v13 =	vld [tilespmem:s1+$0x0]  }
0x433: {  	[tilespmem:s22+$0x0] =	vst v11;
	v8 =	vadd.f32 v10, v8  }
0x434: {  	s9 =	sor.u32 $0x180, s14;
	v0 =	vld.idx.msk [tilespmem:v0+s28+$0x0], $0xffff  }
0x435: {  	v10 =	vld [tilespmem:s9+$0x8400];
	v9 =	vadd.f32 v12, v9;
	[tilespmem:s31+$0x0] =	vst v8  }
0x436: {  	v3 =	vld.idx.msk [tilespmem:v3+s28+$0x0], $0xffff  }
0x437: {  	v7 =	vadd.f32 v13, v7;
	[tilespmem:s8+$0x0] =	vst v9;
	v8 =	vld [tilespmem:s13+$0x8400]  }
0x438: {  	v4 =	vld.idx.msk [tilespmem:v4+s28+$0x0], $0xffff  }
0x439: {  	[tilespmem:s1+$0x0] =	vst v7;
	v7 =	vld [tilespmem:s10+$0x8400]  }
0x43a: {  	v5 =	vld.idx.msk [tilespmem:v5+s28+$0x0], $0xffff  }
0x43b: {  	v9 =	vld [tilespmem:s7+$0x8400]  }
0x43c: {  	v10 =	vadd.f32 v10, v0  }
0x43d: {  	s11 =	sadd.s32 $0x9580, s3  }
0x43e: {  	s14 =	sor.u32 s29, s11;
	[tilespmem:s9+$0x8400] =	vst v10;
	v8 =	vadd.f32 v8, v3  }
0x43f: {  	v10 =	vld [tilespmem:s14+$0x0];
	v7 =	vadd.f32 v7, v4  }
0x440: {  	s15 =	sor.u32 s24, s11;
	[tilespmem:s13+$0x8400] =	vst v8;
	v8 =	vadd.f32 v9, v5  }
0x441: {  	s16 =	sor.u32 s30, s11;
	v9 =	vld [tilespmem:s15+$0x0];
	[tilespmem:s10+$0x8400] =	vst v7  }
0x442: {  	s1 =	sor.u32 s12, s11;
	v7 =	vld [tilespmem:s16+$0x0];
	[tilespmem:s7+$0x8400] =	vst v8  }
0x443: {  	v8 =	vld [tilespmem:s1+$0x0]  }
0x444: {  	v10 =	vadd.f32 v10, v0  }
0x445: {  	s20 =	sadd.s32 $0xA580, s3  }
0x446: {  	s21 =	sor.u32 s29, s20;
	[tilespmem:s14+$0x0] =	vst v10;
	v9 =	vadd.f32 v9, v3  }
0x447: {  	[tilespmem:s18+$0x0] =	vst v16;
	v10 =	vld [tilespmem:s21+$0x0];
	v7 =	vadd.f32 v7, v4  }
0x448: {  	v11 =	vld [tilespmem:s23+$0x0];
	s22 =	sor.u32 s24, s20;
	[tilespmem:s15+$0x0] =	vst v9;
	v8 =	vadd.f32 v8, v5  }
0x449: {  	s31 =	sor.u32 s30, s20;
	v9 =	vld [tilespmem:s22+$0x0];
	[tilespmem:s16+$0x0] =	vst v7;
	v7 =	vadd.f32 v15, v2  }
0x44a: {  	s8 =	sor.u32 s12, s20;
	v12 =	vld [tilespmem:s31+$0x0];
	[tilespmem:s1+$0x0] =	vst v8;
	v8 =	vadd.f32 v14, v6  }
0x44b: {  	v13 =	vld [tilespmem:s8+$0x0];
	[tilespmem:s19+$0x0] =	vst v7  }
0x44c: {  	v7 =	vadd.f32 v10, v0;
	[tilespmem:s25+$0x0] =	vst v8  }
0x44d: {  	s9 =	sadd.s32 $0xB580, s3;
	v8 =	vadd.f32 v11, v1;
	s7 =	rddreg [dreg:$0x6];
	v11 =	vld [tilespmem:s17+$0x0]  }
0x44e: {  	s10 =	sor.u32 s29, s9;
	[tilespmem:s21+$0x0] =	vst v7;
	v10 =	vld [tilespmem:s7+$0x0];
	v7 =	vadd.f32 v9, v3  }
0x44f: {  	[tilespmem:s23+$0x0] =	vst v8;
	v8 =	vld [tilespmem:s10+$0x0];
	v9 =	vadd.f32 v12, v4  }
0x450: {  	s3 =	sor.u32 s24, s9;
	v12 =	vld [tilespmem:s26+$0x0];
	[tilespmem:s22+$0x0] =	vst v7;
	v7 =	vadd.f32 v13, v5  }
0x451: {  	s11 =	sor.u32 s30, s9;
	[tilespmem:s31+$0x0] =	vst v9;
	v9 =	vld [tilespmem:s3+$0x0]  }
0x452: {  	s1 =	sor.u32 s12, s9;
	[tilespmem:s8+$0x0] =	vst v7;
	v7 =	vld [tilespmem:s11+$0x0];
	v6 =	vadd.f32 v11, v6  }
0x453: {  	v2 =	vadd.f32 v10, v2;
	v10 =	vld [tilespmem:s1+$0x0]  }
0x454: {  	v0 =	vadd.f32 v8, v0;
	[tilespmem:s17+$0x0] =	vst v6  }
0x455: {  	v1 =	vadd.f32 v12, v1;
	[tilespmem:s7+$0x0] =	vst v2  }
0x456: {  	[tilespmem:s10+$0x0] =	vst v0;
	v0 =	vadd.f32 v9, v3  }
0x457: {  	[tilespmem:s26+$0x0] =	vst v1;
	v1 =	vadd.f32 v7, v4  }
0x458: {  	[tilespmem:s3+$0x0] =	vst v0;
	v0 =	vadd.f32 v10, v5  }
0x459: {  	[tilespmem:s11+$0x0] =	vst v1  }
0x45a: {  	[tilespmem:s1+$0x0] =	vst v0  }
0x45b: {  	s1 =	sld [smem:$0x7E1];
	_ =	sdelay $0x1  }
0x45c: {  	s13 =	simm.s32 $0x200;
	s12 =	rddreg [dreg:$0x3]  }
0x45d: {  	s14 =	simm.s32 $0x400;
	s15 =	simm.s32 $0x8400;
	s0 =	sadd.s32 s12, s1  }
0x45e: {  	[hbm4b:s0+s13] =	stream.strided.scatter [tilespmem:s15], [sflag:$0x7], $0x1000, s14, s13, $0x38;
	[tilespmem:$0x14400] =	vst v63  }
0x45f: {  	s17 =	simm.s32 $0x9400;
	s21 =	sld [smem:$0x7EE];
	s16 =	sadd.s32 $0x80000, s0  }
0x460: {  	[hbm4b:s16+s13] =	stream.strided.scatter [tilespmem:s17], [sflag:$0x7], $0x1000, s14, s13, $0x38;
	[tilespmem:$0x14400] =	vst v63  }
0x461: {  	s19 =	simm.s32 $0xA400;
	s18 =	sadd.s32 $0x100000, s0  }
0x462: {  	[hbm4b:s18+s13] =	stream.strided.scatter [tilespmem:s19], [sflag:$0x7], $0x1000, s14, s13, $0x38;
	[tilespmem:$0x14400] =	vst v63  }
0x463: {  	s20 =	simm.s32 $0xB400;
	p0 =	seq.s32 s21, $0x7;
	s0 =	sadd.s32 $0x180000, s0  }
0x464: {  	[hbm4b:s0+s13] =	stream.strided.scatter [tilespmem:s20], [sflag:$0x7], $0x1000, s14, s13, $0x38;
	[tilespmem:$0x14400] =	vst v63  }
0x465: {  	s0 =	simm.s32 @!p0 $0x5  }
0x466: {  	_ =	swait.ge @!p0 [sflag:s0], $0x4000  }
0x467: {  	[sflag:s0] =	ssyncset.done @!p0 $0x0;
	s1 =	sld [smem:$0x7EF]  }
0x468: {  	[sflag:s0] =	ssyncadd.s32 @!p0 $0xFFFFC000;
	s0 =	sld [smem:$0x7F8];
	_ =	sdelay $0x2  }
0x469: {  	s0 =	sadd.s32 @!p0 s1, s0;
	s1 =	rddreg [dreg:$0x0]  }
0x46a: {  	s2 =	simm.s32 @!p0 $0x200;
	s3 =	simm.s32 @!p0 $0x400;
	s1 =	sadd.s32 @!p0 s1, s0  }
0x46b: {  	[tilespmem:s3], [sflag:$0x1] =	stream.strided.gather @!p0 [hbm4b:s1+s2], $0x1000, s3, s2, $0x38;
	[tilespmem:$0x14400] =	vst v63  }
0x46c: {  	s5 =	simm.s32 @!p0 $0x1400;
	s4 =	sadd.s32 @!p0 $0x80000, s1  }
0x46d: {  	[tilespmem:s5], [sflag:$0x1] =	stream.strided.gather @!p0 [hbm4b:s4+s2], $0x1000, s3, s2, $0x38;
	[tilespmem:$0x14400] =	vst v63  }
0x46e: {  	s4 =	sadd.s32 @!p0 $0x100000, s1;
	s5 =	simm.s32 @!p0 $0x2400  }
0x46f: {  	[tilespmem:s5], [sflag:$0x1] =	stream.strided.gather @!p0 [hbm4b:s4+s2], $0x1000, s3, s2, $0x38;
	[tilespmem:$0x14400] =	vst v63  }
0x470: {  	s1 =	sadd.s32 @!p0 $0x180000, s1;
	s4 =	simm.s32 @!p0 $0x3400  }
0x471: {  	[tilespmem:s4], [sflag:$0x1] =	stream.strided.gather @!p0 [hbm4b:s1+s2], $0x1000, s3, s2, $0x38;
	[tilespmem:$0x14400] =	vst v63  }
0x472: {  	s1 =	rddreg [dreg:$0x2]  }
0x473: {  	s22 =	simm.s32 $0x4;
	s0 =	sadd.s32 @!p0 s1, s0;
	s1 =	simm.s32 @!p0 $0x10400  }
0x474: {  	[tilespmem:s1], [sflag:$0x1] =	stream.strided.gather @!p0 [hbm4b:s0+s2], $0x1000, s3, s2, $0x38;
	[tilespmem:$0x14400] =	vst v63  }
0x475: {  	_ =	swait.ge [sflag:s22], $0x4000  }
0x476: {  	[sflag:s22] =	ssyncset.done $0x0  }
0x477: {  	s23 =	simm.s32 $0x0;
	[sflag:s22] =	ssyncadd.s32 $0xFFFFC000  }
0x478: {  	s2 =	sand.u32 $0x40, s23;
	_ =	swait.ge [sflag:s22], $0x1000  }
0x479: {  	s24 =	sand.u32 $0x380, s23;
	s31 =	sor.u32 $0x30, s2;
	[sflag:s22] =	ssyncset.done $0x0  }
0x47a: {  	s25 =	sor.u32 s31, s24;
	[sflag:s22] =	ssyncadd.s32 $0xFFFFF000  }
0x47b: {  	v0 =	vld [tilespmem:s25+$0x0];
	_ =	sdelay $0x4  }
0x47c: {  	v1 =	vshll.u32 v0, $0x2  }
0x47d: {  	v0 =	vand.u32 $0x7F, v0;
	v1 =	vand.u32 $0xFFFFFE00, v1  }
0x47e: {  	v6 =	vor.u32 v0, v1  }
0x47f: {  	s5 =	sand.u32 $0xE00, s23;
	s0 =	sor.u32 $0x10, s2  }
0x480: {  	s30 =	sadd.s32 $0xC400, s5;
	s26 =	sor.u32 s0, s24  }
0x481: {  	s1 =	sor.u32 s31, s30;
	v0 =	vld [tilespmem:s26+$0x0]  }
0x482: {  	s25 =	simm.s32 $0x13400;
	v1 =	vld [tilespmem:s1+$0x0]  }
0x483: {  	s4 =	sor.u32 $0x20, s2;
	v4 =	vld.idx.msk [tilespmem:v6+s25+$0x0], $0xffff  }
0x484: {  	s11 =	sor.u32 s4, s24  }
0x485: {  	v3 =	vld [tilespmem:s11+$0x0];
	_ =	sdelay $0x2  }
0x486: {  	v2 =	vshll.u32 v0, $0x2;
	v1 =	vadd.f32 v1, v4  }
0x487: {  	s12 =	simm.s32 $0x0;
	s13 =	sadd.s32 $0xD400, s5;
	v0 =	vand.u32 $0x7F, v0;
	v2 =	vand.u32 $0xFFFFFE00, v2  }
0x488: {  	s14 =	sor.u32 s31, s13;
	v5 =	vshll.u32 v3, $0x2;
	v2 =	vor.u32 v0, v2;
	v0 =	vld [tilespmem:s12+$0x0];
	[tilespmem:s1+$0x0] =	vst v1  }
0x489: {  	v1 =	vand.u32 $0xFFFFFE00, v5;
	v5 =	vld [tilespmem:s14+$0x0]  }
0x48a: {  	v3 =	vand.u32 $0x7F, v3  }
0x48b: {  	v3 =	vor.u32 v3, v1  }
0x48c: {  	s3 =	sor.u32 s0, s30  }
0x48d: {  	v8 =	vld [tilespmem:s3+$0x0]  }
0x48e: {  	s7 =	sor.u32 s4, s30;
	v7 =	vld.idx.msk [tilespmem:v2+s25+$0x0], $0xffff;
	v1 =	vshll.u32 v0, $0x2;
	v5 =	vadd.f32 v5, v4  }
0x48f: {  	s15 =	sadd.s32 $0xE400, s5;
	v10 =	vld [tilespmem:s7+$0x0];
	v0 =	vand.u32 $0x7F, v0;
	v1 =	vand.u32 $0xFFFFFE00, v1  }
0x490: {  	s16 =	sor.u32 s31, s15;
	v1 =	vor.u32 v0, v1;
	v9 =	vld.idx.msk [tilespmem:v3+s25+$0x0], $0xffff;
	[tilespmem:s14+$0x0] =	vst v5  }
0x491: {  	v0 =	vld [tilespmem:s16+$0x0];
	_ =	sdelay $0x1  }
0x492: {  	s6 =	sor.u32 s2, s30;
	v5 =	vadd.f32 v8, v7  }
0x493: {  	v8 =	vld [tilespmem:s6+$0x0]  }
0x494: {  	s17 =	sor.u32 s0, s13;
	[tilespmem:s3+$0x0] =	vst v5;
	v5 =	vadd.f32 v10, v9;
	v10 =	vld.idx.msk [tilespmem:v1+s25+$0x0], $0xffff  }
0x495: {  	v11 =	vld [tilespmem:s17+$0x0];
	v0 =	vadd.f32 v0, v4  }
0x496: {  	s19 =	sadd.s32 $0xF400, s5;
	s18 =	sor.u32 s4, s13;
	[tilespmem:s7+$0x0] =	vst v5  }
0x497: {  	s20 =	sor.u32 s31, s19;
	v5 =	vld [tilespmem:s18+$0x0];
	[tilespmem:s16+$0x0] =	vst v0  }
0x498: {  	v0 =	vld [tilespmem:s20+$0x0]  }
0x499: {  	v8 =	vadd.f32 v8, v10  }
0x49a: {  	v11 =	vadd.f32 v11, v7  }
0x49b: {  	s10 =	sor.u32 s2, s13;
	[tilespmem:s6+$0x0] =	vst v8;
	v8 =	vor.u32 $0x80, v6  }
0x49c: {  	s21 =	sor.u32 s0, s15;
	[tilespmem:s17+$0x0] =	vst v11;
	v12 =	vld [tilespmem:s10+$0x0];
	v5 =	vadd.f32 v5, v9  }
0x49d: {  	v11 =	vld [tilespmem:s21+$0x0];
	v0 =	vadd.f32 v0, v4  }
0x49e: {  	s22 =	sor.u32 s4, s15;
	[tilespmem:s18+$0x0] =	vst v5  }
0x49f: {  	v4 =	vld [tilespmem:s22+$0x0];
	[tilespmem:s20+$0x0] =	vst v0  }
0x4a0: {  	v0 =	vld.idx.msk [tilespmem:v8+s25+$0x0], $0xffff  }
0x4a1: {  	v5 =	vadd.f32 v12, v10;
	v8 =	vld [tilespmem:s1+$0x80]  }
0x4a2: {  	v11 =	vadd.f32 v11, v7  }
0x4a3: {  	s11 =	sor.u32 s2, s15;
	[tilespmem:s10+$0x0] =	vst v5  }
0x4a4: {  	s23 =	sor.u32 s0, s19;
	[tilespmem:s21+$0x0] =	vst v11;
	v5 =	vld [tilespmem:s11+$0x0];
	v4 =	vadd.f32 v4, v9  }
0x4a5: {  	v11 =	vld [tilespmem:s23+$0x0]  }
0x4a6: {  	s24 =	sor.u32 s4, s19;
	[tilespmem:s22+$0x0] =	vst v4;
	v4 =	vadd.f32 v8, v0  }
0x4a7: {  	s26 =	sadd.s32 $0xD480, s5;
	v8 =	vld [tilespmem:s24+$0x0]  }
0x4a8: {  	s30 =	sor.u32 s31, s26;
	v12 =	vor.u32 $0x80, v2;
	[tilespmem:s1+$0x80] =	vst v4  }
0x4a9: {  	v4 =	vadd.f32 v5, v10;
	v5 =	vld [tilespmem:s30+$0x0]  }
0x4aa: {  	v13 =	vor.u32 $0x80, v3;
	v7 =	vadd.f32 v11, v7  }
0x4ab: {  	s1 =	sor.u32 s2, s19;
	[tilespmem:s11+$0x0] =	vst v4  }
0x4ac: {  	[tilespmem:s23+$0x0] =	vst v7;
	v4 =	vld [tilespmem:s1+$0x0];
	v8 =	vadd.f32 v8, v9  }
0x4ad: {  	v7 =	vld.idx.msk [tilespmem:v12+s25+$0x0], $0xffff  }
0x4ae: {  	[tilespmem:s24+$0x0] =	vst v8;
	v8 =	vld [tilespmem:s3+$0x80];
	v5 =	vadd.f32 v5, v0  }
0x4af: {  	s12 =	sadd.s32 $0xE480, s5;
	v9 =	vor.u32 $0x80, v1;
	v11 =	vld.idx.msk [tilespmem:v13+s25+$0x0], $0xffff  }
0x4b0: {  	s14 =	sor.u32 s31, s12;
	v12 =	vld [tilespmem:s7+$0x80];
	[tilespmem:s30+$0x0] =	vst v5  }
0x4b1: {  	v4 =	vadd.f32 v4, v10;
	v5 =	vld [tilespmem:s14+$0x0];
	_ =	sdelay $0x1  }
0x4b2: {  	[tilespmem:s1+$0x0] =	vst v4;
	v4 =	vadd.f32 v8, v7  }
0x4b3: {  	v13 =	vld.idx.msk [tilespmem:v9+s25+$0x0], $0xffff  }
0x4b4: {  	s15 =	sor.u32 s0, s26;
	v8 =	vld [tilespmem:s6+$0x80];
	v9 =	vadd.f32 v12, v11;
	[tilespmem:s3+$0x80] =	vst v4  }
0x4b5: {  	v4 =	vld [tilespmem:s15+$0x0];
	v5 =	vadd.f32 v5, v0  }
0x4b6: {  	s16 =	sor.u32 s4, s26;
	s17 =	sadd.s32 $0xF480, s5;
	[tilespmem:s7+$0x80] =	vst v9  }
0x4b7: {  	s19 =	sor.u32 s31, s17;
	v9 =	vld [tilespmem:s16+$0x0];
	[tilespmem:s14+$0x0] =	vst v5  }
0x4b8: {  	v5 =	vld [tilespmem:s19+$0x0]  }
0x4b9: {  	v8 =	vadd.f32 v8, v13  }
0x4ba: {  	v4 =	vadd.f32 v4, v7  }
0x4bb: {  	p0 =	por $0x0, $0x0;
	s9 =	sor.u32 s2, s26;
	[tilespmem:s6+$0x80] =	vst v8;
	v8 =	vor.u32 $0x100, v6;
	s6 =	simm.s32 $0x1  }
0x4bc: {  	s20 =	sor.u32 s0, s12;
	v10 =	vld [tilespmem:s9+$0x0];
	v9 =	vadd.f32 v9, v11;
	s6 =	simm.s32 @!p0 $0x0;
	[tilespmem:s15+$0x0] =	vst v4  }
0x4bd: {  	s6 =	sshll.u32 s6, $0x6;
	v4 =	vld [tilespmem:s20+$0x0];
	v0 =	vadd.f32 v5, v0  }
0x4be: {  	s21 =	sor.u32 s4, s12;
	[tilespmem:s16+$0x0] =	vst v9;
	s22 =	sadd.s32 $0x0, s6  }
0x4bf: {  	v5 =	vld [tilespmem:s21+$0x0];
	s15 =	sadd.s32 $0x30, s22;
	[tilespmem:s19+$0x0] =	vst v0  }
0x4c0: {  	s23 =	sor.u32 $0x100, s15;
	v12 =	vld.idx.msk [tilespmem:v8+s25+$0x0], $0xffff  }
0x4c1: {  	v0 =	vadd.f32 v10, v13;
	v8 =	vld [tilespmem:s23+$0xC400]  }
0x4c2: {  	s24 =	simm.s32 $0x40;
	v4 =	vadd.f32 v4, v7  }
0x4c3: {  	s10 =	sor.u32 s2, s12;
	s29 =	sand.u32 $0x40, s24;
	[tilespmem:s9+$0x0] =	vst v0  }
0x4c4: {  	s26 =	sor.u32 s0, s17;
	s8 =	sand.u32 $0x380, s24;
	s28 =	sor.u32 $0x30, s29;
	v0 =	vld [tilespmem:s10+$0x0];
	v5 =	vadd.f32 v5, v11;
	[tilespmem:s20+$0x0] =	vst v4  }
0x4c5: {  	s11 =	smov.u32 s0;
	s0 =	sor.u32 s28, s8;
	v4 =	vld [tilespmem:s26+$0x0]  }
0x4c6: {  	s3 =	sor.u32 s4, s17;
	[tilespmem:s21+$0x0] =	vst v5;
	v5 =	vld [tilespmem:s0+$0x0];
	v8 =	vadd.f32 v8, v12  }
0x4c7: {  	s18 =	sadd.s32 $0xD500, s5;
	v9 =	vld [tilespmem:s3+$0x0]  }
0x4c8: {  	s16 =	sor.u32 s31, s18;
	[tilespmem:s23+$0xC400] =	vst v8  }
0x4c9: {  	s0 =	sor.u32 $0x10, s29;
	v8 =	vor.u32 $0x100, v2;
	v10 =	vld [tilespmem:s16+$0x0]  }
0x4ca: {  	v14 =	vor.u32 $0x100, v3;
	s30 =	sor.u32 $0x20, s29;
	s19 =	sor.u32 s0, s8;
	v0 =	vadd.f32 v0, v13  }
0x4cb: {  	s8 =	sor.u32 s30, s8;
	v15 =	vld [tilespmem:s19+$0x0];
	v4 =	vadd.f32 v4, v7;
	v7 =	vshll.u32 v5, $0x2  }
0x4cc: {  	s7 =	sor.u32 s2, s17;
	v16 =	vld [tilespmem:s8+$0x0];
	[tilespmem:s10+$0x0] =	vst v0;
	v0 =	vand.u32 $0x7F, v5;
	v9 =	vadd.f32 v9, v11;
	v5 =	vand.u32 $0xFFFFFE00, v7  }
0x4cd: {  	v7 =	vld [tilespmem:s7+$0x0];
	[tilespmem:s26+$0x0] =	vst v4;
	v0 =	vor.u32 v0, v5  }
0x4ce: {  	s6 =	sadd.s32 $0x10, s22;
	v8 =	vld.idx.msk [tilespmem:v8+s25+$0x0], $0xffff;
	[tilespmem:s3+$0x0] =	vst v9;
	v4 =	vadd.f32 v10, v12  }
0x4cf: {  	s17 =	sadd.s32 $0xE500, s5;
	s21 =	simm.s32 $0x100;
	s19 =	sor.u32 $0x100, s6;
	v9 =	vld.idx.msk [tilespmem:v14+s25+$0x0], $0xffff  }
0x4d0: {  	s20 =	smov.u32 s22;
	s22 =	sor.u32 s31, s17;
	s3 =	sand.u32 $0xE00, s21;
	v14 =	vld [tilespmem:s19+$0xC400];
	[tilespmem:s16+$0x0] =	vst v4  }
0x4d1: {  	v5 =	vshll.u32 v15, $0x2;
	v11 =	vand.u32 $0x7F, v15;
	v10 =	vshll.u32 v16, $0x2;
	s13 =	sadd.s32 $0xC400, s3;
	v15 =	vld [tilespmem:s22+$0x0];
	[smem:$0x7CC] =	sst s20  }
0x4d2: {  	s14 =	sor.u32 s28, s13;
	v4 =	vand.u32 $0xFFFFFE00, v10;
	v10 =	vand.u32 $0x7F, v16;
	v16 =	vld.idx.msk [tilespmem:v0+s25+$0x0], $0xffff  }
0x4d3: {  	s10 =	sadd.s32 $0x20, s20;
	v17 =	vld [tilespmem:s14+$0x0]  }
0x4d4: {  	s23 =	smov.u32 s20;
	s20 =	sor.u32 $0x100, s10  }
0x4d5: {  	s24 =	simm.s32 $0x40;
	v18 =	vld [tilespmem:s20+$0xC400]  }
0x4d6: {  	v5 =	vand.u32 $0xFFFFFE00, v5;
	s9 =	sor.u32 s29, s13;
	v19 =	vld [tilespmem:s24+$0x0]  }
0x4d7: {  	v5 =	vor.u32 v11, v5;
	s8 =	sor.u32 s0, s13;
	v21 =	vld [tilespmem:s9+$0x0];
	v15 =	vadd.f32 v15, v12  }
0x4d8: {  	s13 =	sor.u32 s30, s13;
	s16 =	sadd.s32 $0xF500, s5;
	v4 =	vor.u32 v10, v4;
	v22 =	vld [tilespmem:s8+$0x0];
	v17 =	vadd.f32 v17, v16  }
0x4d9: {  	v20 =	vor.u32 $0x100, v1;
	s21 =	sadd.s32 $0xD400, s3;
	s26 =	sor.u32 s31, s16;
	v23 =	vld [tilespmem:s13+$0x0];
	[tilespmem:s22+$0x0] =	vst v15  }
0x4da: {  	s22 =	sor.u32 s28, s21;
	v15 =	vld [tilespmem:s26+$0x0];
	[tilespmem:s14+$0x0] =	vst v17  }
0x4db: {  	v7 =	vadd.f32 v7, v13;
	v13 =	vshll.u32 v19, $0x2;
	v17 =	vand.u32 $0x7F, v19;
	v19 =	vld [tilespmem:s22+$0x0]  }
0x4dc: {  	v10 =	vld.idx.msk [tilespmem:v5+s25+$0x0], $0xffff;
	v13 =	vand.u32 $0xFFFFFE00, v13  }
0x4dd: {  	[tilespmem:s7+$0x0] =	vst v7;
	v7 =	vadd.f32 v14, v8;
	v11 =	vld.idx.msk [tilespmem:v4+s25+$0x0], $0xffff;
	v14 =	vor.u32 v17, v13  }
0x4de: {  	v6 =	vor.u32 $0x180, v6;
	s7 =	sor.u32 $0x100, s23;
	v17 =	vadd.f32 v18, v9;
	v13 =	vld.idx.msk [tilespmem:v20+s25+$0x0], $0xffff  }
0x4df: {  	[tilespmem:s19+$0xC400] =	vst v7;
	s19 =	sor.u32 s11, s18;
	v18 =	vld [tilespmem:s7+$0xC400];
	v7 =	vadd.f32 v15, v12  }
0x4e0: {  	[tilespmem:s20+$0xC400] =	vst v17;
	v17 =	vld [tilespmem:s19+$0x0];
	s20 =	sor.u32 s4, s18;
	v15 =	vadd.f32 v19, v16  }
0x4e1: {  	v12 =	vld [tilespmem:s20+$0x0];
	[tilespmem:s26+$0x0] =	vst v7  }
0x4e2: {  	s12 =	sadd.s32 $0xE400, s3;
	v19 =	vld.idx.msk [tilespmem:v14+s25+$0x0], $0xffff;
	[tilespmem:s22+$0x0] =	vst v15;
	v15 =	vadd.f32 v22, v10  }
0x4e3: {  	v7 =	vld.idx.msk [tilespmem:v6+s25+$0x0], $0xffff;
	s22 =	sor.u32 s28, s12;
	v6 =	vadd.f32 v23, v11  }
0x4e4: {  	s23 =	sor.u32 $0x180, s15;
	v20 =	vld [tilespmem:s22+$0x0];
	[tilespmem:s8+$0x0] =	vst v15;
	v15 =	vadd.f32 v18, v13  }
0x4e5: {  	s24 =	sor.u32 s0, s21;
	v18 =	vld [tilespmem:s23+$0xC400];
	[tilespmem:s13+$0x0] =	vst v6;
	v6 =	vadd.f32 v17, v8  }
0x4e6: {  	s26 =	sor.u32 s30, s21;
	v17 =	vld [tilespmem:s24+$0x0];
	[tilespmem:s7+$0xC400] =	vst v15  }
0x4e7: {  	v21 =	vadd.f32 v21, v19;
	s7 =	sor.u32 s2, s18;
	v15 =	vld [tilespmem:s26+$0x0];
	[tilespmem:s19+$0x0] =	vst v6  }
0x4e8: {  	v6 =	vadd.f32 v12, v9;
	s18 =	sor.u32 s11, s17;
	v12 =	vld [tilespmem:s7+$0x0];
	[smem:$0x7CD] =	sst s11  }
0x4e9: {  	s19 =	sor.u32 s29, s21;
	v57 =	vld [tilespmem:s18+$0x0];
	[tilespmem:s9+$0x0] =	vst v21;
	v20 =	vadd.f32 v20, v16  }
0x4ea: {  	s21 =	sadd.s32 $0xF400, s3;
	[tilespmem:s20+$0x0] =	vst v6;
	s20 =	sor.u32 s4, s17;
	v6 =	vadd.f32 v18, v7;
	v18 =	vld [tilespmem:s19+$0x0]  }
0x4eb: {  	s15 =	sadd.s32 $0xD580, s5;
	[tilespmem:s22+$0x0] =	vst v20;
	v20 =	vld [tilespmem:s20+$0x0];
	v17 =	vadd.f32 v17, v10;
	s22 =	sor.u32 s28, s21  }
0x4ec: {  	[tilespmem:s23+$0xC400] =	vst v6;
	v6 =	vadd.f32 v15, v11;
	v15 =	vld [tilespmem:s22+$0x0];
	s23 =	sor.u32 s31, s15  }
0x4ed: {  	[tilespmem:s24+$0x0] =	vst v17;
	v17 =	vld [tilespmem:s23+$0x0];
	v12 =	vadd.f32 v12, v13;
	s24 =	sor.u32 s0, s12  }
0x4ee: {  	[tilespmem:s26+$0x0] =	vst v6;
	v6 =	vld [tilespmem:s24+$0x0];
	v58 =	vadd.f32 v57, v8;
	s26 =	sor.u32 s30, s12  }
0x4ef: {  	v59 =	vor.u32 $0x80, v0;
	[tilespmem:s7+$0x0] =	vst v12;
	s7 =	sor.u32 s2, s17;
	v12 =	vld [tilespmem:s26+$0x0];
	v18 =	vadd.f32 v18, v19  }
0x4f0: {  	[tilespmem:s18+$0x0] =	vst v58;
	v20 =	vadd.f32 v20, v9;
	v60 =	vld [tilespmem:s7+$0x0];
	s18 =	sor.u32 s11, s16  }
0x4f1: {  	s12 =	sor.u32 s29, s12;
	[tilespmem:s19+$0x0] =	vst v18;
	v18 =	vld [tilespmem:s18+$0x0];
	v15 =	vadd.f32 v15, v16  }
0x4f2: {  	s19 =	sor.u32 s4, s16;
	[tilespmem:s20+$0x0] =	vst v20;
	v16 =	vld [tilespmem:s12+$0x0]  }
0x4f3: {  	[tilespmem:s22+$0x0] =	vst v15;
	v15 =	vld [tilespmem:s19+$0x0];
	v6 =	vadd.f32 v6, v10  }
0x4f4: {  	v12 =	vadd.f32 v12, v11;
	v20 =	vld.idx.msk [tilespmem:v59+s25+$0x0], $0xffff  }
0x4f5: {  	s20 =	sor.u32 s0, s21;
	[tilespmem:s24+$0x0] =	vst v6;
	v6 =	vadd.f32 v17, v7;
	v17 =	vld [tilespmem:s14+$0x80]  }
0x4f6: {  	s22 =	sor.u32 s30, s21;
	[tilespmem:s26+$0x0] =	vst v12;
	v12 =	vadd.f32 v60, v13;
	v61 =	vld [tilespmem:s20+$0x0]  }
0x4f7: {  	v3 =	vor.u32 $0x180, v3;
	[tilespmem:s23+$0x0] =	vst v6;
	v6 =	vadd.f32 v16, v19;
	v16 =	vld [tilespmem:s22+$0x0]  }
0x4f8: {  	s11 =	smov.u32 s29;
	v8 =	vadd.f32 v18, v8;
	[tilespmem:s7+$0x0] =	vst v12  }
0x4f9: {  	s24 =	sor.u32 s11, s21;
	v12 =	vor.u32 $0x80, v5;
	[tilespmem:s12+$0x0] =	vst v6;
	v6 =	vadd.f32 v15, v9  }
0x4fa: {  	s16 =	sor.u32 s2, s16;
	[tilespmem:s18+$0x0] =	vst v8;
	v8 =	vor.u32 $0x80, v4;
	v15 =	vld [tilespmem:s24+$0x0];
	v17 =	vadd.f32 v17, v20  }
0x4fb: {  	s26 =	sadd.s32 $0xD480, s3;
	v9 =	vld [tilespmem:s16+$0x0];
	[tilespmem:s19+$0x0] =	vst v6;
	v10 =	vadd.f32 v61, v10  }
0x4fc: {  	s21 =	sor.u32 s28, s26;
	v16 =	vadd.f32 v16, v11;
	[tilespmem:s14+$0x80] =	vst v17;
	v6 =	vld.idx.msk [tilespmem:v3+s25+$0x0], $0xffff  }
0x4fd: {  	v3 =	vor.u32 $0x80, v14;
	[tilespmem:s20+$0x0] =	vst v10;
	v17 =	vld [tilespmem:s21+$0x0]  }
0x4fe: {  	v11 =	vld.idx.msk [tilespmem:v12+s25+$0x0], $0xffff;
	[tilespmem:s22+$0x0] =	vst v16  }
0x4ff: {  	v10 =	vadd.f32 v15, v19;
	v12 =	vld.idx.msk [tilespmem:v8+s25+$0x0], $0xffff  }
0x500: {  	v2 =	vor.u32 $0x180, v2;
	v8 =	vld [tilespmem:s8+$0x80]  }
0x501: {  	v15 =	vld [tilespmem:s13+$0x80];
	[tilespmem:s24+$0x0] =	vst v10  }
0x502: {  	s17 =	sadd.s32 $0xE580, s5;
	v10 =	vld.idx.msk [tilespmem:v3+s25+$0x0], $0xffff  }
0x503: {  	s23 =	sor.u32 s31, s17;
	v3 =	vadd.f32 v17, v20;
	v16 =	vld [tilespmem:s9+$0x80]  }
0x504: {  	v62 =	vld [tilespmem:s23+$0x0];
	v9 =	vadd.f32 v9, v13;
	s24 =	sor.u32 $0x180, s6;
	s6 =	sadd.s32 $0xE480, s3  }
0x505: {  	v1 =	vor.u32 $0x180, v1;
	v2 =	vld.idx.msk [tilespmem:v2+s25+$0x0], $0xffff;
	s7 =	sor.u32 s28, s6;
	[tilespmem:s21+$0x0] =	vst v3;
	v8 =	vadd.f32 v8, v11  }
0x506: {  	[tilespmem:s16+$0x0] =	vst v9;
	v9 =	vadd.f32 v15, v12;
	v13 =	vld [tilespmem:s7+$0x0]  }
0x507: {  	s10 =	sor.u32 $0x180, s10;
	v3 =	vld [tilespmem:s24+$0xC400];
	[tilespmem:s8+$0x80] =	vst v8  }
0x508: {  	s16 =	sor.u32 s0, s26;
	v15 =	vld [tilespmem:s10+$0xC400];
	[tilespmem:s13+$0x80] =	vst v9;
	v8 =	vadd.f32 v16, v10  }
0x509: {  	v16 =	vld [tilespmem:s16+$0x0];
	s19 =	sld [smem:$0x7CC]  }
0x50a: {  	v1 =	vld.idx.msk [tilespmem:v1+s25+$0x0], $0xffff;
	v17 =	vadd.f32 v62, v7;
	s8 =	sor.u32 s30, s26;
	[tilespmem:s9+$0x80] =	vst v8  }
0x50b: {  	s18 =	sor.u32 s11, s26;
	v9 =	vld [tilespmem:s8+$0x0];
	v8 =	vadd.f32 v13, v20;
	s9 =	sld [smem:$0x7CD]  }
0x50c: {  	s1 =	simm.s32 $0x100;
	s22 =	sadd.s32 $0xF480, s3;
	v3 =	vadd.f32 v3, v2;
	s13 =	sor.u32 $0x180, s19;
	v18 =	vld [tilespmem:s18+$0x0];
	[tilespmem:s23+$0x0] =	vst v17  }
0x50d: {  	p0 =	por !p0, !p0;
	s5 =	sadd.s32 $0xF580, s5;
	s12 =	sor.u32 s28, s22;
	v13 =	vld [tilespmem:s13+$0xC400];
	[tilespmem:s7+$0x0] =	vst v8  }
0x50e: {  	s29 =	smov.u32 s0;
	s21 =	sor.u32 s2, s17;
	[tilespmem:s24+$0xC400] =	vst v3;
	v3 =	vadd.f32 v15, v6;
	v15 =	vadd.f32 v16, v11;
	s26 =	sor.u32 s9, s15;
	v16 =	vld [tilespmem:s12+$0x0]  }
0x50f: {  	s31 =	sor.u32 s31, s5;
	s20 =	sor.u32 s2, s15;
	v8 =	vld [tilespmem:s26+$0x0];
	[dreg:$0x8] =	wrdreg s21  }
0x510: {  	s24 =	sor.u32 s4, s17;
	s7 =	sor.u32 s4, s15;
	s19 =	sor.u32 s9, s17;
	[tilespmem:s10+$0xC400] =	vst v3;
	v3 =	vadd.f32 v9, v12  }
0x511: {  	s23 =	smov.u32 s9;
	s17 =	sor.u32 s2, s5;
	s2 =	sor.u32 s29, s6;
	v17 =	vld [tilespmem:s31+$0x0];
	[tilespmem:s16+$0x0] =	vst v15  }
0x512: {  	s9 =	sor.u32 s30, s6;
	s0 =	sor.u32 s23, s5;
	s10 =	simm.s32 $0x1;
	v9 =	vld [tilespmem:s7+$0x0];
	v13 =	vadd.f32 v13, v1;
	[tilespmem:s8+$0x0] =	vst v3  }
0x513: {  	v19 =	vor.u32 $0x100, v0;
	s15 =	sor.u32 s11, s22;
	v15 =	vadd.f32 v18, v10;
	v18 =	vld [tilespmem:s2+$0x0];
	s10 =	simm.s32 @!p0 $0x0;
	[dreg:$0x7] =	wrdreg s0  }
0x514: {  	s21 =	sor.u32 s4, s5;
	s23 =	sor.u32 s30, s22;
	v63 =	vld [tilespmem:s9+$0x0];
	[tilespmem:s13+$0xC400] =	vst v13;
	v3 =	vadd.f32 v8, v2;
	s13 =	sshll.u32 s10, $0x6  }
0x515: {  	s8 =	sor.u32 s11, s6;
	[tilespmem:s18+$0x0] =	vst v15;
	s18 =	smov.u32 s20;
	v8 =	vadd.f32 v16, v20;
	v16 =	vld [tilespmem:s20+$0x0];
	s4 =	sadd.s32 $0x100, s13  }
0x516: {  	v7 =	vadd.f32 v17, v7;
	s20 =	sor.u32 s29, s22;
	s22 =	smov.u32 s30;
	v17 =	vld [tilespmem:s8+$0x0];
	[tilespmem:s26+$0x0] =	vst v3;
	s16 =	sadd.s32 $0x10, s4  }
0x517: {  	v9 =	vadd.f32 v9, v6;
	s30 =	sadd.s32 $0x20, s4;
	[tilespmem:s12+$0x0] =	vst v8;
	s12 =	smov.u32 s3;
	s14 =	sadd.s32 $0x30, s4;
	v15 =	vld [tilespmem:s19+$0x0]  }
0x518: {  	v8 =	vor.u32 $0x100, v5;
	v3 =	vor.u32 $0x180, v5;
	v5 =	vadd.f32 v18, v11;
	s3 =	simm.s32 $0x4;
	[tilespmem:s31+$0x0] =	vst v7;
	s26 =	sor.u32 $0x100, s16;
	v13 =	vld.idx.msk [tilespmem:v19+s25+$0x0], $0xffff;
	s0 =	sor.u32 $0x100, s14  }
0x519: {  	s6 =	sor.u32 $0x100, s30;
	v7 =	vor.u32 $0x100, v14;
	s13 =	sor.u32 $0x180, s16;
	s10 =	sor.u32 $0x180, s30;
	[tilespmem:s7+$0x0] =	vst v9;
	v9 =	vor.u32 $0x100, v4;
	v4 =	vor.u32 $0x180, v4;
	v18 =	vld [tilespmem:s0+$0xC400]  }
0x51a: {  	s16 =	sor.u32 $0x100, s4;
	[tilespmem:s2+$0x0] =	vst v5;
	v5 =	vor.u32 $0x180, v14;
	s7 =	sor.u32 $0x180, s4;
	s2 =	simm.s32 $0x80;
	v19 =	vadd.f32 v63, v12;
	v14 =	vld [tilespmem:s24+$0x0];
	v16 =	vadd.f32 v16, v1  }
.LBB2_9:
0x51b: {  	[dreg:$0x15] =	wrdreg s10  }
0x51c: {  	[dreg:$0x10] =	wrdreg s2;
	s10 =	sand.u32 $0x40, s2  }
0x51d: {  	[tilespmem:s9+$0x0] =	vst v19;
	s5 =	rddreg [dreg:$0x10];
	s9 =	sor.u32 $0x30, s10  }
0x51e: {  	v20 =	vld [tilespmem:s20+$0x0];
	[tilespmem:s18+$0x0] =	vst v16;
	s30 =	sor.u32 $0x10, s10;
	s18 =	sor.u32 $0x20, s10;
	s2 =	sand.u32 $0x380, s5  }
0x51f: {  	v19 =	vld [tilespmem:s23+$0x0];
	s4 =	sor.u32 s9, s2;
	s5 =	sor.u32 s30, s2;
	s2 =	sor.u32 s18, s2;
	v17 =	vadd.f32 v17, v10  }
0x520: {  	[dreg:$0x1a] =	wrdreg s7;
	v15 =	vadd.f32 v15, v2;
	v21 =	vld [tilespmem:s2+$0x0]  }
0x521: {  	s7 =	rddreg [dreg:$0x8];
	v18 =	vadd.f32 v18, v13;
	[tilespmem:s8+$0x0] =	vst v17;
	v17 =	vld [tilespmem:s4+$0x0]  }
0x522: {  	[tilespmem:s19+$0x0] =	vst v15;
	s8 =	sadd.s32 $0xD500, s12;
	v16 =	vld [tilespmem:s7+$0x0]  }
0x523: {  	[dreg:$0x1b] =	wrdreg s17;
	v11 =	vadd.f32 v20, v11;
	[tilespmem:s0+$0xC400] =	vst v18;
	v15 =	vld [tilespmem:s5+$0x0];
	s17 =	sor.u32 s28, s8  }
0x524: {  	v18 =	vld [tilespmem:s17+$0x0]  }
0x525: {  	v14 =	vadd.f32 v14, v6;
	v12 =	vadd.f32 v19, v12;
	v19 =	vld [tilespmem:s15+$0x0];
	[tilespmem:s20+$0x0] =	vst v11  }
0x526: {  	v11 =	vld.idx.msk [tilespmem:v8+s25+$0x0], $0xffff  }
0x527: {  	s31 =	sadd.s32 $0x100, s1;
	s1 =	rddreg [dreg:$0x7];
	[tilespmem:s24+$0x0] =	vst v14;
	v20 =	vld [tilespmem:s26+$0xC400];
	v14 =	vshll.u32 v17, $0x2;
	v16 =	vadd.f32 v16, v1  }
0x528: {  	v57 =	vld [tilespmem:s1+$0x0];
	[tilespmem:s23+$0x0] =	vst v12;
	v12 =	vand.u32 $0x7F, v17;
	v8 =	vshll.u32 v15, $0x2;
	v17 =	vand.u32 $0xFFFFFE00, v14  }
0x529: {  	v23 =	vld [tilespmem:s6+$0xC400];
	[tilespmem:s7+$0x0] =	vst v16;
	v16 =	vor.u32 v12, v17;
	v12 =	vand.u32 $0x7F, v15;
	v15 =	vadd.f32 v18, v13  }
0x52a: {  	[smem:$0x7CB] =	sst s13;
	s4 =	sadd.s32 $0xE500, s12;
	s23 =	sand.u32 $0xE00, s31;
	v14 =	vld.idx.msk [tilespmem:v9+s25+$0x0], $0xffff;
	v19 =	vadd.f32 v19, v10  }
0x52b: {  	s13 =	sor.u32 s11, s8;
	s2 =	sor.u32 s28, s4;
	v25 =	vld [tilespmem:s21+$0x0];
	s19 =	sadd.s32 $0xC400, s23;
	[tilespmem:s17+$0x0] =	vst v15  }
0x52c: {  	[smem:$0x7C5] =	sst s13;
	s13 =	sor.u32 s9, s19;
	v9 =	vshll.u32 v21, $0x2;
	v8 =	vand.u32 $0xFFFFFE00, v8;
	[tilespmem:s15+$0x0] =	vst v19;
	v19 =	vld [tilespmem:s2+$0x0]  }
0x52d: {  	v9 =	vand.u32 $0xFFFFFE00, v9;
	v18 =	vor.u32 v12, v8;
	v12 =	vand.u32 $0x7F, v21;
	v26 =	vld [tilespmem:s13+$0x0]  }
0x52e: {  	v20 =	vadd.f32 v20, v11;
	v24 =	vor.u32 v12, v9;
	v22 =	vld.idx.msk [tilespmem:v16+s25+$0x0], $0xffff  }
0x52f: {  	s7 =	sshra.s32 s31, $0x2;
	v23 =	vadd.f32 v23, v14  }
0x530: {  	v2 =	vadd.f32 v57, v2;
	[tilespmem:s26+$0xC400] =	vst v20;
	v27 =	vld [tilespmem:s7+$0x0]  }
0x531: {  	s3 =	sadd.s32 $0x4, s3;
	v20 =	vadd.f32 v25, v6;
	v10 =	vor.u32 $0x80, v18;
	v28 =	vld [tilespmem:s16+$0xC400];
	[tilespmem:s6+$0xC400] =	vst v23  }
0x532: {  	[dreg:$0xc] =	wrdreg s3;
	p1 =	slt.u32 s3, $0x3C;
	s3 =	smov.u32 s12;
	v8 =	vor.u32 $0x100, v18;
	v17 =	vor.u32 $0x180, v18;
	v18 =	vld.idx.msk [tilespmem:v18+s25+$0x0], $0xffff;
	[tilespmem:s1+$0x0] =	vst v2;
	v19 =	vadd.f32 v19, v13  }
0x533: {  	s12 =	sadd.s32 $0xF500, s3;
	s20 =	sor.u32 s10, s19;
	v6 =	vld.idx.msk [tilespmem:v24+s25+$0x0], $0xffff;
	[tilespmem:s21+$0x0] =	vst v20;
	v20 =	vadd.f32 v26, v22  }
0x534: {  	s26 =	sadd.s32 $0xD400, s23;
	s7 =	sor.u32 s28, s12;
	v2 =	vld [tilespmem:s20+$0x0];
	s21 =	sor.u32 s11, s12;
	[tilespmem:s2+$0x0] =	vst v19  }
0x535: {  	v59 =	vshll.u32 v27, $0x2;
	[smem:$0x7C8] =	sst s21;
	s21 =	sor.u32 s9, s26;
	v60 =	vld [tilespmem:s7+$0x0];
	[tilespmem:s13+$0x0] =	vst v20  }
0x536: {  	s15 =	sor.u32 s30, s19;
	v23 =	vand.u32 $0xFFFFFE00, v59;
	v19 =	vand.u32 $0x7F, v27;
	v62 =	vld [tilespmem:s21+$0x0]  }
0x537: {  	s5 =	sor.u32 s29, s8;
	v58 =	vld [tilespmem:s15+$0x0];
	v23 =	vor.u32 v19, v23  }
0x538: {  	v63 =	vor.u32 $0x180, v0;
	v29 =	vld [tilespmem:s5+$0x0]  }
0x539: {  	s14 =	sor.u32 $0x180, s14;
	s24 =	sor.u32 s11, s4;
	s17 =	sor.u32 s18, s19;
	v12 =	vor.u32 $0x80, v24;
	v20 =	vld.idx.msk [tilespmem:v7+s25+$0x0], $0xffff  }
0x53a: {  	s0 =	sor.u32 s22, s8;
	[smem:$0x7C6] =	sst s24;
	s24 =	sor.u32 s29, s12;
	v9 =	vor.u32 $0x100, v24;
	v15 =	vor.u32 $0x180, v24;
	v61 =	vld [tilespmem:s17+$0x0];
	v24 =	vadd.f32 v60, v13  }
0x53b: {  	[smem:$0x7C7] =	sst s24;
	s19 =	sor.u32 s22, s4;
	s24 =	sor.u32 s30, s26;
	v33 =	vld [tilespmem:s0+$0x0];
	v34 =	vadd.f32 v62, v22  }
0x53c: {  	s6 =	sor.u32 s22, s12;
	s1 =	smov.u32 s22;
	s22 =	sor.u32 s18, s26;
	v13 =	vld.idx.msk [tilespmem:v23+s25+$0x0], $0xffff;
	[tilespmem:s7+$0x0] =	vst v24  }
0x53d: {  	s12 =	sadd.s32 $0xE400, s23;
	s2 =	sor.u32 s10, s26;
	s26 =	sld [smem:$0x7C5];
	v21 =	vadd.f32 v58, v18;
	v35 =	vld.idx.msk [tilespmem:v63+s25+$0x0], $0xffff;
	[tilespmem:s21+$0x0] =	vst v34  }
0x53e: {  	v36 =	vadd.f32 v28, v20;
	s21 =	smov.u32 s28;
	s28 =	smov.u32 s11;
	s11 =	sor.u32 s9, s12;
	v24 =	vld [tilespmem:s14+$0xC400]  }
0x53f: {  	v32 =	vadd.f32 v61, v6;
	[tilespmem:s15+$0x0] =	vst v21;
	v37 =	vld [tilespmem:s11+$0x0]  }
0x540: {  	v38 =	vadd.f32 v29, v11;
	[tilespmem:s16+$0xC400] =	vst v36  }
0x541: {  	v40 =	vadd.f32 v33, v14;
	[tilespmem:s17+$0x0] =	vst v32;
	v42 =	vld [tilespmem:s26+$0x0]  }
0x542: {  	v39 =	vld [tilespmem:s24+$0x0];
	[tilespmem:s5+$0x0] =	vst v38;
	v2 =	vadd.f32 v2, v13  }
0x543: {  	s8 =	sor.u32 s29, s4;
	v41 =	vld [tilespmem:s22+$0x0];
	[tilespmem:s0+$0x0] =	vst v40;
	v24 =	vadd.f32 v24, v35  }
0x544: {  	v43 =	vld [tilespmem:s8+$0x0];
	[tilespmem:s20+$0x0] =	vst v2;
	v2 =	vadd.f32 v37, v22  }
0x545: {  	v44 =	vld [tilespmem:s19+$0x0];
	s16 =	sadd.s32 $0xD580, s3;
	[tilespmem:s14+$0xC400] =	vst v24  }
0x546: {  	s5 =	sadd.s32 $0xF400, s23;
	s25 =	sor.u32 s21, s16;
	v45 =	vld [tilespmem:s2+$0x0];
	v27 =	vadd.f32 v42, v20;
	[tilespmem:s11+$0x0] =	vst v2  }
0x547: {  	v28 =	vadd.f32 v39, v18;
	s11 =	sor.u32 s9, s5;
	v2 =	vld [tilespmem:s25+$0x0]  }
0x548: {  	v19 =	vor.u32 $0x80, v23;
	v46 =	vadd.f32 v41, v6;
	[tilespmem:s26+$0x0] =	vst v27;
	s26 =	sld [smem:$0x7C6];
	v47 =	vld [tilespmem:s11+$0x0]  }
0x549: {  	v0 =	vmovc v16;
	v7 =	vor.u32 $0x100, v23;
	v16 =	vor.u32 $0x180, v23;
	s7 =	sor.u32 s30, s12;
	v23 =	vadd.f32 v43, v11;
	[tilespmem:s24+$0x0] =	vst v28  }
0x54a: {  	v26 =	vadd.f32 v44, v14;
	s24 =	sld [smem:$0x7C7];
	v28 =	vld [tilespmem:s7+$0x0];
	[tilespmem:s22+$0x0] =	vst v46  }
0x54b: {  	s4 =	sor.u32 s10, s12;
	s12 =	sor.u32 s18, s12;
	[tilespmem:s8+$0x0] =	vst v23;
	v48 =	vadd.f32 v45, v13;
	v30 =	vld [tilespmem:s26+$0x0]  }
0x54c: {  	v49 =	vor.u32 $0x80, v0;
	v24 =	vld [tilespmem:s12+$0x0];
	[tilespmem:s19+$0x0] =	vst v26;
	v2 =	vadd.f32 v2, v35  }
0x54d: {  	v23 =	vld [tilespmem:s24+$0x0];
	[tilespmem:s2+$0x0] =	vst v48;
	s2 =	sadd.s32 $0xE580, s3;
	v22 =	vadd.f32 v47, v22  }
0x54e: {  	v50 =	vld [tilespmem:s6+$0x0];
	s22 =	sor.u32 s28, s2;
	[tilespmem:s25+$0x0] =	vst v2  }
0x54f: {  	v52 =	vadd.f32 v28, v18;
	v51 =	vld [tilespmem:s4+$0x0];
	[dreg:$0x8] =	wrdreg s22;
	s22 =	sor.u32 s21, s2;
	[tilespmem:s11+$0x0] =	vst v22  }
0x550: {  	v54 =	vadd.f32 v30, v20;
	s25 =	simm.s32 $0x13400;
	v53 =	vld [tilespmem:s22+$0x0]  }
0x551: {  	[smem:$0x7CA] =	sst s20;
	s20 =	sor.u32 s28, s16;
	[tilespmem:s7+$0x0] =	vst v52;
	v2 =	vadd.f32 v24, v6;
	v22 =	vld.idx.msk [tilespmem:v49+s25+$0x0], $0xffff  }
0x552: {  	s0 =	sor.u32 s30, s5;
	[smem:$0x7C9] =	sst s20;
	[tilespmem:s26+$0x0] =	vst v54;
	v55 =	vld [tilespmem:s13+$0x80]  }
0x553: {  	s20 =	sor.u32 s10, s5;
	s5 =	sor.u32 s18, s5;
	v14 =	vadd.f32 v50, v14;
	s26 =	sld [smem:$0x7C8];
	[tilespmem:s12+$0x0] =	vst v2;
	v2 =	vadd.f32 v23, v11;
	v11 =	vld [tilespmem:s0+$0x0]  }
0x554: {  	v57 =	vld [tilespmem:s5+$0x0]  }
0x555: {  	v56 =	vadd.f32 v51, v13;
	[tilespmem:s6+$0x0] =	vst v14  }
0x556: {  	v58 =	vld [tilespmem:s26+$0x0];
	[tilespmem:s24+$0x0] =	vst v2  }
0x557: {  	[tilespmem:s4+$0x0] =	vst v56;
	v2 =	vld.idx.msk [tilespmem:v3+s25+$0x0], $0xffff;
	v14 =	vadd.f32 v53, v35  }
0x558: {  	s8 =	sadd.s32 $0xF580, s3;
	v3 =	vmov v17;
	v17 =	vld [tilespmem:s20+$0x0];
	v11 =	vadd.f32 v11, v18  }
0x559: {  	s12 =	smov.u32 s23;
	s4 =	sor.u32 s21, s8;
	v59 =	vadd.f32 v55, v22;
	v18 =	vadd.f32 v57, v6;
	v6 =	vld.idx.msk [tilespmem:v4+s25+$0x0], $0xffff;
	[tilespmem:s22+$0x0] =	vst v14  }
0x55a: {  	s23 =	sadd.s32 $0xD480, s12;
	[tilespmem:s0+$0x0] =	vst v11;
	v14 =	vld [tilespmem:s4+$0x0]  }
0x55b: {  	s6 =	sor.u32 s9, s23;
	[tilespmem:s13+$0x80] =	vst v59;
	v11 =	vld.idx.msk [tilespmem:v10+s25+$0x0], $0xffff  }
0x55c: {  	v4 =	vmov v15;
	v20 =	vadd.f32 v58, v20;
	v15 =	vld [tilespmem:s6+$0x0]  }
0x55d: {  	s14 =	sor.u32 s29, s16;
	s16 =	sor.u32 s1, s16;
	[tilespmem:s5+$0x0] =	vst v18;
	v10 =	vadd.f32 v17, v13;
	v13 =	vld [tilespmem:s15+$0x80]  }
0x55e: {  	s3 =	sor.u32 s28, s8;
	s11 =	sor.u32 s29, s8;
	[tilespmem:s26+$0x0] =	vst v20;
	s13 =	sld [smem:$0x7CA];
	v12 =	vld.idx.msk [tilespmem:v12+s25+$0x0], $0xffff  }
0x55f: {  	s19 =	sor.u32 s29, s2;
	s2 =	sor.u32 s1, s2;
	[dreg:$0x7] =	wrdreg s11;
	v17 =	vld [tilespmem:s17+$0x80];
	[tilespmem:s20+$0x0] =	vst v10;
	v14 =	vadd.f32 v14, v35  }
0x560: {  	s11 =	smov.u32 s10;
	s21 =	sor.u32 s1, s8;
	s1 =	sld [smem:$0x7CB];
	v10 =	vld.idx.msk [tilespmem:v19+s25+$0x0], $0xffff  }
0x561: {  	s28 =	smov.u32 s9;
	s24 =	smov.u32 s2;
	s2 =	sor.u32 s11, s23;
	v15 =	vadd.f32 v15, v22;
	[tilespmem:s4+$0x0] =	vst v14;
	v14 =	vld [tilespmem:s13+$0x80]  }
0x562: {  	s7 =	sor.u32 s30, s23;
	s0 =	sor.u32 s18, s23;
	s23 =	sadd.s32 $0xE480, s12  }
0x563: {  	s26 =	sor.u32 s28, s23;
	[tilespmem:s6+$0x0] =	vst v15;
	v15 =	vld [tilespmem:s1+$0xC400]  }
0x564: {  	s10 =	rddreg [dreg:$0x15];
	v13 =	vadd.f32 v13, v11;
	v18 =	vld [tilespmem:s26+$0x0]  }
0x565: {  	v19 =	vld [tilespmem:s10+$0xC400];
	v17 =	vadd.f32 v17, v12  }
0x566: {  	[tilespmem:s15+$0x80] =	vst v13;
	v13 =	vld.idx.msk [tilespmem:v5+s25+$0x0], $0xffff;
	v14 =	vadd.f32 v14, v10  }
0x567: {  	v5 =	vmov v16;
	[tilespmem:s17+$0x80] =	vst v17;
	v16 =	vld [tilespmem:s7+$0x0]  }
0x568: {  	s29 =	smov.u32 s30;
	s30 =	rddreg [dreg:$0x1a];
	v17 =	vld [tilespmem:s0+$0x0];
	[tilespmem:s13+$0x80] =	vst v14  }
0x569: {  	v15 =	vadd.f32 v15, v2;
	v14 =	vadd.f32 v18, v22;
	v18 =	vld [tilespmem:s30+$0xC400]  }
0x56a: {  	s22 =	smov.u32 s18;
	s8 =	sor.u32 s11, s23;
	v20 =	vld [tilespmem:s2+$0x0]  }
0x56b: {  	s9 =	sor.u32 s22, s23;
	s4 =	sor.u32 s29, s23;
	s23 =	sadd.s32 $0xF480, s12;
	[tilespmem:s1+$0xC400] =	vst v15;
	v15 =	vadd.f32 v19, v6  }
0x56c: {  	v16 =	vadd.f32 v16, v11;
	[tilespmem:s26+$0x0] =	vst v14;
	s26 =	sor.u32 s28, s23;
	v14 =	vld [tilespmem:s14+$0x0]  }
0x56d: {  	v19 =	vld [tilespmem:s26+$0x0];
	[tilespmem:s10+$0xC400] =	vst v15;
	v15 =	vadd.f32 v17, v12  }
0x56e: {  	s17 =	rddreg [dreg:$0x1b];
	[tilespmem:s7+$0x0] =	vst v16;
	v60 =	vld [tilespmem:s16+$0x0];
	v16 =	vadd.f32 v18, v13  }
0x56f: {  	p0 =	por !p0, !p0;
	s18 =	sld [smem:$0x7C9];
	[tilespmem:s0+$0x0] =	vst v15;
	s0 =	simm.s32 $0x1;
	v18 =	vld [tilespmem:s17+$0x0];
	v17 =	vadd.f32 v20, v10  }
0x570: {  	v61 =	vor.u32 $0x100, v0;
	v20 =	vld [tilespmem:s4+$0x0];
	s0 =	simm.s32 @!p0 $0x0;
	[tilespmem:s30+$0xC400] =	vst v16  }
0x571: {  	s15 =	sor.u32 s11, s23;
	s20 =	sor.u32 s29, s23;
	v62 =	vld [tilespmem:s9+$0x0];
	v14 =	vadd.f32 v14, v2;
	s0 =	sshll.u32 s0, $0x6;
	[tilespmem:s2+$0x0] =	vst v17  }
0x572: {  	s1 =	smov.u32 s31;
	s23 =	sor.u32 s22, s23;
	v15 =	vadd.f32 v19, v22;
	s31 =	sadd.s32 s0, s31;
	v16 =	vld [tilespmem:s18+$0x0]  }
.Ltmp3:
0x573: {  	[tilespmem:s14+$0x0] =	vst v14;
	v14 =	vadd.f32 v60, v6;
	s13 =	sadd.s32 $0x10, s31;
	s30 =	sadd.s32 $0x20, s31;
	v17 =	vld [tilespmem:s8+$0x0];
	(pc) =	sbr.rel @p1 .LBB2_9-.Ltmp3, $4  }
0x574: {  	s14 =	sadd.s32 $0x30, s31;
	s7 =	sor.u32 $0x180, s31;
	[tilespmem:s26+$0x0] =	vst v15;
	v15 =	vld [tilespmem:s19+$0x0];
	s26 =	sor.u32 $0x100, s13;
	v63 =	vadd.f32 v18, v1  }
0x575: {  	s6 =	sor.u32 $0x100, s30;
	s0 =	sor.u32 $0x100, s14;
	s13 =	sor.u32 $0x180, s13;
	v1 =	vmov v13;
	v20 =	vadd.f32 v20, v11;
	v13 =	vld.idx.msk [tilespmem:v61+s25+$0x0], $0xffff;
	[tilespmem:s16+$0x0] =	vst v14  }
0x576: {  	s10 =	sor.u32 $0x180, s30;
	s16 =	sor.u32 $0x100, s31;
	v18 =	vld [tilespmem:s0+$0xC400];
	s31 =	rddreg [dreg:$0x10];
	[tilespmem:s17+$0x0] =	vst v63  }
0x577: {  	v19 =	vadd.f32 v62, v12;
	s2 =	sadd.s32 $0x40, s31;
	v14 =	vld [tilespmem:s24+$0x0];
	[tilespmem:s4+$0x0] =	vst v20;
	s17 =	smov.u32 s3;
	s3 =	rddreg [dreg:$0xc];
	v16 =	vadd.f32 v16, v1  }
0x578: {  	v26 =	vld [tilespmem:s20+$0x0]  }
0x579: {  	v17 =	vadd.f32 v17, v10;
	[tilespmem:s9+$0x0] =	vst v19  }
0x57a: {  	v20 =	vld [tilespmem:s23+$0x0]  }
0x57b: {  	[tilespmem:s8+$0x0] =	vst v17  }
0x57c: {  	v17 =	vld [tilespmem:s15+$0x0]  }
0x57d: {  	v11 =	vadd.f32 v26, v11;
	_ =	sdelay $0x1  }
0x57e: {  	v12 =	vadd.f32 v20, v12;
	[tilespmem:s20+$0x0] =	vst v11  }
0x57f: {  	v8 =	vld.idx.msk [tilespmem:v8+s25+$0x0], $0xffff  }
0x580: {  	v11 =	vld [tilespmem:s26+$0xC400];
	v27 =	vadd.f32 v17, v10;
	[tilespmem:s23+$0x0] =	vst v12  }
0x581: {  	v9 =	vld.idx.msk [tilespmem:v9+s25+$0x0], $0xffff  }
0x582: {  	v12 =	vld [tilespmem:s6+$0xC400];
	[tilespmem:s15+$0x0] =	vst v27  }
0x583: {  	v28 =	vadd.f32 v18, v13;
	v7 =	vld.idx.msk [tilespmem:v7+s25+$0x0], $0xffff  }
0x584: {  	s1 =	sadd.s32 $0xD500, s12;
	v29 =	vld [tilespmem:s16+$0xC400]  }
0x585: {  	s9 =	sor.u32 s28, s1;
	[tilespmem:s0+$0xC400] =	vst v28;
	v30 =	vadd.f32 v11, v8  }
0x586: {  	v31 =	vld [tilespmem:s9+$0x0]  }
0x587: {  	s2 =	sor.u32 s29, s1;
	v12 =	vadd.f32 v12, v9;
	[tilespmem:s26+$0xC400] =	vst v30  }
0x588: {  	v10 =	vld [tilespmem:s2+$0x0]  }
0x589: {  	s4 =	sor.u32 s22, s1;
	v17 =	vadd.f32 v29, v7;
	[tilespmem:s6+$0xC400] =	vst v12  }
0x58a: {  	v12 =	vld [tilespmem:s4+$0x0]  }
0x58b: {  	s1 =	sor.u32 s11, s1;
	v11 =	vadd.f32 v31, v13;
	[tilespmem:s16+$0xC400] =	vst v17  }
0x58c: {  	s5 =	sadd.s32 $0xE500, s12;
	v17 =	vld [tilespmem:s1+$0x0]  }
0x58d: {  	s15 =	sor.u32 s28, s5;
	[tilespmem:s9+$0x0] =	vst v11;
	v10 =	vadd.f32 v10, v8  }
0x58e: {  	v11 =	vld [tilespmem:s15+$0x0]  }
0x58f: {  	s16 =	sor.u32 s29, s5;
	v12 =	vadd.f32 v12, v9;
	[tilespmem:s2+$0x0] =	vst v10  }
0x590: {  	v10 =	vld [tilespmem:s16+$0x0]  }
0x591: {  	s20 =	sor.u32 s22, s5;
	v17 =	vadd.f32 v17, v7;
	[tilespmem:s4+$0x0] =	vst v12  }
0x592: {  	v12 =	vld [tilespmem:s20+$0x0]  }
0x593: {  	s5 =	sor.u32 s11, s5;
	v11 =	vadd.f32 v11, v13;
	[tilespmem:s1+$0x0] =	vst v17  }
0x594: {  	s23 =	sadd.s32 $0xF500, s12;
	v17 =	vld [tilespmem:s5+$0x0]  }
0x595: {  	s26 =	sor.u32 s28, s23;
	[tilespmem:s15+$0x0] =	vst v11;
	v10 =	vadd.f32 v10, v8  }
0x596: {  	v11 =	vld [tilespmem:s26+$0x0]  }
0x597: {  	s30 =	sor.u32 s29, s23;
	v12 =	vadd.f32 v12, v9;
	[tilespmem:s16+$0x0] =	vst v10  }
0x598: {  	v10 =	vld [tilespmem:s30+$0x0]  }
0x599: {  	v0 =	vor.u32 $0x180, v0;
	s31 =	sor.u32 s22, s23;
	v17 =	vadd.f32 v17, v7;
	[tilespmem:s20+$0x0] =	vst v12  }
0x59a: {  	v12 =	vld [tilespmem:s31+$0x0]  }
0x59b: {  	s1 =	sor.u32 s11, s23;
	v11 =	vadd.f32 v11, v13;
	[tilespmem:s5+$0x0] =	vst v17  }
0x59c: {  	v32 =	vld [tilespmem:s1+$0x0]  }
0x59d: {  	[tilespmem:s26+$0x0] =	vst v11;
	v8 =	vadd.f32 v10, v8  }
0x59e: {  	s3 =	sor.u32 $0x180, s14;
	v0 =	vld.idx.msk [tilespmem:v0+s25+$0x0], $0xffff  }
0x59f: {  	v33 =	vld [tilespmem:s3+$0xC400];
	v9 =	vadd.f32 v12, v9;
	[tilespmem:s30+$0x0] =	vst v8  }
0x5a0: {  	v3 =	vld.idx.msk [tilespmem:v3+s25+$0x0], $0xffff  }
0x5a1: {  	v7 =	vadd.f32 v32, v7;
	v34 =	vld [tilespmem:s13+$0xC400];
	[tilespmem:s31+$0x0] =	vst v9  }
0x5a2: {  	v4 =	vld.idx.msk [tilespmem:v4+s25+$0x0], $0xffff  }
0x5a3: {  	[tilespmem:s1+$0x0] =	vst v7;
	v35 =	vld [tilespmem:s10+$0xC400]  }
0x5a4: {  	v5 =	vld.idx.msk [tilespmem:v5+s25+$0x0], $0xffff  }
0x5a5: {  	v36 =	vld [tilespmem:s7+$0xC400]  }
0x5a6: {  	v8 =	vadd.f32 v33, v0  }
0x5a7: {  	s5 =	sadd.s32 $0xD580, s12  }
0x5a8: {  	s6 =	sor.u32 s28, s5;
	[tilespmem:s3+$0xC400] =	vst v8;
	v37 =	vadd.f32 v34, v3  }
0x5a9: {  	v38 =	vld [tilespmem:s6+$0x0];
	v7 =	vadd.f32 v35, v4  }
0x5aa: {  	s8 =	sor.u32 s29, s5;
	[tilespmem:s13+$0xC400] =	vst v37;
	v39 =	vadd.f32 v36, v5  }
0x5ab: {  	s9 =	sor.u32 s22, s5;
	v40 =	vld [tilespmem:s8+$0x0];
	[tilespmem:s10+$0xC400] =	vst v7  }
0x5ac: {  	s1 =	sor.u32 s11, s5;
	v41 =	vld [tilespmem:s9+$0x0];
	[tilespmem:s7+$0xC400] =	vst v39  }
0x5ad: {  	v8 =	vld [tilespmem:s1+$0x0]  }
0x5ae: {  	v9 =	vadd.f32 v38, v0  }
0x5af: {  	[tilespmem:s18+$0x0] =	vst v16;
	s10 =	sadd.s32 $0xE580, s12  }
0x5b0: {  	[tilespmem:s6+$0x0] =	vst v9;
	s13 =	sor.u32 s28, s10;
	v7 =	vadd.f32 v40, v3  }
0x5b1: {  	v9 =	vld [tilespmem:s13+$0x0];
	s6 =	rddreg [dreg:$0x8];
	v10 =	vadd.f32 v41, v4  }
0x5b2: {  	s14 =	sor.u32 s29, s10;
	v42 =	vld [tilespmem:s6+$0x0];
	[tilespmem:s8+$0x0] =	vst v7;
	v43 =	vadd.f32 v8, v5  }
0x5b3: {  	v45 =	vadd.f32 v15, v2;
	s15 =	sor.u32 s22, s10;
	v44 =	vld [tilespmem:s14+$0x0];
	[tilespmem:s9+$0x0] =	vst v10  }
0x5b4: {  	v46 =	vadd.f32 v14, v6;
	s16 =	sor.u32 s11, s10;
	[tilespmem:s1+$0x0] =	vst v43;
	v10 =	vld [tilespmem:s15+$0x0]  }
0x5b5: {  	[tilespmem:s19+$0x0] =	vst v45;
	v47 =	vld [tilespmem:s16+$0x0]  }
0x5b6: {  	[tilespmem:s24+$0x0] =	vst v46;
	v48 =	vadd.f32 v9, v0  }
0x5b7: {  	s3 =	sadd.s32 $0xF580, s12;
	v51 =	vld [tilespmem:s21+$0x0];
	v49 =	vadd.f32 v42, v1;
	s18 =	rddreg [dreg:$0x7]  }
0x5b8: {  	s19 =	sor.u32 s28, s3;
	[tilespmem:s13+$0x0] =	vst v48;
	v50 =	vld [tilespmem:s18+$0x0];
	v8 =	vadd.f32 v44, v3  }
0x5b9: {  	[tilespmem:s6+$0x0] =	vst v49;
	v52 =	vld [tilespmem:s19+$0x0];
	v10 =	vadd.f32 v10, v4  }
0x5ba: {  	s20 =	sor.u32 s29, s3;
	v53 =	vld [tilespmem:s17+$0x0];
	[tilespmem:s14+$0x0] =	vst v8;
	v54 =	vadd.f32 v47, v5  }
0x5bb: {  	s22 =	sor.u32 s22, s3;
	v55 =	vld [tilespmem:s20+$0x0];
	[tilespmem:s15+$0x0] =	vst v10  }
0x5bc: {  	s3 =	sor.u32 s11, s3;
	v58 =	vadd.f32 v51, v6;
	[tilespmem:s16+$0x0] =	vst v54;
	v57 =	vld [tilespmem:s22+$0x0]  }
0x5bd: {  	v56 =	vadd.f32 v50, v2;
	v59 =	vld [tilespmem:s3+$0x0]  }
0x5be: {  	[tilespmem:s21+$0x0] =	vst v58;
	v0 =	vadd.f32 v52, v0  }
0x5bf: {  	v60 =	vadd.f32 v53, v1;
	[tilespmem:s18+$0x0] =	vst v56  }
0x5c0: {  	[tilespmem:s19+$0x0] =	vst v0;
	v61 =	vadd.f32 v55, v3  }
0x5c1: {  	[tilespmem:s17+$0x0] =	vst v60;
	v62 =	vadd.f32 v57, v4  }
0x5c2: {  	[tilespmem:s20+$0x0] =	vst v61;
	v63 =	vadd.f32 v59, v5  }
0x5c3: {  	[tilespmem:s22+$0x0] =	vst v62  }
0x5c4: {  	[tilespmem:s3+$0x0] =	vst v63  }
0x5c5: {  	s1 =	sld [smem:$0x7D6];
	_ =	sdelay $0x1  }
0x5c6: {  	s2 =	simm.s32 $0x200;
	s23 =	rddreg [dreg:$0x3]  }
0x5c7: {  	s24 =	simm.s32 $0xC400;
	s3 =	simm.s32 $0x400;
	s0 =	sadd.s32 s23, s1  }
0x5c8: {  	[hbm4b:s0+s2] =	stream.strided.scatter [tilespmem:s24], [sflag:$0x8], $0x1000, s3, s2, $0x38;
	[tilespmem:$0x14400] =	vst v63  }
0x5c9: {  	s26 =	simm.s32 $0xD400;
	s25 =	sadd.s32 $0x80000, s0  }
0x5ca: {  	[hbm4b:s25+s2] =	stream.strided.scatter [tilespmem:s26], [sflag:$0x8], $0x1000, s3, s2, $0x38;
	[tilespmem:$0x14400] =	vst v63  }
0x5cb: {  	s29 =	simm.s32 $0xE400;
	s31 =	sld [smem:$0x7EE];
	s28 =	sadd.s32 $0x100000, s0  }
0x5cc: {  	[hbm4b:s28+s2] =	stream.strided.scatter [tilespmem:s29], [sflag:$0x8], $0x1000, s3, s2, $0x38;
	[tilespmem:$0x14400] =	vst v63  }
0x5cd: {  	s30 =	simm.s32 $0xF400;
	s0 =	sadd.s32 $0x180000, s0  }
0x5ce: {  	[hbm4b:s0+s2] =	stream.strided.scatter [tilespmem:s30], [sflag:$0x8], $0x1000, s3, s2, $0x38;
	[tilespmem:$0x14400] =	vst v63  }
0x5cf: {  	s0 =	sadd.s32 $0x1, s31  }
0x5d0: {  	p0 =	sne.s32 s0, $0x8  }
.Ltmp4:
0x5d1: {  	_ = 	snop;
	(pc) =	sbr.rel @p0 .LBB2_2-.Ltmp4, $2  }
0x5d2: {  	_ =	sdelay $0x2  }
0x5d3: {  	s5 =	simm.s32 $0x11400;
	s14 =	simm.s32 $0x10400  }
0x5d4: {  	s0 =	simm.s32 $0x5  }
0x5d5: {  	_ =	swait.ge [sflag:s0], $0x4000  }
0x5d6: {  	[sflag:s0] =	ssyncset.done $0x0  }
0x5d7: {  	s29 =	simm.s32 $0x6;
	[sflag:s0] =	ssyncadd.s32 $0xFFFFC000  }
0x5d8: {  	_ =	swait.ge [sflag:s29], $0x4000  }
0x5d9: {  	[sflag:s29] =	ssyncset.done $0x0  }
0x5da: {  	s30 =	simm.s32 $0x7;
	[sflag:s29] =	ssyncadd.s32 $0xFFFFC000  }
0x5db: {  	_ =	swait.ge [sflag:s30], $0x4000  }
0x5dc: {  	[sflag:s30] =	ssyncset.done $0x0  }
0x5dd: {  	s1 =	simm.s32 $0x8;
	[sflag:s30] =	ssyncadd.s32 $0xFFFFC000  }
0x5de: {  	_ =	swait.ge [sflag:s1], $0x4000  }
0x5df: {  	s4 =	sld [smem:$0x7F3]  }
0x5e0: {  	s31 =	sld [smem:$0x7F9];
	_ =	sdelay $0x1  }
0x5e1: {  	s4 =	sadd.s32 $0x1, s4  }
0x5e2: {  	p0 =	sne.s32 s4, s31  }
.Ltmp5:
0x5e3: {  	_ = 	snop;
	(pc) =	sbr.rel @p0 .LBB2_1-.Ltmp5, $3  }
0x5e4: {  	_ =	sdelay $0x1  }
0x5e5: {  	[sflag:s1] =	ssyncset.done $0x0  }
0x5e6: {  	[sflag:s1] =	ssyncadd.s32 $0xFFFFC000  }
0x5e7: {  	_ =	sfence.sel $0x180000  }
0x5e8: {  	[bflag:$0x0] =	sbarrier.arrive $0xFFFF  }
0x5e9: {  	_ =	strace $0x90000047  }
0x5ea: {  	s0 =	stileid.u32;
	[bflag:$0x2] =	sbarrier.arrive $0xFFFF  }
0x5eb: {  	p0 =	sne.s32 s0, $0x0;
	s0 =	rddreg [dreg:$0x4]  }
0x5ec: {  	s0 =	sadd.s32 @!p0 $0x100000, s0  }
0x5ed: {  	[sflag:s0] =	ssyncadd.tile.s32 @!p0 $0x1;
	_ =	shalt  }
.Lfunc_end2:
_tile_overlayer_lowered:
.L_overlay_start_2:
0x5ee: {  	(tag) =	ssettag $0x2  }
0x5ef: {  	s0 =	rddreg [dreg:$0x0];
	s2 =	stileid.u32  }
0x5f0: {  	s1 =	rddreg [dreg:$0x1];
	p0 =	sne.s32 s2, $0x0  }
0x5f1: {  	s3 =	rddreg [dreg:$0x2];
	[bflag:$0x3] =	sbarrier.arrive $0xFFFF;
	s2 =	simm.s32 @!p0 $0x1C09  }
0x5f2: {  	[timem:s3], [sflag:s2] =	dma.local @!p0 [hbm:s0], s1  }
0x5f3: {  	s0 =	simm.s32 @!p0 $0x9  }
0x5f4: {  	_ =	swait.ge @!p0 [sflag:s0], s1  }
0x5f5: {  	s1 =	ssub.s32 @!p0 $0x0, s1;
	[sflag:s0] =	ssyncset.done @!p0 $0x0  }
0x5f6: {  	[sflag:s0] =	ssyncadd.s32 @!p0 s1  }
0x5f7: {  	[bflag:$0x3] =	sbarrier.arrive $0xFFFF  }
0x5f8: {  	_ =	shalt  }

</sc_bundles>
